<compile_context>
chip_gen: v7x
topology: tpu7x:2x2x1
jax: 0.10.2.dev20260603
libtpu: 0.0.44.dev20260713+nightly
codegen_flags: <defaults>
</compile_context>

<pallas_src>
import functools

import jax
import jax.numpy as jnp
from jax import lax
from jax.experimental import pallas as pl
from jax.experimental.pallas import tpu as pltpu
from jax.experimental.pallas import tpu_sc as plsc

N = 10000
E = 320000
NPAD = 10240
NW = 32
K = 128
NCH = 2560
CH = NCH // NW
RPT = NPAD // 16


def _zero_vmem(buf, rows, d):
    def zrow(i, _):
        def zcol(j, _):
            buf[i, pl.ds(j * 16, 16)] = jnp.zeros((16,), jnp.float32)
            return 0
        return lax.fori_loop(0, d // 16, zcol, 0)
    lax.fori_loop(0, rows, zrow, 0)


def _make_sc_deg():
    mesh = plsc.VectorSubcoreMesh(core_axis_name="c", subcore_axis_name="s")

    @functools.partial(
        pl.kernel, mesh=mesh,
        compiler_params=pltpu.CompilerParams(use_tc_tiling_on_sc=False),
        out_type=jax.ShapeDtypeStruct((2, NPAD, 16), jnp.float32),
        scratch_types=[
            pltpu.VMEM((CH, K), jnp.int32),
            pltpu.VMEM((K, 16), jnp.float32),
            pltpu.VMEM((K, 16), jnp.float32),
            pltpu.VMEM_SHARED((NPAD, 16), jnp.float32),
        ],
    )
    def deg_kernel(dst_hbm, out_hbm, dst_v, ones_v, zero_v, acc):
        cid = lax.axis_index("c")
        sid = lax.axis_index("s")
        wid = cid * 16 + sid
        pltpu.sync_copy(dst_hbm.at[pl.ds(wid * CH, CH)], dst_v)

        def orow(i, _):
            ones_v[i, pl.ds(0, 16)] = jnp.ones((16,), jnp.float32)
            zero_v[i, pl.ds(0, 16)] = jnp.zeros((16,), jnp.float32)
            return 0
        lax.fori_loop(0, K, orow, 0)
        base = sid * RPT
        for r in range(RPT // K):
            pltpu.sync_copy(zero_v, acc.at[pl.ds(base + r * K, K)])
        plsc.subcore_barrier()

        def chunk(c, _):
            pltpu.sync_copy(ones_v, acc.at[dst_v.at[c]], add=True)
            return 0
        lax.fori_loop(0, CH, chunk, 0)
        plsc.subcore_barrier()
        for r in range(RPT // K):
            sl = pl.ds(base + r * K, K)
            pltpu.sync_copy(acc.at[sl], out_hbm.at[cid, sl])

    return deg_kernel


def _make_sc_agg(split_edges):
    mesh = plsc.VectorSubcoreMesh(core_axis_name="c", subcore_axis_name="s")

    W = 64
    NBUF = 4
    RING = 5
    GLEAD = 3
    CHPT = (NCH // NW) if split_edges else (NCH // 16)

    @functools.partial(
        pl.kernel, mesh=mesh,
        compiler_params=pltpu.CompilerParams(use_tc_tiling_on_sc=False),
        out_type=jax.ShapeDtypeStruct((2, NPAD, W), jnp.float32),
        scratch_types=[
            pltpu.VMEM((4, NBUF, K), jnp.int32),
            pltpu.VMEM((4, NBUF, K), jnp.int32),
            pltpu.VMEM_SHARED((NPAD, W), jnp.float32),
            pltpu.VMEM_SHARED((NPAD, W), jnp.float32),
            pltpu.SemaphoreType.DMA,
        ] + [pltpu.VMEM((K, W), jnp.float32) for _ in range(RING)]
          + [pltpu.SemaphoreType.DMA for _ in range(RING)]
          + [pltpu.SemaphoreType.DMA for _ in range(RING)],
    )
    def agg_kernel(u0_hbm, u1_hbm, src_hbm, dst_hbm, out_hbm, src_v, dst_v,
                   u_sp, acc, isem, *bufs_sems):
        rows = bufs_sems[:RING]
        sems = bufs_sems[RING:2 * RING]
        ssems = bufs_sems[2 * RING:]
        cid = lax.axis_index("c")
        sid = lax.axis_index("s")
        base = sid * RPT
        sl_mine = pl.ds(base, RPT)

        @pl.when(cid == 0)
        def _():
            pltpu.sync_copy(u0_hbm.at[sl_mine], u_sp.at[sl_mine])

        @pl.when(cid == 1)
        def _():
            pltpu.sync_copy(u1_hbm.at[sl_mine], u_sp.at[sl_mine])

        cbase = (cid * (NCH // 2) + sid * CHPT) if split_edges else sid * CHPT
        _zero_vmem(rows[0], K, W)
        for r in range(RPT // K):
            pltpu.sync_copy(rows[0], acc.at[pl.ds(base + r * K, K)])
        plsc.subcore_barrier()

        def fetch_idx(p, slot):
            pltpu.async_copy(
                src_hbm.at[pl.ds(cbase + p * NBUF, NBUF)], src_v.at[slot],
                isem)
            pltpu.async_copy(
                dst_hbm.at[pl.ds(cbase + p * NBUF, NBUF)], dst_v.at[slot],
                isem)

        def wait_idx(p, slot):
            pltpu.make_async_copy(
                src_hbm.at[pl.ds(cbase + p * NBUF, NBUF)], src_v.at[slot],
                isem).wait()
            pltpu.make_async_copy(
                dst_hbm.at[pl.ds(cbase + p * NBUF, NBUF)], dst_v.at[slot],
                isem).wait()

        NGRP = CHPT // NBUF
        fetch_idx(0, 0)
        wait_idx(0, 0)
        fetch_idx(1, 1)
        for b in range(GLEAD):
            pltpu.async_copy(u_sp.at[src_v.at[0, b]], rows[b], sems[b])

        def sidx(c):
            return lax.rem(c // NBUF, 4), lax.rem(c, NBUF)

        def drain_scatter(b):
            pltpu.make_async_copy(rows[b], acc.at[dst_v.at[0, 0]],
                                  ssems[b]).wait()

        def super_group(q, _):
            for b in range(RING):
                c = q * RING + b
                j = lax.rem(c, NBUF)
                p = c // NBUF

                @pl.when(jnp.logical_and(j == 0, p + 1 < NGRP))
                def _():
                    wait_idx(p + 1, lax.rem(p + 1, 4))

                @pl.when(jnp.logical_and(j == 0, p + 2 < NGRP))
                def _():
                    fetch_idx(p + 2, lax.rem(p + 2, 4))

                slot, jj = sidx(c)
                pltpu.make_async_copy(u_sp.at[src_v.at[slot, jj]], rows[b],
                                      sems[b]).wait()
                pltpu.async_copy(rows[b], acc.at[dst_v.at[slot, jj]],
                                 ssems[b], add=True)
                n = c + GLEAD
                bn = (b + GLEAD) % RING

                @pl.when(n < CHPT)
                def _():
                    @pl.when(c >= RING - GLEAD)
                    def _():
                        drain_scatter(bn)
                    nslot, nj = sidx(n)
                    pltpu.async_copy(u_sp.at[src_v.at[nslot, nj]], rows[bn],
                                     sems[bn])
            return 0
        lax.fori_loop(0, CHPT // RING, super_group, 0)
        for b in range(RING):
            drain_scatter(b)
        plsc.subcore_barrier()
        for r in range(RPT // K):
            sl = pl.ds(base + r * K, K)
            pltpu.sync_copy(acc.at[sl], out_hbm.at[cid, sl])

    return agg_kernel


def _mm1_dinv_u1(x, w1, d0, d1):
    BR = 1000

    def body(x_ref, w_ref, d0_ref, d1_ref, dinv_ref, u_ref):
        h = lax.dot_general(
            x_ref[...], w_ref[...], (((1,), (1,)), ((), ())),
            preferred_element_type=jnp.float32)
        deg = d0_ref[...] + d1_ref[...] + 1.0
        dinv = lax.rsqrt(deg)
        dinv_ref[...] = dinv
        u_ref[...] = h * dinv[:, 0:1]

    return pl.pallas_call(
        body,
        grid=(N // BR,),
        in_specs=[pl.BlockSpec((BR, 128), lambda i: (i, 0)),
                  pl.BlockSpec((128, 128), lambda i: (0, 0)),
                  pl.BlockSpec((BR, 8), lambda i: (i, 0)),
                  pl.BlockSpec((BR, 8), lambda i: (i, 0))],
        out_specs=[pl.BlockSpec((BR, 8), lambda i: (i, 0)),
                   pl.BlockSpec((BR, 128), lambda i: (i, 0))],
        out_shape=[jax.ShapeDtypeStruct((N, 8), jnp.float32),
                   jax.ShapeDtypeStruct((N, 128), jnp.float32)],
    )(x, w1, d0, d1)


def _z_stats(s0, s1, u1, dinv, b1):
    BR = 1000
    G = N // BR

    def body(s0_ref, s1_ref, u_ref, d_ref, b_ref, z_ref, sum_ref, ssq_ref):
        s = jnp.concatenate([s0_ref[...], s1_ref[...]], axis=1)
        z = d_ref[...][:, 0:1] * (s + u_ref[...]) + b_ref[...]
        z_ref[...] = z
        sum_ref[...] = jnp.sum(z, axis=0).reshape(1, 1, 128)
        ssq_ref[...] = jnp.sum(z * z, axis=0).reshape(1, 1, 128)

    return pl.pallas_call(
        body,
        grid=(G,),
        in_specs=[pl.BlockSpec((BR, 64), lambda i: (i, 0)),
                  pl.BlockSpec((BR, 64), lambda i: (i, 0)),
                  pl.BlockSpec((BR, 128), lambda i: (i, 0)),
                  pl.BlockSpec((BR, 8), lambda i: (i, 0)),
                  pl.BlockSpec((1, 128), lambda i: (0, 0))],
        out_specs=[pl.BlockSpec((BR, 128), lambda i: (i, 0)),
                   pl.BlockSpec((1, 1, 128), lambda i: (i, 0, 0)),
                   pl.BlockSpec((1, 1, 128), lambda i: (i, 0, 0))],
        out_shape=[jax.ShapeDtypeStruct((N, 128), jnp.float32),
                   jax.ShapeDtypeStruct((G, 1, 128), jnp.float32),
                   jax.ShapeDtypeStruct((G, 1, 128), jnp.float32)],
    )(s0, s1, u1, dinv, b1)


def _bn_relu_mm2(z, sums, ssq, gamma, beta, dinv, w2):
    BR = 1000
    G = N // BR

    def body(z_ref, sum_ref, ssq_ref, g_ref, b_ref, d_ref, w_ref, u2_ref):
        mean = jnp.sum(sum_ref[...], axis=0, keepdims=True) * (1.0 / N)
        var = jnp.sum(ssq_ref[...], axis=0, keepdims=True) * (1.0 / N) - mean * mean
        zb = (z_ref[...] - mean) * lax.rsqrt(var + 1e-5) * g_ref[...] + b_ref[...]
        h1 = jnp.maximum(zb, 0.0)
        u2_ref[...] = d_ref[...][:, 0:1] * lax.dot_general(
            h1, w_ref[...], (((1,), (1,)), ((), ())),
            preferred_element_type=jnp.float32)

    return pl.pallas_call(
        body,
        grid=(G,),
        in_specs=[pl.BlockSpec((BR, 128), lambda i: (i, 0)),
                  pl.BlockSpec((G, 128), lambda i: (0, 0)),
                  pl.BlockSpec((G, 128), lambda i: (0, 0)),
                  pl.BlockSpec((1, 128), lambda i: (0, 0)),
                  pl.BlockSpec((1, 128), lambda i: (0, 0)),
                  pl.BlockSpec((BR, 8), lambda i: (i, 0)),
                  pl.BlockSpec((64, 128), lambda i: (0, 0))],
        out_specs=pl.BlockSpec((BR, 64), lambda i: (i, 0)),
        out_shape=jax.ShapeDtypeStruct((N, 64), jnp.float32),
    )(z, sums, ssq, gamma, beta, dinv, w2)


def _final(s0, s1, u2, dinv, b2):
    BR = 1000

    def body(s0_ref, s1_ref, u_ref, d_ref, b_ref, o_ref):
        o_ref[...] = d_ref[...][:, 0:1] * (
            s0_ref[...] + s1_ref[...] + u_ref[...]) + b_ref[...]

    return pl.pallas_call(
        body,
        grid=(N // BR,),
        in_specs=[pl.BlockSpec((BR, 64), lambda i: (i, 0)),
                  pl.BlockSpec((BR, 64), lambda i: (i, 0)),
                  pl.BlockSpec((BR, 64), lambda i: (i, 0)),
                  pl.BlockSpec((BR, 8), lambda i: (i, 0)),
                  pl.BlockSpec((1, 64), lambda i: (0, 0))],
        out_specs=pl.BlockSpec((BR, 64), lambda i: (i, 0)),
        out_shape=jax.ShapeDtypeStruct((N, 64), jnp.float32),
    )(s0, s1, u2, dinv, b2)


def kernel(x, edge_index, W1, b1, gamma1, beta1, W2, b2):
    ei = edge_index.astype(jnp.int32)
    src, dst = ei[0], ei[1]
    pad = NCH * K - E
    srcp = jnp.concatenate(
        [src, jnp.zeros((pad,), jnp.int32)]).reshape(NCH, K)
    dstp = jnp.concatenate(
        [dst, jnp.full((pad,), N, jnp.int32)]).reshape(NCH, K)

    degp = _make_sc_deg()(dstp)
    dinv, u1 = _mm1_dinv_u1(x, W1, degp[0, :N, :8], degp[1, :N, :8])
    u1p = jnp.concatenate([u1, jnp.zeros((NPAD - N, 128), jnp.float32)])
    s1p = _make_sc_agg(False)(u1p[:, :64], u1p[:, 64:], srcp, dstp)
    z, sums, ssq = _z_stats(s1p[0], s1p[1], u1, dinv, b1.reshape(1, 128))
    sums = sums.reshape(-1, 128)
    ssq = ssq.reshape(-1, 128)
    u2 = _bn_relu_mm2(z, sums, ssq, gamma1.reshape(1, 128),
                      beta1.reshape(1, 128), dinv, W2)
    u2p = jnp.concatenate([u2, jnp.zeros((NPAD - N, 64), jnp.float32)])
    s2p = _make_sc_agg(True)(u2p, u2p, srcp, dstp)
    out = _final(s2p[0], s2p[1], u2, dinv, b2.reshape(1, 64))
    return out

# --- scband reference (transcript-rebuilt; emitter-appended) ---
"""Pipeline reference for scband-gcn-78176994721834 (READ-ONLY COPY).

The authoritative reference and input builder live on the scoring server;
editing this copy changes nothing except your own understanding.
"""

import jax, jax.numpy as jnp
import numpy as np

N_NODES = 10000
N_EDGES = 320000
IN_DIM = 128
HIDDEN = 128
NUM_CLASSES = 64


def setup_inputs(seed: int = 0) -> dict:
    key = jax.random.key(seed)
    ks = jax.random.split(key, 8)
    x = jax.random.normal(ks[0], (N_NODES, IN_DIM), dtype=jnp.float32)
    edge_index = jax.random.randint(ks[1], (2, N_EDGES), 0, N_NODES, dtype=jnp.int64)
    W1 = jax.random.normal(ks[2], (HIDDEN, IN_DIM), dtype=jnp.float32) * 0.05
    b1 = jnp.zeros((HIDDEN,), dtype=jnp.float32)
    gamma1 = jnp.ones((HIDDEN,), dtype=jnp.float32)
    beta1 = jnp.zeros((HIDDEN,), dtype=jnp.float32)
    W2 = jax.random.normal(ks[3], (NUM_CLASSES, HIDDEN), dtype=jnp.float32) * 0.05
    b2 = jnp.zeros((NUM_CLASSES,), dtype=jnp.float32)
    return {"x": x, "edge_index": edge_index, "W1": W1, "b1": b1,
            "gamma1": gamma1, "beta1": beta1, "W2": W2, "b2": b2}


def _gcn_conv(x, edge_index, W, b, num_nodes):
    # GCNConv with add_self_loops=True, symmetric normalization, sum aggregation
    src = edge_index[0]
    dst = edge_index[1]
    loop = jnp.arange(num_nodes, dtype=edge_index.dtype)
    src2 = jnp.concatenate([src, loop])
    dst2 = jnp.concatenate([dst, loop])
    ew = jnp.ones(src2.shape[0], dtype=x.dtype)
    deg = jnp.zeros((num_nodes,), dtype=x.dtype).at[dst2].add(ew)
    deg_inv_sqrt = jnp.where(deg > 0, jax.lax.rsqrt(jnp.maximum(deg, 1e-12)), 0.0)
    norm = deg_inv_sqrt[src2] * ew * deg_inv_sqrt[dst2]
    h = x @ W.T  # linear (bias handled separately, as in PyG)
    msg = jnp.take(h, src2, axis=0) * norm[:, None]
    out = jnp.zeros((num_nodes, W.shape[0]), dtype=x.dtype).at[dst2].add(msg)
    return out + b


def _batch_norm(x, gamma, beta, eps=1e-5):
    mean = jnp.mean(x, axis=0)
    var = jnp.var(x, axis=0)  # biased, matching PyTorch normalization
    return (x - mean) * jax.lax.rsqrt(var + eps) * gamma + beta


def reference(x, edge_index, W1, b1, gamma1, beta1, W2, b2):
    n = x.shape[0]
    h = _gcn_conv(x, edge_index, W1, b1, n)
    h = _batch_norm(h, gamma1, beta1)
    h = jax.nn.relu(h)
    # dropout is identity in deterministic/eval reference
    out = _gcn_conv(h, edge_index, W2, b2, n)
    return out

if __name__ == "__main__":
    import jax
    _d = setup_inputs()
    print(jax.jit(kernel)(*tuple(_d.values())))

</pallas_src>

<mosaic_0001>
#map = affine_map<(d0, d1) -> (0, 0)>
#map1 = affine_map<(d0, d1) -> (0, 0, 0)>
module attributes {stable_mosaic.version = 14 : i64} {
  func.func @deg_kernel(%arg0: i32, %arg1: i32, %arg2: memref<2560x128xi32, #tpu.memory_space<hbm>>, %arg3: memref<2x10240x16xf32, #tpu.memory_space<hbm>>, %arg4: memref<80x128xi32, #tpu.memory_space<vmem>>, %arg5: memref<128x16xf32, #tpu.memory_space<vmem>>, %arg6: memref<128x16xf32, #tpu.memory_space<vmem>>, %arg7: memref<10240x16xf32, #tpu.memory_space<vmem_shared>>) attributes {dimension_semantics = [#tpu.dimension_semantics<core_parallel>, #tpu.dimension_semantics<subcore_parallel>], iteration_bounds = array<i64: 2, 16>, scalar_prefetch = 0 : i64, scratch_operands = 4 : i64, tpu.core_type = #tpu.core_type<sc_vector_subcore>, window_params = [{transform_indices = #map}, {transform_indices = #map1}]} {
    %mul3A = arith.constant 16 : i32
    %mul3A_0 = arith.muli %arg0, %mul3A : i32
    %add3A = arith.addi %mul3A_0, %arg1 : i32
    %mul3A_1 = arith.constant 80 : i32
    %mul3A_2 = arith.muli %add3A, %mul3A_1 : i32
    "tpu.region"() ({
      %run_scoped3A = tpu.sem_alloc : memref<!tpu.dma_semaphore, #tpu.memory_space<semaphore_mem>>
      %dma_start3A = arith.constant 0 : i32
      %dma_start3A_39 = tpu.memref_slice %arg2[%mul3A_2, %dma_start3A] : memref<2560x128xi32, #tpu.memory_space<hbm>> -> memref<80x128xi32, #tpu.memory_space<hbm>>
      %dma_start3A_40 = arith.constant 0 : i32
      %dma_start3A_41 = tpu.memref_slice %arg2[%mul3A_2, %dma_start3A_40] : memref<2560x128xi32, #tpu.memory_space<hbm>> -> memref<80x128xi32, #tpu.memory_space<hbm>>
      tpu.enqueue_dma source(%dma_start3A_41 : memref<80x128xi32, #tpu.memory_space<hbm>>) target(%arg4 : memref<80x128xi32, #tpu.memory_space<vmem>>) target_semaphore(%run_scoped3A : memref<!tpu.dma_semaphore, #tpu.memory_space<semaphore_mem>>)
      %dma_wait3A = arith.constant 0 : i32
      %dma_wait3A_42 = tpu.memref_slice %arg2[%mul3A_2, %dma_wait3A] : memref<2560x128xi32, #tpu.memory_space<hbm>> -> memref<80x128xi32, #tpu.memory_space<hbm>>
      %dma_wait3A_43 = arith.constant 0 : i32
      %dma_wait3A_44 = tpu.memref_slice %arg2[%mul3A_2, %dma_wait3A_43] : memref<2560x128xi32, #tpu.memory_space<hbm>> -> memref<80x128xi32, #tpu.memory_space<hbm>>
      tpu.wait_dma2 semaphore(%run_scoped3A : memref<!tpu.dma_semaphore, #tpu.memory_space<semaphore_mem>>) src(%dma_wait3A_44 : memref<80x128xi32, #tpu.memory_space<hbm>>) dst(%arg4 : memref<80x128xi32, #tpu.memory_space<vmem>>)
      tpu.yield
    }) : () -> ()
    %scan3A = arith.constant 0 : i32
    %scan3A_3 = arith.constant 0 : i32
    %scan3A_4 = arith.constant 128 : i32
    %scan3A_5 = arith.addi %scan3A_3, %scan3A_4 : i32
    %scan3A_6 = arith.constant 1 : i32
    %scan3A_7 = scf.for %scan3A_39 = %scan3A_3 to %scan3A_5 step %scan3A_6 iter_args(%scan3A_40 = %scan3A) -> (i32)  : i32 {
      %broadcast_in_dim3A = arith.constant 1.000000e+00 : f32
      %broadcast_in_dim3A_41 = vector.broadcast %broadcast_in_dim3A : f32 to vector<16xf32>
      %swap3A = arith.index_cast %scan3A_39 : i32 to index
      %swap3A_42 = arith.constant 0 : index
      %swap3A_43 = tpu.vector_load %arg5[%swap3A, %swap3A_42] {strides = array<i32>} : memref<128x16xf32, #tpu.memory_space<vmem>>, vector<1x16xf32>,
      %swap3A_44 = vector.shape_cast %swap3A_43 : vector<1x16xf32> to vector<16xf32>
      %swap3A_45 = vector.shape_cast %broadcast_in_dim3A_41 : vector<16xf32> to vector<1x16xf32>
      tpu.vector_store %arg5[%swap3A, %swap3A_42], %swap3A_45 {strides = array<i32>} : memref<128x16xf32, #tpu.memory_space<vmem>>, vector<1x16xf32>,
      %broadcast_in_dim3A_46 = arith.constant 0.000000e+00 : f32
      %broadcast_in_dim3A_47 = vector.broadcast %broadcast_in_dim3A_46 : f32 to vector<16xf32>
      %swap3A_48 = arith.index_cast %scan3A_39 : i32 to index
      %swap3A_49 = arith.constant 0 : index
      %swap3A_50 = tpu.vector_load %arg6[%swap3A_48, %swap3A_49] {strides = array<i32>} : memref<128x16xf32, #tpu.memory_space<vmem>>, vector<1x16xf32>,
      %swap3A_51 = vector.shape_cast %swap3A_50 : vector<1x16xf32> to vector<16xf32>
      %swap3A_52 = vector.shape_cast %broadcast_in_dim3A_47 : vector<16xf32> to vector<1x16xf32>
      tpu.vector_store %arg6[%swap3A_48, %swap3A_49], %swap3A_52 {strides = array<i32>} : memref<128x16xf32, #tpu.memory_space<vmem>>, vector<1x16xf32>,
      %scan3A_53 = arith.constant 0 : i32
      scf.yield %scan3A_53 : i32
    }
    %scan3A_8 = arith.constant 128 : i32
    %mul3A_9 = arith.constant 640 : i32
    %mul3A_10 = arith.muli %arg1, %mul3A_9 : i32
    %add3A_11 = arith.constant 0 : i32
    %add3A_12 = arith.addi %mul3A_10, %add3A_11 : i32
    "tpu.region"() ({
      %run_scoped3A = tpu.sem_alloc : memref<!tpu.dma_semaphore, #tpu.memory_space<semaphore_mem>>
      %dma_start3A = arith.constant 0 : i32
      %dma_start3A_39 = tpu.memref_slice %arg7[%add3A_12, %dma_start3A] : memref<10240x16xf32, #tpu.memory_space<vmem_shared>> -> memref<128x16xf32, #tpu.memory_space<vmem_shared>>
      %dma_start3A_40 = arith.constant 0 : i32
      %dma_start3A_41 = tpu.memref_slice %arg7[%add3A_12, %dma_start3A_40] : memref<10240x16xf32, #tpu.memory_space<vmem_shared>> -> memref<128x16xf32, #tpu.memory_space<vmem_shared>>
      tpu.enqueue_dma source(%arg6 : memref<128x16xf32, #tpu.memory_space<vmem>>) target(%dma_start3A_41 : memref<128x16xf32, #tpu.memory_space<vmem_shared>>) target_semaphore(%run_scoped3A : memref<!tpu.dma_semaphore, #tpu.memory_space<semaphore_mem>>)
      %dma_wait3A = arith.constant 0 : i32
      %dma_wait3A_42 = tpu.memref_slice %arg7[%add3A_12, %dma_wait3A] : memref<10240x16xf32, #tpu.memory_space<vmem_shared>> -> memref<128x16xf32, #tpu.memory_space<vmem_shared>>
      %dma_wait3A_43 = arith.constant 0 : i32
      %dma_wait3A_44 = tpu.memref_slice %arg7[%add3A_12, %dma_wait3A_43] : memref<10240x16xf32, #tpu.memory_space<vmem_shared>> -> memref<128x16xf32, #tpu.memory_space<vmem_shared>>
      tpu.wait_dma2 semaphore(%run_scoped3A : memref<!tpu.dma_semaphore, #tpu.memory_space<semaphore_mem>>) src(%arg6 : memref<128x16xf32, #tpu.memory_space<vmem>>) dst(%dma_wait3A_44 : memref<128x16xf32, #tpu.memory_space<vmem_shared>>)
      tpu.yield
    }) : () -> ()
    %add3A_13 = arith.constant 128 : i32
    %add3A_14 = arith.addi %mul3A_10, %add3A_13 : i32
    "tpu.region"() ({
      %run_scoped3A = tpu.sem_alloc : memref<!tpu.dma_semaphore, #tpu.memory_space<semaphore_mem>>
      %dma_start3A = arith.constant 0 : i32
      %dma_start3A_39 = tpu.memref_slice %arg7[%add3A_14, %dma_start3A] : memref<10240x16xf32, #tpu.memory_space<vmem_shared>> -> memref<128x16xf32, #tpu.memory_space<vmem_shared>>
      %dma_start3A_40 = arith.constant 0 : i32
      %dma_start3A_41 = tpu.memref_slice %arg7[%add3A_14, %dma_start3A_40] : memref<10240x16xf32, #tpu.memory_space<vmem_shared>> -> memref<128x16xf32, #tpu.memory_space<vmem_shared>>
      tpu.enqueue_dma source(%arg6 : memref<128x16xf32, #tpu.memory_space<vmem>>) target(%dma_start3A_41 : memref<128x16xf32, #tpu.memory_space<vmem_shared>>) target_semaphore(%run_scoped3A : memref<!tpu.dma_semaphore, #tpu.memory_space<semaphore_mem>>)
      %dma_wait3A = arith.constant 0 : i32
      %dma_wait3A_42 = tpu.memref_slice %arg7[%add3A_14, %dma_wait3A] : memref<10240x16xf32, #tpu.memory_space<vmem_shared>> -> memref<128x16xf32, #tpu.memory_space<vmem_shared>>
      %dma_wait3A_43 = arith.constant 0 : i32
      %dma_wait3A_44 = tpu.memref_slice %arg7[%add3A_14, %dma_wait3A_43] : memref<10240x16xf32, #tpu.memory_space<vmem_shared>> -> memref<128x16xf32, #tpu.memory_space<vmem_shared>>
      tpu.wait_dma2 semaphore(%run_scoped3A : memref<!tpu.dma_semaphore, #tpu.memory_space<semaphore_mem>>) src(%arg6 : memref<128x16xf32, #tpu.memory_space<vmem>>) dst(%dma_wait3A_44 : memref<128x16xf32, #tpu.memory_space<vmem_shared>>)
      tpu.yield
    }) : () -> ()
    %add3A_15 = arith.constant 256 : i32
    %add3A_16 = arith.addi %mul3A_10, %add3A_15 : i32
    "tpu.region"() ({
      %run_scoped3A = tpu.sem_alloc : memref<!tpu.dma_semaphore, #tpu.memory_space<semaphore_mem>>
      %dma_start3A = arith.constant 0 : i32
      %dma_start3A_39 = tpu.memref_slice %arg7[%add3A_16, %dma_start3A] : memref<10240x16xf32, #tpu.memory_space<vmem_shared>> -> memref<128x16xf32, #tpu.memory_space<vmem_shared>>
      %dma_start3A_40 = arith.constant 0 : i32
      %dma_start3A_41 = tpu.memref_slice %arg7[%add3A_16, %dma_start3A_40] : memref<10240x16xf32, #tpu.memory_space<vmem_shared>> -> memref<128x16xf32, #tpu.memory_space<vmem_shared>>
      tpu.enqueue_dma source(%arg6 : memref<128x16xf32, #tpu.memory_space<vmem>>) target(%dma_start3A_41 : memref<128x16xf32, #tpu.memory_space<vmem_shared>>) target_semaphore(%run_scoped3A : memref<!tpu.dma_semaphore, #tpu.memory_space<semaphore_mem>>)
      %dma_wait3A = arith.constant 0 : i32
      %dma_wait3A_42 = tpu.memref_slice %arg7[%add3A_16, %dma_wait3A] : memref<10240x16xf32, #tpu.memory_space<vmem_shared>> -> memref<128x16xf32, #tpu.memory_space<vmem_shared>>
      %dma_wait3A_43 = arith.constant 0 : i32
      %dma_wait3A_44 = tpu.memref_slice %arg7[%add3A_16, %dma_wait3A_43] : memref<10240x16xf32, #tpu.memory_space<vmem_shared>> -> memref<128x16xf32, #tpu.memory_space<vmem_shared>>
      tpu.wait_dma2 semaphore(%run_scoped3A : memref<!tpu.dma_semaphore, #tpu.memory_space<semaphore_mem>>) src(%arg6 : memref<128x16xf32, #tpu.memory_space<vmem>>) dst(%dma_wait3A_44 : memref<128x16xf32, #tpu.memory_space<vmem_shared>>)
      tpu.yield
    }) : () -> ()
    %add3A_17 = arith.constant 384 : i32
    %add3A_18 = arith.addi %mul3A_10, %add3A_17 : i32
    "tpu.region"() ({
      %run_scoped3A = tpu.sem_alloc : memref<!tpu.dma_semaphore, #tpu.memory_space<semaphore_mem>>
      %dma_start3A = arith.constant 0 : i32
      %dma_start3A_39 = tpu.memref_slice %arg7[%add3A_18, %dma_start3A] : memref<10240x16xf32, #tpu.memory_space<vmem_shared>> -> memref<128x16xf32, #tpu.memory_space<vmem_shared>>
      %dma_start3A_40 = arith.constant 0 : i32
      %dma_start3A_41 = tpu.memref_slice %arg7[%add3A_18, %dma_start3A_40] : memref<10240x16xf32, #tpu.memory_space<vmem_shared>> -> memref<128x16xf32, #tpu.memory_space<vmem_shared>>
      tpu.enqueue_dma source(%arg6 : memref<128x16xf32, #tpu.memory_space<vmem>>) target(%dma_start3A_41 : memref<128x16xf32, #tpu.memory_space<vmem_shared>>) target_semaphore(%run_scoped3A : memref<!tpu.dma_semaphore, #tpu.memory_space<semaphore_mem>>)
      %dma_wait3A = arith.constant 0 : i32
      %dma_wait3A_42 = tpu.memref_slice %arg7[%add3A_18, %dma_wait3A] : memref<10240x16xf32, #tpu.memory_space<vmem_shared>> -> memref<128x16xf32, #tpu.memory_space<vmem_shared>>
      %dma_wait3A_43 = arith.constant 0 : i32
      %dma_wait3A_44 = tpu.memref_slice %arg7[%add3A_18, %dma_wait3A_43] : memref<10240x16xf32, #tpu.memory_space<vmem_shared>> -> memref<128x16xf32, #tpu.memory_space<vmem_shared>>
      tpu.wait_dma2 semaphore(%run_scoped3A : memref<!tpu.dma_semaphore, #tpu.memory_space<semaphore_mem>>) src(%arg6 : memref<128x16xf32, #tpu.memory_space<vmem>>) dst(%dma_wait3A_44 : memref<128x16xf32, #tpu.memory_space<vmem_shared>>)
      tpu.yield
    }) : () -> ()
    %add3A_19 = arith.constant 512 : i32
    %add3A_20 = arith.addi %mul3A_10, %add3A_19 : i32
    "tpu.region"() ({
      %run_scoped3A = tpu.sem_alloc : memref<!tpu.dma_semaphore, #tpu.memory_space<semaphore_mem>>
      %dma_start3A = arith.constant 0 : i32
      %dma_start3A_39 = tpu.memref_slice %arg7[%add3A_20, %dma_start3A] : memref<10240x16xf32, #tpu.memory_space<vmem_shared>> -> memref<128x16xf32, #tpu.memory_space<vmem_shared>>
      %dma_start3A_40 = arith.constant 0 : i32
      %dma_start3A_41 = tpu.memref_slice %arg7[%add3A_20, %dma_start3A_40] : memref<10240x16xf32, #tpu.memory_space<vmem_shared>> -> memref<128x16xf32, #tpu.memory_space<vmem_shared>>
      tpu.enqueue_dma source(%arg6 : memref<128x16xf32, #tpu.memory_space<vmem>>) target(%dma_start3A_41 : memref<128x16xf32, #tpu.memory_space<vmem_shared>>) target_semaphore(%run_scoped3A : memref<!tpu.dma_semaphore, #tpu.memory_space<semaphore_mem>>)
      %dma_wait3A = arith.constant 0 : i32
      %dma_wait3A_42 = tpu.memref_slice %arg7[%add3A_20, %dma_wait3A] : memref<10240x16xf32, #tpu.memory_space<vmem_shared>> -> memref<128x16xf32, #tpu.memory_space<vmem_shared>>
      %dma_wait3A_43 = arith.constant 0 : i32
      %dma_wait3A_44 = tpu.memref_slice %arg7[%add3A_20, %dma_wait3A_43] : memref<10240x16xf32, #tpu.memory_space<vmem_shared>> -> memref<128x16xf32, #tpu.memory_space<vmem_shared>>
      tpu.wait_dma2 semaphore(%run_scoped3A : memref<!tpu.dma_semaphore, #tpu.memory_space<semaphore_mem>>) src(%arg6 : memref<128x16xf32, #tpu.memory_space<vmem>>) dst(%dma_wait3A_44 : memref<128x16xf32, #tpu.memory_space<vmem_shared>>)
      tpu.yield
    }) : () -> ()
    %barrier3A = arith.constant 0 : index
    tpu.barrier barrier_id(%barrier3A)
    %scan3A_21 = arith.constant 0 : i32
    %scan3A_22 = arith.constant 0 : i32
    %scan3A_23 = arith.constant 80 : i32
    %scan3A_24 = arith.addi %scan3A_22, %scan3A_23 : i32
    %scan3A_25 = arith.constant 1 : i32
    %scan3A_26 = scf.for %scan3A_39 = %scan3A_22 to %scan3A_24 step %scan3A_25 iter_args(%scan3A_40 = %scan3A_21) -> (i32)  : i32 {
      "tpu.region"() ({
        %run_scoped3A = tpu.sem_alloc : memref<!tpu.dma_semaphore, #tpu.memory_space<semaphore_mem>>
        %dma_start3A = arith.constant 0 : i32
        %dma_start3A_42 = tpu.memref_slice %arg4[%scan3A_39, %dma_start3A] : memref<80x128xi32, #tpu.memory_space<vmem>> -> memref<1x128xi32, #tpu.memory_space<vmem>>
        %dma_start3A_43 = tpu.memref_squeeze %dma_start3A_42 : memref<1x128xi32, #tpu.memory_space<vmem>> -> memref<128xi32, #tpu.memory_space<vmem>>
        %dma_start3A_44 = arith.constant 0 : i32
        %dma_start3A_45 = arith.constant 0 : i32
        %dma_start3A_46 = tpu.memref_slice %arg7[%dma_start3A_44, %dma_start3A_45] : memref<10240x16xf32, #tpu.memory_space<vmem_shared>> -> memref<10240x16xf32, #tpu.memory_space<vmem_shared>>
        tpu.enqueue_indirect_dma source(%arg5 : memref<128x16xf32, #tpu.memory_space<vmem>>) target(%dma_start3A_46 : memref<10240x16xf32, #tpu.memory_space<vmem_shared>>) offsets(%dma_start3A_43 : memref<128xi32, #tpu.memory_space<vmem>>) semaphore(%run_scoped3A : memref<!tpu.dma_semaphore, #tpu.memory_space<semaphore_mem>>) {add = true}
        %dma_wait3A = arith.constant 0 : i32
        %dma_wait3A_47 = tpu.memref_slice %arg4[%scan3A_39, %dma_wait3A] : memref<80x128xi32, #tpu.memory_space<vmem>> -> memref<1x128xi32, #tpu.memory_space<vmem>>
        %dma_wait3A_48 = tpu.memref_squeeze %dma_wait3A_47 : memref<1x128xi32, #tpu.memory_space<vmem>> -> memref<128xi32, #tpu.memory_space<vmem>>
        %dma_wait3A_49 = arith.constant 0 : i32
        %dma_wait3A_50 = arith.constant 0 : i32
        %dma_wait3A_51 = tpu.memref_slice %arg7[%dma_wait3A_49, %dma_wait3A_50] : memref<10240x16xf32, #tpu.memory_space<vmem_shared>> -> memref<10240x16xf32, #tpu.memory_space<vmem_shared>>
        tpu.wait_indirect_dma semaphore(%run_scoped3A : memref<!tpu.dma_semaphore, #tpu.memory_space<semaphore_mem>>) src(%arg5 : memref<128x16xf32, #tpu.memory_space<vmem>>) dst(%dma_wait3A_51 : memref<10240x16xf32, #tpu.memory_space<vmem_shared>>)
        tpu.yield
      }) : () -> ()
      %scan3A_41 = arith.constant 0 : i32
      scf.yield %scan3A_41 : i32
    }
    %scan3A_27 = arith.constant 80 : i32
    %barrier3A_28 = arith.constant 0 : index
    tpu.barrier barrier_id(%barrier3A_28)
    %add3A_29 = arith.constant 0 : i32
    %add3A_30 = arith.addi %mul3A_10, %add3A_29 : i32
    "tpu.region"() ({
      %run_scoped3A = tpu.sem_alloc : memref<!tpu.dma_semaphore, #tpu.memory_space<semaphore_mem>>
      %dma_start3A = arith.constant 0 : i32
      %dma_start3A_39 = tpu.memref_slice %arg3[%arg0, %add3A_30, %dma_start3A] : memref<2x10240x16xf32, #tpu.memory_space<hbm>> -> memref<1x128x16xf32, #tpu.memory_space<hbm>>
      %dma_start3A_40 = tpu.memref_squeeze %dma_start3A_39 : memref<1x128x16xf32, #tpu.memory_space<hbm>> -> memref<128x16xf32, #tpu.memory_space<hbm>>
      %dma_start3A_41 = arith.constant 0 : i32
      %dma_start3A_42 = tpu.memref_slice %arg7[%add3A_30, %dma_start3A_41] : memref<10240x16xf32, #tpu.memory_space<vmem_shared>> -> memref<128x16xf32, #tpu.memory_space<vmem_shared>>
      tpu.enqueue_dma source(%dma_start3A_42 : memref<128x16xf32, #tpu.memory_space<vmem_shared>>) target(%dma_start3A_40 : memref<128x16xf32, #tpu.memory_space<hbm>>) target_semaphore(%run_scoped3A : memref<!tpu.dma_semaphore, #tpu.memory_space<semaphore_mem>>)
      %dma_wait3A = arith.constant 0 : i32
      %dma_wait3A_43 = tpu.memref_slice %arg3[%arg0, %add3A_30, %dma_wait3A] : memref<2x10240x16xf32, #tpu.memory_space<hbm>> -> memref<1x128x16xf32, #tpu.memory_space<hbm>>
      %dma_wait3A_44 = tpu.memref_squeeze %dma_wait3A_43 : memref<1x128x16xf32, #tpu.memory_space<hbm>> -> memref<128x16xf32, #tpu.memory_space<hbm>>
      %dma_wait3A_45 = arith.constant 0 : i32
      %dma_wait3A_46 = tpu.memref_slice %arg7[%add3A_30, %dma_wait3A_45] : memref<10240x16xf32, #tpu.memory_space<vmem_shared>> -> memref<128x16xf32, #tpu.memory_space<vmem_shared>>
      tpu.wait_dma2 semaphore(%run_scoped3A : memref<!tpu.dma_semaphore, #tpu.memory_space<semaphore_mem>>) src(%dma_wait3A_46 : memref<128x16xf32, #tpu.memory_space<vmem_shared>>) dst(%dma_wait3A_44 : memref<128x16xf32, #tpu.memory_space<hbm>>)
      tpu.yield
    }) : () -> ()
    %add3A_31 = arith.constant 128 : i32
    %add3A_32 = arith.addi %mul3A_10, %add3A_31 : i32
    "tpu.region"() ({
      %run_scoped3A = tpu.sem_alloc : memref<!tpu.dma_semaphore, #tpu.memory_space<semaphore_mem>>
      %dma_start3A = arith.constant 0 : i32
      %dma_start3A_39 = tpu.memref_slice %arg3[%arg0, %add3A_32, %dma_start3A] : memref<2x10240x16xf32, #tpu.memory_space<hbm>> -> memref<1x128x16xf32, #tpu.memory_space<hbm>>
      %dma_start3A_40 = tpu.memref_squeeze %dma_start3A_39 : memref<1x128x16xf32, #tpu.memory_space<hbm>> -> memref<128x16xf32, #tpu.memory_space<hbm>>
      %dma_start3A_41 = arith.constant 0 : i32
      %dma_start3A_42 = tpu.memref_slice %arg7[%add3A_32, %dma_start3A_41] : memref<10240x16xf32, #tpu.memory_space<vmem_shared>> -> memref<128x16xf32, #tpu.memory_space<vmem_shared>>
      tpu.enqueue_dma source(%dma_start3A_42 : memref<128x16xf32, #tpu.memory_space<vmem_shared>>) target(%dma_start3A_40 : memref<128x16xf32, #tpu.memory_space<hbm>>) target_semaphore(%run_scoped3A : memref<!tpu.dma_semaphore, #tpu.memory_space<semaphore_mem>>)
      %dma_wait3A = arith.constant 0 : i32
      %dma_wait3A_43 = tpu.memref_slice %arg3[%arg0, %add3A_32, %dma_wait3A] : memref<2x10240x16xf32, #tpu.memory_space<hbm>> -> memref<1x128x16xf32, #tpu.memory_space<hbm>>
      %dma_wait3A_44 = tpu.memref_squeeze %dma_wait3A_43 : memref<1x128x16xf32, #tpu.memory_space<hbm>> -> memref<128x16xf32, #tpu.memory_space<hbm>>
      %dma_wait3A_45 = arith.constant 0 : i32
      %dma_wait3A_46 = tpu.memref_slice %arg7[%add3A_32, %dma_wait3A_45] : memref<10240x16xf32, #tpu.memory_space<vmem_shared>> -> memref<128x16xf32, #tpu.memory_space<vmem_shared>>
      tpu.wait_dma2 semaphore(%run_scoped3A : memref<!tpu.dma_semaphore, #tpu.memory_space<semaphore_mem>>) src(%dma_wait3A_46 : memref<128x16xf32, #tpu.memory_space<vmem_shared>>) dst(%dma_wait3A_44 : memref<128x16xf32, #tpu.memory_space<hbm>>)
      tpu.yield
    }) : () -> ()
    %add3A_33 = arith.constant 256 : i32
    %add3A_34 = arith.addi %mul3A_10, %add3A_33 : i32
    "tpu.region"() ({
      %run_scoped3A = tpu.sem_alloc : memref<!tpu.dma_semaphore, #tpu.memory_space<semaphore_mem>>
      %dma_start3A = arith.constant 0 : i32
      %dma_start3A_39 = tpu.memref_slice %arg3[%arg0, %add3A_34, %dma_start3A] : memref<2x10240x16xf32, #tpu.memory_space<hbm>> -> memref<1x128x16xf32, #tpu.memory_space<hbm>>
      %dma_start3A_40 = tpu.memref_squeeze %dma_start3A_39 : memref<1x128x16xf32, #tpu.memory_space<hbm>> -> memref<128x16xf32, #tpu.memory_space<hbm>>
      %dma_start3A_41 = arith.constant 0 : i32
      %dma_start3A_42 = tpu.memref_slice %arg7[%add3A_34, %dma_start3A_41] : memref<10240x16xf32, #tpu.memory_space<vmem_shared>> -> memref<128x16xf32, #tpu.memory_space<vmem_shared>>
      tpu.enqueue_dma source(%dma_start3A_42 : memref<128x16xf32, #tpu.memory_space<vmem_shared>>) target(%dma_start3A_40 : memref<128x16xf32, #tpu.memory_space<hbm>>) target_semaphore(%run_scoped3A : memref<!tpu.dma_semaphore, #tpu.memory_space<semaphore_mem>>)
      %dma_wait3A = arith.constant 0 : i32
      %dma_wait3A_43 = tpu.memref_slice %arg3[%arg0, %add3A_34, %dma_wait3A] : memref<2x10240x16xf32, #tpu.memory_space<hbm>> -> memref<1x128x16xf32, #tpu.memory_space<hbm>>
      %dma_wait3A_44 = tpu.memref_squeeze %dma_wait3A_43 : memref<1x128x16xf32, #tpu.memory_space<hbm>> -> memref<128x16xf32, #tpu.memory_space<hbm>>
      %dma_wait3A_45 = arith.constant 0 : i32
      %dma_wait3A_46 = tpu.memref_slice %arg7[%add3A_34, %dma_wait3A_45] : memref<10240x16xf32, #tpu.memory_space<vmem_shared>> -> memref<128x16xf32, #tpu.memory_space<vmem_shared>>
      tpu.wait_dma2 semaphore(%run_scoped3A : memref<!tpu.dma_semaphore, #tpu.memory_space<semaphore_mem>>) src(%dma_wait3A_46 : memref<128x16xf32, #tpu.memory_space<vmem_shared>>) dst(%dma_wait3A_44 : memref<128x16xf32, #tpu.memory_space<hbm>>)
      tpu.yield
    }) : () -> ()
    %add3A_35 = arith.constant 384 : i32
    %add3A_36 = arith.addi %mul3A_10, %add3A_35 : i32
    "tpu.region"() ({
      %run_scoped3A = tpu.sem_alloc : memref<!tpu.dma_semaphore, #tpu.memory_space<semaphore_mem>>
      %dma_start3A = arith.constant 0 : i32
      %dma_start3A_39 = tpu.memref_slice %arg3[%arg0, %add3A_36, %dma_start3A] : memref<2x10240x16xf32, #tpu.memory_space<hbm>> -> memref<1x128x16xf32, #tpu.memory_space<hbm>>
      %dma_start3A_40 = tpu.memref_squeeze %dma_start3A_39 : memref<1x128x16xf32, #tpu.memory_space<hbm>> -> memref<128x16xf32, #tpu.memory_space<hbm>>
      %dma_start3A_41 = arith.constant 0 : i32
      %dma_start3A_42 = tpu.memref_slice %arg7[%add3A_36, %dma_start3A_41] : memref<10240x16xf32, #tpu.memory_space<vmem_shared>> -> memref<128x16xf32, #tpu.memory_space<vmem_shared>>
      tpu.enqueue_dma source(%dma_start3A_42 : memref<128x16xf32, #tpu.memory_space<vmem_shared>>) target(%dma_start3A_40 : memref<128x16xf32, #tpu.memory_space<hbm>>) target_semaphore(%run_scoped3A : memref<!tpu.dma_semaphore, #tpu.memory_space<semaphore_mem>>)
      %dma_wait3A = arith.constant 0 : i32
      %dma_wait3A_43 = tpu.memref_slice %arg3[%arg0, %add3A_36, %dma_wait3A] : memref<2x10240x16xf32, #tpu.memory_space<hbm>> -> memref<1x128x16xf32, #tpu.memory_space<hbm>>
      %dma_wait3A_44 = tpu.memref_squeeze %dma_wait3A_43 : memref<1x128x16xf32, #tpu.memory_space<hbm>> -> memref<128x16xf32, #tpu.memory_space<hbm>>
      %dma_wait3A_45 = arith.constant 0 : i32
      %dma_wait3A_46 = tpu.memref_slice %arg7[%add3A_36, %dma_wait3A_45] : memref<10240x16xf32, #tpu.memory_space<vmem_shared>> -> memref<128x16xf32, #tpu.memory_space<vmem_shared>>
      tpu.wait_dma2 semaphore(%run_scoped3A : memref<!tpu.dma_semaphore, #tpu.memory_space<semaphore_mem>>) src(%dma_wait3A_46 : memref<128x16xf32, #tpu.memory_space<vmem_shared>>) dst(%dma_wait3A_44 : memref<128x16xf32, #tpu.memory_space<hbm>>)
      tpu.yield
    }) : () -> ()
    %add3A_37 = arith.constant 512 : i32
    %add3A_38 = arith.addi %mul3A_10, %add3A_37 : i32
    "tpu.region"() ({
      %run_scoped3A = tpu.sem_alloc : memref<!tpu.dma_semaphore, #tpu.memory_space<semaphore_mem>>
      %dma_start3A = arith.constant 0 : i32
      %dma_start3A_39 = tpu.memref_slice %arg3[%arg0, %add3A_38, %dma_start3A] : memref<2x10240x16xf32, #tpu.memory_space<hbm>> -> memref<1x128x16xf32, #tpu.memory_space<hbm>>
      %dma_start3A_40 = tpu.memref_squeeze %dma_start3A_39 : memref<1x128x16xf32, #tpu.memory_space<hbm>> -> memref<128x16xf32, #tpu.memory_space<hbm>>
      %dma_start3A_41 = arith.constant 0 : i32
      %dma_start3A_42 = tpu.memref_slice %arg7[%add3A_38, %dma_start3A_41] : memref<10240x16xf32, #tpu.memory_space<vmem_shared>> -> memref<128x16xf32, #tpu.memory_space<vmem_shared>>
      tpu.enqueue_dma source(%dma_start3A_42 : memref<128x16xf32, #tpu.memory_space<vmem_shared>>) target(%dma_start3A_40 : memref<128x16xf32, #tpu.memory_space<hbm>>) target_semaphore(%run_scoped3A : memref<!tpu.dma_semaphore, #tpu.memory_space<semaphore_mem>>)
      %dma_wait3A = arith.constant 0 : i32
      %dma_wait3A_43 = tpu.memref_slice %arg3[%arg0, %add3A_38, %dma_wait3A] : memref<2x10240x16xf32, #tpu.memory_space<hbm>> -> memref<1x128x16xf32, #tpu.memory_space<hbm>>
      %dma_wait3A_44 = tpu.memref_squeeze %dma_wait3A_43 : memref<1x128x16xf32, #tpu.memory_space<hbm>> -> memref<128x16xf32, #tpu.memory_space<hbm>>
      %dma_wait3A_45 = arith.constant 0 : i32
      %dma_wait3A_46 = tpu.memref_slice %arg7[%add3A_38, %dma_wait3A_45] : memref<10240x16xf32, #tpu.memory_space<vmem_shared>> -> memref<128x16xf32, #tpu.memory_space<vmem_shared>>
      tpu.wait_dma2 semaphore(%run_scoped3A : memref<!tpu.dma_semaphore, #tpu.memory_space<semaphore_mem>>) src(%dma_wait3A_46 : memref<128x16xf32, #tpu.memory_space<vmem_shared>>) dst(%dma_wait3A_44 : memref<128x16xf32, #tpu.memory_space<hbm>>)
      tpu.yield
    }) : () -> ()
    return
  }
}

#map = affine_map<(d0, d1) -> (0, 0)>
#map1 = affine_map<(d0, d1) -> (0, 0, 0)>
module attributes {stable_mosaic.version = 14 : i64} {
  func.func @agg_kernel(%arg0: i32, %arg1: i32, %arg2: memref<10240x64xf32, #tpu.memory_space<hbm>>, %arg3: memref<10240x64xf32, #tpu.memory_space<hbm>>, %arg4: memref<2560x128xi32, #tpu.memory_space<hbm>>, %arg5: memref<2560x128xi32, #tpu.memory_space<hbm>>, %arg6: memref<2x10240x64xf32, #tpu.memory_space<hbm>>, %arg7: memref<4x4x128xi32, #tpu.memory_space<vmem>>, %arg8: memref<4x4x128xi32, #tpu.memory_space<vmem>>, %arg9: memref<10240x64xf32, #tpu.memory_space<vmem_shared>>, %arg10: memref<10240x64xf32, #tpu.memory_space<vmem_shared>>, %arg11: memref<!tpu.dma_semaphore, #tpu.memory_space<semaphore_mem>>, %arg12: memref<128x64xf32, #tpu.memory_space<vmem>>, %arg13: memref<128x64xf32, #tpu.memory_space<vmem>>, %arg14: memref<128x64xf32, #tpu.memory_space<vmem>>, %arg15: memref<128x64xf32, #tpu.memory_space<vmem>>, %arg16: memref<128x64xf32, #tpu.memory_space<vmem>>, %arg17: memref<!tpu.dma_semaphore, #tpu.memory_space<semaphore_mem>>, %arg18: memref<!tpu.dma_semaphore, #tpu.memory_space<semaphore_mem>>, %arg19: memref<!tpu.dma_semaphore, #tpu.memory_space<semaphore_mem>>, %arg20: memref<!tpu.dma_semaphore, #tpu.memory_space<semaphore_mem>>, %arg21: memref<!tpu.dma_semaphore, #tpu.memory_space<semaphore_mem>>, %arg22: memref<!tpu.dma_semaphore, #tpu.memory_space<semaphore_mem>>, %arg23: memref<!tpu.dma_semaphore, #tpu.memory_space<semaphore_mem>>, %arg24: memref<!tpu.dma_semaphore, #tpu.memory_space<semaphore_mem>>, %arg25: memref<!tpu.dma_semaphore, #tpu.memory_space<semaphore_mem>>, %arg26: memref<!tpu.dma_semaphore, #tpu.memory_space<semaphore_mem>>) attributes {dimension_semantics = [#tpu.dimension_semantics<core_parallel>, #tpu.dimension_semantics<subcore_parallel>], iteration_bounds = array<i64: 2, 16>, scalar_prefetch = 0 : i64, scratch_operands = 20 : i64, tpu.core_type = #tpu.core_type<sc_vector_subcore>, window_params = [{transform_indices = #map}, {transform_indices = #map}, {transform_indices = #map}, {transform_indices = #map}, {transform_indices = #map1}]} {
    %mul3A = arith.constant 640 : i32
    %mul3A_0 = arith.muli %arg1, %mul3A : i32
    %eq3A = arith.constant 0 : i32
    %eq3A_1 = arith.cmpi eq, %arg0, %eq3A : i32
    %convert_element_type3A = arith.extui %eq3A_1 : i1 to i32
    %cond3A = arith.constant 0 : i32
    %cond3A_2 = arith.cmpi ne, %convert_element_type3A, %cond3A : i32
    scf.if %cond3A_2 {
      "tpu.region"() ({
        %run_scoped3A = tpu.sem_alloc : memref<!tpu.dma_semaphore, #tpu.memory_space<semaphore_mem>>
        %dma_start3A_195 = arith.constant 0 : i32
        %dma_start3A_196 = tpu.memref_slice %arg9[%mul3A_0, %dma_start3A_195] : memref<10240x64xf32, #tpu.memory_space<vmem_shared>> -> memref<640x64xf32, #tpu.memory_space<vmem_shared>>
        %dma_start3A_197 = arith.constant 0 : i32
        %dma_start3A_198 = tpu.memref_slice %arg2[%mul3A_0, %dma_start3A_197] : memref<10240x64xf32, #tpu.memory_space<hbm>> -> memref<640x64xf32, #tpu.memory_space<hbm>>
        tpu.enqueue_dma source(%dma_start3A_198 : memref<640x64xf32, #tpu.memory_space<hbm>>) target(%dma_start3A_196 : memref<640x64xf32, #tpu.memory_space<vmem_shared>>) target_semaphore(%run_scoped3A : memref<!tpu.dma_semaphore, #tpu.memory_space<semaphore_mem>>)
        %dma_wait3A_199 = arith.constant 0 : i32
        %dma_wait3A_200 = tpu.memref_slice %arg9[%mul3A_0, %dma_wait3A_199] : memref<10240x64xf32, #tpu.memory_space<vmem_shared>> -> memref<640x64xf32, #tpu.memory_space<vmem_shared>>
        %dma_wait3A_201 = arith.constant 0 : i32
        %dma_wait3A_202 = tpu.memref_slice %arg2[%mul3A_0, %dma_wait3A_201] : memref<10240x64xf32, #tpu.memory_space<hbm>> -> memref<640x64xf32, #tpu.memory_space<hbm>>
        tpu.wait_dma2 semaphore(%run_scoped3A : memref<!tpu.dma_semaphore, #tpu.memory_space<semaphore_mem>>) src(%dma_wait3A_202 : memref<640x64xf32, #tpu.memory_space<hbm>>) dst(%dma_wait3A_200 : memref<640x64xf32, #tpu.memory_space<vmem_shared>>)
        tpu.yield
      }) : () -> ()
    } else {
    }
    %eq3A_3 = arith.constant 1 : i32
    %eq3A_4 = arith.cmpi eq, %arg0, %eq3A_3 : i32
    %convert_element_type3A_5 = arith.extui %eq3A_4 : i1 to i32
    %cond3A_6 = arith.constant 0 : i32
    %cond3A_7 = arith.cmpi ne, %convert_element_type3A_5, %cond3A_6 : i32
    scf.if %cond3A_7 {
      "tpu.region"() ({
        %run_scoped3A = tpu.sem_alloc : memref<!tpu.dma_semaphore, #tpu.memory_space<semaphore_mem>>
        %dma_start3A_195 = arith.constant 0 : i32
        %dma_start3A_196 = tpu.memref_slice %arg9[%mul3A_0, %dma_start3A_195] : memref<10240x64xf32, #tpu.memory_space<vmem_shared>> -> memref<640x64xf32, #tpu.memory_space<vmem_shared>>
        %dma_start3A_197 = arith.constant 0 : i32
        %dma_start3A_198 = tpu.memref_slice %arg3[%mul3A_0, %dma_start3A_197] : memref<10240x64xf32, #tpu.memory_space<hbm>> -> memref<640x64xf32, #tpu.memory_space<hbm>>
        tpu.enqueue_dma source(%dma_start3A_198 : memref<640x64xf32, #tpu.memory_space<hbm>>) target(%dma_start3A_196 : memref<640x64xf32, #tpu.memory_space<vmem_shared>>) target_semaphore(%run_scoped3A : memref<!tpu.dma_semaphore, #tpu.memory_space<semaphore_mem>>)
        %dma_wait3A_199 = arith.constant 0 : i32
        %dma_wait3A_200 = tpu.memref_slice %arg9[%mul3A_0, %dma_wait3A_199] : memref<10240x64xf32, #tpu.memory_space<vmem_shared>> -> memref<640x64xf32, #tpu.memory_space<vmem_shared>>
        %dma_wait3A_201 = arith.constant 0 : i32
        %dma_wait3A_202 = tpu.memref_slice %arg3[%mul3A_0, %dma_wait3A_201] : memref<10240x64xf32, #tpu.memory_space<hbm>> -> memref<640x64xf32, #tpu.memory_space<hbm>>
        tpu.wait_dma2 semaphore(%run_scoped3A : memref<!tpu.dma_semaphore, #tpu.memory_space<semaphore_mem>>) src(%dma_wait3A_202 : memref<640x64xf32, #tpu.memory_space<hbm>>) dst(%dma_wait3A_200 : memref<640x64xf32, #tpu.memory_space<vmem_shared>>)
        tpu.yield
      }) : () -> ()
    } else {
    }
    %mul3A_8 = arith.constant 160 : i32
    %mul3A_9 = arith.muli %arg1, %mul3A_8 : i32
    %scan3A = arith.constant 0 : i32
    %scan3A_10 = arith.constant 0 : i32
    %scan3A_11 = arith.constant 128 : i32
    %scan3A_12 = arith.addi %scan3A_10, %scan3A_11 : i32
    %scan3A_13 = arith.constant 1 : i32
    %scan3A_14 = scf.for %scan3A_195 = %scan3A_10 to %scan3A_12 step %scan3A_13 iter_args(%scan3A_196 = %scan3A) -> (i32)  : i32 {
      %scan3A_197 = arith.constant 0 : i32
      %scan3A_198 = arith.constant 0 : i32
      %scan3A_199 = arith.constant 4 : i32
      %scan3A_200 = arith.addi %scan3A_198, %scan3A_199 : i32
      %scan3A_201 = arith.constant 1 : i32
      %scan3A_202 = scf.for %scan3A_204 = %scan3A_198 to %scan3A_200 step %scan3A_201 iter_args(%scan3A_205 = %scan3A_197) -> (i32)  : i32 {
        %broadcast_in_dim3A = arith.constant 0.000000e+00 : f32
        %broadcast_in_dim3A_206 = vector.broadcast %broadcast_in_dim3A : f32 to vector<16xf32>
        %mul3A_207 = arith.constant 16 : i32
        %mul3A_208 = arith.muli %scan3A_204, %mul3A_207 : i32
        %swap3A = arith.index_cast %scan3A_195 : i32 to index
        %swap3A_209 = arith.index_cast %mul3A_208 : i32 to index
        %swap3A_210 = tpu.vector_load %arg12[%swap3A, %swap3A_209] {strides = array<i32>} : memref<128x64xf32, #tpu.memory_space<vmem>>, vector<1x16xf32>,
        %swap3A_211 = vector.shape_cast %swap3A_210 : vector<1x16xf32> to vector<16xf32>
        %swap3A_212 = vector.shape_cast %broadcast_in_dim3A_206 : vector<16xf32> to vector<1x16xf32>
        tpu.vector_store %arg12[%swap3A, %swap3A_209], %swap3A_212 {strides = array<i32>} : memref<128x64xf32, #tpu.memory_space<vmem>>, vector<1x16xf32>,
        %scan3A_213 = arith.constant 0 : i32
        scf.yield %scan3A_213 : i32
      }
      %scan3A_203 = arith.constant 4 : i32
      scf.yield %scan3A_202 : i32
    }
    %scan3A_15 = arith.constant 128 : i32
    %add3A = arith.constant 0 : i32
    %add3A_16 = arith.addi %mul3A_0, %add3A : i32
    "tpu.region"() ({
      %run_scoped3A = tpu.sem_alloc : memref<!tpu.dma_semaphore, #tpu.memory_space<semaphore_mem>>
      %dma_start3A_195 = arith.constant 0 : i32
      %dma_start3A_196 = tpu.memref_slice %arg10[%add3A_16, %dma_start3A_195] : memref<10240x64xf32, #tpu.memory_space<vmem_shared>> -> memref<128x64xf32, #tpu.memory_space<vmem_shared>>
      %dma_start3A_197 = arith.constant 0 : i32
      %dma_start3A_198 = tpu.memref_slice %arg10[%add3A_16, %dma_start3A_197] : memref<10240x64xf32, #tpu.memory_space<vmem_shared>> -> memref<128x64xf32, #tpu.memory_space<vmem_shared>>
      tpu.enqueue_dma source(%arg12 : memref<128x64xf32, #tpu.memory_space<vmem>>) target(%dma_start3A_198 : memref<128x64xf32, #tpu.memory_space<vmem_shared>>) target_semaphore(%run_scoped3A : memref<!tpu.dma_semaphore, #tpu.memory_space<semaphore_mem>>)
      %dma_wait3A_199 = arith.constant 0 : i32
      %dma_wait3A_200 = tpu.memref_slice %arg10[%add3A_16, %dma_wait3A_199] : memref<10240x64xf32, #tpu.memory_space<vmem_shared>> -> memref<128x64xf32, #tpu.memory_space<vmem_shared>>
      %dma_wait3A_201 = arith.constant 0 : i32
      %dma_wait3A_202 = tpu.memref_slice %arg10[%add3A_16, %dma_wait3A_201] : memref<10240x64xf32, #tpu.memory_space<vmem_shared>> -> memref<128x64xf32, #tpu.memory_space<vmem_shared>>
      tpu.wait_dma2 semaphore(%run_scoped3A : memref<!tpu.dma_semaphore, #tpu.memory_space<semaphore_mem>>) src(%arg12 : memref<128x64xf32, #tpu.memory_space<vmem>>) dst(%dma_wait3A_202 : memref<128x64xf32, #tpu.memory_space<vmem_shared>>)
      tpu.yield
    }) : () -> ()
    %add3A_17 = arith.constant 128 : i32
    %add3A_18 = arith.addi %mul3A_0, %add3A_17 : i32
    "tpu.region"() ({
      %run_scoped3A = tpu.sem_alloc : memref<!tpu.dma_semaphore, #tpu.memory_space<semaphore_mem>>
      %dma_start3A_195 = arith.constant 0 : i32
      %dma_start3A_196 = tpu.memref_slice %arg10[%add3A_18, %dma_start3A_195] : memref<10240x64xf32, #tpu.memory_space<vmem_shared>> -> memref<128x64xf32, #tpu.memory_space<vmem_shared>>
      %dma_start3A_197 = arith.constant 0 : i32
      %dma_start3A_198 = tpu.memref_slice %arg10[%add3A_18, %dma_start3A_197] : memref<10240x64xf32, #tpu.memory_space<vmem_shared>> -> memref<128x64xf32, #tpu.memory_space<vmem_shared>>
      tpu.enqueue_dma source(%arg12 : memref<128x64xf32, #tpu.memory_space<vmem>>) target(%dma_start3A_198 : memref<128x64xf32, #tpu.memory_space<vmem_shared>>) target_semaphore(%run_scoped3A : memref<!tpu.dma_semaphore, #tpu.memory_space<semaphore_mem>>)
      %dma_wait3A_199 = arith.constant 0 : i32
      %dma_wait3A_200 = tpu.memref_slice %arg10[%add3A_18, %dma_wait3A_199] : memref<10240x64xf32, #tpu.memory_space<vmem_shared>> -> memref<128x64xf32, #tpu.memory_space<vmem_shared>>
      %dma_wait3A_201 = arith.constant 0 : i32
      %dma_wait3A_202 = tpu.memref_slice %arg10[%add3A_18, %dma_wait3A_201] : memref<10240x64xf32, #tpu.memory_space<vmem_shared>> -> memref<128x64xf32, #tpu.memory_space<vmem_shared>>
      tpu.wait_dma2 semaphore(%run_scoped3A : memref<!tpu.dma_semaphore, #tpu.memory_space<semaphore_mem>>) src(%arg12 : memref<128x64xf32, #tpu.memory_space<vmem>>) dst(%dma_wait3A_202 : memref<128x64xf32, #tpu.memory_space<vmem_shared>>)
      tpu.yield
    }) : () -> ()
    %add3A_19 = arith.constant 256 : i32
    %add3A_20 = arith.addi %mul3A_0, %add3A_19 : i32
    "tpu.region"() ({
      %run_scoped3A = tpu.sem_alloc : memref<!tpu.dma_semaphore, #tpu.memory_space<semaphore_mem>>
      %dma_start3A_195 = arith.constant 0 : i32
      %dma_start3A_196 = tpu.memref_slice %arg10[%add3A_20, %dma_start3A_195] : memref<10240x64xf32, #tpu.memory_space<vmem_shared>> -> memref<128x64xf32, #tpu.memory_space<vmem_shared>>
      %dma_start3A_197 = arith.constant 0 : i32
      %dma_start3A_198 = tpu.memref_slice %arg10[%add3A_20, %dma_start3A_197] : memref<10240x64xf32, #tpu.memory_space<vmem_shared>> -> memref<128x64xf32, #tpu.memory_space<vmem_shared>>
      tpu.enqueue_dma source(%arg12 : memref<128x64xf32, #tpu.memory_space<vmem>>) target(%dma_start3A_198 : memref<128x64xf32, #tpu.memory_space<vmem_shared>>) target_semaphore(%run_scoped3A : memref<!tpu.dma_semaphore, #tpu.memory_space<semaphore_mem>>)
      %dma_wait3A_199 = arith.constant 0 : i32
      %dma_wait3A_200 = tpu.memref_slice %arg10[%add3A_20, %dma_wait3A_199] : memref<10240x64xf32, #tpu.memory_space<vmem_shared>> -> memref<128x64xf32, #tpu.memory_space<vmem_shared>>
      %dma_wait3A_201 = arith.constant 0 : i32
      %dma_wait3A_202 = tpu.memref_slice %arg10[%add3A_20, %dma_wait3A_201] : memref<10240x64xf32, #tpu.memory_space<vmem_shared>> -> memref<128x64xf32, #tpu.memory_space<vmem_shared>>
      tpu.wait_dma2 semaphore(%run_scoped3A : memref<!tpu.dma_semaphore, #tpu.memory_space<semaphore_mem>>) src(%arg12 : memref<128x64xf32, #tpu.memory_space<vmem>>) dst(%dma_wait3A_202 : memref<128x64xf32, #tpu.memory_space<vmem_shared>>)
      tpu.yield
    }) : () -> ()
    %add3A_21 = arith.constant 384 : i32
    %add3A_22 = arith.addi %mul3A_0, %add3A_21 : i32
    "tpu.region"() ({
      %run_scoped3A = tpu.sem_alloc : memref<!tpu.dma_semaphore, #tpu.memory_space<semaphore_mem>>
      %dma_start3A_195 = arith.constant 0 : i32
      %dma_start3A_196 = tpu.memref_slice %arg10[%add3A_22, %dma_start3A_195] : memref<10240x64xf32, #tpu.memory_space<vmem_shared>> -> memref<128x64xf32, #tpu.memory_space<vmem_shared>>
      %dma_start3A_197 = arith.constant 0 : i32
      %dma_start3A_198 = tpu.memref_slice %arg10[%add3A_22, %dma_start3A_197] : memref<10240x64xf32, #tpu.memory_space<vmem_shared>> -> memref<128x64xf32, #tpu.memory_space<vmem_shared>>
      tpu.enqueue_dma source(%arg12 : memref<128x64xf32, #tpu.memory_space<vmem>>) target(%dma_start3A_198 : memref<128x64xf32, #tpu.memory_space<vmem_shared>>) target_semaphore(%run_scoped3A : memref<!tpu.dma_semaphore, #tpu.memory_space<semaphore_mem>>)
      %dma_wait3A_199 = arith.constant 0 : i32
      %dma_wait3A_200 = tpu.memref_slice %arg10[%add3A_22, %dma_wait3A_199] : memref<10240x64xf32, #tpu.memory_space<vmem_shared>> -> memref<128x64xf32, #tpu.memory_space<vmem_shared>>
      %dma_wait3A_201 = arith.constant 0 : i32
      %dma_wait3A_202 = tpu.memref_slice %arg10[%add3A_22, %dma_wait3A_201] : memref<10240x64xf32, #tpu.memory_space<vmem_shared>> -> memref<128x64xf32, #tpu.memory_space<vmem_shared>>
      tpu.wait_dma2 semaphore(%run_scoped3A : memref<!tpu.dma_semaphore, #tpu.memory_space<semaphore_mem>>) src(%arg12 : memref<128x64xf32, #tpu.memory_space<vmem>>) dst(%dma_wait3A_202 : memref<128x64xf32, #tpu.memory_space<vmem_shared>>)
      tpu.yield
    }) : () -> ()
    %add3A_23 = arith.constant 512 : i32
    %add3A_24 = arith.addi %mul3A_0, %add3A_23 : i32
    "tpu.region"() ({
      %run_scoped3A = tpu.sem_alloc : memref<!tpu.dma_semaphore, #tpu.memory_space<semaphore_mem>>
      %dma_start3A_195 = arith.constant 0 : i32
      %dma_start3A_196 = tpu.memref_slice %arg10[%add3A_24, %dma_start3A_195] : memref<10240x64xf32, #tpu.memory_space<vmem_shared>> -> memref<128x64xf32, #tpu.memory_space<vmem_shared>>
      %dma_start3A_197 = arith.constant 0 : i32
      %dma_start3A_198 = tpu.memref_slice %arg10[%add3A_24, %dma_start3A_197] : memref<10240x64xf32, #tpu.memory_space<vmem_shared>> -> memref<128x64xf32, #tpu.memory_space<vmem_shared>>
      tpu.enqueue_dma source(%arg12 : memref<128x64xf32, #tpu.memory_space<vmem>>) target(%dma_start3A_198 : memref<128x64xf32, #tpu.memory_space<vmem_shared>>) target_semaphore(%run_scoped3A : memref<!tpu.dma_semaphore, #tpu.memory_space<semaphore_mem>>)
      %dma_wait3A_199 = arith.constant 0 : i32
      %dma_wait3A_200 = tpu.memref_slice %arg10[%add3A_24, %dma_wait3A_199] : memref<10240x64xf32, #tpu.memory_space<vmem_shared>> -> memref<128x64xf32, #tpu.memory_space<vmem_shared>>
      %dma_wait3A_201 = arith.constant 0 : i32
      %dma_wait3A_202 = tpu.memref_slice %arg10[%add3A_24, %dma_wait3A_201] : memref<10240x64xf32, #tpu.memory_space<vmem_shared>> -> memref<128x64xf32, #tpu.memory_space<vmem_shared>>
      tpu.wait_dma2 semaphore(%run_scoped3A : memref<!tpu.dma_semaphore, #tpu.memory_space<semaphore_mem>>) src(%arg12 : memref<128x64xf32, #tpu.memory_space<vmem>>) dst(%dma_wait3A_202 : memref<128x64xf32, #tpu.memory_space<vmem_shared>>)
      tpu.yield
    }) : () -> ()
    %barrier3A = arith.constant 0 : index
    tpu.barrier barrier_id(%barrier3A)
    %add3A_25 = arith.constant 0 : i32
    %add3A_26 = arith.addi %mul3A_9, %add3A_25 : i32
    %dma_start3A = arith.constant 0 : i32
    %dma_start3A_27 = arith.constant 0 : i32
    %dma_start3A_28 = arith.constant 0 : i32
    %dma_start3A_29 = tpu.memref_slice %arg7[%dma_start3A, %dma_start3A_27, %dma_start3A_28] : memref<4x4x128xi32, #tpu.memory_space<vmem>> -> memref<1x4x128xi32, #tpu.memory_space<vmem>>
    %dma_start3A_30 = tpu.memref_squeeze %dma_start3A_29 : memref<1x4x128xi32, #tpu.memory_space<vmem>> -> memref<4x128xi32, #tpu.memory_space<vmem>>
    %dma_start3A_31 = arith.constant 0 : i32
    %dma_start3A_32 = tpu.memref_slice %arg4[%add3A_26, %dma_start3A_31] : memref<2560x128xi32, #tpu.memory_space<hbm>> -> memref<4x128xi32, #tpu.memory_space<hbm>>
    %dma_start3A_33 = arith.constant 0 : i32
    %dma_start3A_34 = arith.constant 0 : i32
    %dma_start3A_35 = tpu.memref_slice %arg7[%dma_start3A, %dma_start3A_33, %dma_start3A_34] : memref<4x4x128xi32, #tpu.memory_space<vmem>> -> memref<1x4x128xi32, #tpu.memory_space<vmem>>
    %dma_start3A_36 = tpu.memref_squeeze %dma_start3A_35 : memref<1x4x128xi32, #tpu.memory_space<vmem>> -> memref<4x128xi32, #tpu.memory_space<vmem>>
    %dma_start3A_37 = arith.constant 0 : i32
    %dma_start3A_38 = tpu.memref_slice %arg4[%add3A_26, %dma_start3A_37] : memref<2560x128xi32, #tpu.memory_space<hbm>> -> memref<4x128xi32, #tpu.memory_space<hbm>>
    tpu.enqueue_dma source(%dma_start3A_38 : memref<4x128xi32, #tpu.memory_space<hbm>>) target(%dma_start3A_36 : memref<4x128xi32, #tpu.memory_space<vmem>>) target_semaphore(%arg11 : memref<!tpu.dma_semaphore, #tpu.memory_space<semaphore_mem>>)
    %add3A_39 = arith.constant 0 : i32
    %add3A_40 = arith.addi %mul3A_9, %add3A_39 : i32
    %dma_start3A_41 = arith.constant 0 : i32
    %dma_start3A_42 = arith.constant 0 : i32
    %dma_start3A_43 = arith.constant 0 : i32
    %dma_start3A_44 = tpu.memref_slice %arg8[%dma_start3A_41, %dma_start3A_42, %dma_start3A_43] : memref<4x4x128xi32, #tpu.memory_space<vmem>> -> memref<1x4x128xi32, #tpu.memory_space<vmem>>
    %dma_start3A_45 = tpu.memref_squeeze %dma_start3A_44 : memref<1x4x128xi32, #tpu.memory_space<vmem>> -> memref<4x128xi32, #tpu.memory_space<vmem>>
    %dma_start3A_46 = arith.constant 0 : i32
    %dma_start3A_47 = tpu.memref_slice %arg5[%add3A_40, %dma_start3A_46] : memref<2560x128xi32, #tpu.memory_space<hbm>> -> memref<4x128xi32, #tpu.memory_space<hbm>>
    %dma_start3A_48 = arith.constant 0 : i32
    %dma_start3A_49 = arith.constant 0 : i32
    %dma_start3A_50 = tpu.memref_slice %arg8[%dma_start3A_41, %dma_start3A_48, %dma_start3A_49] : memref<4x4x128xi32, #tpu.memory_space<vmem>> -> memref<1x4x128xi32, #tpu.memory_space<vmem>>
    %dma_start3A_51 = tpu.memref_squeeze %dma_start3A_50 : memref<1x4x128xi32, #tpu.memory_space<vmem>> -> memref<4x128xi32, #tpu.memory_space<vmem>>
    %dma_start3A_52 = arith.constant 0 : i32
    %dma_start3A_53 = tpu.memref_slice %arg5[%add3A_40, %dma_start3A_52] : memref<2560x128xi32, #tpu.memory_space<hbm>> -> memref<4x128xi32, #tpu.memory_space<hbm>>
    tpu.enqueue_dma source(%dma_start3A_53 : memref<4x128xi32, #tpu.memory_space<hbm>>) target(%dma_start3A_51 : memref<4x128xi32, #tpu.memory_space<vmem>>) target_semaphore(%arg11 : memref<!tpu.dma_semaphore, #tpu.memory_space<semaphore_mem>>)
    %add3A_54 = arith.constant 0 : i32
    %add3A_55 = arith.addi %mul3A_9, %add3A_54 : i32
    %dma_wait3A = arith.constant 0 : i32
    %dma_wait3A_56 = arith.constant 0 : i32
    %dma_wait3A_57 = arith.constant 0 : i32
    %dma_wait3A_58 = tpu.memref_slice %arg7[%dma_wait3A, %dma_wait3A_56, %dma_wait3A_57] : memref<4x4x128xi32, #tpu.memory_space<vmem>> -> memref<1x4x128xi32, #tpu.memory_space<vmem>>
    %dma_wait3A_59 = tpu.memref_squeeze %dma_wait3A_58 : memref<1x4x128xi32, #tpu.memory_space<vmem>> -> memref<4x128xi32, #tpu.memory_space<vmem>>
    %dma_wait3A_60 = arith.constant 0 : i32
    %dma_wait3A_61 = tpu.memref_slice %arg4[%add3A_55, %dma_wait3A_60] : memref<2560x128xi32, #tpu.memory_space<hbm>> -> memref<4x128xi32, #tpu.memory_space<hbm>>
    %dma_wait3A_62 = arith.constant 0 : i32
    %dma_wait3A_63 = arith.constant 0 : i32
    %dma_wait3A_64 = tpu.memref_slice %arg7[%dma_wait3A, %dma_wait3A_62, %dma_wait3A_63] : memref<4x4x128xi32, #tpu.memory_space<vmem>> -> memref<1x4x128xi32, #tpu.memory_space<vmem>>
    %dma_wait3A_65 = tpu.memref_squeeze %dma_wait3A_64 : memref<1x4x128xi32, #tpu.memory_space<vmem>> -> memref<4x128xi32, #tpu.memory_space<vmem>>
    %dma_wait3A_66 = arith.constant 0 : i32
    %dma_wait3A_67 = tpu.memref_slice %arg4[%add3A_55, %dma_wait3A_66] : memref<2560x128xi32, #tpu.memory_space<hbm>> -> memref<4x128xi32, #tpu.memory_space<hbm>>
    tpu.wait_dma2 semaphore(%arg11 : memref<!tpu.dma_semaphore, #tpu.memory_space<semaphore_mem>>) src(%dma_wait3A_67 : memref<4x128xi32, #tpu.memory_space<hbm>>) dst(%dma_wait3A_65 : memref<4x128xi32, #tpu.memory_space<vmem>>)
    %add3A_68 = arith.constant 0 : i32
    %add3A_69 = arith.addi %mul3A_9, %add3A_68 : i32
    %dma_wait3A_70 = arith.constant 0 : i32
    %dma_wait3A_71 = arith.constant 0 : i32
    %dma_wait3A_72 = arith.constant 0 : i32
    %dma_wait3A_73 = tpu.memref_slice %arg8[%dma_wait3A_70, %dma_wait3A_71, %dma_wait3A_72] : memref<4x4x128xi32, #tpu.memory_space<vmem>> -> memref<1x4x128xi32, #tpu.memory_space<vmem>>
    %dma_wait3A_74 = tpu.memref_squeeze %dma_wait3A_73 : memref<1x4x128xi32, #tpu.memory_space<vmem>> -> memref<4x128xi32, #tpu.memory_space<vmem>>
    %dma_wait3A_75 = arith.constant 0 : i32
    %dma_wait3A_76 = tpu.memref_slice %arg5[%add3A_69, %dma_wait3A_75] : memref<2560x128xi32, #tpu.memory_space<hbm>> -> memref<4x128xi32, #tpu.memory_space<hbm>>
    %dma_wait3A_77 = arith.constant 0 : i32
    %dma_wait3A_78 = arith.constant 0 : i32
    %dma_wait3A_79 = tpu.memref_slice %arg8[%dma_wait3A_70, %dma_wait3A_77, %dma_wait3A_78] : memref<4x4x128xi32, #tpu.memory_space<vmem>> -> memref<1x4x128xi32, #tpu.memory_space<vmem>>
    %dma_wait3A_80 = tpu.memref_squeeze %dma_wait3A_79 : memref<1x4x128xi32, #tpu.memory_space<vmem>> -> memref<4x128xi32, #tpu.memory_space<vmem>>
    %dma_wait3A_81 = arith.constant 0 : i32
    %dma_wait3A_82 = tpu.memref_slice %arg5[%add3A_69, %dma_wait3A_81] : memref<2560x128xi32, #tpu.memory_space<hbm>> -> memref<4x128xi32, #tpu.memory_space<hbm>>
    tpu.wait_dma2 semaphore(%arg11 : memref<!tpu.dma_semaphore, #tpu.memory_space<semaphore_mem>>) src(%dma_wait3A_82 : memref<4x128xi32, #tpu.memory_space<hbm>>) dst(%dma_wait3A_80 : memref<4x128xi32, #tpu.memory_space<vmem>>)
    %add3A_83 = arith.constant 4 : i32
    %add3A_84 = arith.addi %mul3A_9, %add3A_83 : i32
    %dma_start3A_85 = arith.constant 1 : i32
    %dma_start3A_86 = arith.constant 0 : i32
    %dma_start3A_87 = arith.constant 0 : i32
    %dma_start3A_88 = tpu.memref_slice %arg7[%dma_start3A_85, %dma_start3A_86, %dma_start3A_87] : memref<4x4x128xi32, #tpu.memory_space<vmem>> -> memref<1x4x128xi32, #tpu.memory_space<vmem>>
    %dma_start3A_89 = tpu.memref_squeeze %dma_start3A_88 : memref<1x4x128xi32, #tpu.memory_space<vmem>> -> memref<4x128xi32, #tpu.memory_space<vmem>>
    %dma_start3A_90 = arith.constant 0 : i32
    %dma_start3A_91 = tpu.memref_slice %arg4[%add3A_84, %dma_start3A_90] : memref<2560x128xi32, #tpu.memory_space<hbm>> -> memref<4x128xi32, #tpu.memory_space<hbm>>
    %dma_start3A_92 = arith.constant 0 : i32
    %dma_start3A_93 = arith.constant 0 : i32
    %dma_start3A_94 = tpu.memref_slice %arg7[%dma_start3A_85, %dma_start3A_92, %dma_start3A_93] : memref<4x4x128xi32, #tpu.memory_space<vmem>> -> memref<1x4x128xi32, #tpu.memory_space<vmem>>
    %dma_start3A_95 = tpu.memref_squeeze %dma_start3A_94 : memref<1x4x128xi32, #tpu.memory_space<vmem>> -> memref<4x128xi32, #tpu.memory_space<vmem>>
    %dma_start3A_96 = arith.constant 0 : i32
    %dma_start3A_97 = tpu.memref_slice %arg4[%add3A_84, %dma_start3A_96] : memref<2560x128xi32, #tpu.memory_space<hbm>> -> memref<4x128xi32, #tpu.memory_space<hbm>>
    tpu.enqueue_dma source(%dma_start3A_97 : memref<4x128xi32, #tpu.memory_space<hbm>>) target(%dma_start3A_95 : memref<4x128xi32, #tpu.memory_space<vmem>>) target_semaphore(%arg11 : memref<!tpu.dma_semaphore, #tpu.memory_space<semaphore_mem>>)
    %add3A_98 = arith.constant 4 : i32
    %add3A_99 = arith.addi %mul3A_9, %add3A_98 : i32
    %dma_start3A_100 = arith.constant 1 : i32
    %dma_start3A_101 = arith.constant 0 : i32
    %dma_start3A_102 = arith.constant 0 : i32
    %dma_start3A_103 = tpu.memref_slice %arg8[%dma_start3A_100, %dma_start3A_101, %dma_start3A_102] : memref<4x4x128xi32, #tpu.memory_space<vmem>> -> memref<1x4x128xi32, #tpu.memory_space<vmem>>
    %dma_start3A_104 = tpu.memref_squeeze %dma_start3A_103 : memref<1x4x128xi32, #tpu.memory_space<vmem>> -> memref<4x128xi32, #tpu.memory_space<vmem>>
    %dma_start3A_105 = arith.constant 0 : i32
    %dma_start3A_106 = tpu.memref_slice %arg5[%add3A_99, %dma_start3A_105] : memref<2560x128xi32, #tpu.memory_space<hbm>> -> memref<4x128xi32, #tpu.memory_space<hbm>>
    %dma_start3A_107 = arith.constant 0 : i32
    %dma_start3A_108 = arith.constant 0 : i32
    %dma_start3A_109 = tpu.memref_slice %arg8[%dma_start3A_100, %dma_start3A_107, %dma_start3A_108] : memref<4x4x128xi32, #tpu.memory_space<vmem>> -> memref<1x4x128xi32, #tpu.memory_space<vmem>>
    %dma_start3A_110 = tpu.memref_squeeze %dma_start3A_109 : memref<1x4x128xi32, #tpu.memory_space<vmem>> -> memref<4x128xi32, #tpu.memory_space<vmem>>
    %dma_start3A_111 = arith.constant 0 : i32
    %dma_start3A_112 = tpu.memref_slice %arg5[%add3A_99, %dma_start3A_111] : memref<2560x128xi32, #tpu.memory_space<hbm>> -> memref<4x128xi32, #tpu.memory_space<hbm>>
    tpu.enqueue_dma source(%dma_start3A_112 : memref<4x128xi32, #tpu.memory_space<hbm>>) target(%dma_start3A_110 : memref<4x128xi32, #tpu.memory_space<vmem>>) target_semaphore(%arg11 : memref<!tpu.dma_semaphore, #tpu.memory_space<semaphore_mem>>)
    %dma_start3A_113 = arith.constant 0 : i32
    %dma_start3A_114 = arith.constant 0 : i32
    %dma_start3A_115 = arith.constant 0 : i32
    %dma_start3A_116 = tpu.memref_slice %arg7[%dma_start3A_113, %dma_start3A_114, %dma_start3A_115] : memref<4x4x128xi32, #tpu.memory_space<vmem>> -> memref<1x1x128xi32, #tpu.memory_space<vmem>>
    %dma_start3A_117 = tpu.memref_squeeze %dma_start3A_116 : memref<1x1x128xi32, #tpu.memory_space<vmem>> -> memref<128xi32, #tpu.memory_space<vmem>>
    %dma_start3A_118 = arith.constant 0 : i32
    %dma_start3A_119 = arith.constant 0 : i32
    %dma_start3A_120 = tpu.memref_slice %arg9[%dma_start3A_118, %dma_start3A_119] : memref<10240x64xf32, #tpu.memory_space<vmem_shared>> -> memref<10240x64xf32, #tpu.memory_space<vmem_shared>>
    tpu.enqueue_indirect_dma source(%dma_start3A_120 : memref<10240x64xf32, #tpu.memory_space<vmem_shared>>) target(%arg12 : memref<128x64xf32, #tpu.memory_space<vmem>>) offsets(%dma_start3A_117 : memref<128xi32, #tpu.memory_space<vmem>>) semaphore(%arg17 : memref<!tpu.dma_semaphore, #tpu.memory_space<semaphore_mem>>)
    %dma_start3A_121 = arith.constant 0 : i32
    %dma_start3A_122 = arith.constant 1 : i32
    %dma_start3A_123 = arith.constant 0 : i32
    %dma_start3A_124 = tpu.memref_slice %arg7[%dma_start3A_121, %dma_start3A_122, %dma_start3A_123] : memref<4x4x128xi32, #tpu.memory_space<vmem>> -> memref<1x1x128xi32, #tpu.memory_space<vmem>>
    %dma_start3A_125 = tpu.memref_squeeze %dma_start3A_124 : memref<1x1x128xi32, #tpu.memory_space<vmem>> -> memref<128xi32, #tpu.memory_space<vmem>>
    %dma_start3A_126 = arith.constant 0 : i32
    %dma_start3A_127 = arith.constant 0 : i32
    %dma_start3A_128 = tpu.memref_slice %arg9[%dma_start3A_126, %dma_start3A_127] : memref<10240x64xf32, #tpu.memory_space<vmem_shared>> -> memref<10240x64xf32, #tpu.memory_space<vmem_shared>>
    tpu.enqueue_indirect_dma source(%dma_start3A_128 : memref<10240x64xf32, #tpu.memory_space<vmem_shared>>) target(%arg13 : memref<128x64xf32, #tpu.memory_space<vmem>>) offsets(%dma_start3A_125 : memref<128xi32, #tpu.memory_space<vmem>>) semaphore(%arg18 : memref<!tpu.dma_semaphore, #tpu.memory_space<semaphore_mem>>)
    %dma_start3A_129 = arith.constant 0 : i32
    %dma_start3A_130 = arith.constant 2 : i32
    %dma_start3A_131 = arith.constant 0 : i32
    %dma_start3A_132 = tpu.memref_slice %arg7[%dma_start3A_129, %dma_start3A_130, %dma_start3A_131] : memref<4x4x128xi32, #tpu.memory_space<vmem>> -> memref<1x1x128xi32, #tpu.memory_space<vmem>>
    %dma_start3A_133 = tpu.memref_squeeze %dma_start3A_132 : memref<1x1x128xi32, #tpu.memory_space<vmem>> -> memref<128xi32, #tpu.memory_space<vmem>>
    %dma_start3A_134 = arith.constant 0 : i32
    %dma_start3A_135 = arith.constant 0 : i32
    %dma_start3A_136 = tpu.memref_slice %arg9[%dma_start3A_134, %dma_start3A_135] : memref<10240x64xf32, #tpu.memory_space<vmem_shared>> -> memref<10240x64xf32, #tpu.memory_space<vmem_shared>>
    tpu.enqueue_indirect_dma source(%dma_start3A_136 : memref<10240x64xf32, #tpu.memory_space<vmem_shared>>) target(%arg14 : memref<128x64xf32, #tpu.memory_space<vmem>>) offsets(%dma_start3A_133 : memref<128xi32, #tpu.memory_space<vmem>>) semaphore(%arg19 : memref<!tpu.dma_semaphore, #tpu.memory_space<semaphore_mem>>)
    %scan3A_137 = arith.constant 0 : i32
    %scan3A_138 = arith.constant 0 : i32
    %scan3A_139 = arith.constant 32 : i32
    %scan3A_140 = arith.addi %scan3A_138, %scan3A_139 : i32
    %scan3A_141 = arith.constant 1 : i32
    %scan3A_142 = scf.for %scan3A_195 = %scan3A_138 to %scan3A_140 step %scan3A_141 iter_args(%scan3A_196 = %scan3A_137) -> (i32)  : i32 {
      %mul3A_197 = arith.constant 5 : i32
      %mul3A_198 = arith.muli %scan3A_195, %mul3A_197 : i32
      %add3A_199 = arith.constant 0 : i32
      %add3A_200 = arith.addi %mul3A_198, %add3A_199 : i32
      %rem3A = arith.constant 4 : i32
      %rem3A_201 = arith.remsi %add3A_200, %rem3A : i32
      %jit3A = arith.constant 4 : i32
      %div3A = arith.divsi %add3A_200, %jit3A : i32
      %sign3A = arith.constant 0 : i32
      %sign3A_202 = arith.cmpi sgt, %add3A_200, %sign3A : i32
      %sign3A_203 = arith.extui %sign3A_202 : i1 to i32
      %sign3A_204 = arith.constant 0 : i32
      %sign3A_205 = arith.cmpi slt, %add3A_200, %sign3A_204 : i32
      %sign3A_206 = arith.extui %sign3A_205 : i1 to i32
      %sign3A_207 = arith.subi %sign3A_203, %sign3A_206 : i32
      %sign3A_208 = arith.constant 0 : i32
      %sign3A_209 = arith.cmpi sgt, %jit3A, %sign3A_208 : i32
      %sign3A_210 = arith.extui %sign3A_209 : i1 to i32
      %sign3A_211 = arith.constant 0 : i32
      %sign3A_212 = arith.cmpi slt, %jit3A, %sign3A_211 : i32
      %sign3A_213 = arith.extui %sign3A_212 : i1 to i32
      %sign3A_214 = arith.subi %sign3A_210, %sign3A_213 : i32
      %ne3A = arith.cmpi ne, %sign3A_207, %sign3A_214 : i32
      %rem3A_215 = arith.remsi %add3A_200, %jit3A : i32
      %ne3A_216 = arith.constant 0 : i32
      %ne3A_217 = arith.cmpi ne, %rem3A_215, %ne3A_216 : i32
      %and3A = arith.andi %ne3A, %ne3A_217 : i1
      %sub3A = arith.constant 1 : i32
      %sub3A_218 = arith.subi %div3A, %sub3A : i32
      %select_n3A = arith.select %and3A, %sub3A_218, %div3A : i32
      %eq3A_219 = arith.constant 0 : i32
      %eq3A_220 = arith.cmpi eq, %rem3A_201, %eq3A_219 : i32
      %add3A_221 = arith.constant 1 : i32
      %add3A_222 = arith.addi %select_n3A, %add3A_221 : i32
      %lt3A = arith.constant 40 : i32
      %lt3A_223 = arith.cmpi slt, %add3A_222, %lt3A : i32
      %and3A_224 = arith.andi %eq3A_220, %lt3A_223 : i1
      %convert_element_type3A_225 = arith.extui %and3A_224 : i1 to i32
      %cond3A_226 = arith.constant 0 : i32
      %cond3A_227 = arith.cmpi ne, %convert_element_type3A_225, %cond3A_226 : i32
      scf.if %cond3A_227 {
        %add3A_674 = arith.constant 1 : i32
        %add3A_675 = arith.addi %select_n3A, %add3A_674 : i32
        %add3A_676 = arith.constant 1 : i32
        %add3A_677 = arith.addi %select_n3A, %add3A_676 : i32
        %rem3A_678 = arith.constant 4 : i32
        %rem3A_679 = arith.remsi %add3A_677, %rem3A_678 : i32
        %mul3A_680 = arith.constant 4 : i32
        %mul3A_681 = arith.muli %add3A_675, %mul3A_680 : i32
        %add3A_682 = arith.addi %mul3A_9, %mul3A_681 : i32
        %dma_wait3A_683 = arith.constant 0 : i32
        %dma_wait3A_684 = arith.constant 0 : i32
        %dma_wait3A_685 = tpu.memref_slice %arg7[%rem3A_679, %dma_wait3A_683, %dma_wait3A_684] : memref<4x4x128xi32, #tpu.memory_space<vmem>> -> memref<1x4x128xi32, #tpu.memory_space<vmem>>
        %dma_wait3A_686 = tpu.memref_squeeze %dma_wait3A_685 : memref<1x4x128xi32, #tpu.memory_space<vmem>> -> memref<4x128xi32, #tpu.memory_space<vmem>>
        %dma_wait3A_687 = arith.constant 0 : i32
        %dma_wait3A_688 = tpu.memref_slice %arg4[%add3A_682, %dma_wait3A_687] : memref<2560x128xi32, #tpu.memory_space<hbm>> -> memref<4x128xi32, #tpu.memory_space<hbm>>
        %dma_wait3A_689 = arith.constant 0 : i32
        %dma_wait3A_690 = arith.constant 0 : i32
        %dma_wait3A_691 = tpu.memref_slice %arg7[%rem3A_679, %dma_wait3A_689, %dma_wait3A_690] : memref<4x4x128xi32, #tpu.memory_space<vmem>> -> memref<1x4x128xi32, #tpu.memory_space<vmem>>
        %dma_wait3A_692 = tpu.memref_squeeze %dma_wait3A_691 : memref<1x4x128xi32, #tpu.memory_space<vmem>> -> memref<4x128xi32, #tpu.memory_space<vmem>>
        %dma_wait3A_693 = arith.constant 0 : i32
        %dma_wait3A_694 = tpu.memref_slice %arg4[%add3A_682, %dma_wait3A_693] : memref<2560x128xi32, #tpu.memory_space<hbm>> -> memref<4x128xi32, #tpu.memory_space<hbm>>
        tpu.wait_dma2 semaphore(%arg11 : memref<!tpu.dma_semaphore, #tpu.memory_space<semaphore_mem>>) src(%dma_wait3A_694 : memref<4x128xi32, #tpu.memory_space<hbm>>) dst(%dma_wait3A_692 : memref<4x128xi32, #tpu.memory_space<vmem>>)
        %mul3A_695 = arith.constant 4 : i32
        %mul3A_696 = arith.muli %add3A_675, %mul3A_695 : i32
        %add3A_697 = arith.addi %mul3A_9, %mul3A_696 : i32
        %dma_wait3A_698 = arith.constant 0 : i32
        %dma_wait3A_699 = arith.constant 0 : i32
        %dma_wait3A_700 = tpu.memref_slice %arg8[%rem3A_679, %dma_wait3A_698, %dma_wait3A_699] : memref<4x4x128xi32, #tpu.memory_space<vmem>> -> memref<1x4x128xi32, #tpu.memory_space<vmem>>
        %dma_wait3A_701 = tpu.memref_squeeze %dma_wait3A_700 : memref<1x4x128xi32, #tpu.memory_space<vmem>> -> memref<4x128xi32, #tpu.memory_space<vmem>>
        %dma_wait3A_702 = arith.constant 0 : i32
        %dma_wait3A_703 = tpu.memref_slice %arg5[%add3A_697, %dma_wait3A_702] : memref<2560x128xi32, #tpu.memory_space<hbm>> -> memref<4x128xi32, #tpu.memory_space<hbm>>
        %dma_wait3A_704 = arith.constant 0 : i32
        %dma_wait3A_705 = arith.constant 0 : i32
        %dma_wait3A_706 = tpu.memref_slice %arg8[%rem3A_679, %dma_wait3A_704, %dma_wait3A_705] : memref<4x4x128xi32, #tpu.memory_space<vmem>> -> memref<1x4x128xi32, #tpu.memory_space<vmem>>
        %dma_wait3A_707 = tpu.memref_squeeze %dma_wait3A_706 : memref<1x4x128xi32, #tpu.memory_space<vmem>> -> memref<4x128xi32, #tpu.memory_space<vmem>>
        %dma_wait3A_708 = arith.constant 0 : i32
        %dma_wait3A_709 = tpu.memref_slice %arg5[%add3A_697, %dma_wait3A_708] : memref<2560x128xi32, #tpu.memory_space<hbm>> -> memref<4x128xi32, #tpu.memory_space<hbm>>
        tpu.wait_dma2 semaphore(%arg11 : memref<!tpu.dma_semaphore, #tpu.memory_space<semaphore_mem>>) src(%dma_wait3A_709 : memref<4x128xi32, #tpu.memory_space<hbm>>) dst(%dma_wait3A_707 : memref<4x128xi32, #tpu.memory_space<vmem>>)
      } else {
      }
      %eq3A_228 = arith.constant 0 : i32
      %eq3A_229 = arith.cmpi eq, %rem3A_201, %eq3A_228 : i32
      %add3A_230 = arith.constant 2 : i32
      %add3A_231 = arith.addi %select_n3A, %add3A_230 : i32
      %lt3A_232 = arith.constant 40 : i32
      %lt3A_233 = arith.cmpi slt, %add3A_231, %lt3A_232 : i32
      %and3A_234 = arith.andi %eq3A_229, %lt3A_233 : i1
      %convert_element_type3A_235 = arith.extui %and3A_234 : i1 to i32
      %cond3A_236 = arith.constant 0 : i32
      %cond3A_237 = arith.cmpi ne, %convert_element_type3A_235, %cond3A_236 : i32
      scf.if %cond3A_237 {
        %add3A_674 = arith.constant 2 : i32
        %add3A_675 = arith.addi %select_n3A, %add3A_674 : i32
        %add3A_676 = arith.constant 2 : i32
        %add3A_677 = arith.addi %select_n3A, %add3A_676 : i32
        %rem3A_678 = arith.constant 4 : i32
        %rem3A_679 = arith.remsi %add3A_677, %rem3A_678 : i32
        %mul3A_680 = arith.constant 4 : i32
        %mul3A_681 = arith.muli %add3A_675, %mul3A_680 : i32
        %add3A_682 = arith.addi %mul3A_9, %mul3A_681 : i32
        %dma_start3A_683 = arith.constant 0 : i32
        %dma_start3A_684 = arith.constant 0 : i32
        %dma_start3A_685 = tpu.memref_slice %arg7[%rem3A_679, %dma_start3A_683, %dma_start3A_684] : memref<4x4x128xi32, #tpu.memory_space<vmem>> -> memref<1x4x128xi32, #tpu.memory_space<vmem>>
        %dma_start3A_686 = tpu.memref_squeeze %dma_start3A_685 : memref<1x4x128xi32, #tpu.memory_space<vmem>> -> memref<4x128xi32, #tpu.memory_space<vmem>>
        %dma_start3A_687 = arith.constant 0 : i32
        %dma_start3A_688 = tpu.memref_slice %arg4[%add3A_682, %dma_start3A_687] : memref<2560x128xi32, #tpu.memory_space<hbm>> -> memref<4x128xi32, #tpu.memory_space<hbm>>
        %dma_start3A_689 = arith.constant 0 : i32
        %dma_start3A_690 = arith.constant 0 : i32
        %dma_start3A_691 = tpu.memref_slice %arg7[%rem3A_679, %dma_start3A_689, %dma_start3A_690] : memref<4x4x128xi32, #tpu.memory_space<vmem>> -> memref<1x4x128xi32, #tpu.memory_space<vmem>>
        %dma_start3A_692 = tpu.memref_squeeze %dma_start3A_691 : memref<1x4x128xi32, #tpu.memory_space<vmem>> -> memref<4x128xi32, #tpu.memory_space<vmem>>
        %dma_start3A_693 = arith.constant 0 : i32
        %dma_start3A_694 = tpu.memref_slice %arg4[%add3A_682, %dma_start3A_693] : memref<2560x128xi32, #tpu.memory_space<hbm>> -> memref<4x128xi32, #tpu.memory_space<hbm>>
        tpu.enqueue_dma source(%dma_start3A_694 : memref<4x128xi32, #tpu.memory_space<hbm>>) target(%dma_start3A_692 : memref<4x128xi32, #tpu.memory_space<vmem>>) target_semaphore(%arg11 : memref<!tpu.dma_semaphore, #tpu.memory_space<semaphore_mem>>)
        %mul3A_695 = arith.constant 4 : i32
        %mul3A_696 = arith.muli %add3A_675, %mul3A_695 : i32
        %add3A_697 = arith.addi %mul3A_9, %mul3A_696 : i32
        %dma_start3A_698 = arith.constant 0 : i32
        %dma_start3A_699 = arith.constant 0 : i32
        %dma_start3A_700 = tpu.memref_slice %arg8[%rem3A_679, %dma_start3A_698, %dma_start3A_699] : memref<4x4x128xi32, #tpu.memory_space<vmem>> -> memref<1x4x128xi32, #tpu.memory_space<vmem>>
        %dma_start3A_701 = tpu.memref_squeeze %dma_start3A_700 : memref<1x4x128xi32, #tpu.memory_space<vmem>> -> memref<4x128xi32, #tpu.memory_space<vmem>>
        %dma_start3A_702 = arith.constant 0 : i32
        %dma_start3A_703 = tpu.memref_slice %arg5[%add3A_697, %dma_start3A_702] : memref<2560x128xi32, #tpu.memory_space<hbm>> -> memref<4x128xi32, #tpu.memory_space<hbm>>
        %dma_start3A_704 = arith.constant 0 : i32
        %dma_start3A_705 = arith.constant 0 : i32
        %dma_start3A_706 = tpu.memref_slice %arg8[%rem3A_679, %dma_start3A_704, %dma_start3A_705] : memref<4x4x128xi32, #tpu.memory_space<vmem>> -> memref<1x4x128xi32, #tpu.memory_space<vmem>>
        %dma_start3A_707 = tpu.memref_squeeze %dma_start3A_706 : memref<1x4x128xi32, #tpu.memory_space<vmem>> -> memref<4x128xi32, #tpu.memory_space<vmem>>
        %dma_start3A_708 = arith.constant 0 : i32
        %dma_start3A_709 = tpu.memref_slice %arg5[%add3A_697, %dma_start3A_708] : memref<2560x128xi32, #tpu.memory_space<hbm>> -> memref<4x128xi32, #tpu.memory_space<hbm>>
        tpu.enqueue_dma source(%dma_start3A_709 : memref<4x128xi32, #tpu.memory_space<hbm>>) target(%dma_start3A_707 : memref<4x128xi32, #tpu.memory_space<vmem>>) target_semaphore(%arg11 : memref<!tpu.dma_semaphore, #tpu.memory_space<semaphore_mem>>)
      } else {
      }
      %jit3A_238 = arith.constant 4 : i32
      %div3A_239 = arith.divsi %add3A_200, %jit3A_238 : i32
      %sign3A_240 = arith.constant 0 : i32
      %sign3A_241 = arith.cmpi sgt, %add3A_200, %sign3A_240 : i32
      %sign3A_242 = arith.extui %sign3A_241 : i1 to i32
      %sign3A_243 = arith.constant 0 : i32
      %sign3A_244 = arith.cmpi slt, %add3A_200, %sign3A_243 : i32
      %sign3A_245 = arith.extui %sign3A_244 : i1 to i32
      %sign3A_246 = arith.subi %sign3A_242, %sign3A_245 : i32
      %sign3A_247 = arith.constant 0 : i32
      %sign3A_248 = arith.cmpi sgt, %jit3A_238, %sign3A_247 : i32
      %sign3A_249 = arith.extui %sign3A_248 : i1 to i32
      %sign3A_250 = arith.constant 0 : i32
      %sign3A_251 = arith.cmpi slt, %jit3A_238, %sign3A_250 : i32
      %sign3A_252 = arith.extui %sign3A_251 : i1 to i32
      %sign3A_253 = arith.subi %sign3A_249, %sign3A_252 : i32
      %ne3A_254 = arith.cmpi ne, %sign3A_246, %sign3A_253 : i32
      %rem3A_255 = arith.remsi %add3A_200, %jit3A_238 : i32
      %ne3A_256 = arith.constant 0 : i32
      %ne3A_257 = arith.cmpi ne, %rem3A_255, %ne3A_256 : i32
      %and3A_258 = arith.andi %ne3A_254, %ne3A_257 : i1
      %sub3A_259 = arith.constant 1 : i32
      %sub3A_260 = arith.subi %div3A_239, %sub3A_259 : i32
      %select_n3A_261 = arith.select %and3A_258, %sub3A_260, %div3A_239 : i32
      %rem3A_262 = arith.constant 4 : i32
      %rem3A_263 = arith.remsi %select_n3A_261, %rem3A_262 : i32
      %rem3A_264 = arith.constant 4 : i32
      %rem3A_265 = arith.remsi %add3A_200, %rem3A_264 : i32
      %dma_wait3A_266 = arith.constant 0 : i32
      %dma_wait3A_267 = tpu.memref_slice %arg7[%rem3A_263, %rem3A_265, %dma_wait3A_266] : memref<4x4x128xi32, #tpu.memory_space<vmem>> -> memref<1x1x128xi32, #tpu.memory_space<vmem>>
      %dma_wait3A_268 = tpu.memref_squeeze %dma_wait3A_267 : memref<1x1x128xi32, #tpu.memory_space<vmem>> -> memref<128xi32, #tpu.memory_space<vmem>>
      %dma_wait3A_269 = arith.constant 0 : i32
      %dma_wait3A_270 = arith.constant 0 : i32
      %dma_wait3A_271 = tpu.memref_slice %arg9[%dma_wait3A_269, %dma_wait3A_270] : memref<10240x64xf32, #tpu.memory_space<vmem_shared>> -> memref<10240x64xf32, #tpu.memory_space<vmem_shared>>
      tpu.wait_indirect_dma semaphore(%arg17 : memref<!tpu.dma_semaphore, #tpu.memory_space<semaphore_mem>>) src(%dma_wait3A_271 : memref<10240x64xf32, #tpu.memory_space<vmem_shared>>) dst(%arg12 : memref<128x64xf32, #tpu.memory_space<vmem>>)
      %dma_start3A_272 = arith.constant 0 : i32
      %dma_start3A_273 = tpu.memref_slice %arg8[%rem3A_263, %rem3A_265, %dma_start3A_272] : memref<4x4x128xi32, #tpu.memory_space<vmem>> -> memref<1x1x128xi32, #tpu.memory_space<vmem>>
      %dma_start3A_274 = tpu.memref_squeeze %dma_start3A_273 : memref<1x1x128xi32, #tpu.memory_space<vmem>> -> memref<128xi32, #tpu.memory_space<vmem>>
      %dma_start3A_275 = arith.constant 0 : i32
      %dma_start3A_276 = arith.constant 0 : i32
      %dma_start3A_277 = tpu.memref_slice %arg10[%dma_start3A_275, %dma_start3A_276] : memref<10240x64xf32, #tpu.memory_space<vmem_shared>> -> memref<10240x64xf32, #tpu.memory_space<vmem_shared>>
      tpu.enqueue_indirect_dma source(%arg12 : memref<128x64xf32, #tpu.memory_space<vmem>>) target(%dma_start3A_277 : memref<10240x64xf32, #tpu.memory_space<vmem_shared>>) offsets(%dma_start3A_274 : memref<128xi32, #tpu.memory_space<vmem>>) semaphore(%arg22 : memref<!tpu.dma_semaphore, #tpu.memory_space<semaphore_mem>>) {add = true}
      %add3A_278 = arith.constant 3 : i32
      %add3A_279 = arith.addi %add3A_200, %add3A_278 : i32
      %lt3A_280 = arith.constant 160 : i32
      %lt3A_281 = arith.cmpi slt, %add3A_279, %lt3A_280 : i32
      %convert_element_type3A_282 = arith.extui %lt3A_281 : i1 to i32
      %cond3A_283 = arith.constant 0 : i32
      %cond3A_284 = arith.cmpi ne, %convert_element_type3A_282, %cond3A_283 : i32
      scf.if %cond3A_284 {
        %ge3A = arith.constant 2 : i32
        %ge3A_674 = arith.cmpi sge, %add3A_200, %ge3A : i32
        %convert_element_type3A_675 = arith.extui %ge3A_674 : i1 to i32
        %cond3A_676 = arith.constant 0 : i32
        %cond3A_677 = arith.cmpi ne, %convert_element_type3A_675, %cond3A_676 : i32
        scf.if %cond3A_677 {
          %dma_wait3A_712 = arith.constant 0 : i32
          %dma_wait3A_713 = arith.constant 0 : i32
          %dma_wait3A_714 = arith.constant 0 : i32
          %dma_wait3A_715 = tpu.memref_slice %arg8[%dma_wait3A_712, %dma_wait3A_713, %dma_wait3A_714] : memref<4x4x128xi32, #tpu.memory_space<vmem>> -> memref<1x1x128xi32, #tpu.memory_space<vmem>>
          %dma_wait3A_716 = tpu.memref_squeeze %dma_wait3A_715 : memref<1x1x128xi32, #tpu.memory_space<vmem>> -> memref<128xi32, #tpu.memory_space<vmem>>
          %dma_wait3A_717 = arith.constant 0 : i32
          %dma_wait3A_718 = arith.constant 0 : i32
          %dma_wait3A_719 = tpu.memref_slice %arg10[%dma_wait3A_717, %dma_wait3A_718] : memref<10240x64xf32, #tpu.memory_space<vmem_shared>> -> memref<10240x64xf32, #tpu.memory_space<vmem_shared>>
          tpu.wait_indirect_dma semaphore(%arg25 : memref<!tpu.dma_semaphore, #tpu.memory_space<semaphore_mem>>) src(%arg15 : memref<128x64xf32, #tpu.memory_space<vmem>>) dst(%dma_wait3A_719 : memref<10240x64xf32, #tpu.memory_space<vmem_shared>>)
        } else {
        }
        %jit3A_678 = arith.constant 4 : i32
        %div3A_679 = arith.divsi %add3A_279, %jit3A_678 : i32
        %sign3A_680 = arith.constant 0 : i32
        %sign3A_681 = arith.cmpi sgt, %add3A_279, %sign3A_680 : i32
        %sign3A_682 = arith.extui %sign3A_681 : i1 to i32
        %sign3A_683 = arith.constant 0 : i32
        %sign3A_684 = arith.cmpi slt, %add3A_279, %sign3A_683 : i32
        %sign3A_685 = arith.extui %sign3A_684 : i1 to i32
        %sign3A_686 = arith.subi %sign3A_682, %sign3A_685 : i32
        %sign3A_687 = arith.constant 0 : i32
        %sign3A_688 = arith.cmpi sgt, %jit3A_678, %sign3A_687 : i32
        %sign3A_689 = arith.extui %sign3A_688 : i1 to i32
        %sign3A_690 = arith.constant 0 : i32
        %sign3A_691 = arith.cmpi slt, %jit3A_678, %sign3A_690 : i32
        %sign3A_692 = arith.extui %sign3A_691 : i1 to i32
        %sign3A_693 = arith.subi %sign3A_689, %sign3A_692 : i32
        %ne3A_694 = arith.cmpi ne, %sign3A_686, %sign3A_693 : i32
        %rem3A_695 = arith.remsi %add3A_279, %jit3A_678 : i32
        %ne3A_696 = arith.constant 0 : i32
        %ne3A_697 = arith.cmpi ne, %rem3A_695, %ne3A_696 : i32
        %and3A_698 = arith.andi %ne3A_694, %ne3A_697 : i1
        %sub3A_699 = arith.constant 1 : i32
        %sub3A_700 = arith.subi %div3A_679, %sub3A_699 : i32
        %select_n3A_701 = arith.select %and3A_698, %sub3A_700, %div3A_679 : i32
        %rem3A_702 = arith.constant 4 : i32
        %rem3A_703 = arith.remsi %select_n3A_701, %rem3A_702 : i32
        %rem3A_704 = arith.constant 4 : i32
        %rem3A_705 = arith.remsi %add3A_279, %rem3A_704 : i32
        %dma_start3A_706 = arith.constant 0 : i32
        %dma_start3A_707 = tpu.memref_slice %arg7[%rem3A_703, %rem3A_705, %dma_start3A_706] : memref<4x4x128xi32, #tpu.memory_space<vmem>> -> memref<1x1x128xi32, #tpu.memory_space<vmem>>
        %dma_start3A_708 = tpu.memref_squeeze %dma_start3A_707 : memref<1x1x128xi32, #tpu.memory_space<vmem>> -> memref<128xi32, #tpu.memory_space<vmem>>
        %dma_start3A_709 = arith.constant 0 : i32
        %dma_start3A_710 = arith.constant 0 : i32
        %dma_start3A_711 = tpu.memref_slice %arg9[%dma_start3A_709, %dma_start3A_710] : memref<10240x64xf32, #tpu.memory_space<vmem_shared>> -> memref<10240x64xf32, #tpu.memory_space<vmem_shared>>
        tpu.enqueue_indirect_dma source(%dma_start3A_711 : memref<10240x64xf32, #tpu.memory_space<vmem_shared>>) target(%arg15 : memref<128x64xf32, #tpu.memory_space<vmem>>) offsets(%dma_start3A_708 : memref<128xi32, #tpu.memory_space<vmem>>) semaphore(%arg20 : memref<!tpu.dma_semaphore, #tpu.memory_space<semaphore_mem>>)
      } else {
      }
      %mul3A_285 = arith.constant 5 : i32
      %mul3A_286 = arith.muli %scan3A_195, %mul3A_285 : i32
      %add3A_287 = arith.constant 1 : i32
      %add3A_288 = arith.addi %mul3A_286, %add3A_287 : i32
      %rem3A_289 = arith.constant 4 : i32
      %rem3A_290 = arith.remsi %add3A_288, %rem3A_289 : i32
      %jit3A_291 = arith.constant 4 : i32
      %div3A_292 = arith.divsi %add3A_288, %jit3A_291 : i32
      %sign3A_293 = arith.constant 0 : i32
      %sign3A_294 = arith.cmpi sgt, %add3A_288, %sign3A_293 : i32
      %sign3A_295 = arith.extui %sign3A_294 : i1 to i32
      %sign3A_296 = arith.constant 0 : i32
      %sign3A_297 = arith.cmpi slt, %add3A_288, %sign3A_296 : i32
      %sign3A_298 = arith.extui %sign3A_297 : i1 to i32
      %sign3A_299 = arith.subi %sign3A_295, %sign3A_298 : i32
      %sign3A_300 = arith.constant 0 : i32
      %sign3A_301 = arith.cmpi sgt, %jit3A_291, %sign3A_300 : i32
      %sign3A_302 = arith.extui %sign3A_301 : i1 to i32
      %sign3A_303 = arith.constant 0 : i32
      %sign3A_304 = arith.cmpi slt, %jit3A_291, %sign3A_303 : i32
      %sign3A_305 = arith.extui %sign3A_304 : i1 to i32
      %sign3A_306 = arith.subi %sign3A_302, %sign3A_305 : i32
      %ne3A_307 = arith.cmpi ne, %sign3A_299, %sign3A_306 : i32
      %rem3A_308 = arith.remsi %add3A_288, %jit3A_291 : i32
      %ne3A_309 = arith.constant 0 : i32
      %ne3A_310 = arith.cmpi ne, %rem3A_308, %ne3A_309 : i32
      %and3A_311 = arith.andi %ne3A_307, %ne3A_310 : i1
      %sub3A_312 = arith.constant 1 : i32
      %sub3A_313 = arith.subi %div3A_292, %sub3A_312 : i32
      %select_n3A_314 = arith.select %and3A_311, %sub3A_313, %div3A_292 : i32
      %eq3A_315 = arith.constant 0 : i32
      %eq3A_316 = arith.cmpi eq, %rem3A_290, %eq3A_315 : i32
      %add3A_317 = arith.constant 1 : i32
      %add3A_318 = arith.addi %select_n3A_314, %add3A_317 : i32
      %lt3A_319 = arith.constant 40 : i32
      %lt3A_320 = arith.cmpi slt, %add3A_318, %lt3A_319 : i32
      %and3A_321 = arith.andi %eq3A_316, %lt3A_320 : i1
      %convert_element_type3A_322 = arith.extui %and3A_321 : i1 to i32
      %cond3A_323 = arith.constant 0 : i32
      %cond3A_324 = arith.cmpi ne, %convert_element_type3A_322, %cond3A_323 : i32
      scf.if %cond3A_324 {
        %add3A_674 = arith.constant 1 : i32
        %add3A_675 = arith.addi %select_n3A_314, %add3A_674 : i32
        %add3A_676 = arith.constant 1 : i32
        %add3A_677 = arith.addi %select_n3A_314, %add3A_676 : i32
        %rem3A_678 = arith.constant 4 : i32
        %rem3A_679 = arith.remsi %add3A_677, %rem3A_678 : i32
        %mul3A_680 = arith.constant 4 : i32
        %mul3A_681 = arith.muli %add3A_675, %mul3A_680 : i32
        %add3A_682 = arith.addi %mul3A_9, %mul3A_681 : i32
        %dma_wait3A_683 = arith.constant 0 : i32
        %dma_wait3A_684 = arith.constant 0 : i32
        %dma_wait3A_685 = tpu.memref_slice %arg7[%rem3A_679, %dma_wait3A_683, %dma_wait3A_684] : memref<4x4x128xi32, #tpu.memory_space<vmem>> -> memref<1x4x128xi32, #tpu.memory_space<vmem>>
        %dma_wait3A_686 = tpu.memref_squeeze %dma_wait3A_685 : memref<1x4x128xi32, #tpu.memory_space<vmem>> -> memref<4x128xi32, #tpu.memory_space<vmem>>
        %dma_wait3A_687 = arith.constant 0 : i32
        %dma_wait3A_688 = tpu.memref_slice %arg4[%add3A_682, %dma_wait3A_687] : memref<2560x128xi32, #tpu.memory_space<hbm>> -> memref<4x128xi32, #tpu.memory_space<hbm>>
        %dma_wait3A_689 = arith.constant 0 : i32
        %dma_wait3A_690 = arith.constant 0 : i32
        %dma_wait3A_691 = tpu.memref_slice %arg7[%rem3A_679, %dma_wait3A_689, %dma_wait3A_690] : memref<4x4x128xi32, #tpu.memory_space<vmem>> -> memref<1x4x128xi32, #tpu.memory_space<vmem>>
        %dma_wait3A_692 = tpu.memref_squeeze %dma_wait3A_691 : memref<1x4x128xi32, #tpu.memory_space<vmem>> -> memref<4x128xi32, #tpu.memory_space<vmem>>
        %dma_wait3A_693 = arith.constant 0 : i32
        %dma_wait3A_694 = tpu.memref_slice %arg4[%add3A_682, %dma_wait3A_693] : memref<2560x128xi32, #tpu.memory_space<hbm>> -> memref<4x128xi32, #tpu.memory_space<hbm>>
        tpu.wait_dma2 semaphore(%arg11 : memref<!tpu.dma_semaphore, #tpu.memory_space<semaphore_mem>>) src(%dma_wait3A_694 : memref<4x128xi32, #tpu.memory_space<hbm>>) dst(%dma_wait3A_692 : memref<4x128xi32, #tpu.memory_space<vmem>>)
        %mul3A_695 = arith.constant 4 : i32
        %mul3A_696 = arith.muli %add3A_675, %mul3A_695 : i32
        %add3A_697 = arith.addi %mul3A_9, %mul3A_696 : i32
        %dma_wait3A_698 = arith.constant 0 : i32
        %dma_wait3A_699 = arith.constant 0 : i32
        %dma_wait3A_700 = tpu.memref_slice %arg8[%rem3A_679, %dma_wait3A_698, %dma_wait3A_699] : memref<4x4x128xi32, #tpu.memory_space<vmem>> -> memref<1x4x128xi32, #tpu.memory_space<vmem>>
        %dma_wait3A_701 = tpu.memref_squeeze %dma_wait3A_700 : memref<1x4x128xi32, #tpu.memory_space<vmem>> -> memref<4x128xi32, #tpu.memory_space<vmem>>
        %dma_wait3A_702 = arith.constant 0 : i32
        %dma_wait3A_703 = tpu.memref_slice %arg5[%add3A_697, %dma_wait3A_702] : memref<2560x128xi32, #tpu.memory_space<hbm>> -> memref<4x128xi32, #tpu.memory_space<hbm>>
        %dma_wait3A_704 = arith.constant 0 : i32
        %dma_wait3A_705 = arith.constant 0 : i32
        %dma_wait3A_706 = tpu.memref_slice %arg8[%rem3A_679, %dma_wait3A_704, %dma_wait3A_705] : memref<4x4x128xi32, #tpu.memory_space<vmem>> -> memref<1x4x128xi32, #tpu.memory_space<vmem>>
        %dma_wait3A_707 = tpu.memref_squeeze %dma_wait3A_706 : memref<1x4x128xi32, #tpu.memory_space<vmem>> -> memref<4x128xi32, #tpu.memory_space<vmem>>
        %dma_wait3A_708 = arith.constant 0 : i32
        %dma_wait3A_709 = tpu.memref_slice %arg5[%add3A_697, %dma_wait3A_708] : memref<2560x128xi32, #tpu.memory_space<hbm>> -> memref<4x128xi32, #tpu.memory_space<hbm>>
        tpu.wait_dma2 semaphore(%arg11 : memref<!tpu.dma_semaphore, #tpu.memory_space<semaphore_mem>>) src(%dma_wait3A_709 : memref<4x128xi32, #tpu.memory_space<hbm>>) dst(%dma_wait3A_707 : memref<4x128xi32, #tpu.memory_space<vmem>>)
      } else {
      }
      %eq3A_325 = arith.constant 0 : i32
      %eq3A_326 = arith.cmpi eq, %rem3A_290, %eq3A_325 : i32
      %add3A_327 = arith.constant 2 : i32
      %add3A_328 = arith.addi %select_n3A_314, %add3A_327 : i32
      %lt3A_329 = arith.constant 40 : i32
      %lt3A_330 = arith.cmpi slt, %add3A_328, %lt3A_329 : i32
      %and3A_331 = arith.andi %eq3A_326, %lt3A_330 : i1
      %convert_element_type3A_332 = arith.extui %and3A_331 : i1 to i32
      %cond3A_333 = arith.constant 0 : i32
      %cond3A_334 = arith.cmpi ne, %convert_element_type3A_332, %cond3A_333 : i32
      scf.if %cond3A_334 {
        %add3A_674 = arith.constant 2 : i32
        %add3A_675 = arith.addi %select_n3A_314, %add3A_674 : i32
        %add3A_676 = arith.constant 2 : i32
        %add3A_677 = arith.addi %select_n3A_314, %add3A_676 : i32
        %rem3A_678 = arith.constant 4 : i32
        %rem3A_679 = arith.remsi %add3A_677, %rem3A_678 : i32
        %mul3A_680 = arith.constant 4 : i32
        %mul3A_681 = arith.muli %add3A_675, %mul3A_680 : i32
        %add3A_682 = arith.addi %mul3A_9, %mul3A_681 : i32
        %dma_start3A_683 = arith.constant 0 : i32
        %dma_start3A_684 = arith.constant 0 : i32
        %dma_start3A_685 = tpu.memref_slice %arg7[%rem3A_679, %dma_start3A_683, %dma_start3A_684] : memref<4x4x128xi32, #tpu.memory_space<vmem>> -> memref<1x4x128xi32, #tpu.memory_space<vmem>>
        %dma_start3A_686 = tpu.memref_squeeze %dma_start3A_685 : memref<1x4x128xi32, #tpu.memory_space<vmem>> -> memref<4x128xi32, #tpu.memory_space<vmem>>
        %dma_start3A_687 = arith.constant 0 : i32
        %dma_start3A_688 = tpu.memref_slice %arg4[%add3A_682, %dma_start3A_687] : memref<2560x128xi32, #tpu.memory_space<hbm>> -> memref<4x128xi32, #tpu.memory_space<hbm>>
        %dma_start3A_689 = arith.constant 0 : i32
        %dma_start3A_690 = arith.constant 0 : i32
        %dma_start3A_691 = tpu.memref_slice %arg7[%rem3A_679, %dma_start3A_689, %dma_start3A_690] : memref<4x4x128xi32, #tpu.memory_space<vmem>> -> memref<1x4x128xi32, #tpu.memory_space<vmem>>
        %dma_start3A_692 = tpu.memref_squeeze %dma_start3A_691 : memref<1x4x128xi32, #tpu.memory_space<vmem>> -> memref<4x128xi32, #tpu.memory_space<vmem>>
        %dma_start3A_693 = arith.constant 0 : i32
        %dma_start3A_694 = tpu.memref_slice %arg4[%add3A_682, %dma_start3A_693] : memref<2560x128xi32, #tpu.memory_space<hbm>> -> memref<4x128xi32, #tpu.memory_space<hbm>>
        tpu.enqueue_dma source(%dma_start3A_694 : memref<4x128xi32, #tpu.memory_space<hbm>>) target(%dma_start3A_692 : memref<4x128xi32, #tpu.memory_space<vmem>>) target_semaphore(%arg11 : memref<!tpu.dma_semaphore, #tpu.memory_space<semaphore_mem>>)
        %mul3A_695 = arith.constant 4 : i32
        %mul3A_696 = arith.muli %add3A_675, %mul3A_695 : i32
        %add3A_697 = arith.addi %mul3A_9, %mul3A_696 : i32
        %dma_start3A_698 = arith.constant 0 : i32
        %dma_start3A_699 = arith.constant 0 : i32
        %dma_start3A_700 = tpu.memref_slice %arg8[%rem3A_679, %dma_start3A_698, %dma_start3A_699] : memref<4x4x128xi32, #tpu.memory_space<vmem>> -> memref<1x4x128xi32, #tpu.memory_space<vmem>>
        %dma_start3A_701 = tpu.memref_squeeze %dma_start3A_700 : memref<1x4x128xi32, #tpu.memory_space<vmem>> -> memref<4x128xi32, #tpu.memory_space<vmem>>
        %dma_start3A_702 = arith.constant 0 : i32
        %dma_start3A_703 = tpu.memref_slice %arg5[%add3A_697, %dma_start3A_702] : memref<2560x128xi32, #tpu.memory_space<hbm>> -> memref<4x128xi32, #tpu.memory_space<hbm>>
        %dma_start3A_704 = arith.constant 0 : i32
        %dma_start3A_705 = arith.constant 0 : i32
        %dma_start3A_706 = tpu.memref_slice %arg8[%rem3A_679, %dma_start3A_704, %dma_start3A_705] : memref<4x4x128xi32, #tpu.memory_space<vmem>> -> memref<1x4x128xi32, #tpu.memory_space<vmem>>
        %dma_start3A_707 = tpu.memref_squeeze %dma_start3A_706 : memref<1x4x128xi32, #tpu.memory_space<vmem>> -> memref<4x128xi32, #tpu.memory_space<vmem>>
        %dma_start3A_708 = arith.constant 0 : i32
        %dma_start3A_709 = tpu.memref_slice %arg5[%add3A_697, %dma_start3A_708] : memref<2560x128xi32, #tpu.memory_space<hbm>> -> memref<4x128xi32, #tpu.memory_space<hbm>>
        tpu.enqueue_dma source(%dma_start3A_709 : memref<4x128xi32, #tpu.memory_space<hbm>>) target(%dma_start3A_707 : memref<4x128xi32, #tpu.memory_space<vmem>>) target_semaphore(%arg11 : memref<!tpu.dma_semaphore, #tpu.memory_space<semaphore_mem>>)
      } else {
      }
      %jit3A_335 = arith.constant 4 : i32
      %div3A_336 = arith.divsi %add3A_288, %jit3A_335 : i32
      %sign3A_337 = arith.constant 0 : i32
      %sign3A_338 = arith.cmpi sgt, %add3A_288, %sign3A_337 : i32
      %sign3A_339 = arith.extui %sign3A_338 : i1 to i32
      %sign3A_340 = arith.constant 0 : i32
      %sign3A_341 = arith.cmpi slt, %add3A_288, %sign3A_340 : i32
      %sign3A_342 = arith.extui %sign3A_341 : i1 to i32
      %sign3A_343 = arith.subi %sign3A_339, %sign3A_342 : i32
      %sign3A_344 = arith.constant 0 : i32
      %sign3A_345 = arith.cmpi sgt, %jit3A_335, %sign3A_344 : i32
      %sign3A_346 = arith.extui %sign3A_345 : i1 to i32
      %sign3A_347 = arith.constant 0 : i32
      %sign3A_348 = arith.cmpi slt, %jit3A_335, %sign3A_347 : i32
      %sign3A_349 = arith.extui %sign3A_348 : i1 to i32
      %sign3A_350 = arith.subi %sign3A_346, %sign3A_349 : i32
      %ne3A_351 = arith.cmpi ne, %sign3A_343, %sign3A_350 : i32
      %rem3A_352 = arith.remsi %add3A_288, %jit3A_335 : i32
      %ne3A_353 = arith.constant 0 : i32
      %ne3A_354 = arith.cmpi ne, %rem3A_352, %ne3A_353 : i32
      %and3A_355 = arith.andi %ne3A_351, %ne3A_354 : i1
      %sub3A_356 = arith.constant 1 : i32
      %sub3A_357 = arith.subi %div3A_336, %sub3A_356 : i32
      %select_n3A_358 = arith.select %and3A_355, %sub3A_357, %div3A_336 : i32
      %rem3A_359 = arith.constant 4 : i32
      %rem3A_360 = arith.remsi %select_n3A_358, %rem3A_359 : i32
      %rem3A_361 = arith.constant 4 : i32
      %rem3A_362 = arith.remsi %add3A_288, %rem3A_361 : i32
      %dma_wait3A_363 = arith.constant 0 : i32
      %dma_wait3A_364 = tpu.memref_slice %arg7[%rem3A_360, %rem3A_362, %dma_wait3A_363] : memref<4x4x128xi32, #tpu.memory_space<vmem>> -> memref<1x1x128xi32, #tpu.memory_space<vmem>>
      %dma_wait3A_365 = tpu.memref_squeeze %dma_wait3A_364 : memref<1x1x128xi32, #tpu.memory_space<vmem>> -> memref<128xi32, #tpu.memory_space<vmem>>
      %dma_wait3A_366 = arith.constant 0 : i32
      %dma_wait3A_367 = arith.constant 0 : i32
      %dma_wait3A_368 = tpu.memref_slice %arg9[%dma_wait3A_366, %dma_wait3A_367] : memref<10240x64xf32, #tpu.memory_space<vmem_shared>> -> memref<10240x64xf32, #tpu.memory_space<vmem_shared>>
      tpu.wait_indirect_dma semaphore(%arg18 : memref<!tpu.dma_semaphore, #tpu.memory_space<semaphore_mem>>) src(%dma_wait3A_368 : memref<10240x64xf32, #tpu.memory_space<vmem_shared>>) dst(%arg13 : memref<128x64xf32, #tpu.memory_space<vmem>>)
      %dma_start3A_369 = arith.constant 0 : i32
      %dma_start3A_370 = tpu.memref_slice %arg8[%rem3A_360, %rem3A_362, %dma_start3A_369] : memref<4x4x128xi32, #tpu.memory_space<vmem>> -> memref<1x1x128xi32, #tpu.memory_space<vmem>>
      %dma_start3A_371 = tpu.memref_squeeze %dma_start3A_370 : memref<1x1x128xi32, #tpu.memory_space<vmem>> -> memref<128xi32, #tpu.memory_space<vmem>>
      %dma_start3A_372 = arith.constant 0 : i32
      %dma_start3A_373 = arith.constant 0 : i32
      %dma_start3A_374 = tpu.memref_slice %arg10[%dma_start3A_372, %dma_start3A_373] : memref<10240x64xf32, #tpu.memory_space<vmem_shared>> -> memref<10240x64xf32, #tpu.memory_space<vmem_shared>>
      tpu.enqueue_indirect_dma source(%arg13 : memref<128x64xf32, #tpu.memory_space<vmem>>) target(%dma_start3A_374 : memref<10240x64xf32, #tpu.memory_space<vmem_shared>>) offsets(%dma_start3A_371 : memref<128xi32, #tpu.memory_space<vmem>>) semaphore(%arg23 : memref<!tpu.dma_semaphore, #tpu.memory_space<semaphore_mem>>) {add = true}
      %add3A_375 = arith.constant 3 : i32
      %add3A_376 = arith.addi %add3A_288, %add3A_375 : i32
      %lt3A_377 = arith.constant 160 : i32
      %lt3A_378 = arith.cmpi slt, %add3A_376, %lt3A_377 : i32
      %convert_element_type3A_379 = arith.extui %lt3A_378 : i1 to i32
      %cond3A_380 = arith.constant 0 : i32
      %cond3A_381 = arith.cmpi ne, %convert_element_type3A_379, %cond3A_380 : i32
      scf.if %cond3A_381 {
        %ge3A = arith.constant 2 : i32
        %ge3A_674 = arith.cmpi sge, %add3A_288, %ge3A : i32
        %convert_element_type3A_675 = arith.extui %ge3A_674 : i1 to i32
        %cond3A_676 = arith.constant 0 : i32
        %cond3A_677 = arith.cmpi ne, %convert_element_type3A_675, %cond3A_676 : i32
        scf.if %cond3A_677 {
          %dma_wait3A_712 = arith.constant 0 : i32
          %dma_wait3A_713 = arith.constant 0 : i32
          %dma_wait3A_714 = arith.constant 0 : i32
          %dma_wait3A_715 = tpu.memref_slice %arg8[%dma_wait3A_712, %dma_wait3A_713, %dma_wait3A_714] : memref<4x4x128xi32, #tpu.memory_space<vmem>> -> memref<1x1x128xi32, #tpu.memory_space<vmem>>
          %dma_wait3A_716 = tpu.memref_squeeze %dma_wait3A_715 : memref<1x1x128xi32, #tpu.memory_space<vmem>> -> memref<128xi32, #tpu.memory_space<vmem>>
          %dma_wait3A_717 = arith.constant 0 : i32
          %dma_wait3A_718 = arith.constant 0 : i32
          %dma_wait3A_719 = tpu.memref_slice %arg10[%dma_wait3A_717, %dma_wait3A_718] : memref<10240x64xf32, #tpu.memory_space<vmem_shared>> -> memref<10240x64xf32, #tpu.memory_space<vmem_shared>>
          tpu.wait_indirect_dma semaphore(%arg26 : memref<!tpu.dma_semaphore, #tpu.memory_space<semaphore_mem>>) src(%arg16 : memref<128x64xf32, #tpu.memory_space<vmem>>) dst(%dma_wait3A_719 : memref<10240x64xf32, #tpu.memory_space<vmem_shared>>)
        } else {
        }
        %jit3A_678 = arith.constant 4 : i32
        %div3A_679 = arith.divsi %add3A_376, %jit3A_678 : i32
        %sign3A_680 = arith.constant 0 : i32
        %sign3A_681 = arith.cmpi sgt, %add3A_376, %sign3A_680 : i32
        %sign3A_682 = arith.extui %sign3A_681 : i1 to i32
        %sign3A_683 = arith.constant 0 : i32
        %sign3A_684 = arith.cmpi slt, %add3A_376, %sign3A_683 : i32
        %sign3A_685 = arith.extui %sign3A_684 : i1 to i32
        %sign3A_686 = arith.subi %sign3A_682, %sign3A_685 : i32
        %sign3A_687 = arith.constant 0 : i32
        %sign3A_688 = arith.cmpi sgt, %jit3A_678, %sign3A_687 : i32
        %sign3A_689 = arith.extui %sign3A_688 : i1 to i32
        %sign3A_690 = arith.constant 0 : i32
        %sign3A_691 = arith.cmpi slt, %jit3A_678, %sign3A_690 : i32
        %sign3A_692 = arith.extui %sign3A_691 : i1 to i32
        %sign3A_693 = arith.subi %sign3A_689, %sign3A_692 : i32
        %ne3A_694 = arith.cmpi ne, %sign3A_686, %sign3A_693 : i32
        %rem3A_695 = arith.remsi %add3A_376, %jit3A_678 : i32
        %ne3A_696 = arith.constant 0 : i32
        %ne3A_697 = arith.cmpi ne, %rem3A_695, %ne3A_696 : i32
        %and3A_698 = arith.andi %ne3A_694, %ne3A_697 : i1
        %sub3A_699 = arith.constant 1 : i32
        %sub3A_700 = arith.subi %div3A_679, %sub3A_699 : i32
        %select_n3A_701 = arith.select %and3A_698, %sub3A_700, %div3A_679 : i32
        %rem3A_702 = arith.constant 4 : i32
        %rem3A_703 = arith.remsi %select_n3A_701, %rem3A_702 : i32
        %rem3A_704 = arith.constant 4 : i32
        %rem3A_705 = arith.remsi %add3A_376, %rem3A_704 : i32
        %dma_start3A_706 = arith.constant 0 : i32
        %dma_start3A_707 = tpu.memref_slice %arg7[%rem3A_703, %rem3A_705, %dma_start3A_706] : memref<4x4x128xi32, #tpu.memory_space<vmem>> -> memref<1x1x128xi32, #tpu.memory_space<vmem>>
        %dma_start3A_708 = tpu.memref_squeeze %dma_start3A_707 : memref<1x1x128xi32, #tpu.memory_space<vmem>> -> memref<128xi32, #tpu.memory_space<vmem>>
        %dma_start3A_709 = arith.constant 0 : i32
        %dma_start3A_710 = arith.constant 0 : i32
        %dma_start3A_711 = tpu.memref_slice %arg9[%dma_start3A_709, %dma_start3A_710] : memref<10240x64xf32, #tpu.memory_space<vmem_shared>> -> memref<10240x64xf32, #tpu.memory_space<vmem_shared>>
        tpu.enqueue_indirect_dma source(%dma_start3A_711 : memref<10240x64xf32, #tpu.memory_space<vmem_shared>>) target(%arg16 : memref<128x64xf32, #tpu.memory_space<vmem>>) offsets(%dma_start3A_708 : memref<128xi32, #tpu.memory_space<vmem>>) semaphore(%arg21 : memref<!tpu.dma_semaphore, #tpu.memory_space<semaphore_mem>>)
      } else {
      }
      %mul3A_382 = arith.constant 5 : i32
      %mul3A_383 = arith.muli %scan3A_195, %mul3A_382 : i32
      %add3A_384 = arith.constant 2 : i32
      %add3A_385 = arith.addi %mul3A_383, %add3A_384 : i32
      %rem3A_386 = arith.constant 4 : i32
      %rem3A_387 = arith.remsi %add3A_385, %rem3A_386 : i32
      %jit3A_388 = arith.constant 4 : i32
      %div3A_389 = arith.divsi %add3A_385, %jit3A_388 : i32
      %sign3A_390 = arith.constant 0 : i32
      %sign3A_391 = arith.cmpi sgt, %add3A_385, %sign3A_390 : i32
      %sign3A_392 = arith.extui %sign3A_391 : i1 to i32
      %sign3A_393 = arith.constant 0 : i32
      %sign3A_394 = arith.cmpi slt, %add3A_385, %sign3A_393 : i32
      %sign3A_395 = arith.extui %sign3A_394 : i1 to i32
      %sign3A_396 = arith.subi %sign3A_392, %sign3A_395 : i32
      %sign3A_397 = arith.constant 0 : i32
      %sign3A_398 = arith.cmpi sgt, %jit3A_388, %sign3A_397 : i32
      %sign3A_399 = arith.extui %sign3A_398 : i1 to i32
      %sign3A_400 = arith.constant 0 : i32
      %sign3A_401 = arith.cmpi slt, %jit3A_388, %sign3A_400 : i32
      %sign3A_402 = arith.extui %sign3A_401 : i1 to i32
      %sign3A_403 = arith.subi %sign3A_399, %sign3A_402 : i32
      %ne3A_404 = arith.cmpi ne, %sign3A_396, %sign3A_403 : i32
      %rem3A_405 = arith.remsi %add3A_385, %jit3A_388 : i32
      %ne3A_406 = arith.constant 0 : i32
      %ne3A_407 = arith.cmpi ne, %rem3A_405, %ne3A_406 : i32
      %and3A_408 = arith.andi %ne3A_404, %ne3A_407 : i1
      %sub3A_409 = arith.constant 1 : i32
      %sub3A_410 = arith.subi %div3A_389, %sub3A_409 : i32
      %select_n3A_411 = arith.select %and3A_408, %sub3A_410, %div3A_389 : i32
      %eq3A_412 = arith.constant 0 : i32
      %eq3A_413 = arith.cmpi eq, %rem3A_387, %eq3A_412 : i32
      %add3A_414 = arith.constant 1 : i32
      %add3A_415 = arith.addi %select_n3A_411, %add3A_414 : i32
      %lt3A_416 = arith.constant 40 : i32
      %lt3A_417 = arith.cmpi slt, %add3A_415, %lt3A_416 : i32
      %and3A_418 = arith.andi %eq3A_413, %lt3A_417 : i1
      %convert_element_type3A_419 = arith.extui %and3A_418 : i1 to i32
      %cond3A_420 = arith.constant 0 : i32
      %cond3A_421 = arith.cmpi ne, %convert_element_type3A_419, %cond3A_420 : i32
      scf.if %cond3A_421 {
        %add3A_674 = arith.constant 1 : i32
        %add3A_675 = arith.addi %select_n3A_411, %add3A_674 : i32
        %add3A_676 = arith.constant 1 : i32
        %add3A_677 = arith.addi %select_n3A_411, %add3A_676 : i32
        %rem3A_678 = arith.constant 4 : i32
        %rem3A_679 = arith.remsi %add3A_677, %rem3A_678 : i32
        %mul3A_680 = arith.constant 4 : i32
        %mul3A_681 = arith.muli %add3A_675, %mul3A_680 : i32
        %add3A_682 = arith.addi %mul3A_9, %mul3A_681 : i32
        %dma_wait3A_683 = arith.constant 0 : i32
        %dma_wait3A_684 = arith.constant 0 : i32
        %dma_wait3A_685 = tpu.memref_slice %arg7[%rem3A_679, %dma_wait3A_683, %dma_wait3A_684] : memref<4x4x128xi32, #tpu.memory_space<vmem>> -> memref<1x4x128xi32, #tpu.memory_space<vmem>>
        %dma_wait3A_686 = tpu.memref_squeeze %dma_wait3A_685 : memref<1x4x128xi32, #tpu.memory_space<vmem>> -> memref<4x128xi32, #tpu.memory_space<vmem>>
        %dma_wait3A_687 = arith.constant 0 : i32
        %dma_wait3A_688 = tpu.memref_slice %arg4[%add3A_682, %dma_wait3A_687] : memref<2560x128xi32, #tpu.memory_space<hbm>> -> memref<4x128xi32, #tpu.memory_space<hbm>>
        %dma_wait3A_689 = arith.constant 0 : i32
        %dma_wait3A_690 = arith.constant 0 : i32
        %dma_wait3A_691 = tpu.memref_slice %arg7[%rem3A_679, %dma_wait3A_689, %dma_wait3A_690] : memref<4x4x128xi32, #tpu.memory_space<vmem>> -> memref<1x4x128xi32, #tpu.memory_space<vmem>>
        %dma_wait3A_692 = tpu.memref_squeeze %dma_wait3A_691 : memref<1x4x128xi32, #tpu.memory_space<vmem>> -> memref<4x128xi32, #tpu.memory_space<vmem>>
        %dma_wait3A_693 = arith.constant 0 : i32
        %dma_wait3A_694 = tpu.memref_slice %arg4[%add3A_682, %dma_wait3A_693] : memref<2560x128xi32, #tpu.memory_space<hbm>> -> memref<4x128xi32, #tpu.memory_space<hbm>>
        tpu.wait_dma2 semaphore(%arg11 : memref<!tpu.dma_semaphore, #tpu.memory_space<semaphore_mem>>) src(%dma_wait3A_694 : memref<4x128xi32, #tpu.memory_space<hbm>>) dst(%dma_wait3A_692 : memref<4x128xi32, #tpu.memory_space<vmem>>)
        %mul3A_695 = arith.constant 4 : i32
        %mul3A_696 = arith.muli %add3A_675, %mul3A_695 : i32
        %add3A_697 = arith.addi %mul3A_9, %mul3A_696 : i32
        %dma_wait3A_698 = arith.constant 0 : i32
        %dma_wait3A_699 = arith.constant 0 : i32
        %dma_wait3A_700 = tpu.memref_slice %arg8[%rem3A_679, %dma_wait3A_698, %dma_wait3A_699] : memref<4x4x128xi32, #tpu.memory_space<vmem>> -> memref<1x4x128xi32, #tpu.memory_space<vmem>>
        %dma_wait3A_701 = tpu.memref_squeeze %dma_wait3A_700 : memref<1x4x128xi32, #tpu.memory_space<vmem>> -> memref<4x128xi32, #tpu.memory_space<vmem>>
        %dma_wait3A_702 = arith.constant 0 : i32
        %dma_wait3A_703 = tpu.memref_slice %arg5[%add3A_697, %dma_wait3A_702] : memref<2560x128xi32, #tpu.memory_space<hbm>> -> memref<4x128xi32, #tpu.memory_space<hbm>>
        %dma_wait3A_704 = arith.constant 0 : i32
        %dma_wait3A_705 = arith.constant 0 : i32
        %dma_wait3A_706 = tpu.memref_slice %arg8[%rem3A_679, %dma_wait3A_704, %dma_wait3A_705] : memref<4x4x128xi32, #tpu.memory_space<vmem>> -> memref<1x4x128xi32, #tpu.memory_space<vmem>>
        %dma_wait3A_707 = tpu.memref_squeeze %dma_wait3A_706 : memref<1x4x128xi32, #tpu.memory_space<vmem>> -> memref<4x128xi32, #tpu.memory_space<vmem>>
        %dma_wait3A_708 = arith.constant 0 : i32
        %dma_wait3A_709 = tpu.memref_slice %arg5[%add3A_697, %dma_wait3A_708] : memref<2560x128xi32, #tpu.memory_space<hbm>> -> memref<4x128xi32, #tpu.memory_space<hbm>>
        tpu.wait_dma2 semaphore(%arg11 : memref<!tpu.dma_semaphore, #tpu.memory_space<semaphore_mem>>) src(%dma_wait3A_709 : memref<4x128xi32, #tpu.memory_space<hbm>>) dst(%dma_wait3A_707 : memref<4x128xi32, #tpu.memory_space<vmem>>)
      } else {
      }
      %eq3A_422 = arith.constant 0 : i32
      %eq3A_423 = arith.cmpi eq, %rem3A_387, %eq3A_422 : i32
      %add3A_424 = arith.constant 2 : i32
      %add3A_425 = arith.addi %select_n3A_411, %add3A_424 : i32
      %lt3A_426 = arith.constant 40 : i32
      %lt3A_427 = arith.cmpi slt, %add3A_425, %lt3A_426 : i32
      %and3A_428 = arith.andi %eq3A_423, %lt3A_427 : i1
      %convert_element_type3A_429 = arith.extui %and3A_428 : i1 to i32
      %cond3A_430 = arith.constant 0 : i32
      %cond3A_431 = arith.cmpi ne, %convert_element_type3A_429, %cond3A_430 : i32
      scf.if %cond3A_431 {
        %add3A_674 = arith.constant 2 : i32
        %add3A_675 = arith.addi %select_n3A_411, %add3A_674 : i32
        %add3A_676 = arith.constant 2 : i32
        %add3A_677 = arith.addi %select_n3A_411, %add3A_676 : i32
        %rem3A_678 = arith.constant 4 : i32
        %rem3A_679 = arith.remsi %add3A_677, %rem3A_678 : i32
        %mul3A_680 = arith.constant 4 : i32
        %mul3A_681 = arith.muli %add3A_675, %mul3A_680 : i32
        %add3A_682 = arith.addi %mul3A_9, %mul3A_681 : i32
        %dma_start3A_683 = arith.constant 0 : i32
        %dma_start3A_684 = arith.constant 0 : i32
        %dma_start3A_685 = tpu.memref_slice %arg7[%rem3A_679, %dma_start3A_683, %dma_start3A_684] : memref<4x4x128xi32, #tpu.memory_space<vmem>> -> memref<1x4x128xi32, #tpu.memory_space<vmem>>
        %dma_start3A_686 = tpu.memref_squeeze %dma_start3A_685 : memref<1x4x128xi32, #tpu.memory_space<vmem>> -> memref<4x128xi32, #tpu.memory_space<vmem>>
        %dma_start3A_687 = arith.constant 0 : i32
        %dma_start3A_688 = tpu.memref_slice %arg4[%add3A_682, %dma_start3A_687] : memref<2560x128xi32, #tpu.memory_space<hbm>> -> memref<4x128xi32, #tpu.memory_space<hbm>>
        %dma_start3A_689 = arith.constant 0 : i32
        %dma_start3A_690 = arith.constant 0 : i32
        %dma_start3A_691 = tpu.memref_slice %arg7[%rem3A_679, %dma_start3A_689, %dma_start3A_690] : memref<4x4x128xi32, #tpu.memory_space<vmem>> -> memref<1x4x128xi32, #tpu.memory_space<vmem>>
        %dma_start3A_692 = tpu.memref_squeeze %dma_start3A_691 : memref<1x4x128xi32, #tpu.memory_space<vmem>> -> memref<4x128xi32, #tpu.memory_space<vmem>>
        %dma_start3A_693 = arith.constant 0 : i32
        %dma_start3A_694 = tpu.memref_slice %arg4[%add3A_682, %dma_start3A_693] : memref<2560x128xi32, #tpu.memory_space<hbm>> -> memref<4x128xi32, #tpu.memory_space<hbm>>
        tpu.enqueue_dma source(%dma_start3A_694 : memref<4x128xi32, #tpu.memory_space<hbm>>) target(%dma_start3A_692 : memref<4x128xi32, #tpu.memory_space<vmem>>) target_semaphore(%arg11 : memref<!tpu.dma_semaphore, #tpu.memory_space<semaphore_mem>>)
        %mul3A_695 = arith.constant 4 : i32
        %mul3A_696 = arith.muli %add3A_675, %mul3A_695 : i32
        %add3A_697 = arith.addi %mul3A_9, %mul3A_696 : i32
        %dma_start3A_698 = arith.constant 0 : i32
        %dma_start3A_699 = arith.constant 0 : i32
        %dma_start3A_700 = tpu.memref_slice %arg8[%rem3A_679, %dma_start3A_698, %dma_start3A_699] : memref<4x4x128xi32, #tpu.memory_space<vmem>> -> memref<1x4x128xi32, #tpu.memory_space<vmem>>
        %dma_start3A_701 = tpu.memref_squeeze %dma_start3A_700 : memref<1x4x128xi32, #tpu.memory_space<vmem>> -> memref<4x128xi32, #tpu.memory_space<vmem>>
        %dma_start3A_702 = arith.constant 0 : i32
        %dma_start3A_703 = tpu.memref_slice %arg5[%add3A_697, %dma_start3A_702] : memref<2560x128xi32, #tpu.memory_space<hbm>> -> memref<4x128xi32, #tpu.memory_space<hbm>>
        %dma_start3A_704 = arith.constant 0 : i32
        %dma_start3A_705 = arith.constant 0 : i32
        %dma_start3A_706 = tpu.memref_slice %arg8[%rem3A_679, %dma_start3A_704, %dma_start3A_705] : memref<4x4x128xi32, #tpu.memory_space<vmem>> -> memref<1x4x128xi32, #tpu.memory_space<vmem>>
        %dma_start3A_707 = tpu.memref_squeeze %dma_start3A_706 : memref<1x4x128xi32, #tpu.memory_space<vmem>> -> memref<4x128xi32, #tpu.memory_space<vmem>>
        %dma_start3A_708 = arith.constant 0 : i32
        %dma_start3A_709 = tpu.memref_slice %arg5[%add3A_697, %dma_start3A_708] : memref<2560x128xi32, #tpu.memory_space<hbm>> -> memref<4x128xi32, #tpu.memory_space<hbm>>
        tpu.enqueue_dma source(%dma_start3A_709 : memref<4x128xi32, #tpu.memory_space<hbm>>) target(%dma_start3A_707 : memref<4x128xi32, #tpu.memory_space<vmem>>) target_semaphore(%arg11 : memref<!tpu.dma_semaphore, #tpu.memory_space<semaphore_mem>>)
      } else {
      }
      %jit3A_432 = arith.constant 4 : i32
      %div3A_433 = arith.divsi %add3A_385, %jit3A_432 : i32
      %sign3A_434 = arith.constant 0 : i32
      %sign3A_435 = arith.cmpi sgt, %add3A_385, %sign3A_434 : i32
      %sign3A_436 = arith.extui %sign3A_435 : i1 to i32
      %sign3A_437 = arith.constant 0 : i32
      %sign3A_438 = arith.cmpi slt, %add3A_385, %sign3A_437 : i32
      %sign3A_439 = arith.extui %sign3A_438 : i1 to i32
      %sign3A_440 = arith.subi %sign3A_436, %sign3A_439 : i32
      %sign3A_441 = arith.constant 0 : i32
      %sign3A_442 = arith.cmpi sgt, %jit3A_432, %sign3A_441 : i32
      %sign3A_443 = arith.extui %sign3A_442 : i1 to i32
      %sign3A_444 = arith.constant 0 : i32
      %sign3A_445 = arith.cmpi slt, %jit3A_432, %sign3A_444 : i32
      %sign3A_446 = arith.extui %sign3A_445 : i1 to i32
      %sign3A_447 = arith.subi %sign3A_443, %sign3A_446 : i32
      %ne3A_448 = arith.cmpi ne, %sign3A_440, %sign3A_447 : i32
      %rem3A_449 = arith.remsi %add3A_385, %jit3A_432 : i32
      %ne3A_450 = arith.constant 0 : i32
      %ne3A_451 = arith.cmpi ne, %rem3A_449, %ne3A_450 : i32
      %and3A_452 = arith.andi %ne3A_448, %ne3A_451 : i1
      %sub3A_453 = arith.constant 1 : i32
      %sub3A_454 = arith.subi %div3A_433, %sub3A_453 : i32
      %select_n3A_455 = arith.select %and3A_452, %sub3A_454, %div3A_433 : i32
      %rem3A_456 = arith.constant 4 : i32
      %rem3A_457 = arith.remsi %select_n3A_455, %rem3A_456 : i32
      %rem3A_458 = arith.constant 4 : i32
      %rem3A_459 = arith.remsi %add3A_385, %rem3A_458 : i32
      %dma_wait3A_460 = arith.constant 0 : i32
      %dma_wait3A_461 = tpu.memref_slice %arg7[%rem3A_457, %rem3A_459, %dma_wait3A_460] : memref<4x4x128xi32, #tpu.memory_space<vmem>> -> memref<1x1x128xi32, #tpu.memory_space<vmem>>
      %dma_wait3A_462 = tpu.memref_squeeze %dma_wait3A_461 : memref<1x1x128xi32, #tpu.memory_space<vmem>> -> memref<128xi32, #tpu.memory_space<vmem>>
      %dma_wait3A_463 = arith.constant 0 : i32
      %dma_wait3A_464 = arith.constant 0 : i32
      %dma_wait3A_465 = tpu.memref_slice %arg9[%dma_wait3A_463, %dma_wait3A_464] : memref<10240x64xf32, #tpu.memory_space<vmem_shared>> -> memref<10240x64xf32, #tpu.memory_space<vmem_shared>>
      tpu.wait_indirect_dma semaphore(%arg19 : memref<!tpu.dma_semaphore, #tpu.memory_space<semaphore_mem>>) src(%dma_wait3A_465 : memref<10240x64xf32, #tpu.memory_space<vmem_shared>>) dst(%arg14 : memref<128x64xf32, #tpu.memory_space<vmem>>)
      %dma_start3A_466 = arith.constant 0 : i32
      %dma_start3A_467 = tpu.memref_slice %arg8[%rem3A_457, %rem3A_459, %dma_start3A_466] : memref<4x4x128xi32, #tpu.memory_space<vmem>> -> memref<1x1x128xi32, #tpu.memory_space<vmem>>
      %dma_start3A_468 = tpu.memref_squeeze %dma_start3A_467 : memref<1x1x128xi32, #tpu.memory_space<vmem>> -> memref<128xi32, #tpu.memory_space<vmem>>
      %dma_start3A_469 = arith.constant 0 : i32
      %dma_start3A_470 = arith.constant 0 : i32
      %dma_start3A_471 = tpu.memref_slice %arg10[%dma_start3A_469, %dma_start3A_470] : memref<10240x64xf32, #tpu.memory_space<vmem_shared>> -> memref<10240x64xf32, #tpu.memory_space<vmem_shared>>
      tpu.enqueue_indirect_dma source(%arg14 : memref<128x64xf32, #tpu.memory_space<vmem>>) target(%dma_start3A_471 : memref<10240x64xf32, #tpu.memory_space<vmem_shared>>) offsets(%dma_start3A_468 : memref<128xi32, #tpu.memory_space<vmem>>) semaphore(%arg24 : memref<!tpu.dma_semaphore, #tpu.memory_space<semaphore_mem>>) {add = true}
      %add3A_472 = arith.constant 3 : i32
      %add3A_473 = arith.addi %add3A_385, %add3A_472 : i32
      %lt3A_474 = arith.constant 160 : i32
      %lt3A_475 = arith.cmpi slt, %add3A_473, %lt3A_474 : i32
      %convert_element_type3A_476 = arith.extui %lt3A_475 : i1 to i32
      %cond3A_477 = arith.constant 0 : i32
      %cond3A_478 = arith.cmpi ne, %convert_element_type3A_476, %cond3A_477 : i32
      scf.if %cond3A_478 {
        %ge3A = arith.constant 2 : i32
        %ge3A_674 = arith.cmpi sge, %add3A_385, %ge3A : i32
        %convert_element_type3A_675 = arith.extui %ge3A_674 : i1 to i32
        %cond3A_676 = arith.constant 0 : i32
        %cond3A_677 = arith.cmpi ne, %convert_element_type3A_675, %cond3A_676 : i32
        scf.if %cond3A_677 {
          %dma_wait3A_712 = arith.constant 0 : i32
          %dma_wait3A_713 = arith.constant 0 : i32
          %dma_wait3A_714 = arith.constant 0 : i32
          %dma_wait3A_715 = tpu.memref_slice %arg8[%dma_wait3A_712, %dma_wait3A_713, %dma_wait3A_714] : memref<4x4x128xi32, #tpu.memory_space<vmem>> -> memref<1x1x128xi32, #tpu.memory_space<vmem>>
          %dma_wait3A_716 = tpu.memref_squeeze %dma_wait3A_715 : memref<1x1x128xi32, #tpu.memory_space<vmem>> -> memref<128xi32, #tpu.memory_space<vmem>>
          %dma_wait3A_717 = arith.constant 0 : i32
          %dma_wait3A_718 = arith.constant 0 : i32
          %dma_wait3A_719 = tpu.memref_slice %arg10[%dma_wait3A_717, %dma_wait3A_718] : memref<10240x64xf32, #tpu.memory_space<vmem_shared>> -> memref<10240x64xf32, #tpu.memory_space<vmem_shared>>
          tpu.wait_indirect_dma semaphore(%arg22 : memref<!tpu.dma_semaphore, #tpu.memory_space<semaphore_mem>>) src(%arg12 : memref<128x64xf32, #tpu.memory_space<vmem>>) dst(%dma_wait3A_719 : memref<10240x64xf32, #tpu.memory_space<vmem_shared>>)
        } else {
        }
        %jit3A_678 = arith.constant 4 : i32
        %div3A_679 = arith.divsi %add3A_473, %jit3A_678 : i32
        %sign3A_680 = arith.constant 0 : i32
        %sign3A_681 = arith.cmpi sgt, %add3A_473, %sign3A_680 : i32
        %sign3A_682 = arith.extui %sign3A_681 : i1 to i32
        %sign3A_683 = arith.constant 0 : i32
        %sign3A_684 = arith.cmpi slt, %add3A_473, %sign3A_683 : i32
        %sign3A_685 = arith.extui %sign3A_684 : i1 to i32
        %sign3A_686 = arith.subi %sign3A_682, %sign3A_685 : i32
        %sign3A_687 = arith.constant 0 : i32
        %sign3A_688 = arith.cmpi sgt, %jit3A_678, %sign3A_687 : i32
        %sign3A_689 = arith.extui %sign3A_688 : i1 to i32
        %sign3A_690 = arith.constant 0 : i32
        %sign3A_691 = arith.cmpi slt, %jit3A_678, %sign3A_690 : i32
        %sign3A_692 = arith.extui %sign3A_691 : i1 to i32
        %sign3A_693 = arith.subi %sign3A_689, %sign3A_692 : i32
        %ne3A_694 = arith.cmpi ne, %sign3A_686, %sign3A_693 : i32
        %rem3A_695 = arith.remsi %add3A_473, %jit3A_678 : i32
        %ne3A_696 = arith.constant 0 : i32
        %ne3A_697 = arith.cmpi ne, %rem3A_695, %ne3A_696 : i32
        %and3A_698 = arith.andi %ne3A_694, %ne3A_697 : i1
        %sub3A_699 = arith.constant 1 : i32
        %sub3A_700 = arith.subi %div3A_679, %sub3A_699 : i32
        %select_n3A_701 = arith.select %and3A_698, %sub3A_700, %div3A_679 : i32
        %rem3A_702 = arith.constant 4 : i32
        %rem3A_703 = arith.remsi %select_n3A_701, %rem3A_702 : i32
        %rem3A_704 = arith.constant 4 : i32
        %rem3A_705 = arith.remsi %add3A_473, %rem3A_704 : i32
        %dma_start3A_706 = arith.constant 0 : i32
        %dma_start3A_707 = tpu.memref_slice %arg7[%rem3A_703, %rem3A_705, %dma_start3A_706] : memref<4x4x128xi32, #tpu.memory_space<vmem>> -> memref<1x1x128xi32, #tpu.memory_space<vmem>>
        %dma_start3A_708 = tpu.memref_squeeze %dma_start3A_707 : memref<1x1x128xi32, #tpu.memory_space<vmem>> -> memref<128xi32, #tpu.memory_space<vmem>>
        %dma_start3A_709 = arith.constant 0 : i32
        %dma_start3A_710 = arith.constant 0 : i32
        %dma_start3A_711 = tpu.memref_slice %arg9[%dma_start3A_709, %dma_start3A_710] : memref<10240x64xf32, #tpu.memory_space<vmem_shared>> -> memref<10240x64xf32, #tpu.memory_space<vmem_shared>>
        tpu.enqueue_indirect_dma source(%dma_start3A_711 : memref<10240x64xf32, #tpu.memory_space<vmem_shared>>) target(%arg12 : memref<128x64xf32, #tpu.memory_space<vmem>>) offsets(%dma_start3A_708 : memref<128xi32, #tpu.memory_space<vmem>>) semaphore(%arg17 : memref<!tpu.dma_semaphore, #tpu.memory_space<semaphore_mem>>)
      } else {
      }
      %mul3A_479 = arith.constant 5 : i32
      %mul3A_480 = arith.muli %scan3A_195, %mul3A_479 : i32
      %add3A_481 = arith.constant 3 : i32
      %add3A_482 = arith.addi %mul3A_480, %add3A_481 : i32
      %rem3A_483 = arith.constant 4 : i32
      %rem3A_484 = arith.remsi %add3A_482, %rem3A_483 : i32
      %jit3A_485 = arith.constant 4 : i32
      %div3A_486 = arith.divsi %add3A_482, %jit3A_485 : i32
      %sign3A_487 = arith.constant 0 : i32
      %sign3A_488 = arith.cmpi sgt, %add3A_482, %sign3A_487 : i32
      %sign3A_489 = arith.extui %sign3A_488 : i1 to i32
      %sign3A_490 = arith.constant 0 : i32
      %sign3A_491 = arith.cmpi slt, %add3A_482, %sign3A_490 : i32
      %sign3A_492 = arith.extui %sign3A_491 : i1 to i32
      %sign3A_493 = arith.subi %sign3A_489, %sign3A_492 : i32
      %sign3A_494 = arith.constant 0 : i32
      %sign3A_495 = arith.cmpi sgt, %jit3A_485, %sign3A_494 : i32
      %sign3A_496 = arith.extui %sign3A_495 : i1 to i32
      %sign3A_497 = arith.constant 0 : i32
      %sign3A_498 = arith.cmpi slt, %jit3A_485, %sign3A_497 : i32
      %sign3A_499 = arith.extui %sign3A_498 : i1 to i32
      %sign3A_500 = arith.subi %sign3A_496, %sign3A_499 : i32
      %ne3A_501 = arith.cmpi ne, %sign3A_493, %sign3A_500 : i32
      %rem3A_502 = arith.remsi %add3A_482, %jit3A_485 : i32
      %ne3A_503 = arith.constant 0 : i32
      %ne3A_504 = arith.cmpi ne, %rem3A_502, %ne3A_503 : i32
      %and3A_505 = arith.andi %ne3A_501, %ne3A_504 : i1
      %sub3A_506 = arith.constant 1 : i32
      %sub3A_507 = arith.subi %div3A_486, %sub3A_506 : i32
      %select_n3A_508 = arith.select %and3A_505, %sub3A_507, %div3A_486 : i32
      %eq3A_509 = arith.constant 0 : i32
      %eq3A_510 = arith.cmpi eq, %rem3A_484, %eq3A_509 : i32
      %add3A_511 = arith.constant 1 : i32
      %add3A_512 = arith.addi %select_n3A_508, %add3A_511 : i32
      %lt3A_513 = arith.constant 40 : i32
      %lt3A_514 = arith.cmpi slt, %add3A_512, %lt3A_513 : i32
      %and3A_515 = arith.andi %eq3A_510, %lt3A_514 : i1
      %convert_element_type3A_516 = arith.extui %and3A_515 : i1 to i32
      %cond3A_517 = arith.constant 0 : i32
      %cond3A_518 = arith.cmpi ne, %convert_element_type3A_516, %cond3A_517 : i32
      scf.if %cond3A_518 {
        %add3A_674 = arith.constant 1 : i32
        %add3A_675 = arith.addi %select_n3A_508, %add3A_674 : i32
        %add3A_676 = arith.constant 1 : i32
        %add3A_677 = arith.addi %select_n3A_508, %add3A_676 : i32
        %rem3A_678 = arith.constant 4 : i32
        %rem3A_679 = arith.remsi %add3A_677, %rem3A_678 : i32
        %mul3A_680 = arith.constant 4 : i32
        %mul3A_681 = arith.muli %add3A_675, %mul3A_680 : i32
        %add3A_682 = arith.addi %mul3A_9, %mul3A_681 : i32
        %dma_wait3A_683 = arith.constant 0 : i32
        %dma_wait3A_684 = arith.constant 0 : i32
        %dma_wait3A_685 = tpu.memref_slice %arg7[%rem3A_679, %dma_wait3A_683, %dma_wait3A_684] : memref<4x4x128xi32, #tpu.memory_space<vmem>> -> memref<1x4x128xi32, #tpu.memory_space<vmem>>
        %dma_wait3A_686 = tpu.memref_squeeze %dma_wait3A_685 : memref<1x4x128xi32, #tpu.memory_space<vmem>> -> memref<4x128xi32, #tpu.memory_space<vmem>>
        %dma_wait3A_687 = arith.constant 0 : i32
        %dma_wait3A_688 = tpu.memref_slice %arg4[%add3A_682, %dma_wait3A_687] : memref<2560x128xi32, #tpu.memory_space<hbm>> -> memref<4x128xi32, #tpu.memory_space<hbm>>
        %dma_wait3A_689 = arith.constant 0 : i32
        %dma_wait3A_690 = arith.constant 0 : i32
        %dma_wait3A_691 = tpu.memref_slice %arg7[%rem3A_679, %dma_wait3A_689, %dma_wait3A_690] : memref<4x4x128xi32, #tpu.memory_space<vmem>> -> memref<1x4x128xi32, #tpu.memory_space<vmem>>
        %dma_wait3A_692 = tpu.memref_squeeze %dma_wait3A_691 : memref<1x4x128xi32, #tpu.memory_space<vmem>> -> memref<4x128xi32, #tpu.memory_space<vmem>>
        %dma_wait3A_693 = arith.constant 0 : i32
        %dma_wait3A_694 = tpu.memref_slice %arg4[%add3A_682, %dma_wait3A_693] : memref<2560x128xi32, #tpu.memory_space<hbm>> -> memref<4x128xi32, #tpu.memory_space<hbm>>
        tpu.wait_dma2 semaphore(%arg11 : memref<!tpu.dma_semaphore, #tpu.memory_space<semaphore_mem>>) src(%dma_wait3A_694 : memref<4x128xi32, #tpu.memory_space<hbm>>) dst(%dma_wait3A_692 : memref<4x128xi32, #tpu.memory_space<vmem>>)
        %mul3A_695 = arith.constant 4 : i32
        %mul3A_696 = arith.muli %add3A_675, %mul3A_695 : i32
        %add3A_697 = arith.addi %mul3A_9, %mul3A_696 : i32
        %dma_wait3A_698 = arith.constant 0 : i32
        %dma_wait3A_699 = arith.constant 0 : i32
        %dma_wait3A_700 = tpu.memref_slice %arg8[%rem3A_679, %dma_wait3A_698, %dma_wait3A_699] : memref<4x4x128xi32, #tpu.memory_space<vmem>> -> memref<1x4x128xi32, #tpu.memory_space<vmem>>
        %dma_wait3A_701 = tpu.memref_squeeze %dma_wait3A_700 : memref<1x4x128xi32, #tpu.memory_space<vmem>> -> memref<4x128xi32, #tpu.memory_space<vmem>>
        %dma_wait3A_702 = arith.constant 0 : i32
        %dma_wait3A_703 = tpu.memref_slice %arg5[%add3A_697, %dma_wait3A_702] : memref<2560x128xi32, #tpu.memory_space<hbm>> -> memref<4x128xi32, #tpu.memory_space<hbm>>
        %dma_wait3A_704 = arith.constant 0 : i32
        %dma_wait3A_705 = arith.constant 0 : i32
        %dma_wait3A_706 = tpu.memref_slice %arg8[%rem3A_679, %dma_wait3A_704, %dma_wait3A_705] : memref<4x4x128xi32, #tpu.memory_space<vmem>> -> memref<1x4x128xi32, #tpu.memory_space<vmem>>
        %dma_wait3A_707 = tpu.memref_squeeze %dma_wait3A_706 : memref<1x4x128xi32, #tpu.memory_space<vmem>> -> memref<4x128xi32, #tpu.memory_space<vmem>>
        %dma_wait3A_708 = arith.constant 0 : i32
        %dma_wait3A_709 = tpu.memref_slice %arg5[%add3A_697, %dma_wait3A_708] : memref<2560x128xi32, #tpu.memory_space<hbm>> -> memref<4x128xi32, #tpu.memory_space<hbm>>
        tpu.wait_dma2 semaphore(%arg11 : memref<!tpu.dma_semaphore, #tpu.memory_space<semaphore_mem>>) src(%dma_wait3A_709 : memref<4x128xi32, #tpu.memory_space<hbm>>) dst(%dma_wait3A_707 : memref<4x128xi32, #tpu.memory_space<vmem>>)
      } else {
      }
      %eq3A_519 = arith.constant 0 : i32
      %eq3A_520 = arith.cmpi eq, %rem3A_484, %eq3A_519 : i32
      %add3A_521 = arith.constant 2 : i32
      %add3A_522 = arith.addi %select_n3A_508, %add3A_521 : i32
      %lt3A_523 = arith.constant 40 : i32
      %lt3A_524 = arith.cmpi slt, %add3A_522, %lt3A_523 : i32
      %and3A_525 = arith.andi %eq3A_520, %lt3A_524 : i1
      %convert_element_type3A_526 = arith.extui %and3A_525 : i1 to i32
      %cond3A_527 = arith.constant 0 : i32
      %cond3A_528 = arith.cmpi ne, %convert_element_type3A_526, %cond3A_527 : i32
      scf.if %cond3A_528 {
        %add3A_674 = arith.constant 2 : i32
        %add3A_675 = arith.addi %select_n3A_508, %add3A_674 : i32
        %add3A_676 = arith.constant 2 : i32
        %add3A_677 = arith.addi %select_n3A_508, %add3A_676 : i32
        %rem3A_678 = arith.constant 4 : i32
        %rem3A_679 = arith.remsi %add3A_677, %rem3A_678 : i32
        %mul3A_680 = arith.constant 4 : i32
        %mul3A_681 = arith.muli %add3A_675, %mul3A_680 : i32
        %add3A_682 = arith.addi %mul3A_9, %mul3A_681 : i32
        %dma_start3A_683 = arith.constant 0 : i32
        %dma_start3A_684 = arith.constant 0 : i32
        %dma_start3A_685 = tpu.memref_slice %arg7[%rem3A_679, %dma_start3A_683, %dma_start3A_684] : memref<4x4x128xi32, #tpu.memory_space<vmem>> -> memref<1x4x128xi32, #tpu.memory_space<vmem>>
        %dma_start3A_686 = tpu.memref_squeeze %dma_start3A_685 : memref<1x4x128xi32, #tpu.memory_space<vmem>> -> memref<4x128xi32, #tpu.memory_space<vmem>>
        %dma_start3A_687 = arith.constant 0 : i32
        %dma_start3A_688 = tpu.memref_slice %arg4[%add3A_682, %dma_start3A_687] : memref<2560x128xi32, #tpu.memory_space<hbm>> -> memref<4x128xi32, #tpu.memory_space<hbm>>
        %dma_start3A_689 = arith.constant 0 : i32
        %dma_start3A_690 = arith.constant 0 : i32
        %dma_start3A_691 = tpu.memref_slice %arg7[%rem3A_679, %dma_start3A_689, %dma_start3A_690] : memref<4x4x128xi32, #tpu.memory_space<vmem>> -> memref<1x4x128xi32, #tpu.memory_space<vmem>>
        %dma_start3A_692 = tpu.memref_squeeze %dma_start3A_691 : memref<1x4x128xi32, #tpu.memory_space<vmem>> -> memref<4x128xi32, #tpu.memory_space<vmem>>
        %dma_start3A_693 = arith.constant 0 : i32
        %dma_start3A_694 = tpu.memref_slice %arg4[%add3A_682, %dma_start3A_693] : memref<2560x128xi32, #tpu.memory_space<hbm>> -> memref<4x128xi32, #tpu.memory_space<hbm>>
        tpu.enqueue_dma source(%dma_start3A_694 : memref<4x128xi32, #tpu.memory_space<hbm>>) target(%dma_start3A_692 : memref<4x128xi32, #tpu.memory_space<vmem>>) target_semaphore(%arg11 : memref<!tpu.dma_semaphore, #tpu.memory_space<semaphore_mem>>)
        %mul3A_695 = arith.constant 4 : i32
        %mul3A_696 = arith.muli %add3A_675, %mul3A_695 : i32
        %add3A_697 = arith.addi %mul3A_9, %mul3A_696 : i32
        %dma_start3A_698 = arith.constant 0 : i32
        %dma_start3A_699 = arith.constant 0 : i32
        %dma_start3A_700 = tpu.memref_slice %arg8[%rem3A_679, %dma_start3A_698, %dma_start3A_699] : memref<4x4x128xi32, #tpu.memory_space<vmem>> -> memref<1x4x128xi32, #tpu.memory_space<vmem>>
        %dma_start3A_701 = tpu.memref_squeeze %dma_start3A_700 : memref<1x4x128xi32, #tpu.memory_space<vmem>> -> memref<4x128xi32, #tpu.memory_space<vmem>>
        %dma_start3A_702 = arith.constant 0 : i32
        %dma_start3A_703 = tpu.memref_slice %arg5[%add3A_697, %dma_start3A_702] : memref<2560x128xi32, #tpu.memory_space<hbm>> -> memref<4x128xi32, #tpu.memory_space<hbm>>
        %dma_start3A_704 = arith.constant 0 : i32
        %dma_start3A_705 = arith.constant 0 : i32
        %dma_start3A_706 = tpu.memref_slice %arg8[%rem3A_679, %dma_start3A_704, %dma_start3A_705] : memref<4x4x128xi32, #tpu.memory_space<vmem>> -> memref<1x4x128xi32, #tpu.memory_space<vmem>>
        %dma_start3A_707 = tpu.memref_squeeze %dma_start3A_706 : memref<1x4x128xi32, #tpu.memory_space<vmem>> -> memref<4x128xi32, #tpu.memory_space<vmem>>
        %dma_start3A_708 = arith.constant 0 : i32
        %dma_start3A_709 = tpu.memref_slice %arg5[%add3A_697, %dma_start3A_708] : memref<2560x128xi32, #tpu.memory_space<hbm>> -> memref<4x128xi32, #tpu.memory_space<hbm>>
        tpu.enqueue_dma source(%dma_start3A_709 : memref<4x128xi32, #tpu.memory_space<hbm>>) target(%dma_start3A_707 : memref<4x128xi32, #tpu.memory_space<vmem>>) target_semaphore(%arg11 : memref<!tpu.dma_semaphore, #tpu.memory_space<semaphore_mem>>)
      } else {
      }
      %jit3A_529 = arith.constant 4 : i32
      %div3A_530 = arith.divsi %add3A_482, %jit3A_529 : i32
      %sign3A_531 = arith.constant 0 : i32
      %sign3A_532 = arith.cmpi sgt, %add3A_482, %sign3A_531 : i32
      %sign3A_533 = arith.extui %sign3A_532 : i1 to i32
      %sign3A_534 = arith.constant 0 : i32
      %sign3A_535 = arith.cmpi slt, %add3A_482, %sign3A_534 : i32
      %sign3A_536 = arith.extui %sign3A_535 : i1 to i32
      %sign3A_537 = arith.subi %sign3A_533, %sign3A_536 : i32
      %sign3A_538 = arith.constant 0 : i32
      %sign3A_539 = arith.cmpi sgt, %jit3A_529, %sign3A_538 : i32
      %sign3A_540 = arith.extui %sign3A_539 : i1 to i32
      %sign3A_541 = arith.constant 0 : i32
      %sign3A_542 = arith.cmpi slt, %jit3A_529, %sign3A_541 : i32
      %sign3A_543 = arith.extui %sign3A_542 : i1 to i32
      %sign3A_544 = arith.subi %sign3A_540, %sign3A_543 : i32
      %ne3A_545 = arith.cmpi ne, %sign3A_537, %sign3A_544 : i32
      %rem3A_546 = arith.remsi %add3A_482, %jit3A_529 : i32
      %ne3A_547 = arith.constant 0 : i32
      %ne3A_548 = arith.cmpi ne, %rem3A_546, %ne3A_547 : i32
      %and3A_549 = arith.andi %ne3A_545, %ne3A_548 : i1
      %sub3A_550 = arith.constant 1 : i32
      %sub3A_551 = arith.subi %div3A_530, %sub3A_550 : i32
      %select_n3A_552 = arith.select %and3A_549, %sub3A_551, %div3A_530 : i32
      %rem3A_553 = arith.constant 4 : i32
      %rem3A_554 = arith.remsi %select_n3A_552, %rem3A_553 : i32
      %rem3A_555 = arith.constant 4 : i32
      %rem3A_556 = arith.remsi %add3A_482, %rem3A_555 : i32
      %dma_wait3A_557 = arith.constant 0 : i32
      %dma_wait3A_558 = tpu.memref_slice %arg7[%rem3A_554, %rem3A_556, %dma_wait3A_557] : memref<4x4x128xi32, #tpu.memory_space<vmem>> -> memref<1x1x128xi32, #tpu.memory_space<vmem>>
      %dma_wait3A_559 = tpu.memref_squeeze %dma_wait3A_558 : memref<1x1x128xi32, #tpu.memory_space<vmem>> -> memref<128xi32, #tpu.memory_space<vmem>>
      %dma_wait3A_560 = arith.constant 0 : i32
      %dma_wait3A_561 = arith.constant 0 : i32
      %dma_wait3A_562 = tpu.memref_slice %arg9[%dma_wait3A_560, %dma_wait3A_561] : memref<10240x64xf32, #tpu.memory_space<vmem_shared>> -> memref<10240x64xf32, #tpu.memory_space<vmem_shared>>
      tpu.wait_indirect_dma semaphore(%arg20 : memref<!tpu.dma_semaphore, #tpu.memory_space<semaphore_mem>>) src(%dma_wait3A_562 : memref<10240x64xf32, #tpu.memory_space<vmem_shared>>) dst(%arg15 : memref<128x64xf32, #tpu.memory_space<vmem>>)
      %dma_start3A_563 = arith.constant 0 : i32
      %dma_start3A_564 = tpu.memref_slice %arg8[%rem3A_554, %rem3A_556, %dma_start3A_563] : memref<4x4x128xi32, #tpu.memory_space<vmem>> -> memref<1x1x128xi32, #tpu.memory_space<vmem>>
      %dma_start3A_565 = tpu.memref_squeeze %dma_start3A_564 : memref<1x1x128xi32, #tpu.memory_space<vmem>> -> memref<128xi32, #tpu.memory_space<vmem>>
      %dma_start3A_566 = arith.constant 0 : i32
      %dma_start3A_567 = arith.constant 0 : i32
      %dma_start3A_568 = tpu.memref_slice %arg10[%dma_start3A_566, %dma_start3A_567] : memref<10240x64xf32, #tpu.memory_space<vmem_shared>> -> memref<10240x64xf32, #tpu.memory_space<vmem_shared>>
      tpu.enqueue_indirect_dma source(%arg15 : memref<128x64xf32, #tpu.memory_space<vmem>>) target(%dma_start3A_568 : memref<10240x64xf32, #tpu.memory_space<vmem_shared>>) offsets(%dma_start3A_565 : memref<128xi32, #tpu.memory_space<vmem>>) semaphore(%arg25 : memref<!tpu.dma_semaphore, #tpu.memory_space<semaphore_mem>>) {add = true}
      %add3A_569 = arith.constant 3 : i32
      %add3A_570 = arith.addi %add3A_482, %add3A_569 : i32
      %lt3A_571 = arith.constant 160 : i32
      %lt3A_572 = arith.cmpi slt, %add3A_570, %lt3A_571 : i32
      %convert_element_type3A_573 = arith.extui %lt3A_572 : i1 to i32
      %cond3A_574 = arith.constant 0 : i32
      %cond3A_575 = arith.cmpi ne, %convert_element_type3A_573, %cond3A_574 : i32
      scf.if %cond3A_575 {
        %ge3A = arith.constant 2 : i32
        %ge3A_674 = arith.cmpi sge, %add3A_482, %ge3A : i32
        %convert_element_type3A_675 = arith.extui %ge3A_674 : i1 to i32
        %cond3A_676 = arith.constant 0 : i32
        %cond3A_677 = arith.cmpi ne, %convert_element_type3A_675, %cond3A_676 : i32
        scf.if %cond3A_677 {
          %dma_wait3A_712 = arith.constant 0 : i32
          %dma_wait3A_713 = arith.constant 0 : i32
          %dma_wait3A_714 = arith.constant 0 : i32
          %dma_wait3A_715 = tpu.memref_slice %arg8[%dma_wait3A_712, %dma_wait3A_713, %dma_wait3A_714] : memref<4x4x128xi32, #tpu.memory_space<vmem>> -> memref<1x1x128xi32, #tpu.memory_space<vmem>>
          %dma_wait3A_716 = tpu.memref_squeeze %dma_wait3A_715 : memref<1x1x128xi32, #tpu.memory_space<vmem>> -> memref<128xi32, #tpu.memory_space<vmem>>
          %dma_wait3A_717 = arith.constant 0 : i32
          %dma_wait3A_718 = arith.constant 0 : i32
          %dma_wait3A_719 = tpu.memref_slice %arg10[%dma_wait3A_717, %dma_wait3A_718] : memref<10240x64xf32, #tpu.memory_space<vmem_shared>> -> memref<10240x64xf32, #tpu.memory_space<vmem_shared>>
          tpu.wait_indirect_dma semaphore(%arg23 : memref<!tpu.dma_semaphore, #tpu.memory_space<semaphore_mem>>) src(%arg13 : memref<128x64xf32, #tpu.memory_space<vmem>>) dst(%dma_wait3A_719 : memref<10240x64xf32, #tpu.memory_space<vmem_shared>>)
        } else {
        }
        %jit3A_678 = arith.constant 4 : i32
        %div3A_679 = arith.divsi %add3A_570, %jit3A_678 : i32
        %sign3A_680 = arith.constant 0 : i32
        %sign3A_681 = arith.cmpi sgt, %add3A_570, %sign3A_680 : i32
        %sign3A_682 = arith.extui %sign3A_681 : i1 to i32
        %sign3A_683 = arith.constant 0 : i32
        %sign3A_684 = arith.cmpi slt, %add3A_570, %sign3A_683 : i32
        %sign3A_685 = arith.extui %sign3A_684 : i1 to i32
        %sign3A_686 = arith.subi %sign3A_682, %sign3A_685 : i32
        %sign3A_687 = arith.constant 0 : i32
        %sign3A_688 = arith.cmpi sgt, %jit3A_678, %sign3A_687 : i32
        %sign3A_689 = arith.extui %sign3A_688 : i1 to i32
        %sign3A_690 = arith.constant 0 : i32
        %sign3A_691 = arith.cmpi slt, %jit3A_678, %sign3A_690 : i32
        %sign3A_692 = arith.extui %sign3A_691 : i1 to i32
        %sign3A_693 = arith.subi %sign3A_689, %sign3A_692 : i32
        %ne3A_694 = arith.cmpi ne, %sign3A_686, %sign3A_693 : i32
        %rem3A_695 = arith.remsi %add3A_570, %jit3A_678 : i32
        %ne3A_696 = arith.constant 0 : i32
        %ne3A_697 = arith.cmpi ne, %rem3A_695, %ne3A_696 : i32
        %and3A_698 = arith.andi %ne3A_694, %ne3A_697 : i1
        %sub3A_699 = arith.constant 1 : i32
        %sub3A_700 = arith.subi %div3A_679, %sub3A_699 : i32
        %select_n3A_701 = arith.select %and3A_698, %sub3A_700, %div3A_679 : i32
        %rem3A_702 = arith.constant 4 : i32
        %rem3A_703 = arith.remsi %select_n3A_701, %rem3A_702 : i32
        %rem3A_704 = arith.constant 4 : i32
        %rem3A_705 = arith.remsi %add3A_570, %rem3A_704 : i32
        %dma_start3A_706 = arith.constant 0 : i32
        %dma_start3A_707 = tpu.memref_slice %arg7[%rem3A_703, %rem3A_705, %dma_start3A_706] : memref<4x4x128xi32, #tpu.memory_space<vmem>> -> memref<1x1x128xi32, #tpu.memory_space<vmem>>
        %dma_start3A_708 = tpu.memref_squeeze %dma_start3A_707 : memref<1x1x128xi32, #tpu.memory_space<vmem>> -> memref<128xi32, #tpu.memory_space<vmem>>
        %dma_start3A_709 = arith.constant 0 : i32
        %dma_start3A_710 = arith.constant 0 : i32
        %dma_start3A_711 = tpu.memref_slice %arg9[%dma_start3A_709, %dma_start3A_710] : memref<10240x64xf32, #tpu.memory_space<vmem_shared>> -> memref<10240x64xf32, #tpu.memory_space<vmem_shared>>
        tpu.enqueue_indirect_dma source(%dma_start3A_711 : memref<10240x64xf32, #tpu.memory_space<vmem_shared>>) target(%arg13 : memref<128x64xf32, #tpu.memory_space<vmem>>) offsets(%dma_start3A_708 : memref<128xi32, #tpu.memory_space<vmem>>) semaphore(%arg18 : memref<!tpu.dma_semaphore, #tpu.memory_space<semaphore_mem>>)
      } else {
      }
      %mul3A_576 = arith.constant 5 : i32
      %mul3A_577 = arith.muli %scan3A_195, %mul3A_576 : i32
      %add3A_578 = arith.constant 4 : i32
      %add3A_579 = arith.addi %mul3A_577, %add3A_578 : i32
      %rem3A_580 = arith.constant 4 : i32
      %rem3A_581 = arith.remsi %add3A_579, %rem3A_580 : i32
      %jit3A_582 = arith.constant 4 : i32
      %div3A_583 = arith.divsi %add3A_579, %jit3A_582 : i32
      %sign3A_584 = arith.constant 0 : i32
      %sign3A_585 = arith.cmpi sgt, %add3A_579, %sign3A_584 : i32
      %sign3A_586 = arith.extui %sign3A_585 : i1 to i32
      %sign3A_587 = arith.constant 0 : i32
      %sign3A_588 = arith.cmpi slt, %add3A_579, %sign3A_587 : i32
      %sign3A_589 = arith.extui %sign3A_588 : i1 to i32
      %sign3A_590 = arith.subi %sign3A_586, %sign3A_589 : i32
      %sign3A_591 = arith.constant 0 : i32
      %sign3A_592 = arith.cmpi sgt, %jit3A_582, %sign3A_591 : i32
      %sign3A_593 = arith.extui %sign3A_592 : i1 to i32
      %sign3A_594 = arith.constant 0 : i32
      %sign3A_595 = arith.cmpi slt, %jit3A_582, %sign3A_594 : i32
      %sign3A_596 = arith.extui %sign3A_595 : i1 to i32
      %sign3A_597 = arith.subi %sign3A_593, %sign3A_596 : i32
      %ne3A_598 = arith.cmpi ne, %sign3A_590, %sign3A_597 : i32
      %rem3A_599 = arith.remsi %add3A_579, %jit3A_582 : i32
      %ne3A_600 = arith.constant 0 : i32
      %ne3A_601 = arith.cmpi ne, %rem3A_599, %ne3A_600 : i32
      %and3A_602 = arith.andi %ne3A_598, %ne3A_601 : i1
      %sub3A_603 = arith.constant 1 : i32
      %sub3A_604 = arith.subi %div3A_583, %sub3A_603 : i32
      %select_n3A_605 = arith.select %and3A_602, %sub3A_604, %div3A_583 : i32
      %eq3A_606 = arith.constant 0 : i32
      %eq3A_607 = arith.cmpi eq, %rem3A_581, %eq3A_606 : i32
      %add3A_608 = arith.constant 1 : i32
      %add3A_609 = arith.addi %select_n3A_605, %add3A_608 : i32
      %lt3A_610 = arith.constant 40 : i32
      %lt3A_611 = arith.cmpi slt, %add3A_609, %lt3A_610 : i32
      %and3A_612 = arith.andi %eq3A_607, %lt3A_611 : i1
      %convert_element_type3A_613 = arith.extui %and3A_612 : i1 to i32
      %cond3A_614 = arith.constant 0 : i32
      %cond3A_615 = arith.cmpi ne, %convert_element_type3A_613, %cond3A_614 : i32
      scf.if %cond3A_615 {
        %add3A_674 = arith.constant 1 : i32
        %add3A_675 = arith.addi %select_n3A_605, %add3A_674 : i32
        %add3A_676 = arith.constant 1 : i32
        %add3A_677 = arith.addi %select_n3A_605, %add3A_676 : i32
        %rem3A_678 = arith.constant 4 : i32
        %rem3A_679 = arith.remsi %add3A_677, %rem3A_678 : i32
        %mul3A_680 = arith.constant 4 : i32
        %mul3A_681 = arith.muli %add3A_675, %mul3A_680 : i32
        %add3A_682 = arith.addi %mul3A_9, %mul3A_681 : i32
        %dma_wait3A_683 = arith.constant 0 : i32
        %dma_wait3A_684 = arith.constant 0 : i32
        %dma_wait3A_685 = tpu.memref_slice %arg7[%rem3A_679, %dma_wait3A_683, %dma_wait3A_684] : memref<4x4x128xi32, #tpu.memory_space<vmem>> -> memref<1x4x128xi32, #tpu.memory_space<vmem>>
        %dma_wait3A_686 = tpu.memref_squeeze %dma_wait3A_685 : memref<1x4x128xi32, #tpu.memory_space<vmem>> -> memref<4x128xi32, #tpu.memory_space<vmem>>
        %dma_wait3A_687 = arith.constant 0 : i32
        %dma_wait3A_688 = tpu.memref_slice %arg4[%add3A_682, %dma_wait3A_687] : memref<2560x128xi32, #tpu.memory_space<hbm>> -> memref<4x128xi32, #tpu.memory_space<hbm>>
        %dma_wait3A_689 = arith.constant 0 : i32
        %dma_wait3A_690 = arith.constant 0 : i32
        %dma_wait3A_691 = tpu.memref_slice %arg7[%rem3A_679, %dma_wait3A_689, %dma_wait3A_690] : memref<4x4x128xi32, #tpu.memory_space<vmem>> -> memref<1x4x128xi32, #tpu.memory_space<vmem>>
        %dma_wait3A_692 = tpu.memref_squeeze %dma_wait3A_691 : memref<1x4x128xi32, #tpu.memory_space<vmem>> -> memref<4x128xi32, #tpu.memory_space<vmem>>
        %dma_wait3A_693 = arith.constant 0 : i32
        %dma_wait3A_694 = tpu.memref_slice %arg4[%add3A_682, %dma_wait3A_693] : memref<2560x128xi32, #tpu.memory_space<hbm>> -> memref<4x128xi32, #tpu.memory_space<hbm>>
        tpu.wait_dma2 semaphore(%arg11 : memref<!tpu.dma_semaphore, #tpu.memory_space<semaphore_mem>>) src(%dma_wait3A_694 : memref<4x128xi32, #tpu.memory_space<hbm>>) dst(%dma_wait3A_692 : memref<4x128xi32, #tpu.memory_space<vmem>>)
        %mul3A_695 = arith.constant 4 : i32
        %mul3A_696 = arith.muli %add3A_675, %mul3A_695 : i32
        %add3A_697 = arith.addi %mul3A_9, %mul3A_696 : i32
        %dma_wait3A_698 = arith.constant 0 : i32
        %dma_wait3A_699 = arith.constant 0 : i32
        %dma_wait3A_700 = tpu.memref_slice %arg8[%rem3A_679, %dma_wait3A_698, %dma_wait3A_699] : memref<4x4x128xi32, #tpu.memory_space<vmem>> -> memref<1x4x128xi32, #tpu.memory_space<vmem>>
        %dma_wait3A_701 = tpu.memref_squeeze %dma_wait3A_700 : memref<1x4x128xi32, #tpu.memory_space<vmem>> -> memref<4x128xi32, #tpu.memory_space<vmem>>
        %dma_wait3A_702 = arith.constant 0 : i32
        %dma_wait3A_703 = tpu.memref_slice %arg5[%add3A_697, %dma_wait3A_702] : memref<2560x128xi32, #tpu.memory_space<hbm>> -> memref<4x128xi32, #tpu.memory_space<hbm>>
        %dma_wait3A_704 = arith.constant 0 : i32
        %dma_wait3A_705 = arith.constant 0 : i32
        %dma_wait3A_706 = tpu.memref_slice %arg8[%rem3A_679, %dma_wait3A_704, %dma_wait3A_705] : memref<4x4x128xi32, #tpu.memory_space<vmem>> -> memref<1x4x128xi32, #tpu.memory_space<vmem>>
        %dma_wait3A_707 = tpu.memref_squeeze %dma_wait3A_706 : memref<1x4x128xi32, #tpu.memory_space<vmem>> -> memref<4x128xi32, #tpu.memory_space<vmem>>
        %dma_wait3A_708 = arith.constant 0 : i32
        %dma_wait3A_709 = tpu.memref_slice %arg5[%add3A_697, %dma_wait3A_708] : memref<2560x128xi32, #tpu.memory_space<hbm>> -> memref<4x128xi32, #tpu.memory_space<hbm>>
        tpu.wait_dma2 semaphore(%arg11 : memref<!tpu.dma_semaphore, #tpu.memory_space<semaphore_mem>>) src(%dma_wait3A_709 : memref<4x128xi32, #tpu.memory_space<hbm>>) dst(%dma_wait3A_707 : memref<4x128xi32, #tpu.memory_space<vmem>>)
      } else {
      }
      %eq3A_616 = arith.constant 0 : i32
      %eq3A_617 = arith.cmpi eq, %rem3A_581, %eq3A_616 : i32
      %add3A_618 = arith.constant 2 : i32
      %add3A_619 = arith.addi %select_n3A_605, %add3A_618 : i32
      %lt3A_620 = arith.constant 40 : i32
      %lt3A_621 = arith.cmpi slt, %add3A_619, %lt3A_620 : i32
      %and3A_622 = arith.andi %eq3A_617, %lt3A_621 : i1
      %convert_element_type3A_623 = arith.extui %and3A_622 : i1 to i32
      %cond3A_624 = arith.constant 0 : i32
      %cond3A_625 = arith.cmpi ne, %convert_element_type3A_623, %cond3A_624 : i32
      scf.if %cond3A_625 {
        %add3A_674 = arith.constant 2 : i32
        %add3A_675 = arith.addi %select_n3A_605, %add3A_674 : i32
        %add3A_676 = arith.constant 2 : i32
        %add3A_677 = arith.addi %select_n3A_605, %add3A_676 : i32
        %rem3A_678 = arith.constant 4 : i32
        %rem3A_679 = arith.remsi %add3A_677, %rem3A_678 : i32
        %mul3A_680 = arith.constant 4 : i32
        %mul3A_681 = arith.muli %add3A_675, %mul3A_680 : i32
        %add3A_682 = arith.addi %mul3A_9, %mul3A_681 : i32
        %dma_start3A_683 = arith.constant 0 : i32
        %dma_start3A_684 = arith.constant 0 : i32
        %dma_start3A_685 = tpu.memref_slice %arg7[%rem3A_679, %dma_start3A_683, %dma_start3A_684] : memref<4x4x128xi32, #tpu.memory_space<vmem>> -> memref<1x4x128xi32, #tpu.memory_space<vmem>>
        %dma_start3A_686 = tpu.memref_squeeze %dma_start3A_685 : memref<1x4x128xi32, #tpu.memory_space<vmem>> -> memref<4x128xi32, #tpu.memory_space<vmem>>
        %dma_start3A_687 = arith.constant 0 : i32
        %dma_start3A_688 = tpu.memref_slice %arg4[%add3A_682, %dma_start3A_687] : memref<2560x128xi32, #tpu.memory_space<hbm>> -> memref<4x128xi32, #tpu.memory_space<hbm>>
        %dma_start3A_689 = arith.constant 0 : i32
        %dma_start3A_690 = arith.constant 0 : i32
        %dma_start3A_691 = tpu.memref_slice %arg7[%rem3A_679, %dma_start3A_689, %dma_start3A_690] : memref<4x4x128xi32, #tpu.memory_space<vmem>> -> memref<1x4x128xi32, #tpu.memory_space<vmem>>
        %dma_start3A_692 = tpu.memref_squeeze %dma_start3A_691 : memref<1x4x128xi32, #tpu.memory_space<vmem>> -> memref<4x128xi32, #tpu.memory_space<vmem>>
        %dma_start3A_693 = arith.constant 0 : i32
        %dma_start3A_694 = tpu.memref_slice %arg4[%add3A_682, %dma_start3A_693] : memref<2560x128xi32, #tpu.memory_space<hbm>> -> memref<4x128xi32, #tpu.memory_space<hbm>>
        tpu.enqueue_dma source(%dma_start3A_694 : memref<4x128xi32, #tpu.memory_space<hbm>>) target(%dma_start3A_692 : memref<4x128xi32, #tpu.memory_space<vmem>>) target_semaphore(%arg11 : memref<!tpu.dma_semaphore, #tpu.memory_space<semaphore_mem>>)
        %mul3A_695 = arith.constant 4 : i32
        %mul3A_696 = arith.muli %add3A_675, %mul3A_695 : i32
        %add3A_697 = arith.addi %mul3A_9, %mul3A_696 : i32
        %dma_start3A_698 = arith.constant 0 : i32
        %dma_start3A_699 = arith.constant 0 : i32
        %dma_start3A_700 = tpu.memref_slice %arg8[%rem3A_679, %dma_start3A_698, %dma_start3A_699] : memref<4x4x128xi32, #tpu.memory_space<vmem>> -> memref<1x4x128xi32, #tpu.memory_space<vmem>>
        %dma_start3A_701 = tpu.memref_squeeze %dma_start3A_700 : memref<1x4x128xi32, #tpu.memory_space<vmem>> -> memref<4x128xi32, #tpu.memory_space<vmem>>
        %dma_start3A_702 = arith.constant 0 : i32
        %dma_start3A_703 = tpu.memref_slice %arg5[%add3A_697, %dma_start3A_702] : memref<2560x128xi32, #tpu.memory_space<hbm>> -> memref<4x128xi32, #tpu.memory_space<hbm>>
        %dma_start3A_704 = arith.constant 0 : i32
        %dma_start3A_705 = arith.constant 0 : i32
        %dma_start3A_706 = tpu.memref_slice %arg8[%rem3A_679, %dma_start3A_704, %dma_start3A_705] : memref<4x4x128xi32, #tpu.memory_space<vmem>> -> memref<1x4x128xi32, #tpu.memory_space<vmem>>
        %dma_start3A_707 = tpu.memref_squeeze %dma_start3A_706 : memref<1x4x128xi32, #tpu.memory_space<vmem>> -> memref<4x128xi32, #tpu.memory_space<vmem>>
        %dma_start3A_708 = arith.constant 0 : i32
        %dma_start3A_709 = tpu.memref_slice %arg5[%add3A_697, %dma_start3A_708] : memref<2560x128xi32, #tpu.memory_space<hbm>> -> memref<4x128xi32, #tpu.memory_space<hbm>>
        tpu.enqueue_dma source(%dma_start3A_709 : memref<4x128xi32, #tpu.memory_space<hbm>>) target(%dma_start3A_707 : memref<4x128xi32, #tpu.memory_space<vmem>>) target_semaphore(%arg11 : memref<!tpu.dma_semaphore, #tpu.memory_space<semaphore_mem>>)
      } else {
      }
      %jit3A_626 = arith.constant 4 : i32
      %div3A_627 = arith.divsi %add3A_579, %jit3A_626 : i32
      %sign3A_628 = arith.constant 0 : i32
      %sign3A_629 = arith.cmpi sgt, %add3A_579, %sign3A_628 : i32
      %sign3A_630 = arith.extui %sign3A_629 : i1 to i32
      %sign3A_631 = arith.constant 0 : i32
      %sign3A_632 = arith.cmpi slt, %add3A_579, %sign3A_631 : i32
      %sign3A_633 = arith.extui %sign3A_632 : i1 to i32
      %sign3A_634 = arith.subi %sign3A_630, %sign3A_633 : i32
      %sign3A_635 = arith.constant 0 : i32
      %sign3A_636 = arith.cmpi sgt, %jit3A_626, %sign3A_635 : i32
      %sign3A_637 = arith.extui %sign3A_636 : i1 to i32
      %sign3A_638 = arith.constant 0 : i32
      %sign3A_639 = arith.cmpi slt, %jit3A_626, %sign3A_638 : i32
      %sign3A_640 = arith.extui %sign3A_639 : i1 to i32
      %sign3A_641 = arith.subi %sign3A_637, %sign3A_640 : i32
      %ne3A_642 = arith.cmpi ne, %sign3A_634, %sign3A_641 : i32
      %rem3A_643 = arith.remsi %add3A_579, %jit3A_626 : i32
      %ne3A_644 = arith.constant 0 : i32
      %ne3A_645 = arith.cmpi ne, %rem3A_643, %ne3A_644 : i32
      %and3A_646 = arith.andi %ne3A_642, %ne3A_645 : i1
      %sub3A_647 = arith.constant 1 : i32
      %sub3A_648 = arith.subi %div3A_627, %sub3A_647 : i32
      %select_n3A_649 = arith.select %and3A_646, %sub3A_648, %div3A_627 : i32
      %rem3A_650 = arith.constant 4 : i32
      %rem3A_651 = arith.remsi %select_n3A_649, %rem3A_650 : i32
      %rem3A_652 = arith.constant 4 : i32
      %rem3A_653 = arith.remsi %add3A_579, %rem3A_652 : i32
      %dma_wait3A_654 = arith.constant 0 : i32
      %dma_wait3A_655 = tpu.memref_slice %arg7[%rem3A_651, %rem3A_653, %dma_wait3A_654] : memref<4x4x128xi32, #tpu.memory_space<vmem>> -> memref<1x1x128xi32, #tpu.memory_space<vmem>>
      %dma_wait3A_656 = tpu.memref_squeeze %dma_wait3A_655 : memref<1x1x128xi32, #tpu.memory_space<vmem>> -> memref<128xi32, #tpu.memory_space<vmem>>
      %dma_wait3A_657 = arith.constant 0 : i32
      %dma_wait3A_658 = arith.constant 0 : i32
      %dma_wait3A_659 = tpu.memref_slice %arg9[%dma_wait3A_657, %dma_wait3A_658] : memref<10240x64xf32, #tpu.memory_space<vmem_shared>> -> memref<10240x64xf32, #tpu.memory_space<vmem_shared>>
      tpu.wait_indirect_dma semaphore(%arg21 : memref<!tpu.dma_semaphore, #tpu.memory_space<semaphore_mem>>) src(%dma_wait3A_659 : memref<10240x64xf32, #tpu.memory_space<vmem_shared>>) dst(%arg16 : memref<128x64xf32, #tpu.memory_space<vmem>>)
      %dma_start3A_660 = arith.constant 0 : i32
      %dma_start3A_661 = tpu.memref_slice %arg8[%rem3A_651, %rem3A_653, %dma_start3A_660] : memref<4x4x128xi32, #tpu.memory_space<vmem>> -> memref<1x1x128xi32, #tpu.memory_space<vmem>>
      %dma_start3A_662 = tpu.memref_squeeze %dma_start3A_661 : memref<1x1x128xi32, #tpu.memory_space<vmem>> -> memref<128xi32, #tpu.memory_space<vmem>>
      %dma_start3A_663 = arith.constant 0 : i32
      %dma_start3A_664 = arith.constant 0 : i32
      %dma_start3A_665 = tpu.memref_slice %arg10[%dma_start3A_663, %dma_start3A_664] : memref<10240x64xf32, #tpu.memory_space<vmem_shared>> -> memref<10240x64xf32, #tpu.memory_space<vmem_shared>>
      tpu.enqueue_indirect_dma source(%arg16 : memref<128x64xf32, #tpu.memory_space<vmem>>) target(%dma_start3A_665 : memref<10240x64xf32, #tpu.memory_space<vmem_shared>>) offsets(%dma_start3A_662 : memref<128xi32, #tpu.memory_space<vmem>>) semaphore(%arg26 : memref<!tpu.dma_semaphore, #tpu.memory_space<semaphore_mem>>) {add = true}
      %add3A_666 = arith.constant 3 : i32
      %add3A_667 = arith.addi %add3A_579, %add3A_666 : i32
      %lt3A_668 = arith.constant 160 : i32
      %lt3A_669 = arith.cmpi slt, %add3A_667, %lt3A_668 : i32
      %convert_element_type3A_670 = arith.extui %lt3A_669 : i1 to i32
      %cond3A_671 = arith.constant 0 : i32
      %cond3A_672 = arith.cmpi ne, %convert_element_type3A_670, %cond3A_671 : i32
      scf.if %cond3A_672 {
        %ge3A = arith.constant 2 : i32
        %ge3A_674 = arith.cmpi sge, %add3A_579, %ge3A : i32
        %convert_element_type3A_675 = arith.extui %ge3A_674 : i1 to i32
        %cond3A_676 = arith.constant 0 : i32
        %cond3A_677 = arith.cmpi ne, %convert_element_type3A_675, %cond3A_676 : i32
        scf.if %cond3A_677 {
          %dma_wait3A_712 = arith.constant 0 : i32
          %dma_wait3A_713 = arith.constant 0 : i32
          %dma_wait3A_714 = arith.constant 0 : i32
          %dma_wait3A_715 = tpu.memref_slice %arg8[%dma_wait3A_712, %dma_wait3A_713, %dma_wait3A_714] : memref<4x4x128xi32, #tpu.memory_space<vmem>> -> memref<1x1x128xi32, #tpu.memory_space<vmem>>
          %dma_wait3A_716 = tpu.memref_squeeze %dma_wait3A_715 : memref<1x1x128xi32, #tpu.memory_space<vmem>> -> memref<128xi32, #tpu.memory_space<vmem>>
          %dma_wait3A_717 = arith.constant 0 : i32
          %dma_wait3A_718 = arith.constant 0 : i32
          %dma_wait3A_719 = tpu.memref_slice %arg10[%dma_wait3A_717, %dma_wait3A_718] : memref<10240x64xf32, #tpu.memory_space<vmem_shared>> -> memref<10240x64xf32, #tpu.memory_space<vmem_shared>>
          tpu.wait_indirect_dma semaphore(%arg24 : memref<!tpu.dma_semaphore, #tpu.memory_space<semaphore_mem>>) src(%arg14 : memref<128x64xf32, #tpu.memory_space<vmem>>) dst(%dma_wait3A_719 : memref<10240x64xf32, #tpu.memory_space<vmem_shared>>)
        } else {
        }
        %jit3A_678 = arith.constant 4 : i32
        %div3A_679 = arith.divsi %add3A_667, %jit3A_678 : i32
        %sign3A_680 = arith.constant 0 : i32
        %sign3A_681 = arith.cmpi sgt, %add3A_667, %sign3A_680 : i32
        %sign3A_682 = arith.extui %sign3A_681 : i1 to i32
        %sign3A_683 = arith.constant 0 : i32
        %sign3A_684 = arith.cmpi slt, %add3A_667, %sign3A_683 : i32
        %sign3A_685 = arith.extui %sign3A_684 : i1 to i32
        %sign3A_686 = arith.subi %sign3A_682, %sign3A_685 : i32
        %sign3A_687 = arith.constant 0 : i32
        %sign3A_688 = arith.cmpi sgt, %jit3A_678, %sign3A_687 : i32
        %sign3A_689 = arith.extui %sign3A_688 : i1 to i32
        %sign3A_690 = arith.constant 0 : i32
        %sign3A_691 = arith.cmpi slt, %jit3A_678, %sign3A_690 : i32
        %sign3A_692 = arith.extui %sign3A_691 : i1 to i32
        %sign3A_693 = arith.subi %sign3A_689, %sign3A_692 : i32
        %ne3A_694 = arith.cmpi ne, %sign3A_686, %sign3A_693 : i32
        %rem3A_695 = arith.remsi %add3A_667, %jit3A_678 : i32
        %ne3A_696 = arith.constant 0 : i32
        %ne3A_697 = arith.cmpi ne, %rem3A_695, %ne3A_696 : i32
        %and3A_698 = arith.andi %ne3A_694, %ne3A_697 : i1
        %sub3A_699 = arith.constant 1 : i32
        %sub3A_700 = arith.subi %div3A_679, %sub3A_699 : i32
        %select_n3A_701 = arith.select %and3A_698, %sub3A_700, %div3A_679 : i32
        %rem3A_702 = arith.constant 4 : i32
        %rem3A_703 = arith.remsi %select_n3A_701, %rem3A_702 : i32
        %rem3A_704 = arith.constant 4 : i32
        %rem3A_705 = arith.remsi %add3A_667, %rem3A_704 : i32
        %dma_start3A_706 = arith.constant 0 : i32
        %dma_start3A_707 = tpu.memref_slice %arg7[%rem3A_703, %rem3A_705, %dma_start3A_706] : memref<4x4x128xi32, #tpu.memory_space<vmem>> -> memref<1x1x128xi32, #tpu.memory_space<vmem>>
        %dma_start3A_708 = tpu.memref_squeeze %dma_start3A_707 : memref<1x1x128xi32, #tpu.memory_space<vmem>> -> memref<128xi32, #tpu.memory_space<vmem>>
        %dma_start3A_709 = arith.constant 0 : i32
        %dma_start3A_710 = arith.constant 0 : i32
        %dma_start3A_711 = tpu.memref_slice %arg9[%dma_start3A_709, %dma_start3A_710] : memref<10240x64xf32, #tpu.memory_space<vmem_shared>> -> memref<10240x64xf32, #tpu.memory_space<vmem_shared>>
        tpu.enqueue_indirect_dma source(%dma_start3A_711 : memref<10240x64xf32, #tpu.memory_space<vmem_shared>>) target(%arg14 : memref<128x64xf32, #tpu.memory_space<vmem>>) offsets(%dma_start3A_708 : memref<128xi32, #tpu.memory_space<vmem>>) semaphore(%arg19 : memref<!tpu.dma_semaphore, #tpu.memory_space<semaphore_mem>>)
      } else {
      }
      %scan3A_673 = arith.constant 0 : i32
      scf.yield %scan3A_673 : i32
    }
    %scan3A_143 = arith.constant 32 : i32
    %dma_wait3A_144 = arith.constant 0 : i32
    %dma_wait3A_145 = arith.constant 0 : i32
    %dma_wait3A_146 = arith.constant 0 : i32
    %dma_wait3A_147 = tpu.memref_slice %arg8[%dma_wait3A_144, %dma_wait3A_145, %dma_wait3A_146] : memref<4x4x128xi32, #tpu.memory_space<vmem>> -> memref<1x1x128xi32, #tpu.memory_space<vmem>>
    %dma_wait3A_148 = tpu.memref_squeeze %dma_wait3A_147 : memref<1x1x128xi32, #tpu.memory_space<vmem>> -> memref<128xi32, #tpu.memory_space<vmem>>
    %dma_wait3A_149 = arith.constant 0 : i32
    %dma_wait3A_150 = arith.constant 0 : i32
    %dma_wait3A_151 = tpu.memref_slice %arg10[%dma_wait3A_149, %dma_wait3A_150] : memref<10240x64xf32, #tpu.memory_space<vmem_shared>> -> memref<10240x64xf32, #tpu.memory_space<vmem_shared>>
    tpu.wait_indirect_dma semaphore(%arg22 : memref<!tpu.dma_semaphore, #tpu.memory_space<semaphore_mem>>) src(%arg12 : memref<128x64xf32, #tpu.memory_space<vmem>>) dst(%dma_wait3A_151 : memref<10240x64xf32, #tpu.memory_space<vmem_shared>>)
    %dma_wait3A_152 = arith.constant 0 : i32
    %dma_wait3A_153 = arith.constant 0 : i32
    %dma_wait3A_154 = arith.constant 0 : i32
    %dma_wait3A_155 = tpu.memref_slice %arg8[%dma_wait3A_152, %dma_wait3A_153, %dma_wait3A_154] : memref<4x4x128xi32, #tpu.memory_space<vmem>> -> memref<1x1x128xi32, #tpu.memory_space<vmem>>
    %dma_wait3A_156 = tpu.memref_squeeze %dma_wait3A_155 : memref<1x1x128xi32, #tpu.memory_space<vmem>> -> memref<128xi32, #tpu.memory_space<vmem>>
    %dma_wait3A_157 = arith.constant 0 : i32
    %dma_wait3A_158 = arith.constant 0 : i32
    %dma_wait3A_159 = tpu.memref_slice %arg10[%dma_wait3A_157, %dma_wait3A_158] : memref<10240x64xf32, #tpu.memory_space<vmem_shared>> -> memref<10240x64xf32, #tpu.memory_space<vmem_shared>>
    tpu.wait_indirect_dma semaphore(%arg23 : memref<!tpu.dma_semaphore, #tpu.memory_space<semaphore_mem>>) src(%arg13 : memref<128x64xf32, #tpu.memory_space<vmem>>) dst(%dma_wait3A_159 : memref<10240x64xf32, #tpu.memory_space<vmem_shared>>)
    %dma_wait3A_160 = arith.constant 0 : i32
    %dma_wait3A_161 = arith.constant 0 : i32
    %dma_wait3A_162 = arith.constant 0 : i32
    %dma_wait3A_163 = tpu.memref_slice %arg8[%dma_wait3A_160, %dma_wait3A_161, %dma_wait3A_162] : memref<4x4x128xi32, #tpu.memory_space<vmem>> -> memref<1x1x128xi32, #tpu.memory_space<vmem>>
    %dma_wait3A_164 = tpu.memref_squeeze %dma_wait3A_163 : memref<1x1x128xi32, #tpu.memory_space<vmem>> -> memref<128xi32, #tpu.memory_space<vmem>>
    %dma_wait3A_165 = arith.constant 0 : i32
    %dma_wait3A_166 = arith.constant 0 : i32
    %dma_wait3A_167 = tpu.memref_slice %arg10[%dma_wait3A_165, %dma_wait3A_166] : memref<10240x64xf32, #tpu.memory_space<vmem_shared>> -> memref<10240x64xf32, #tpu.memory_space<vmem_shared>>
    tpu.wait_indirect_dma semaphore(%arg24 : memref<!tpu.dma_semaphore, #tpu.memory_space<semaphore_mem>>) src(%arg14 : memref<128x64xf32, #tpu.memory_space<vmem>>) dst(%dma_wait3A_167 : memref<10240x64xf32, #tpu.memory_space<vmem_shared>>)
    %dma_wait3A_168 = arith.constant 0 : i32
    %dma_wait3A_169 = arith.constant 0 : i32
    %dma_wait3A_170 = arith.constant 0 : i32
    %dma_wait3A_171 = tpu.memref_slice %arg8[%dma_wait3A_168, %dma_wait3A_169, %dma_wait3A_170] : memref<4x4x128xi32, #tpu.memory_space<vmem>> -> memref<1x1x128xi32, #tpu.memory_space<vmem>>
    %dma_wait3A_172 = tpu.memref_squeeze %dma_wait3A_171 : memref<1x1x128xi32, #tpu.memory_space<vmem>> -> memref<128xi32, #tpu.memory_space<vmem>>
    %dma_wait3A_173 = arith.constant 0 : i32
    %dma_wait3A_174 = arith.constant 0 : i32
    %dma_wait3A_175 = tpu.memref_slice %arg10[%dma_wait3A_173, %dma_wait3A_174] : memref<10240x64xf32, #tpu.memory_space<vmem_shared>> -> memref<10240x64xf32, #tpu.memory_space<vmem_shared>>
    tpu.wait_indirect_dma semaphore(%arg25 : memref<!tpu.dma_semaphore, #tpu.memory_space<semaphore_mem>>) src(%arg15 : memref<128x64xf32, #tpu.memory_space<vmem>>) dst(%dma_wait3A_175 : memref<10240x64xf32, #tpu.memory_space<vmem_shared>>)
    %dma_wait3A_176 = arith.constant 0 : i32
    %dma_wait3A_177 = arith.constant 0 : i32
    %dma_wait3A_178 = arith.constant 0 : i32
    %dma_wait3A_179 = tpu.memref_slice %arg8[%dma_wait3A_176, %dma_wait3A_177, %dma_wait3A_178] : memref<4x4x128xi32, #tpu.memory_space<vmem>> -> memref<1x1x128xi32, #tpu.memory_space<vmem>>
    %dma_wait3A_180 = tpu.memref_squeeze %dma_wait3A_179 : memref<1x1x128xi32, #tpu.memory_space<vmem>> -> memref<128xi32, #tpu.memory_space<vmem>>
    %dma_wait3A_181 = arith.constant 0 : i32
    %dma_wait3A_182 = arith.constant 0 : i32
    %dma_wait3A_183 = tpu.memref_slice %arg10[%dma_wait3A_181, %dma_wait3A_182] : memref<10240x64xf32, #tpu.memory_space<vmem_shared>> -> memref<10240x64xf32, #tpu.memory_space<vmem_shared>>
    tpu.wait_indirect_dma semaphore(%arg26 : memref<!tpu.dma_semaphore, #tpu.memory_space<semaphore_mem>>) src(%arg16 : memref<128x64xf32, #tpu.memory_space<vmem>>) dst(%dma_wait3A_183 : memref<10240x64xf32, #tpu.memory_space<vmem_shared>>)
    %barrier3A_184 = arith.constant 0 : index
    tpu.barrier barrier_id(%barrier3A_184)
    %add3A_185 = arith.constant 0 : i32
    %add3A_186 = arith.addi %mul3A_0, %add3A_185 : i32
    "tpu.region"() ({
      %run_scoped3A = tpu.sem_alloc : memref<!tpu.dma_semaphore, #tpu.memory_space<semaphore_mem>>
      %dma_start3A_195 = arith.constant 0 : i32
      %dma_start3A_196 = tpu.memref_slice %arg6[%arg0, %add3A_186, %dma_start3A_195] : memref<2x10240x64xf32, #tpu.memory_space<hbm>> -> memref<1x128x64xf32, #tpu.memory_space<hbm>>
      %dma_start3A_197 = tpu.memref_squeeze %dma_start3A_196 : memref<1x128x64xf32, #tpu.memory_space<hbm>> -> memref<128x64xf32, #tpu.memory_space<hbm>>
      %dma_start3A_198 = arith.constant 0 : i32
      %dma_start3A_199 = tpu.memref_slice %arg10[%add3A_186, %dma_start3A_198] : memref<10240x64xf32, #tpu.memory_space<vmem_shared>> -> memref<128x64xf32, #tpu.memory_space<vmem_shared>>
      tpu.enqueue_dma source(%dma_start3A_199 : memref<128x64xf32, #tpu.memory_space<vmem_shared>>) target(%dma_start3A_197 : memref<128x64xf32, #tpu.memory_space<hbm>>) target_semaphore(%run_scoped3A : memref<!tpu.dma_semaphore, #tpu.memory_space<semaphore_mem>>)
      %dma_wait3A_200 = arith.constant 0 : i32
      %dma_wait3A_201 = tpu.memref_slice %arg6[%arg0, %add3A_186, %dma_wait3A_200] : memref<2x10240x64xf32, #tpu.memory_space<hbm>> -> memref<1x128x64xf32, #tpu.memory_space<hbm>>
      %dma_wait3A_202 = tpu.memref_squeeze %dma_wait3A_201 : memref<1x128x64xf32, #tpu.memory_space<hbm>> -> memref<128x64xf32, #tpu.memory_space<hbm>>
      %dma_wait3A_203 = arith.constant 0 : i32
      %dma_wait3A_204 = tpu.memref_slice %arg10[%add3A_186, %dma_wait3A_203] : memref<10240x64xf32, #tpu.memory_space<vmem_shared>> -> memref<128x64xf32, #tpu.memory_space<vmem_shared>>
      tpu.wait_dma2 semaphore(%run_scoped3A : memref<!tpu.dma_semaphore, #tpu.memory_space<semaphore_mem>>) src(%dma_wait3A_204 : memref<128x64xf32, #tpu.memory_space<vmem_shared>>) dst(%dma_wait3A_202 : memref<128x64xf32, #tpu.memory_space<hbm>>)
      tpu.yield
    }) : () -> ()
    %add3A_187 = arith.constant 128 : i32
    %add3A_188 = arith.addi %mul3A_0, %add3A_187 : i32
    "tpu.region"() ({
      %run_scoped3A = tpu.sem_alloc : memref<!tpu.dma_semaphore, #tpu.memory_space<semaphore_mem>>
      %dma_start3A_195 = arith.constant 0 : i32
      %dma_start3A_196 = tpu.memref_slice %arg6[%arg0, %add3A_188, %dma_start3A_195] : memref<2x10240x64xf32, #tpu.memory_space<hbm>> -> memref<1x128x64xf32, #tpu.memory_space<hbm>>
      %dma_start3A_197 = tpu.memref_squeeze %dma_start3A_196 : memref<1x128x64xf32, #tpu.memory_space<hbm>> -> memref<128x64xf32, #tpu.memory_space<hbm>>
      %dma_start3A_198 = arith.constant 0 : i32
      %dma_start3A_199 = tpu.memref_slice %arg10[%add3A_188, %dma_start3A_198] : memref<10240x64xf32, #tpu.memory_space<vmem_shared>> -> memref<128x64xf32, #tpu.memory_space<vmem_shared>>
      tpu.enqueue_dma source(%dma_start3A_199 : memref<128x64xf32, #tpu.memory_space<vmem_shared>>) target(%dma_start3A_197 : memref<128x64xf32, #tpu.memory_space<hbm>>) target_semaphore(%run_scoped3A : memref<!tpu.dma_semaphore, #tpu.memory_space<semaphore_mem>>)
      %dma_wait3A_200 = arith.constant 0 : i32
      %dma_wait3A_201 = tpu.memref_slice %arg6[%arg0, %add3A_188, %dma_wait3A_200] : memref<2x10240x64xf32, #tpu.memory_space<hbm>> -> memref<1x128x64xf32, #tpu.memory_space<hbm>>
      %dma_wait3A_202 = tpu.memref_squeeze %dma_wait3A_201 : memref<1x128x64xf32, #tpu.memory_space<hbm>> -> memref<128x64xf32, #tpu.memory_space<hbm>>
      %dma_wait3A_203 = arith.constant 0 : i32
      %dma_wait3A_204 = tpu.memref_slice %arg10[%add3A_188, %dma_wait3A_203] : memref<10240x64xf32, #tpu.memory_space<vmem_shared>> -> memref<128x64xf32, #tpu.memory_space<vmem_shared>>
      tpu.wait_dma2 semaphore(%run_scoped3A : memref<!tpu.dma_semaphore, #tpu.memory_space<semaphore_mem>>) src(%dma_wait3A_204 : memref<128x64xf32, #tpu.memory_space<vmem_shared>>) dst(%dma_wait3A_202 : memref<128x64xf32, #tpu.memory_space<hbm>>)
      tpu.yield
    }) : () -> ()
    %add3A_189 = arith.constant 256 : i32
    %add3A_190 = arith.addi %mul3A_0, %add3A_189 : i32
    "tpu.region"() ({
      %run_scoped3A = tpu.sem_alloc : memref<!tpu.dma_semaphore, #tpu.memory_space<semaphore_mem>>
      %dma_start3A_195 = arith.constant 0 : i32
      %dma_start3A_196 = tpu.memref_slice %arg6[%arg0, %add3A_190, %dma_start3A_195] : memref<2x10240x64xf32, #tpu.memory_space<hbm>> -> memref<1x128x64xf32, #tpu.memory_space<hbm>>
      %dma_start3A_197 = tpu.memref_squeeze %dma_start3A_196 : memref<1x128x64xf32, #tpu.memory_space<hbm>> -> memref<128x64xf32, #tpu.memory_space<hbm>>
      %dma_start3A_198 = arith.constant 0 : i32
      %dma_start3A_199 = tpu.memref_slice %arg10[%add3A_190, %dma_start3A_198] : memref<10240x64xf32, #tpu.memory_space<vmem_shared>> -> memref<128x64xf32, #tpu.memory_space<vmem_shared>>
      tpu.enqueue_dma source(%dma_start3A_199 : memref<128x64xf32, #tpu.memory_space<vmem_shared>>) target(%dma_start3A_197 : memref<128x64xf32, #tpu.memory_space<hbm>>) target_semaphore(%run_scoped3A : memref<!tpu.dma_semaphore, #tpu.memory_space<semaphore_mem>>)
      %dma_wait3A_200 = arith.constant 0 : i32
      %dma_wait3A_201 = tpu.memref_slice %arg6[%arg0, %add3A_190, %dma_wait3A_200] : memref<2x10240x64xf32, #tpu.memory_space<hbm>> -> memref<1x128x64xf32, #tpu.memory_space<hbm>>
      %dma_wait3A_202 = tpu.memref_squeeze %dma_wait3A_201 : memref<1x128x64xf32, #tpu.memory_space<hbm>> -> memref<128x64xf32, #tpu.memory_space<hbm>>
      %dma_wait3A_203 = arith.constant 0 : i32
      %dma_wait3A_204 = tpu.memref_slice %arg10[%add3A_190, %dma_wait3A_203] : memref<10240x64xf32, #tpu.memory_space<vmem_shared>> -> memref<128x64xf32, #tpu.memory_space<vmem_shared>>
      tpu.wait_dma2 semaphore(%run_scoped3A : memref<!tpu.dma_semaphore, #tpu.memory_space<semaphore_mem>>) src(%dma_wait3A_204 : memref<128x64xf32, #tpu.memory_space<vmem_shared>>) dst(%dma_wait3A_202 : memref<128x64xf32, #tpu.memory_space<hbm>>)
      tpu.yield
    }) : () -> ()
    %add3A_191 = arith.constant 384 : i32
    %add3A_192 = arith.addi %mul3A_0, %add3A_191 : i32
    "tpu.region"() ({
      %run_scoped3A = tpu.sem_alloc : memref<!tpu.dma_semaphore, #tpu.memory_space<semaphore_mem>>
      %dma_start3A_195 = arith.constant 0 : i32
      %dma_start3A_196 = tpu.memref_slice %arg6[%arg0, %add3A_192, %dma_start3A_195] : memref<2x10240x64xf32, #tpu.memory_space<hbm>> -> memref<1x128x64xf32, #tpu.memory_space<hbm>>
      %dma_start3A_197 = tpu.memref_squeeze %dma_start3A_196 : memref<1x128x64xf32, #tpu.memory_space<hbm>> -> memref<128x64xf32, #tpu.memory_space<hbm>>
      %dma_start3A_198 = arith.constant 0 : i32
      %dma_start3A_199 = tpu.memref_slice %arg10[%add3A_192, %dma_start3A_198] : memref<10240x64xf32, #tpu.memory_space<vmem_shared>> -> memref<128x64xf32, #tpu.memory_space<vmem_shared>>
      tpu.enqueue_dma source(%dma_start3A_199 : memref<128x64xf32, #tpu.memory_space<vmem_shared>>) target(%dma_start3A_197 : memref<128x64xf32, #tpu.memory_space<hbm>>) target_semaphore(%run_scoped3A : memref<!tpu.dma_semaphore, #tpu.memory_space<semaphore_mem>>)
      %dma_wait3A_200 = arith.constant 0 : i32
      %dma_wait3A_201 = tpu.memref_slice %arg6[%arg0, %add3A_192, %dma_wait3A_200] : memref<2x10240x64xf32, #tpu.memory_space<hbm>> -> memref<1x128x64xf32, #tpu.memory_space<hbm>>
      %dma_wait3A_202 = tpu.memref_squeeze %dma_wait3A_201 : memref<1x128x64xf32, #tpu.memory_space<hbm>> -> memref<128x64xf32, #tpu.memory_space<hbm>>
      %dma_wait3A_203 = arith.constant 0 : i32
      %dma_wait3A_204 = tpu.memref_slice %arg10[%add3A_192, %dma_wait3A_203] : memref<10240x64xf32, #tpu.memory_space<vmem_shared>> -> memref<128x64xf32, #tpu.memory_space<vmem_shared>>
      tpu.wait_dma2 semaphore(%run_scoped3A : memref<!tpu.dma_semaphore, #tpu.memory_space<semaphore_mem>>) src(%dma_wait3A_204 : memref<128x64xf32, #tpu.memory_space<vmem_shared>>) dst(%dma_wait3A_202 : memref<128x64xf32, #tpu.memory_space<hbm>>)
      tpu.yield
    }) : () -> ()
    %add3A_193 = arith.constant 512 : i32
    %add3A_194 = arith.addi %mul3A_0, %add3A_193 : i32
    "tpu.region"() ({
      %run_scoped3A = tpu.sem_alloc : memref<!tpu.dma_semaphore, #tpu.memory_space<semaphore_mem>>
      %dma_start3A_195 = arith.constant 0 : i32
      %dma_start3A_196 = tpu.memref_slice %arg6[%arg0, %add3A_194, %dma_start3A_195] : memref<2x10240x64xf32, #tpu.memory_space<hbm>> -> memref<1x128x64xf32, #tpu.memory_space<hbm>>
      %dma_start3A_197 = tpu.memref_squeeze %dma_start3A_196 : memref<1x128x64xf32, #tpu.memory_space<hbm>> -> memref<128x64xf32, #tpu.memory_space<hbm>>
      %dma_start3A_198 = arith.constant 0 : i32
      %dma_start3A_199 = tpu.memref_slice %arg10[%add3A_194, %dma_start3A_198] : memref<10240x64xf32, #tpu.memory_space<vmem_shared>> -> memref<128x64xf32, #tpu.memory_space<vmem_shared>>
      tpu.enqueue_dma source(%dma_start3A_199 : memref<128x64xf32, #tpu.memory_space<vmem_shared>>) target(%dma_start3A_197 : memref<128x64xf32, #tpu.memory_space<hbm>>) target_semaphore(%run_scoped3A : memref<!tpu.dma_semaphore, #tpu.memory_space<semaphore_mem>>)
      %dma_wait3A_200 = arith.constant 0 : i32
      %dma_wait3A_201 = tpu.memref_slice %arg6[%arg0, %add3A_194, %dma_wait3A_200] : memref<2x10240x64xf32, #tpu.memory_space<hbm>> -> memref<1x128x64xf32, #tpu.memory_space<hbm>>
      %dma_wait3A_202 = tpu.memref_squeeze %dma_wait3A_201 : memref<1x128x64xf32, #tpu.memory_space<hbm>> -> memref<128x64xf32, #tpu.memory_space<hbm>>
      %dma_wait3A_203 = arith.constant 0 : i32
      %dma_wait3A_204 = tpu.memref_slice %arg10[%add3A_194, %dma_wait3A_203] : memref<10240x64xf32, #tpu.memory_space<vmem_shared>> -> memref<128x64xf32, #tpu.memory_space<vmem_shared>>
      tpu.wait_dma2 semaphore(%run_scoped3A : memref<!tpu.dma_semaphore, #tpu.memory_space<semaphore_mem>>) src(%dma_wait3A_204 : memref<128x64xf32, #tpu.memory_space<vmem_shared>>) dst(%dma_wait3A_202 : memref<128x64xf32, #tpu.memory_space<hbm>>)
      tpu.yield
    }) : () -> ()
    return
  }
}

#map = affine_map<(d0, d1) -> (0, 0)>
#map1 = affine_map<(d0, d1) -> (0, 0, 0)>
module attributes {stable_mosaic.version = 14 : i64} {
  func.func @agg_kernel(%arg0: i32, %arg1: i32, %arg2: memref<10240x64xf32, #tpu.memory_space<hbm>>, %arg3: memref<10240x64xf32, #tpu.memory_space<hbm>>, %arg4: memref<2560x128xi32, #tpu.memory_space<hbm>>, %arg5: memref<2560x128xi32, #tpu.memory_space<hbm>>, %arg6: memref<2x10240x64xf32, #tpu.memory_space<hbm>>, %arg7: memref<4x4x128xi32, #tpu.memory_space<vmem>>, %arg8: memref<4x4x128xi32, #tpu.memory_space<vmem>>, %arg9: memref<10240x64xf32, #tpu.memory_space<vmem_shared>>, %arg10: memref<10240x64xf32, #tpu.memory_space<vmem_shared>>, %arg11: memref<!tpu.dma_semaphore, #tpu.memory_space<semaphore_mem>>, %arg12: memref<128x64xf32, #tpu.memory_space<vmem>>, %arg13: memref<128x64xf32, #tpu.memory_space<vmem>>, %arg14: memref<128x64xf32, #tpu.memory_space<vmem>>, %arg15: memref<128x64xf32, #tpu.memory_space<vmem>>, %arg16: memref<128x64xf32, #tpu.memory_space<vmem>>, %arg17: memref<!tpu.dma_semaphore, #tpu.memory_space<semaphore_mem>>, %arg18: memref<!tpu.dma_semaphore, #tpu.memory_space<semaphore_mem>>, %arg19: memref<!tpu.dma_semaphore, #tpu.memory_space<semaphore_mem>>, %arg20: memref<!tpu.dma_semaphore, #tpu.memory_space<semaphore_mem>>, %arg21: memref<!tpu.dma_semaphore, #tpu.memory_space<semaphore_mem>>, %arg22: memref<!tpu.dma_semaphore, #tpu.memory_space<semaphore_mem>>, %arg23: memref<!tpu.dma_semaphore, #tpu.memory_space<semaphore_mem>>, %arg24: memref<!tpu.dma_semaphore, #tpu.memory_space<semaphore_mem>>, %arg25: memref<!tpu.dma_semaphore, #tpu.memory_space<semaphore_mem>>, %arg26: memref<!tpu.dma_semaphore, #tpu.memory_space<semaphore_mem>>) attributes {dimension_semantics = [#tpu.dimension_semantics<core_parallel>, #tpu.dimension_semantics<subcore_parallel>], iteration_bounds = array<i64: 2, 16>, scalar_prefetch = 0 : i64, scratch_operands = 20 : i64, tpu.core_type = #tpu.core_type<sc_vector_subcore>, window_params = [{transform_indices = #map}, {transform_indices = #map}, {transform_indices = #map}, {transform_indices = #map}, {transform_indices = #map1}]} {
    %mul3A = arith.constant 640 : i32
    %mul3A_0 = arith.muli %arg1, %mul3A : i32
    %eq3A = arith.constant 0 : i32
    %eq3A_1 = arith.cmpi eq, %arg0, %eq3A : i32
    %convert_element_type3A = arith.extui %eq3A_1 : i1 to i32
    %cond3A = arith.constant 0 : i32
    %cond3A_2 = arith.cmpi ne, %convert_element_type3A, %cond3A : i32
    scf.if %cond3A_2 {
      "tpu.region"() ({
        %run_scoped3A = tpu.sem_alloc : memref<!tpu.dma_semaphore, #tpu.memory_space<semaphore_mem>>
        %dma_start3A_198 = arith.constant 0 : i32
        %dma_start3A_199 = tpu.memref_slice %arg9[%mul3A_0, %dma_start3A_198] : memref<10240x64xf32, #tpu.memory_space<vmem_shared>> -> memref<640x64xf32, #tpu.memory_space<vmem_shared>>
        %dma_start3A_200 = arith.constant 0 : i32
        %dma_start3A_201 = tpu.memref_slice %arg2[%mul3A_0, %dma_start3A_200] : memref<10240x64xf32, #tpu.memory_space<hbm>> -> memref<640x64xf32, #tpu.memory_space<hbm>>
        tpu.enqueue_dma source(%dma_start3A_201 : memref<640x64xf32, #tpu.memory_space<hbm>>) target(%dma_start3A_199 : memref<640x64xf32, #tpu.memory_space<vmem_shared>>) target_semaphore(%run_scoped3A : memref<!tpu.dma_semaphore, #tpu.memory_space<semaphore_mem>>)
        %dma_wait3A_202 = arith.constant 0 : i32
        %dma_wait3A_203 = tpu.memref_slice %arg9[%mul3A_0, %dma_wait3A_202] : memref<10240x64xf32, #tpu.memory_space<vmem_shared>> -> memref<640x64xf32, #tpu.memory_space<vmem_shared>>
        %dma_wait3A_204 = arith.constant 0 : i32
        %dma_wait3A_205 = tpu.memref_slice %arg2[%mul3A_0, %dma_wait3A_204] : memref<10240x64xf32, #tpu.memory_space<hbm>> -> memref<640x64xf32, #tpu.memory_space<hbm>>
        tpu.wait_dma2 semaphore(%run_scoped3A : memref<!tpu.dma_semaphore, #tpu.memory_space<semaphore_mem>>) src(%dma_wait3A_205 : memref<640x64xf32, #tpu.memory_space<hbm>>) dst(%dma_wait3A_203 : memref<640x64xf32, #tpu.memory_space<vmem_shared>>)
        tpu.yield
      }) : () -> ()
    } else {
    }
    %eq3A_3 = arith.constant 1 : i32
    %eq3A_4 = arith.cmpi eq, %arg0, %eq3A_3 : i32
    %convert_element_type3A_5 = arith.extui %eq3A_4 : i1 to i32
    %cond3A_6 = arith.constant 0 : i32
    %cond3A_7 = arith.cmpi ne, %convert_element_type3A_5, %cond3A_6 : i32
    scf.if %cond3A_7 {
      "tpu.region"() ({
        %run_scoped3A = tpu.sem_alloc : memref<!tpu.dma_semaphore, #tpu.memory_space<semaphore_mem>>
        %dma_start3A_198 = arith.constant 0 : i32
        %dma_start3A_199 = tpu.memref_slice %arg9[%mul3A_0, %dma_start3A_198] : memref<10240x64xf32, #tpu.memory_space<vmem_shared>> -> memref<640x64xf32, #tpu.memory_space<vmem_shared>>
        %dma_start3A_200 = arith.constant 0 : i32
        %dma_start3A_201 = tpu.memref_slice %arg3[%mul3A_0, %dma_start3A_200] : memref<10240x64xf32, #tpu.memory_space<hbm>> -> memref<640x64xf32, #tpu.memory_space<hbm>>
        tpu.enqueue_dma source(%dma_start3A_201 : memref<640x64xf32, #tpu.memory_space<hbm>>) target(%dma_start3A_199 : memref<640x64xf32, #tpu.memory_space<vmem_shared>>) target_semaphore(%run_scoped3A : memref<!tpu.dma_semaphore, #tpu.memory_space<semaphore_mem>>)
        %dma_wait3A_202 = arith.constant 0 : i32
        %dma_wait3A_203 = tpu.memref_slice %arg9[%mul3A_0, %dma_wait3A_202] : memref<10240x64xf32, #tpu.memory_space<vmem_shared>> -> memref<640x64xf32, #tpu.memory_space<vmem_shared>>
        %dma_wait3A_204 = arith.constant 0 : i32
        %dma_wait3A_205 = tpu.memref_slice %arg3[%mul3A_0, %dma_wait3A_204] : memref<10240x64xf32, #tpu.memory_space<hbm>> -> memref<640x64xf32, #tpu.memory_space<hbm>>
        tpu.wait_dma2 semaphore(%run_scoped3A : memref<!tpu.dma_semaphore, #tpu.memory_space<semaphore_mem>>) src(%dma_wait3A_205 : memref<640x64xf32, #tpu.memory_space<hbm>>) dst(%dma_wait3A_203 : memref<640x64xf32, #tpu.memory_space<vmem_shared>>)
        tpu.yield
      }) : () -> ()
    } else {
    }
    %mul3A_8 = arith.constant 1280 : i32
    %mul3A_9 = arith.muli %arg0, %mul3A_8 : i32
    %mul3A_10 = arith.constant 80 : i32
    %mul3A_11 = arith.muli %arg1, %mul3A_10 : i32
    %add3A = arith.addi %mul3A_9, %mul3A_11 : i32
    %scan3A = arith.constant 0 : i32
    %scan3A_12 = arith.constant 0 : i32
    %scan3A_13 = arith.constant 128 : i32
    %scan3A_14 = arith.addi %scan3A_12, %scan3A_13 : i32
    %scan3A_15 = arith.constant 1 : i32
    %scan3A_16 = scf.for %scan3A_198 = %scan3A_12 to %scan3A_14 step %scan3A_15 iter_args(%scan3A_199 = %scan3A) -> (i32)  : i32 {
      %scan3A_200 = arith.constant 0 : i32
      %scan3A_201 = arith.constant 0 : i32
      %scan3A_202 = arith.constant 4 : i32
      %scan3A_203 = arith.addi %scan3A_201, %scan3A_202 : i32
      %scan3A_204 = arith.constant 1 : i32
      %scan3A_205 = scf.for %scan3A_207 = %scan3A_201 to %scan3A_203 step %scan3A_204 iter_args(%scan3A_208 = %scan3A_200) -> (i32)  : i32 {
        %broadcast_in_dim3A = arith.constant 0.000000e+00 : f32
        %broadcast_in_dim3A_209 = vector.broadcast %broadcast_in_dim3A : f32 to vector<16xf32>
        %mul3A_210 = arith.constant 16 : i32
        %mul3A_211 = arith.muli %scan3A_207, %mul3A_210 : i32
        %swap3A = arith.index_cast %scan3A_198 : i32 to index
        %swap3A_212 = arith.index_cast %mul3A_211 : i32 to index
        %swap3A_213 = tpu.vector_load %arg12[%swap3A, %swap3A_212] {strides = array<i32>} : memref<128x64xf32, #tpu.memory_space<vmem>>, vector<1x16xf32>,
        %swap3A_214 = vector.shape_cast %swap3A_213 : vector<1x16xf32> to vector<16xf32>
        %swap3A_215 = vector.shape_cast %broadcast_in_dim3A_209 : vector<16xf32> to vector<1x16xf32>
        tpu.vector_store %arg12[%swap3A, %swap3A_212], %swap3A_215 {strides = array<i32>} : memref<128x64xf32, #tpu.memory_space<vmem>>, vector<1x16xf32>,
        %scan3A_216 = arith.constant 0 : i32
        scf.yield %scan3A_216 : i32
      }
      %scan3A_206 = arith.constant 4 : i32
      scf.yield %scan3A_205 : i32
    }
    %scan3A_17 = arith.constant 128 : i32
    %add3A_18 = arith.constant 0 : i32
    %add3A_19 = arith.addi %mul3A_0, %add3A_18 : i32
    "tpu.region"() ({
      %run_scoped3A = tpu.sem_alloc : memref<!tpu.dma_semaphore, #tpu.memory_space<semaphore_mem>>
      %dma_start3A_198 = arith.constant 0 : i32
      %dma_start3A_199 = tpu.memref_slice %arg10[%add3A_19, %dma_start3A_198] : memref<10240x64xf32, #tpu.memory_space<vmem_shared>> -> memref<128x64xf32, #tpu.memory_space<vmem_shared>>
      %dma_start3A_200 = arith.constant 0 : i32
      %dma_start3A_201 = tpu.memref_slice %arg10[%add3A_19, %dma_start3A_200] : memref<10240x64xf32, #tpu.memory_space<vmem_shared>> -> memref<128x64xf32, #tpu.memory_space<vmem_shared>>
      tpu.enqueue_dma source(%arg12 : memref<128x64xf32, #tpu.memory_space<vmem>>) target(%dma_start3A_201 : memref<128x64xf32, #tpu.memory_space<vmem_shared>>) target_semaphore(%run_scoped3A : memref<!tpu.dma_semaphore, #tpu.memory_space<semaphore_mem>>)
      %dma_wait3A_202 = arith.constant 0 : i32
      %dma_wait3A_203 = tpu.memref_slice %arg10[%add3A_19, %dma_wait3A_202] : memref<10240x64xf32, #tpu.memory_space<vmem_shared>> -> memref<128x64xf32, #tpu.memory_space<vmem_shared>>
      %dma_wait3A_204 = arith.constant 0 : i32
      %dma_wait3A_205 = tpu.memref_slice %arg10[%add3A_19, %dma_wait3A_204] : memref<10240x64xf32, #tpu.memory_space<vmem_shared>> -> memref<128x64xf32, #tpu.memory_space<vmem_shared>>
      tpu.wait_dma2 semaphore(%run_scoped3A : memref<!tpu.dma_semaphore, #tpu.memory_space<semaphore_mem>>) src(%arg12 : memref<128x64xf32, #tpu.memory_space<vmem>>) dst(%dma_wait3A_205 : memref<128x64xf32, #tpu.memory_space<vmem_shared>>)
      tpu.yield
    }) : () -> ()
    %add3A_20 = arith.constant 128 : i32
    %add3A_21 = arith.addi %mul3A_0, %add3A_20 : i32
    "tpu.region"() ({
      %run_scoped3A = tpu.sem_alloc : memref<!tpu.dma_semaphore, #tpu.memory_space<semaphore_mem>>
      %dma_start3A_198 = arith.constant 0 : i32
      %dma_start3A_199 = tpu.memref_slice %arg10[%add3A_21, %dma_start3A_198] : memref<10240x64xf32, #tpu.memory_space<vmem_shared>> -> memref<128x64xf32, #tpu.memory_space<vmem_shared>>
      %dma_start3A_200 = arith.constant 0 : i32
      %dma_start3A_201 = tpu.memref_slice %arg10[%add3A_21, %dma_start3A_200] : memref<10240x64xf32, #tpu.memory_space<vmem_shared>> -> memref<128x64xf32, #tpu.memory_space<vmem_shared>>
      tpu.enqueue_dma source(%arg12 : memref<128x64xf32, #tpu.memory_space<vmem>>) target(%dma_start3A_201 : memref<128x64xf32, #tpu.memory_space<vmem_shared>>) target_semaphore(%run_scoped3A : memref<!tpu.dma_semaphore, #tpu.memory_space<semaphore_mem>>)
      %dma_wait3A_202 = arith.constant 0 : i32
      %dma_wait3A_203 = tpu.memref_slice %arg10[%add3A_21, %dma_wait3A_202] : memref<10240x64xf32, #tpu.memory_space<vmem_shared>> -> memref<128x64xf32, #tpu.memory_space<vmem_shared>>
      %dma_wait3A_204 = arith.constant 0 : i32
      %dma_wait3A_205 = tpu.memref_slice %arg10[%add3A_21, %dma_wait3A_204] : memref<10240x64xf32, #tpu.memory_space<vmem_shared>> -> memref<128x64xf32, #tpu.memory_space<vmem_shared>>
      tpu.wait_dma2 semaphore(%run_scoped3A : memref<!tpu.dma_semaphore, #tpu.memory_space<semaphore_mem>>) src(%arg12 : memref<128x64xf32, #tpu.memory_space<vmem>>) dst(%dma_wait3A_205 : memref<128x64xf32, #tpu.memory_space<vmem_shared>>)
      tpu.yield
    }) : () -> ()
    %add3A_22 = arith.constant 256 : i32
    %add3A_23 = arith.addi %mul3A_0, %add3A_22 : i32
    "tpu.region"() ({
      %run_scoped3A = tpu.sem_alloc : memref<!tpu.dma_semaphore, #tpu.memory_space<semaphore_mem>>
      %dma_start3A_198 = arith.constant 0 : i32
      %dma_start3A_199 = tpu.memref_slice %arg10[%add3A_23, %dma_start3A_198] : memref<10240x64xf32, #tpu.memory_space<vmem_shared>> -> memref<128x64xf32, #tpu.memory_space<vmem_shared>>
      %dma_start3A_200 = arith.constant 0 : i32
      %dma_start3A_201 = tpu.memref_slice %arg10[%add3A_23, %dma_start3A_200] : memref<10240x64xf32, #tpu.memory_space<vmem_shared>> -> memref<128x64xf32, #tpu.memory_space<vmem_shared>>
      tpu.enqueue_dma source(%arg12 : memref<128x64xf32, #tpu.memory_space<vmem>>) target(%dma_start3A_201 : memref<128x64xf32, #tpu.memory_space<vmem_shared>>) target_semaphore(%run_scoped3A : memref<!tpu.dma_semaphore, #tpu.memory_space<semaphore_mem>>)
      %dma_wait3A_202 = arith.constant 0 : i32
      %dma_wait3A_203 = tpu.memref_slice %arg10[%add3A_23, %dma_wait3A_202] : memref<10240x64xf32, #tpu.memory_space<vmem_shared>> -> memref<128x64xf32, #tpu.memory_space<vmem_shared>>
      %dma_wait3A_204 = arith.constant 0 : i32
      %dma_wait3A_205 = tpu.memref_slice %arg10[%add3A_23, %dma_wait3A_204] : memref<10240x64xf32, #tpu.memory_space<vmem_shared>> -> memref<128x64xf32, #tpu.memory_space<vmem_shared>>
      tpu.wait_dma2 semaphore(%run_scoped3A : memref<!tpu.dma_semaphore, #tpu.memory_space<semaphore_mem>>) src(%arg12 : memref<128x64xf32, #tpu.memory_space<vmem>>) dst(%dma_wait3A_205 : memref<128x64xf32, #tpu.memory_space<vmem_shared>>)
      tpu.yield
    }) : () -> ()
    %add3A_24 = arith.constant 384 : i32
    %add3A_25 = arith.addi %mul3A_0, %add3A_24 : i32
    "tpu.region"() ({
      %run_scoped3A = tpu.sem_alloc : memref<!tpu.dma_semaphore, #tpu.memory_space<semaphore_mem>>
      %dma_start3A_198 = arith.constant 0 : i32
      %dma_start3A_199 = tpu.memref_slice %arg10[%add3A_25, %dma_start3A_198] : memref<10240x64xf32, #tpu.memory_space<vmem_shared>> -> memref<128x64xf32, #tpu.memory_space<vmem_shared>>
      %dma_start3A_200 = arith.constant 0 : i32
      %dma_start3A_201 = tpu.memref_slice %arg10[%add3A_25, %dma_start3A_200] : memref<10240x64xf32, #tpu.memory_space<vmem_shared>> -> memref<128x64xf32, #tpu.memory_space<vmem_shared>>
      tpu.enqueue_dma source(%arg12 : memref<128x64xf32, #tpu.memory_space<vmem>>) target(%dma_start3A_201 : memref<128x64xf32, #tpu.memory_space<vmem_shared>>) target_semaphore(%run_scoped3A : memref<!tpu.dma_semaphore, #tpu.memory_space<semaphore_mem>>)
      %dma_wait3A_202 = arith.constant 0 : i32
      %dma_wait3A_203 = tpu.memref_slice %arg10[%add3A_25, %dma_wait3A_202] : memref<10240x64xf32, #tpu.memory_space<vmem_shared>> -> memref<128x64xf32, #tpu.memory_space<vmem_shared>>
      %dma_wait3A_204 = arith.constant 0 : i32
      %dma_wait3A_205 = tpu.memref_slice %arg10[%add3A_25, %dma_wait3A_204] : memref<10240x64xf32, #tpu.memory_space<vmem_shared>> -> memref<128x64xf32, #tpu.memory_space<vmem_shared>>
      tpu.wait_dma2 semaphore(%run_scoped3A : memref<!tpu.dma_semaphore, #tpu.memory_space<semaphore_mem>>) src(%arg12 : memref<128x64xf32, #tpu.memory_space<vmem>>) dst(%dma_wait3A_205 : memref<128x64xf32, #tpu.memory_space<vmem_shared>>)
      tpu.yield
    }) : () -> ()
    %add3A_26 = arith.constant 512 : i32
    %add3A_27 = arith.addi %mul3A_0, %add3A_26 : i32
    "tpu.region"() ({
      %run_scoped3A = tpu.sem_alloc : memref<!tpu.dma_semaphore, #tpu.memory_space<semaphore_mem>>
      %dma_start3A_198 = arith.constant 0 : i32
      %dma_start3A_199 = tpu.memref_slice %arg10[%add3A_27, %dma_start3A_198] : memref<10240x64xf32, #tpu.memory_space<vmem_shared>> -> memref<128x64xf32, #tpu.memory_space<vmem_shared>>
      %dma_start3A_200 = arith.constant 0 : i32
      %dma_start3A_201 = tpu.memref_slice %arg10[%add3A_27, %dma_start3A_200] : memref<10240x64xf32, #tpu.memory_space<vmem_shared>> -> memref<128x64xf32, #tpu.memory_space<vmem_shared>>
      tpu.enqueue_dma source(%arg12 : memref<128x64xf32, #tpu.memory_space<vmem>>) target(%dma_start3A_201 : memref<128x64xf32, #tpu.memory_space<vmem_shared>>) target_semaphore(%run_scoped3A : memref<!tpu.dma_semaphore, #tpu.memory_space<semaphore_mem>>)
      %dma_wait3A_202 = arith.constant 0 : i32
      %dma_wait3A_203 = tpu.memref_slice %arg10[%add3A_27, %dma_wait3A_202] : memref<10240x64xf32, #tpu.memory_space<vmem_shared>> -> memref<128x64xf32, #tpu.memory_space<vmem_shared>>
      %dma_wait3A_204 = arith.constant 0 : i32
      %dma_wait3A_205 = tpu.memref_slice %arg10[%add3A_27, %dma_wait3A_204] : memref<10240x64xf32, #tpu.memory_space<vmem_shared>> -> memref<128x64xf32, #tpu.memory_space<vmem_shared>>
      tpu.wait_dma2 semaphore(%run_scoped3A : memref<!tpu.dma_semaphore, #tpu.memory_space<semaphore_mem>>) src(%arg12 : memref<128x64xf32, #tpu.memory_space<vmem>>) dst(%dma_wait3A_205 : memref<128x64xf32, #tpu.memory_space<vmem_shared>>)
      tpu.yield
    }) : () -> ()
    %barrier3A = arith.constant 0 : index
    tpu.barrier barrier_id(%barrier3A)
    %add3A_28 = arith.constant 0 : i32
    %add3A_29 = arith.addi %add3A, %add3A_28 : i32
    %dma_start3A = arith.constant 0 : i32
    %dma_start3A_30 = arith.constant 0 : i32
    %dma_start3A_31 = arith.constant 0 : i32
    %dma_start3A_32 = tpu.memref_slice %arg7[%dma_start3A, %dma_start3A_30, %dma_start3A_31] : memref<4x4x128xi32, #tpu.memory_space<vmem>> -> memref<1x4x128xi32, #tpu.memory_space<vmem>>
    %dma_start3A_33 = tpu.memref_squeeze %dma_start3A_32 : memref<1x4x128xi32, #tpu.memory_space<vmem>> -> memref<4x128xi32, #tpu.memory_space<vmem>>
    %dma_start3A_34 = arith.constant 0 : i32
    %dma_start3A_35 = tpu.memref_slice %arg4[%add3A_29, %dma_start3A_34] : memref<2560x128xi32, #tpu.memory_space<hbm>> -> memref<4x128xi32, #tpu.memory_space<hbm>>
    %dma_start3A_36 = arith.constant 0 : i32
    %dma_start3A_37 = arith.constant 0 : i32
    %dma_start3A_38 = tpu.memref_slice %arg7[%dma_start3A, %dma_start3A_36, %dma_start3A_37] : memref<4x4x128xi32, #tpu.memory_space<vmem>> -> memref<1x4x128xi32, #tpu.memory_space<vmem>>
    %dma_start3A_39 = tpu.memref_squeeze %dma_start3A_38 : memref<1x4x128xi32, #tpu.memory_space<vmem>> -> memref<4x128xi32, #tpu.memory_space<vmem>>
    %dma_start3A_40 = arith.constant 0 : i32
    %dma_start3A_41 = tpu.memref_slice %arg4[%add3A_29, %dma_start3A_40] : memref<2560x128xi32, #tpu.memory_space<hbm>> -> memref<4x128xi32, #tpu.memory_space<hbm>>
    tpu.enqueue_dma source(%dma_start3A_41 : memref<4x128xi32, #tpu.memory_space<hbm>>) target(%dma_start3A_39 : memref<4x128xi32, #tpu.memory_space<vmem>>) target_semaphore(%arg11 : memref<!tpu.dma_semaphore, #tpu.memory_space<semaphore_mem>>)
    %add3A_42 = arith.constant 0 : i32
    %add3A_43 = arith.addi %add3A, %add3A_42 : i32
    %dma_start3A_44 = arith.constant 0 : i32
    %dma_start3A_45 = arith.constant 0 : i32
    %dma_start3A_46 = arith.constant 0 : i32
    %dma_start3A_47 = tpu.memref_slice %arg8[%dma_start3A_44, %dma_start3A_45, %dma_start3A_46] : memref<4x4x128xi32, #tpu.memory_space<vmem>> -> memref<1x4x128xi32, #tpu.memory_space<vmem>>
    %dma_start3A_48 = tpu.memref_squeeze %dma_start3A_47 : memref<1x4x128xi32, #tpu.memory_space<vmem>> -> memref<4x128xi32, #tpu.memory_space<vmem>>
    %dma_start3A_49 = arith.constant 0 : i32
    %dma_start3A_50 = tpu.memref_slice %arg5[%add3A_43, %dma_start3A_49] : memref<2560x128xi32, #tpu.memory_space<hbm>> -> memref<4x128xi32, #tpu.memory_space<hbm>>
    %dma_start3A_51 = arith.constant 0 : i32
    %dma_start3A_52 = arith.constant 0 : i32
    %dma_start3A_53 = tpu.memref_slice %arg8[%dma_start3A_44, %dma_start3A_51, %dma_start3A_52] : memref<4x4x128xi32, #tpu.memory_space<vmem>> -> memref<1x4x128xi32, #tpu.memory_space<vmem>>
    %dma_start3A_54 = tpu.memref_squeeze %dma_start3A_53 : memref<1x4x128xi32, #tpu.memory_space<vmem>> -> memref<4x128xi32, #tpu.memory_space<vmem>>
    %dma_start3A_55 = arith.constant 0 : i32
    %dma_start3A_56 = tpu.memref_slice %arg5[%add3A_43, %dma_start3A_55] : memref<2560x128xi32, #tpu.memory_space<hbm>> -> memref<4x128xi32, #tpu.memory_space<hbm>>
    tpu.enqueue_dma source(%dma_start3A_56 : memref<4x128xi32, #tpu.memory_space<hbm>>) target(%dma_start3A_54 : memref<4x128xi32, #tpu.memory_space<vmem>>) target_semaphore(%arg11 : memref<!tpu.dma_semaphore, #tpu.memory_space<semaphore_mem>>)
    %add3A_57 = arith.constant 0 : i32
    %add3A_58 = arith.addi %add3A, %add3A_57 : i32
    %dma_wait3A = arith.constant 0 : i32
    %dma_wait3A_59 = arith.constant 0 : i32
    %dma_wait3A_60 = arith.constant 0 : i32
    %dma_wait3A_61 = tpu.memref_slice %arg7[%dma_wait3A, %dma_wait3A_59, %dma_wait3A_60] : memref<4x4x128xi32, #tpu.memory_space<vmem>> -> memref<1x4x128xi32, #tpu.memory_space<vmem>>
    %dma_wait3A_62 = tpu.memref_squeeze %dma_wait3A_61 : memref<1x4x128xi32, #tpu.memory_space<vmem>> -> memref<4x128xi32, #tpu.memory_space<vmem>>
    %dma_wait3A_63 = arith.constant 0 : i32
    %dma_wait3A_64 = tpu.memref_slice %arg4[%add3A_58, %dma_wait3A_63] : memref<2560x128xi32, #tpu.memory_space<hbm>> -> memref<4x128xi32, #tpu.memory_space<hbm>>
    %dma_wait3A_65 = arith.constant 0 : i32
    %dma_wait3A_66 = arith.constant 0 : i32
    %dma_wait3A_67 = tpu.memref_slice %arg7[%dma_wait3A, %dma_wait3A_65, %dma_wait3A_66] : memref<4x4x128xi32, #tpu.memory_space<vmem>> -> memref<1x4x128xi32, #tpu.memory_space<vmem>>
    %dma_wait3A_68 = tpu.memref_squeeze %dma_wait3A_67 : memref<1x4x128xi32, #tpu.memory_space<vmem>> -> memref<4x128xi32, #tpu.memory_space<vmem>>
    %dma_wait3A_69 = arith.constant 0 : i32
    %dma_wait3A_70 = tpu.memref_slice %arg4[%add3A_58, %dma_wait3A_69] : memref<2560x128xi32, #tpu.memory_space<hbm>> -> memref<4x128xi32, #tpu.memory_space<hbm>>
    tpu.wait_dma2 semaphore(%arg11 : memref<!tpu.dma_semaphore, #tpu.memory_space<semaphore_mem>>) src(%dma_wait3A_70 : memref<4x128xi32, #tpu.memory_space<hbm>>) dst(%dma_wait3A_68 : memref<4x128xi32, #tpu.memory_space<vmem>>)
    %add3A_71 = arith.constant 0 : i32
    %add3A_72 = arith.addi %add3A, %add3A_71 : i32
    %dma_wait3A_73 = arith.constant 0 : i32
    %dma_wait3A_74 = arith.constant 0 : i32
    %dma_wait3A_75 = arith.constant 0 : i32
    %dma_wait3A_76 = tpu.memref_slice %arg8[%dma_wait3A_73, %dma_wait3A_74, %dma_wait3A_75] : memref<4x4x128xi32, #tpu.memory_space<vmem>> -> memref<1x4x128xi32, #tpu.memory_space<vmem>>
    %dma_wait3A_77 = tpu.memref_squeeze %dma_wait3A_76 : memref<1x4x128xi32, #tpu.memory_space<vmem>> -> memref<4x128xi32, #tpu.memory_space<vmem>>
    %dma_wait3A_78 = arith.constant 0 : i32
    %dma_wait3A_79 = tpu.memref_slice %arg5[%add3A_72, %dma_wait3A_78] : memref<2560x128xi32, #tpu.memory_space<hbm>> -> memref<4x128xi32, #tpu.memory_space<hbm>>
    %dma_wait3A_80 = arith.constant 0 : i32
    %dma_wait3A_81 = arith.constant 0 : i32
    %dma_wait3A_82 = tpu.memref_slice %arg8[%dma_wait3A_73, %dma_wait3A_80, %dma_wait3A_81] : memref<4x4x128xi32, #tpu.memory_space<vmem>> -> memref<1x4x128xi32, #tpu.memory_space<vmem>>
    %dma_wait3A_83 = tpu.memref_squeeze %dma_wait3A_82 : memref<1x4x128xi32, #tpu.memory_space<vmem>> -> memref<4x128xi32, #tpu.memory_space<vmem>>
    %dma_wait3A_84 = arith.constant 0 : i32
    %dma_wait3A_85 = tpu.memref_slice %arg5[%add3A_72, %dma_wait3A_84] : memref<2560x128xi32, #tpu.memory_space<hbm>> -> memref<4x128xi32, #tpu.memory_space<hbm>>
    tpu.wait_dma2 semaphore(%arg11 : memref<!tpu.dma_semaphore, #tpu.memory_space<semaphore_mem>>) src(%dma_wait3A_85 : memref<4x128xi32, #tpu.memory_space<hbm>>) dst(%dma_wait3A_83 : memref<4x128xi32, #tpu.memory_space<vmem>>)
    %add3A_86 = arith.constant 4 : i32
    %add3A_87 = arith.addi %add3A, %add3A_86 : i32
    %dma_start3A_88 = arith.constant 1 : i32
    %dma_start3A_89 = arith.constant 0 : i32
    %dma_start3A_90 = arith.constant 0 : i32
    %dma_start3A_91 = tpu.memref_slice %arg7[%dma_start3A_88, %dma_start3A_89, %dma_start3A_90] : memref<4x4x128xi32, #tpu.memory_space<vmem>> -> memref<1x4x128xi32, #tpu.memory_space<vmem>>
    %dma_start3A_92 = tpu.memref_squeeze %dma_start3A_91 : memref<1x4x128xi32, #tpu.memory_space<vmem>> -> memref<4x128xi32, #tpu.memory_space<vmem>>
    %dma_start3A_93 = arith.constant 0 : i32
    %dma_start3A_94 = tpu.memref_slice %arg4[%add3A_87, %dma_start3A_93] : memref<2560x128xi32, #tpu.memory_space<hbm>> -> memref<4x128xi32, #tpu.memory_space<hbm>>
    %dma_start3A_95 = arith.constant 0 : i32
    %dma_start3A_96 = arith.constant 0 : i32
    %dma_start3A_97 = tpu.memref_slice %arg7[%dma_start3A_88, %dma_start3A_95, %dma_start3A_96] : memref<4x4x128xi32, #tpu.memory_space<vmem>> -> memref<1x4x128xi32, #tpu.memory_space<vmem>>
    %dma_start3A_98 = tpu.memref_squeeze %dma_start3A_97 : memref<1x4x128xi32, #tpu.memory_space<vmem>> -> memref<4x128xi32, #tpu.memory_space<vmem>>
    %dma_start3A_99 = arith.constant 0 : i32
    %dma_start3A_100 = tpu.memref_slice %arg4[%add3A_87, %dma_start3A_99] : memref<2560x128xi32, #tpu.memory_space<hbm>> -> memref<4x128xi32, #tpu.memory_space<hbm>>
    tpu.enqueue_dma source(%dma_start3A_100 : memref<4x128xi32, #tpu.memory_space<hbm>>) target(%dma_start3A_98 : memref<4x128xi32, #tpu.memory_space<vmem>>) target_semaphore(%arg11 : memref<!tpu.dma_semaphore, #tpu.memory_space<semaphore_mem>>)
    %add3A_101 = arith.constant 4 : i32
    %add3A_102 = arith.addi %add3A, %add3A_101 : i32
    %dma_start3A_103 = arith.constant 1 : i32
    %dma_start3A_104 = arith.constant 0 : i32
    %dma_start3A_105 = arith.constant 0 : i32
    %dma_start3A_106 = tpu.memref_slice %arg8[%dma_start3A_103, %dma_start3A_104, %dma_start3A_105] : memref<4x4x128xi32, #tpu.memory_space<vmem>> -> memref<1x4x128xi32, #tpu.memory_space<vmem>>
    %dma_start3A_107 = tpu.memref_squeeze %dma_start3A_106 : memref<1x4x128xi32, #tpu.memory_space<vmem>> -> memref<4x128xi32, #tpu.memory_space<vmem>>
    %dma_start3A_108 = arith.constant 0 : i32
    %dma_start3A_109 = tpu.memref_slice %arg5[%add3A_102, %dma_start3A_108] : memref<2560x128xi32, #tpu.memory_space<hbm>> -> memref<4x128xi32, #tpu.memory_space<hbm>>
    %dma_start3A_110 = arith.constant 0 : i32
    %dma_start3A_111 = arith.constant 0 : i32
    %dma_start3A_112 = tpu.memref_slice %arg8[%dma_start3A_103, %dma_start3A_110, %dma_start3A_111] : memref<4x4x128xi32, #tpu.memory_space<vmem>> -> memref<1x4x128xi32, #tpu.memory_space<vmem>>
    %dma_start3A_113 = tpu.memref_squeeze %dma_start3A_112 : memref<1x4x128xi32, #tpu.memory_space<vmem>> -> memref<4x128xi32, #tpu.memory_space<vmem>>
    %dma_start3A_114 = arith.constant 0 : i32
    %dma_start3A_115 = tpu.memref_slice %arg5[%add3A_102, %dma_start3A_114] : memref<2560x128xi32, #tpu.memory_space<hbm>> -> memref<4x128xi32, #tpu.memory_space<hbm>>
    tpu.enqueue_dma source(%dma_start3A_115 : memref<4x128xi32, #tpu.memory_space<hbm>>) target(%dma_start3A_113 : memref<4x128xi32, #tpu.memory_space<vmem>>) target_semaphore(%arg11 : memref<!tpu.dma_semaphore, #tpu.memory_space<semaphore_mem>>)
    %dma_start3A_116 = arith.constant 0 : i32
    %dma_start3A_117 = arith.constant 0 : i32
    %dma_start3A_118 = arith.constant 0 : i32
    %dma_start3A_119 = tpu.memref_slice %arg7[%dma_start3A_116, %dma_start3A_117, %dma_start3A_118] : memref<4x4x128xi32, #tpu.memory_space<vmem>> -> memref<1x1x128xi32, #tpu.memory_space<vmem>>
    %dma_start3A_120 = tpu.memref_squeeze %dma_start3A_119 : memref<1x1x128xi32, #tpu.memory_space<vmem>> -> memref<128xi32, #tpu.memory_space<vmem>>
    %dma_start3A_121 = arith.constant 0 : i32
    %dma_start3A_122 = arith.constant 0 : i32
    %dma_start3A_123 = tpu.memref_slice %arg9[%dma_start3A_121, %dma_start3A_122] : memref<10240x64xf32, #tpu.memory_space<vmem_shared>> -> memref<10240x64xf32, #tpu.memory_space<vmem_shared>>
    tpu.enqueue_indirect_dma source(%dma_start3A_123 : memref<10240x64xf32, #tpu.memory_space<vmem_shared>>) target(%arg12 : memref<128x64xf32, #tpu.memory_space<vmem>>) offsets(%dma_start3A_120 : memref<128xi32, #tpu.memory_space<vmem>>) semaphore(%arg17 : memref<!tpu.dma_semaphore, #tpu.memory_space<semaphore_mem>>)
    %dma_start3A_124 = arith.constant 0 : i32
    %dma_start3A_125 = arith.constant 1 : i32
    %dma_start3A_126 = arith.constant 0 : i32
    %dma_start3A_127 = tpu.memref_slice %arg7[%dma_start3A_124, %dma_start3A_125, %dma_start3A_126] : memref<4x4x128xi32, #tpu.memory_space<vmem>> -> memref<1x1x128xi32, #tpu.memory_space<vmem>>
    %dma_start3A_128 = tpu.memref_squeeze %dma_start3A_127 : memref<1x1x128xi32, #tpu.memory_space<vmem>> -> memref<128xi32, #tpu.memory_space<vmem>>
    %dma_start3A_129 = arith.constant 0 : i32
    %dma_start3A_130 = arith.constant 0 : i32
    %dma_start3A_131 = tpu.memref_slice %arg9[%dma_start3A_129, %dma_start3A_130] : memref<10240x64xf32, #tpu.memory_space<vmem_shared>> -> memref<10240x64xf32, #tpu.memory_space<vmem_shared>>
    tpu.enqueue_indirect_dma source(%dma_start3A_131 : memref<10240x64xf32, #tpu.memory_space<vmem_shared>>) target(%arg13 : memref<128x64xf32, #tpu.memory_space<vmem>>) offsets(%dma_start3A_128 : memref<128xi32, #tpu.memory_space<vmem>>) semaphore(%arg18 : memref<!tpu.dma_semaphore, #tpu.memory_space<semaphore_mem>>)
    %dma_start3A_132 = arith.constant 0 : i32
    %dma_start3A_133 = arith.constant 2 : i32
    %dma_start3A_134 = arith.constant 0 : i32
    %dma_start3A_135 = tpu.memref_slice %arg7[%dma_start3A_132, %dma_start3A_133, %dma_start3A_134] : memref<4x4x128xi32, #tpu.memory_space<vmem>> -> memref<1x1x128xi32, #tpu.memory_space<vmem>>
    %dma_start3A_136 = tpu.memref_squeeze %dma_start3A_135 : memref<1x1x128xi32, #tpu.memory_space<vmem>> -> memref<128xi32, #tpu.memory_space<vmem>>
    %dma_start3A_137 = arith.constant 0 : i32
    %dma_start3A_138 = arith.constant 0 : i32
    %dma_start3A_139 = tpu.memref_slice %arg9[%dma_start3A_137, %dma_start3A_138] : memref<10240x64xf32, #tpu.memory_space<vmem_shared>> -> memref<10240x64xf32, #tpu.memory_space<vmem_shared>>
    tpu.enqueue_indirect_dma source(%dma_start3A_139 : memref<10240x64xf32, #tpu.memory_space<vmem_shared>>) target(%arg14 : memref<128x64xf32, #tpu.memory_space<vmem>>) offsets(%dma_start3A_136 : memref<128xi32, #tpu.memory_space<vmem>>) semaphore(%arg19 : memref<!tpu.dma_semaphore, #tpu.memory_space<semaphore_mem>>)
    %scan3A_140 = arith.constant 0 : i32
    %scan3A_141 = arith.constant 0 : i32
    %scan3A_142 = arith.constant 16 : i32
    %scan3A_143 = arith.addi %scan3A_141, %scan3A_142 : i32
    %scan3A_144 = arith.constant 1 : i32
    %scan3A_145 = scf.for %scan3A_198 = %scan3A_141 to %scan3A_143 step %scan3A_144 iter_args(%scan3A_199 = %scan3A_140) -> (i32)  : i32 {
      %mul3A_200 = arith.constant 5 : i32
      %mul3A_201 = arith.muli %scan3A_198, %mul3A_200 : i32
      %add3A_202 = arith.constant 0 : i32
      %add3A_203 = arith.addi %mul3A_201, %add3A_202 : i32
      %rem3A = arith.constant 4 : i32
      %rem3A_204 = arith.remsi %add3A_203, %rem3A : i32
      %jit3A = arith.constant 4 : i32
      %div3A = arith.divsi %add3A_203, %jit3A : i32
      %sign3A = arith.constant 0 : i32
      %sign3A_205 = arith.cmpi sgt, %add3A_203, %sign3A : i32
      %sign3A_206 = arith.extui %sign3A_205 : i1 to i32
      %sign3A_207 = arith.constant 0 : i32
      %sign3A_208 = arith.cmpi slt, %add3A_203, %sign3A_207 : i32
      %sign3A_209 = arith.extui %sign3A_208 : i1 to i32
      %sign3A_210 = arith.subi %sign3A_206, %sign3A_209 : i32
      %sign3A_211 = arith.constant 0 : i32
      %sign3A_212 = arith.cmpi sgt, %jit3A, %sign3A_211 : i32
      %sign3A_213 = arith.extui %sign3A_212 : i1 to i32
      %sign3A_214 = arith.constant 0 : i32
      %sign3A_215 = arith.cmpi slt, %jit3A, %sign3A_214 : i32
      %sign3A_216 = arith.extui %sign3A_215 : i1 to i32
      %sign3A_217 = arith.subi %sign3A_213, %sign3A_216 : i32
      %ne3A = arith.cmpi ne, %sign3A_210, %sign3A_217 : i32
      %rem3A_218 = arith.remsi %add3A_203, %jit3A : i32
      %ne3A_219 = arith.constant 0 : i32
      %ne3A_220 = arith.cmpi ne, %rem3A_218, %ne3A_219 : i32
      %and3A = arith.andi %ne3A, %ne3A_220 : i1
      %sub3A = arith.constant 1 : i32
      %sub3A_221 = arith.subi %div3A, %sub3A : i32
      %select_n3A = arith.select %and3A, %sub3A_221, %div3A : i32
      %eq3A_222 = arith.constant 0 : i32
      %eq3A_223 = arith.cmpi eq, %rem3A_204, %eq3A_222 : i32
      %add3A_224 = arith.constant 1 : i32
      %add3A_225 = arith.addi %select_n3A, %add3A_224 : i32
      %lt3A = arith.constant 20 : i32
      %lt3A_226 = arith.cmpi slt, %add3A_225, %lt3A : i32
      %and3A_227 = arith.andi %eq3A_223, %lt3A_226 : i1
      %convert_element_type3A_228 = arith.extui %and3A_227 : i1 to i32
      %cond3A_229 = arith.constant 0 : i32
      %cond3A_230 = arith.cmpi ne, %convert_element_type3A_228, %cond3A_229 : i32
      scf.if %cond3A_230 {
        %add3A_677 = arith.constant 1 : i32
        %add3A_678 = arith.addi %select_n3A, %add3A_677 : i32
        %add3A_679 = arith.constant 1 : i32
        %add3A_680 = arith.addi %select_n3A, %add3A_679 : i32
        %rem3A_681 = arith.constant 4 : i32
        %rem3A_682 = arith.remsi %add3A_680, %rem3A_681 : i32
        %mul3A_683 = arith.constant 4 : i32
        %mul3A_684 = arith.muli %add3A_678, %mul3A_683 : i32
        %add3A_685 = arith.addi %add3A, %mul3A_684 : i32
        %dma_wait3A_686 = arith.constant 0 : i32
        %dma_wait3A_687 = arith.constant 0 : i32
        %dma_wait3A_688 = tpu.memref_slice %arg7[%rem3A_682, %dma_wait3A_686, %dma_wait3A_687] : memref<4x4x128xi32, #tpu.memory_space<vmem>> -> memref<1x4x128xi32, #tpu.memory_space<vmem>>
        %dma_wait3A_689 = tpu.memref_squeeze %dma_wait3A_688 : memref<1x4x128xi32, #tpu.memory_space<vmem>> -> memref<4x128xi32, #tpu.memory_space<vmem>>
        %dma_wait3A_690 = arith.constant 0 : i32
        %dma_wait3A_691 = tpu.memref_slice %arg4[%add3A_685, %dma_wait3A_690] : memref<2560x128xi32, #tpu.memory_space<hbm>> -> memref<4x128xi32, #tpu.memory_space<hbm>>
        %dma_wait3A_692 = arith.constant 0 : i32
        %dma_wait3A_693 = arith.constant 0 : i32
        %dma_wait3A_694 = tpu.memref_slice %arg7[%rem3A_682, %dma_wait3A_692, %dma_wait3A_693] : memref<4x4x128xi32, #tpu.memory_space<vmem>> -> memref<1x4x128xi32, #tpu.memory_space<vmem>>
        %dma_wait3A_695 = tpu.memref_squeeze %dma_wait3A_694 : memref<1x4x128xi32, #tpu.memory_space<vmem>> -> memref<4x128xi32, #tpu.memory_space<vmem>>
        %dma_wait3A_696 = arith.constant 0 : i32
        %dma_wait3A_697 = tpu.memref_slice %arg4[%add3A_685, %dma_wait3A_696] : memref<2560x128xi32, #tpu.memory_space<hbm>> -> memref<4x128xi32, #tpu.memory_space<hbm>>
        tpu.wait_dma2 semaphore(%arg11 : memref<!tpu.dma_semaphore, #tpu.memory_space<semaphore_mem>>) src(%dma_wait3A_697 : memref<4x128xi32, #tpu.memory_space<hbm>>) dst(%dma_wait3A_695 : memref<4x128xi32, #tpu.memory_space<vmem>>)
        %mul3A_698 = arith.constant 4 : i32
        %mul3A_699 = arith.muli %add3A_678, %mul3A_698 : i32
        %add3A_700 = arith.addi %add3A, %mul3A_699 : i32
        %dma_wait3A_701 = arith.constant 0 : i32
        %dma_wait3A_702 = arith.constant 0 : i32
        %dma_wait3A_703 = tpu.memref_slice %arg8[%rem3A_682, %dma_wait3A_701, %dma_wait3A_702] : memref<4x4x128xi32, #tpu.memory_space<vmem>> -> memref<1x4x128xi32, #tpu.memory_space<vmem>>
        %dma_wait3A_704 = tpu.memref_squeeze %dma_wait3A_703 : memref<1x4x128xi32, #tpu.memory_space<vmem>> -> memref<4x128xi32, #tpu.memory_space<vmem>>
        %dma_wait3A_705 = arith.constant 0 : i32
        %dma_wait3A_706 = tpu.memref_slice %arg5[%add3A_700, %dma_wait3A_705] : memref<2560x128xi32, #tpu.memory_space<hbm>> -> memref<4x128xi32, #tpu.memory_space<hbm>>
        %dma_wait3A_707 = arith.constant 0 : i32
        %dma_wait3A_708 = arith.constant 0 : i32
        %dma_wait3A_709 = tpu.memref_slice %arg8[%rem3A_682, %dma_wait3A_707, %dma_wait3A_708] : memref<4x4x128xi32, #tpu.memory_space<vmem>> -> memref<1x4x128xi32, #tpu.memory_space<vmem>>
        %dma_wait3A_710 = tpu.memref_squeeze %dma_wait3A_709 : memref<1x4x128xi32, #tpu.memory_space<vmem>> -> memref<4x128xi32, #tpu.memory_space<vmem>>
        %dma_wait3A_711 = arith.constant 0 : i32
        %dma_wait3A_712 = tpu.memref_slice %arg5[%add3A_700, %dma_wait3A_711] : memref<2560x128xi32, #tpu.memory_space<hbm>> -> memref<4x128xi32, #tpu.memory_space<hbm>>
        tpu.wait_dma2 semaphore(%arg11 : memref<!tpu.dma_semaphore, #tpu.memory_space<semaphore_mem>>) src(%dma_wait3A_712 : memref<4x128xi32, #tpu.memory_space<hbm>>) dst(%dma_wait3A_710 : memref<4x128xi32, #tpu.memory_space<vmem>>)
      } else {
      }
      %eq3A_231 = arith.constant 0 : i32
      %eq3A_232 = arith.cmpi eq, %rem3A_204, %eq3A_231 : i32
      %add3A_233 = arith.constant 2 : i32
      %add3A_234 = arith.addi %select_n3A, %add3A_233 : i32
      %lt3A_235 = arith.constant 20 : i32
      %lt3A_236 = arith.cmpi slt, %add3A_234, %lt3A_235 : i32
      %and3A_237 = arith.andi %eq3A_232, %lt3A_236 : i1
      %convert_element_type3A_238 = arith.extui %and3A_237 : i1 to i32
      %cond3A_239 = arith.constant 0 : i32
      %cond3A_240 = arith.cmpi ne, %convert_element_type3A_238, %cond3A_239 : i32
      scf.if %cond3A_240 {
        %add3A_677 = arith.constant 2 : i32
        %add3A_678 = arith.addi %select_n3A, %add3A_677 : i32
        %add3A_679 = arith.constant 2 : i32
        %add3A_680 = arith.addi %select_n3A, %add3A_679 : i32
        %rem3A_681 = arith.constant 4 : i32
        %rem3A_682 = arith.remsi %add3A_680, %rem3A_681 : i32
        %mul3A_683 = arith.constant 4 : i32
        %mul3A_684 = arith.muli %add3A_678, %mul3A_683 : i32
        %add3A_685 = arith.addi %add3A, %mul3A_684 : i32
        %dma_start3A_686 = arith.constant 0 : i32
        %dma_start3A_687 = arith.constant 0 : i32
        %dma_start3A_688 = tpu.memref_slice %arg7[%rem3A_682, %dma_start3A_686, %dma_start3A_687] : memref<4x4x128xi32, #tpu.memory_space<vmem>> -> memref<1x4x128xi32, #tpu.memory_space<vmem>>
        %dma_start3A_689 = tpu.memref_squeeze %dma_start3A_688 : memref<1x4x128xi32, #tpu.memory_space<vmem>> -> memref<4x128xi32, #tpu.memory_space<vmem>>
        %dma_start3A_690 = arith.constant 0 : i32
        %dma_start3A_691 = tpu.memref_slice %arg4[%add3A_685, %dma_start3A_690] : memref<2560x128xi32, #tpu.memory_space<hbm>> -> memref<4x128xi32, #tpu.memory_space<hbm>>
        %dma_start3A_692 = arith.constant 0 : i32
        %dma_start3A_693 = arith.constant 0 : i32
        %dma_start3A_694 = tpu.memref_slice %arg7[%rem3A_682, %dma_start3A_692, %dma_start3A_693] : memref<4x4x128xi32, #tpu.memory_space<vmem>> -> memref<1x4x128xi32, #tpu.memory_space<vmem>>
        %dma_start3A_695 = tpu.memref_squeeze %dma_start3A_694 : memref<1x4x128xi32, #tpu.memory_space<vmem>> -> memref<4x128xi32, #tpu.memory_space<vmem>>
        %dma_start3A_696 = arith.constant 0 : i32
        %dma_start3A_697 = tpu.memref_slice %arg4[%add3A_685, %dma_start3A_696] : memref<2560x128xi32, #tpu.memory_space<hbm>> -> memref<4x128xi32, #tpu.memory_space<hbm>>
        tpu.enqueue_dma source(%dma_start3A_697 : memref<4x128xi32, #tpu.memory_space<hbm>>) target(%dma_start3A_695 : memref<4x128xi32, #tpu.memory_space<vmem>>) target_semaphore(%arg11 : memref<!tpu.dma_semaphore, #tpu.memory_space<semaphore_mem>>)
        %mul3A_698 = arith.constant 4 : i32
        %mul3A_699 = arith.muli %add3A_678, %mul3A_698 : i32
        %add3A_700 = arith.addi %add3A, %mul3A_699 : i32
        %dma_start3A_701 = arith.constant 0 : i32
        %dma_start3A_702 = arith.constant 0 : i32
        %dma_start3A_703 = tpu.memref_slice %arg8[%rem3A_682, %dma_start3A_701, %dma_start3A_702] : memref<4x4x128xi32, #tpu.memory_space<vmem>> -> memref<1x4x128xi32, #tpu.memory_space<vmem>>
        %dma_start3A_704 = tpu.memref_squeeze %dma_start3A_703 : memref<1x4x128xi32, #tpu.memory_space<vmem>> -> memref<4x128xi32, #tpu.memory_space<vmem>>
        %dma_start3A_705 = arith.constant 0 : i32
        %dma_start3A_706 = tpu.memref_slice %arg5[%add3A_700, %dma_start3A_705] : memref<2560x128xi32, #tpu.memory_space<hbm>> -> memref<4x128xi32, #tpu.memory_space<hbm>>
        %dma_start3A_707 = arith.constant 0 : i32
        %dma_start3A_708 = arith.constant 0 : i32
        %dma_start3A_709 = tpu.memref_slice %arg8[%rem3A_682, %dma_start3A_707, %dma_start3A_708] : memref<4x4x128xi32, #tpu.memory_space<vmem>> -> memref<1x4x128xi32, #tpu.memory_space<vmem>>
        %dma_start3A_710 = tpu.memref_squeeze %dma_start3A_709 : memref<1x4x128xi32, #tpu.memory_space<vmem>> -> memref<4x128xi32, #tpu.memory_space<vmem>>
        %dma_start3A_711 = arith.constant 0 : i32
        %dma_start3A_712 = tpu.memref_slice %arg5[%add3A_700, %dma_start3A_711] : memref<2560x128xi32, #tpu.memory_space<hbm>> -> memref<4x128xi32, #tpu.memory_space<hbm>>
        tpu.enqueue_dma source(%dma_start3A_712 : memref<4x128xi32, #tpu.memory_space<hbm>>) target(%dma_start3A_710 : memref<4x128xi32, #tpu.memory_space<vmem>>) target_semaphore(%arg11 : memref<!tpu.dma_semaphore, #tpu.memory_space<semaphore_mem>>)
      } else {
      }
      %jit3A_241 = arith.constant 4 : i32
      %div3A_242 = arith.divsi %add3A_203, %jit3A_241 : i32
      %sign3A_243 = arith.constant 0 : i32
      %sign3A_244 = arith.cmpi sgt, %add3A_203, %sign3A_243 : i32
      %sign3A_245 = arith.extui %sign3A_244 : i1 to i32
      %sign3A_246 = arith.constant 0 : i32
      %sign3A_247 = arith.cmpi slt, %add3A_203, %sign3A_246 : i32
      %sign3A_248 = arith.extui %sign3A_247 : i1 to i32
      %sign3A_249 = arith.subi %sign3A_245, %sign3A_248 : i32
      %sign3A_250 = arith.constant 0 : i32
      %sign3A_251 = arith.cmpi sgt, %jit3A_241, %sign3A_250 : i32
      %sign3A_252 = arith.extui %sign3A_251 : i1 to i32
      %sign3A_253 = arith.constant 0 : i32
      %sign3A_254 = arith.cmpi slt, %jit3A_241, %sign3A_253 : i32
      %sign3A_255 = arith.extui %sign3A_254 : i1 to i32
      %sign3A_256 = arith.subi %sign3A_252, %sign3A_255 : i32
      %ne3A_257 = arith.cmpi ne, %sign3A_249, %sign3A_256 : i32
      %rem3A_258 = arith.remsi %add3A_203, %jit3A_241 : i32
      %ne3A_259 = arith.constant 0 : i32
      %ne3A_260 = arith.cmpi ne, %rem3A_258, %ne3A_259 : i32
      %and3A_261 = arith.andi %ne3A_257, %ne3A_260 : i1
      %sub3A_262 = arith.constant 1 : i32
      %sub3A_263 = arith.subi %div3A_242, %sub3A_262 : i32
      %select_n3A_264 = arith.select %and3A_261, %sub3A_263, %div3A_242 : i32
      %rem3A_265 = arith.constant 4 : i32
      %rem3A_266 = arith.remsi %select_n3A_264, %rem3A_265 : i32
      %rem3A_267 = arith.constant 4 : i32
      %rem3A_268 = arith.remsi %add3A_203, %rem3A_267 : i32
      %dma_wait3A_269 = arith.constant 0 : i32
      %dma_wait3A_270 = tpu.memref_slice %arg7[%rem3A_266, %rem3A_268, %dma_wait3A_269] : memref<4x4x128xi32, #tpu.memory_space<vmem>> -> memref<1x1x128xi32, #tpu.memory_space<vmem>>
      %dma_wait3A_271 = tpu.memref_squeeze %dma_wait3A_270 : memref<1x1x128xi32, #tpu.memory_space<vmem>> -> memref<128xi32, #tpu.memory_space<vmem>>
      %dma_wait3A_272 = arith.constant 0 : i32
      %dma_wait3A_273 = arith.constant 0 : i32
      %dma_wait3A_274 = tpu.memref_slice %arg9[%dma_wait3A_272, %dma_wait3A_273] : memref<10240x64xf32, #tpu.memory_space<vmem_shared>> -> memref<10240x64xf32, #tpu.memory_space<vmem_shared>>
      tpu.wait_indirect_dma semaphore(%arg17 : memref<!tpu.dma_semaphore, #tpu.memory_space<semaphore_mem>>) src(%dma_wait3A_274 : memref<10240x64xf32, #tpu.memory_space<vmem_shared>>) dst(%arg12 : memref<128x64xf32, #tpu.memory_space<vmem>>)
      %dma_start3A_275 = arith.constant 0 : i32
      %dma_start3A_276 = tpu.memref_slice %arg8[%rem3A_266, %rem3A_268, %dma_start3A_275] : memref<4x4x128xi32, #tpu.memory_space<vmem>> -> memref<1x1x128xi32, #tpu.memory_space<vmem>>
      %dma_start3A_277 = tpu.memref_squeeze %dma_start3A_276 : memref<1x1x128xi32, #tpu.memory_space<vmem>> -> memref<128xi32, #tpu.memory_space<vmem>>
      %dma_start3A_278 = arith.constant 0 : i32
      %dma_start3A_279 = arith.constant 0 : i32
      %dma_start3A_280 = tpu.memref_slice %arg10[%dma_start3A_278, %dma_start3A_279] : memref<10240x64xf32, #tpu.memory_space<vmem_shared>> -> memref<10240x64xf32, #tpu.memory_space<vmem_shared>>
      tpu.enqueue_indirect_dma source(%arg12 : memref<128x64xf32, #tpu.memory_space<vmem>>) target(%dma_start3A_280 : memref<10240x64xf32, #tpu.memory_space<vmem_shared>>) offsets(%dma_start3A_277 : memref<128xi32, #tpu.memory_space<vmem>>) semaphore(%arg22 : memref<!tpu.dma_semaphore, #tpu.memory_space<semaphore_mem>>) {add = true}
      %add3A_281 = arith.constant 3 : i32
      %add3A_282 = arith.addi %add3A_203, %add3A_281 : i32
      %lt3A_283 = arith.constant 80 : i32
      %lt3A_284 = arith.cmpi slt, %add3A_282, %lt3A_283 : i32
      %convert_element_type3A_285 = arith.extui %lt3A_284 : i1 to i32
      %cond3A_286 = arith.constant 0 : i32
      %cond3A_287 = arith.cmpi ne, %convert_element_type3A_285, %cond3A_286 : i32
      scf.if %cond3A_287 {
        %ge3A = arith.constant 2 : i32
        %ge3A_677 = arith.cmpi sge, %add3A_203, %ge3A : i32
        %convert_element_type3A_678 = arith.extui %ge3A_677 : i1 to i32
        %cond3A_679 = arith.constant 0 : i32
        %cond3A_680 = arith.cmpi ne, %convert_element_type3A_678, %cond3A_679 : i32
        scf.if %cond3A_680 {
          %dma_wait3A_715 = arith.constant 0 : i32
          %dma_wait3A_716 = arith.constant 0 : i32
          %dma_wait3A_717 = arith.constant 0 : i32
          %dma_wait3A_718 = tpu.memref_slice %arg8[%dma_wait3A_715, %dma_wait3A_716, %dma_wait3A_717] : memref<4x4x128xi32, #tpu.memory_space<vmem>> -> memref<1x1x128xi32, #tpu.memory_space<vmem>>
          %dma_wait3A_719 = tpu.memref_squeeze %dma_wait3A_718 : memref<1x1x128xi32, #tpu.memory_space<vmem>> -> memref<128xi32, #tpu.memory_space<vmem>>
          %dma_wait3A_720 = arith.constant 0 : i32
          %dma_wait3A_721 = arith.constant 0 : i32
          %dma_wait3A_722 = tpu.memref_slice %arg10[%dma_wait3A_720, %dma_wait3A_721] : memref<10240x64xf32, #tpu.memory_space<vmem_shared>> -> memref<10240x64xf32, #tpu.memory_space<vmem_shared>>
          tpu.wait_indirect_dma semaphore(%arg25 : memref<!tpu.dma_semaphore, #tpu.memory_space<semaphore_mem>>) src(%arg15 : memref<128x64xf32, #tpu.memory_space<vmem>>) dst(%dma_wait3A_722 : memref<10240x64xf32, #tpu.memory_space<vmem_shared>>)
        } else {
        }
        %jit3A_681 = arith.constant 4 : i32
        %div3A_682 = arith.divsi %add3A_282, %jit3A_681 : i32
        %sign3A_683 = arith.constant 0 : i32
        %sign3A_684 = arith.cmpi sgt, %add3A_282, %sign3A_683 : i32
        %sign3A_685 = arith.extui %sign3A_684 : i1 to i32
        %sign3A_686 = arith.constant 0 : i32
        %sign3A_687 = arith.cmpi slt, %add3A_282, %sign3A_686 : i32
        %sign3A_688 = arith.extui %sign3A_687 : i1 to i32
        %sign3A_689 = arith.subi %sign3A_685, %sign3A_688 : i32
        %sign3A_690 = arith.constant 0 : i32
        %sign3A_691 = arith.cmpi sgt, %jit3A_681, %sign3A_690 : i32
        %sign3A_692 = arith.extui %sign3A_691 : i1 to i32
        %sign3A_693 = arith.constant 0 : i32
        %sign3A_694 = arith.cmpi slt, %jit3A_681, %sign3A_693 : i32
        %sign3A_695 = arith.extui %sign3A_694 : i1 to i32
        %sign3A_696 = arith.subi %sign3A_692, %sign3A_695 : i32
        %ne3A_697 = arith.cmpi ne, %sign3A_689, %sign3A_696 : i32
        %rem3A_698 = arith.remsi %add3A_282, %jit3A_681 : i32
        %ne3A_699 = arith.constant 0 : i32
        %ne3A_700 = arith.cmpi ne, %rem3A_698, %ne3A_699 : i32
        %and3A_701 = arith.andi %ne3A_697, %ne3A_700 : i1
        %sub3A_702 = arith.constant 1 : i32
        %sub3A_703 = arith.subi %div3A_682, %sub3A_702 : i32
        %select_n3A_704 = arith.select %and3A_701, %sub3A_703, %div3A_682 : i32
        %rem3A_705 = arith.constant 4 : i32
        %rem3A_706 = arith.remsi %select_n3A_704, %rem3A_705 : i32
        %rem3A_707 = arith.constant 4 : i32
        %rem3A_708 = arith.remsi %add3A_282, %rem3A_707 : i32
        %dma_start3A_709 = arith.constant 0 : i32
        %dma_start3A_710 = tpu.memref_slice %arg7[%rem3A_706, %rem3A_708, %dma_start3A_709] : memref<4x4x128xi32, #tpu.memory_space<vmem>> -> memref<1x1x128xi32, #tpu.memory_space<vmem>>
        %dma_start3A_711 = tpu.memref_squeeze %dma_start3A_710 : memref<1x1x128xi32, #tpu.memory_space<vmem>> -> memref<128xi32, #tpu.memory_space<vmem>>
        %dma_start3A_712 = arith.constant 0 : i32
        %dma_start3A_713 = arith.constant 0 : i32
        %dma_start3A_714 = tpu.memref_slice %arg9[%dma_start3A_712, %dma_start3A_713] : memref<10240x64xf32, #tpu.memory_space<vmem_shared>> -> memref<10240x64xf32, #tpu.memory_space<vmem_shared>>
        tpu.enqueue_indirect_dma source(%dma_start3A_714 : memref<10240x64xf32, #tpu.memory_space<vmem_shared>>) target(%arg15 : memref<128x64xf32, #tpu.memory_space<vmem>>) offsets(%dma_start3A_711 : memref<128xi32, #tpu.memory_space<vmem>>) semaphore(%arg20 : memref<!tpu.dma_semaphore, #tpu.memory_space<semaphore_mem>>)
      } else {
      }
      %mul3A_288 = arith.constant 5 : i32
      %mul3A_289 = arith.muli %scan3A_198, %mul3A_288 : i32
      %add3A_290 = arith.constant 1 : i32
      %add3A_291 = arith.addi %mul3A_289, %add3A_290 : i32
      %rem3A_292 = arith.constant 4 : i32
      %rem3A_293 = arith.remsi %add3A_291, %rem3A_292 : i32
      %jit3A_294 = arith.constant 4 : i32
      %div3A_295 = arith.divsi %add3A_291, %jit3A_294 : i32
      %sign3A_296 = arith.constant 0 : i32
      %sign3A_297 = arith.cmpi sgt, %add3A_291, %sign3A_296 : i32
      %sign3A_298 = arith.extui %sign3A_297 : i1 to i32
      %sign3A_299 = arith.constant 0 : i32
      %sign3A_300 = arith.cmpi slt, %add3A_291, %sign3A_299 : i32
      %sign3A_301 = arith.extui %sign3A_300 : i1 to i32
      %sign3A_302 = arith.subi %sign3A_298, %sign3A_301 : i32
      %sign3A_303 = arith.constant 0 : i32
      %sign3A_304 = arith.cmpi sgt, %jit3A_294, %sign3A_303 : i32
      %sign3A_305 = arith.extui %sign3A_304 : i1 to i32
      %sign3A_306 = arith.constant 0 : i32
      %sign3A_307 = arith.cmpi slt, %jit3A_294, %sign3A_306 : i32
      %sign3A_308 = arith.extui %sign3A_307 : i1 to i32
      %sign3A_309 = arith.subi %sign3A_305, %sign3A_308 : i32
      %ne3A_310 = arith.cmpi ne, %sign3A_302, %sign3A_309 : i32
      %rem3A_311 = arith.remsi %add3A_291, %jit3A_294 : i32
      %ne3A_312 = arith.constant 0 : i32
      %ne3A_313 = arith.cmpi ne, %rem3A_311, %ne3A_312 : i32
      %and3A_314 = arith.andi %ne3A_310, %ne3A_313 : i1
      %sub3A_315 = arith.constant 1 : i32
      %sub3A_316 = arith.subi %div3A_295, %sub3A_315 : i32
      %select_n3A_317 = arith.select %and3A_314, %sub3A_316, %div3A_295 : i32
      %eq3A_318 = arith.constant 0 : i32
      %eq3A_319 = arith.cmpi eq, %rem3A_293, %eq3A_318 : i32
      %add3A_320 = arith.constant 1 : i32
      %add3A_321 = arith.addi %select_n3A_317, %add3A_320 : i32
      %lt3A_322 = arith.constant 20 : i32
      %lt3A_323 = arith.cmpi slt, %add3A_321, %lt3A_322 : i32
      %and3A_324 = arith.andi %eq3A_319, %lt3A_323 : i1
      %convert_element_type3A_325 = arith.extui %and3A_324 : i1 to i32
      %cond3A_326 = arith.constant 0 : i32
      %cond3A_327 = arith.cmpi ne, %convert_element_type3A_325, %cond3A_326 : i32
      scf.if %cond3A_327 {
        %add3A_677 = arith.constant 1 : i32
        %add3A_678 = arith.addi %select_n3A_317, %add3A_677 : i32
        %add3A_679 = arith.constant 1 : i32
        %add3A_680 = arith.addi %select_n3A_317, %add3A_679 : i32
        %rem3A_681 = arith.constant 4 : i32
        %rem3A_682 = arith.remsi %add3A_680, %rem3A_681 : i32
        %mul3A_683 = arith.constant 4 : i32
        %mul3A_684 = arith.muli %add3A_678, %mul3A_683 : i32
        %add3A_685 = arith.addi %add3A, %mul3A_684 : i32
        %dma_wait3A_686 = arith.constant 0 : i32
        %dma_wait3A_687 = arith.constant 0 : i32
        %dma_wait3A_688 = tpu.memref_slice %arg7[%rem3A_682, %dma_wait3A_686, %dma_wait3A_687] : memref<4x4x128xi32, #tpu.memory_space<vmem>> -> memref<1x4x128xi32, #tpu.memory_space<vmem>>
        %dma_wait3A_689 = tpu.memref_squeeze %dma_wait3A_688 : memref<1x4x128xi32, #tpu.memory_space<vmem>> -> memref<4x128xi32, #tpu.memory_space<vmem>>
        %dma_wait3A_690 = arith.constant 0 : i32
        %dma_wait3A_691 = tpu.memref_slice %arg4[%add3A_685, %dma_wait3A_690] : memref<2560x128xi32, #tpu.memory_space<hbm>> -> memref<4x128xi32, #tpu.memory_space<hbm>>
        %dma_wait3A_692 = arith.constant 0 : i32
        %dma_wait3A_693 = arith.constant 0 : i32
        %dma_wait3A_694 = tpu.memref_slice %arg7[%rem3A_682, %dma_wait3A_692, %dma_wait3A_693] : memref<4x4x128xi32, #tpu.memory_space<vmem>> -> memref<1x4x128xi32, #tpu.memory_space<vmem>>
        %dma_wait3A_695 = tpu.memref_squeeze %dma_wait3A_694 : memref<1x4x128xi32, #tpu.memory_space<vmem>> -> memref<4x128xi32, #tpu.memory_space<vmem>>
        %dma_wait3A_696 = arith.constant 0 : i32
        %dma_wait3A_697 = tpu.memref_slice %arg4[%add3A_685, %dma_wait3A_696] : memref<2560x128xi32, #tpu.memory_space<hbm>> -> memref<4x128xi32, #tpu.memory_space<hbm>>
        tpu.wait_dma2 semaphore(%arg11 : memref<!tpu.dma_semaphore, #tpu.memory_space<semaphore_mem>>) src(%dma_wait3A_697 : memref<4x128xi32, #tpu.memory_space<hbm>>) dst(%dma_wait3A_695 : memref<4x128xi32, #tpu.memory_space<vmem>>)
        %mul3A_698 = arith.constant 4 : i32
        %mul3A_699 = arith.muli %add3A_678, %mul3A_698 : i32
        %add3A_700 = arith.addi %add3A, %mul3A_699 : i32
        %dma_wait3A_701 = arith.constant 0 : i32
        %dma_wait3A_702 = arith.constant 0 : i32
        %dma_wait3A_703 = tpu.memref_slice %arg8[%rem3A_682, %dma_wait3A_701, %dma_wait3A_702] : memref<4x4x128xi32, #tpu.memory_space<vmem>> -> memref<1x4x128xi32, #tpu.memory_space<vmem>>
        %dma_wait3A_704 = tpu.memref_squeeze %dma_wait3A_703 : memref<1x4x128xi32, #tpu.memory_space<vmem>> -> memref<4x128xi32, #tpu.memory_space<vmem>>
        %dma_wait3A_705 = arith.constant 0 : i32
        %dma_wait3A_706 = tpu.memref_slice %arg5[%add3A_700, %dma_wait3A_705] : memref<2560x128xi32, #tpu.memory_space<hbm>> -> memref<4x128xi32, #tpu.memory_space<hbm>>
        %dma_wait3A_707 = arith.constant 0 : i32
        %dma_wait3A_708 = arith.constant 0 : i32
        %dma_wait3A_709 = tpu.memref_slice %arg8[%rem3A_682, %dma_wait3A_707, %dma_wait3A_708] : memref<4x4x128xi32, #tpu.memory_space<vmem>> -> memref<1x4x128xi32, #tpu.memory_space<vmem>>
        %dma_wait3A_710 = tpu.memref_squeeze %dma_wait3A_709 : memref<1x4x128xi32, #tpu.memory_space<vmem>> -> memref<4x128xi32, #tpu.memory_space<vmem>>
        %dma_wait3A_711 = arith.constant 0 : i32
        %dma_wait3A_712 = tpu.memref_slice %arg5[%add3A_700, %dma_wait3A_711] : memref<2560x128xi32, #tpu.memory_space<hbm>> -> memref<4x128xi32, #tpu.memory_space<hbm>>
        tpu.wait_dma2 semaphore(%arg11 : memref<!tpu.dma_semaphore, #tpu.memory_space<semaphore_mem>>) src(%dma_wait3A_712 : memref<4x128xi32, #tpu.memory_space<hbm>>) dst(%dma_wait3A_710 : memref<4x128xi32, #tpu.memory_space<vmem>>)
      } else {
      }
      %eq3A_328 = arith.constant 0 : i32
      %eq3A_329 = arith.cmpi eq, %rem3A_293, %eq3A_328 : i32
      %add3A_330 = arith.constant 2 : i32
      %add3A_331 = arith.addi %select_n3A_317, %add3A_330 : i32
      %lt3A_332 = arith.constant 20 : i32
      %lt3A_333 = arith.cmpi slt, %add3A_331, %lt3A_332 : i32
      %and3A_334 = arith.andi %eq3A_329, %lt3A_333 : i1
      %convert_element_type3A_335 = arith.extui %and3A_334 : i1 to i32
      %cond3A_336 = arith.constant 0 : i32
      %cond3A_337 = arith.cmpi ne, %convert_element_type3A_335, %cond3A_336 : i32
      scf.if %cond3A_337 {
        %add3A_677 = arith.constant 2 : i32
        %add3A_678 = arith.addi %select_n3A_317, %add3A_677 : i32
        %add3A_679 = arith.constant 2 : i32
        %add3A_680 = arith.addi %select_n3A_317, %add3A_679 : i32
        %rem3A_681 = arith.constant 4 : i32
        %rem3A_682 = arith.remsi %add3A_680, %rem3A_681 : i32
        %mul3A_683 = arith.constant 4 : i32
        %mul3A_684 = arith.muli %add3A_678, %mul3A_683 : i32
        %add3A_685 = arith.addi %add3A, %mul3A_684 : i32
        %dma_start3A_686 = arith.constant 0 : i32
        %dma_start3A_687 = arith.constant 0 : i32
        %dma_start3A_688 = tpu.memref_slice %arg7[%rem3A_682, %dma_start3A_686, %dma_start3A_687] : memref<4x4x128xi32, #tpu.memory_space<vmem>> -> memref<1x4x128xi32, #tpu.memory_space<vmem>>
        %dma_start3A_689 = tpu.memref_squeeze %dma_start3A_688 : memref<1x4x128xi32, #tpu.memory_space<vmem>> -> memref<4x128xi32, #tpu.memory_space<vmem>>
        %dma_start3A_690 = arith.constant 0 : i32
        %dma_start3A_691 = tpu.memref_slice %arg4[%add3A_685, %dma_start3A_690] : memref<2560x128xi32, #tpu.memory_space<hbm>> -> memref<4x128xi32, #tpu.memory_space<hbm>>
        %dma_start3A_692 = arith.constant 0 : i32
        %dma_start3A_693 = arith.constant 0 : i32
        %dma_start3A_694 = tpu.memref_slice %arg7[%rem3A_682, %dma_start3A_692, %dma_start3A_693] : memref<4x4x128xi32, #tpu.memory_space<vmem>> -> memref<1x4x128xi32, #tpu.memory_space<vmem>>
        %dma_start3A_695 = tpu.memref_squeeze %dma_start3A_694 : memref<1x4x128xi32, #tpu.memory_space<vmem>> -> memref<4x128xi32, #tpu.memory_space<vmem>>
        %dma_start3A_696 = arith.constant 0 : i32
        %dma_start3A_697 = tpu.memref_slice %arg4[%add3A_685, %dma_start3A_696] : memref<2560x128xi32, #tpu.memory_space<hbm>> -> memref<4x128xi32, #tpu.memory_space<hbm>>
        tpu.enqueue_dma source(%dma_start3A_697 : memref<4x128xi32, #tpu.memory_space<hbm>>) target(%dma_start3A_695 : memref<4x128xi32, #tpu.memory_space<vmem>>) target_semaphore(%arg11 : memref<!tpu.dma_semaphore, #tpu.memory_space<semaphore_mem>>)
        %mul3A_698 = arith.constant 4 : i32
        %mul3A_699 = arith.muli %add3A_678, %mul3A_698 : i32
        %add3A_700 = arith.addi %add3A, %mul3A_699 : i32
        %dma_start3A_701 = arith.constant 0 : i32
        %dma_start3A_702 = arith.constant 0 : i32
        %dma_start3A_703 = tpu.memref_slice %arg8[%rem3A_682, %dma_start3A_701, %dma_start3A_702] : memref<4x4x128xi32, #tpu.memory_space<vmem>> -> memref<1x4x128xi32, #tpu.memory_space<vmem>>
        %dma_start3A_704 = tpu.memref_squeeze %dma_start3A_703 : memref<1x4x128xi32, #tpu.memory_space<vmem>> -> memref<4x128xi32, #tpu.memory_space<vmem>>
        %dma_start3A_705 = arith.constant 0 : i32
        %dma_start3A_706 = tpu.memref_slice %arg5[%add3A_700, %dma_start3A_705] : memref<2560x128xi32, #tpu.memory_space<hbm>> -> memref<4x128xi32, #tpu.memory_space<hbm>>
        %dma_start3A_707 = arith.constant 0 : i32
        %dma_start3A_708 = arith.constant 0 : i32
        %dma_start3A_709 = tpu.memref_slice %arg8[%rem3A_682, %dma_start3A_707, %dma_start3A_708] : memref<4x4x128xi32, #tpu.memory_space<vmem>> -> memref<1x4x128xi32, #tpu.memory_space<vmem>>
        %dma_start3A_710 = tpu.memref_squeeze %dma_start3A_709 : memref<1x4x128xi32, #tpu.memory_space<vmem>> -> memref<4x128xi32, #tpu.memory_space<vmem>>
        %dma_start3A_711 = arith.constant 0 : i32
        %dma_start3A_712 = tpu.memref_slice %arg5[%add3A_700, %dma_start3A_711] : memref<2560x128xi32, #tpu.memory_space<hbm>> -> memref<4x128xi32, #tpu.memory_space<hbm>>
        tpu.enqueue_dma source(%dma_start3A_712 : memref<4x128xi32, #tpu.memory_space<hbm>>) target(%dma_start3A_710 : memref<4x128xi32, #tpu.memory_space<vmem>>) target_semaphore(%arg11 : memref<!tpu.dma_semaphore, #tpu.memory_space<semaphore_mem>>)
      } else {
      }
      %jit3A_338 = arith.constant 4 : i32
      %div3A_339 = arith.divsi %add3A_291, %jit3A_338 : i32
      %sign3A_340 = arith.constant 0 : i32
      %sign3A_341 = arith.cmpi sgt, %add3A_291, %sign3A_340 : i32
      %sign3A_342 = arith.extui %sign3A_341 : i1 to i32
      %sign3A_343 = arith.constant 0 : i32
      %sign3A_344 = arith.cmpi slt, %add3A_291, %sign3A_343 : i32
      %sign3A_345 = arith.extui %sign3A_344 : i1 to i32
      %sign3A_346 = arith.subi %sign3A_342, %sign3A_345 : i32
      %sign3A_347 = arith.constant 0 : i32
      %sign3A_348 = arith.cmpi sgt, %jit3A_338, %sign3A_347 : i32
      %sign3A_349 = arith.extui %sign3A_348 : i1 to i32
      %sign3A_350 = arith.constant 0 : i32
      %sign3A_351 = arith.cmpi slt, %jit3A_338, %sign3A_350 : i32
      %sign3A_352 = arith.extui %sign3A_351 : i1 to i32
      %sign3A_353 = arith.subi %sign3A_349, %sign3A_352 : i32
      %ne3A_354 = arith.cmpi ne, %sign3A_346, %sign3A_353 : i32
      %rem3A_355 = arith.remsi %add3A_291, %jit3A_338 : i32
      %ne3A_356 = arith.constant 0 : i32
      %ne3A_357 = arith.cmpi ne, %rem3A_355, %ne3A_356 : i32
      %and3A_358 = arith.andi %ne3A_354, %ne3A_357 : i1
      %sub3A_359 = arith.constant 1 : i32
      %sub3A_360 = arith.subi %div3A_339, %sub3A_359 : i32
      %select_n3A_361 = arith.select %and3A_358, %sub3A_360, %div3A_339 : i32
      %rem3A_362 = arith.constant 4 : i32
      %rem3A_363 = arith.remsi %select_n3A_361, %rem3A_362 : i32
      %rem3A_364 = arith.constant 4 : i32
      %rem3A_365 = arith.remsi %add3A_291, %rem3A_364 : i32
      %dma_wait3A_366 = arith.constant 0 : i32
      %dma_wait3A_367 = tpu.memref_slice %arg7[%rem3A_363, %rem3A_365, %dma_wait3A_366] : memref<4x4x128xi32, #tpu.memory_space<vmem>> -> memref<1x1x128xi32, #tpu.memory_space<vmem>>
      %dma_wait3A_368 = tpu.memref_squeeze %dma_wait3A_367 : memref<1x1x128xi32, #tpu.memory_space<vmem>> -> memref<128xi32, #tpu.memory_space<vmem>>
      %dma_wait3A_369 = arith.constant 0 : i32
      %dma_wait3A_370 = arith.constant 0 : i32
      %dma_wait3A_371 = tpu.memref_slice %arg9[%dma_wait3A_369, %dma_wait3A_370] : memref<10240x64xf32, #tpu.memory_space<vmem_shared>> -> memref<10240x64xf32, #tpu.memory_space<vmem_shared>>
      tpu.wait_indirect_dma semaphore(%arg18 : memref<!tpu.dma_semaphore, #tpu.memory_space<semaphore_mem>>) src(%dma_wait3A_371 : memref<10240x64xf32, #tpu.memory_space<vmem_shared>>) dst(%arg13 : memref<128x64xf32, #tpu.memory_space<vmem>>)
      %dma_start3A_372 = arith.constant 0 : i32
      %dma_start3A_373 = tpu.memref_slice %arg8[%rem3A_363, %rem3A_365, %dma_start3A_372] : memref<4x4x128xi32, #tpu.memory_space<vmem>> -> memref<1x1x128xi32, #tpu.memory_space<vmem>>
      %dma_start3A_374 = tpu.memref_squeeze %dma_start3A_373 : memref<1x1x128xi32, #tpu.memory_space<vmem>> -> memref<128xi32, #tpu.memory_space<vmem>>
      %dma_start3A_375 = arith.constant 0 : i32
      %dma_start3A_376 = arith.constant 0 : i32
      %dma_start3A_377 = tpu.memref_slice %arg10[%dma_start3A_375, %dma_start3A_376] : memref<10240x64xf32, #tpu.memory_space<vmem_shared>> -> memref<10240x64xf32, #tpu.memory_space<vmem_shared>>
      tpu.enqueue_indirect_dma source(%arg13 : memref<128x64xf32, #tpu.memory_space<vmem>>) target(%dma_start3A_377 : memref<10240x64xf32, #tpu.memory_space<vmem_shared>>) offsets(%dma_start3A_374 : memref<128xi32, #tpu.memory_space<vmem>>) semaphore(%arg23 : memref<!tpu.dma_semaphore, #tpu.memory_space<semaphore_mem>>) {add = true}
      %add3A_378 = arith.constant 3 : i32
      %add3A_379 = arith.addi %add3A_291, %add3A_378 : i32
      %lt3A_380 = arith.constant 80 : i32
      %lt3A_381 = arith.cmpi slt, %add3A_379, %lt3A_380 : i32
      %convert_element_type3A_382 = arith.extui %lt3A_381 : i1 to i32
      %cond3A_383 = arith.constant 0 : i32
      %cond3A_384 = arith.cmpi ne, %convert_element_type3A_382, %cond3A_383 : i32
      scf.if %cond3A_384 {
        %ge3A = arith.constant 2 : i32
        %ge3A_677 = arith.cmpi sge, %add3A_291, %ge3A : i32
        %convert_element_type3A_678 = arith.extui %ge3A_677 : i1 to i32
        %cond3A_679 = arith.constant 0 : i32
        %cond3A_680 = arith.cmpi ne, %convert_element_type3A_678, %cond3A_679 : i32
        scf.if %cond3A_680 {
          %dma_wait3A_715 = arith.constant 0 : i32
          %dma_wait3A_716 = arith.constant 0 : i32
          %dma_wait3A_717 = arith.constant 0 : i32
          %dma_wait3A_718 = tpu.memref_slice %arg8[%dma_wait3A_715, %dma_wait3A_716, %dma_wait3A_717] : memref<4x4x128xi32, #tpu.memory_space<vmem>> -> memref<1x1x128xi32, #tpu.memory_space<vmem>>
          %dma_wait3A_719 = tpu.memref_squeeze %dma_wait3A_718 : memref<1x1x128xi32, #tpu.memory_space<vmem>> -> memref<128xi32, #tpu.memory_space<vmem>>
          %dma_wait3A_720 = arith.constant 0 : i32
          %dma_wait3A_721 = arith.constant 0 : i32
          %dma_wait3A_722 = tpu.memref_slice %arg10[%dma_wait3A_720, %dma_wait3A_721] : memref<10240x64xf32, #tpu.memory_space<vmem_shared>> -> memref<10240x64xf32, #tpu.memory_space<vmem_shared>>
          tpu.wait_indirect_dma semaphore(%arg26 : memref<!tpu.dma_semaphore, #tpu.memory_space<semaphore_mem>>) src(%arg16 : memref<128x64xf32, #tpu.memory_space<vmem>>) dst(%dma_wait3A_722 : memref<10240x64xf32, #tpu.memory_space<vmem_shared>>)
        } else {
        }
        %jit3A_681 = arith.constant 4 : i32
        %div3A_682 = arith.divsi %add3A_379, %jit3A_681 : i32
        %sign3A_683 = arith.constant 0 : i32
        %sign3A_684 = arith.cmpi sgt, %add3A_379, %sign3A_683 : i32
        %sign3A_685 = arith.extui %sign3A_684 : i1 to i32
        %sign3A_686 = arith.constant 0 : i32
        %sign3A_687 = arith.cmpi slt, %add3A_379, %sign3A_686 : i32
        %sign3A_688 = arith.extui %sign3A_687 : i1 to i32
        %sign3A_689 = arith.subi %sign3A_685, %sign3A_688 : i32
        %sign3A_690 = arith.constant 0 : i32
        %sign3A_691 = arith.cmpi sgt, %jit3A_681, %sign3A_690 : i32
        %sign3A_692 = arith.extui %sign3A_691 : i1 to i32
        %sign3A_693 = arith.constant 0 : i32
        %sign3A_694 = arith.cmpi slt, %jit3A_681, %sign3A_693 : i32
        %sign3A_695 = arith.extui %sign3A_694 : i1 to i32
        %sign3A_696 = arith.subi %sign3A_692, %sign3A_695 : i32
        %ne3A_697 = arith.cmpi ne, %sign3A_689, %sign3A_696 : i32
        %rem3A_698 = arith.remsi %add3A_379, %jit3A_681 : i32
        %ne3A_699 = arith.constant 0 : i32
        %ne3A_700 = arith.cmpi ne, %rem3A_698, %ne3A_699 : i32
        %and3A_701 = arith.andi %ne3A_697, %ne3A_700 : i1
        %sub3A_702 = arith.constant 1 : i32
        %sub3A_703 = arith.subi %div3A_682, %sub3A_702 : i32
        %select_n3A_704 = arith.select %and3A_701, %sub3A_703, %div3A_682 : i32
        %rem3A_705 = arith.constant 4 : i32
        %rem3A_706 = arith.remsi %select_n3A_704, %rem3A_705 : i32
        %rem3A_707 = arith.constant 4 : i32
        %rem3A_708 = arith.remsi %add3A_379, %rem3A_707 : i32
        %dma_start3A_709 = arith.constant 0 : i32
        %dma_start3A_710 = tpu.memref_slice %arg7[%rem3A_706, %rem3A_708, %dma_start3A_709] : memref<4x4x128xi32, #tpu.memory_space<vmem>> -> memref<1x1x128xi32, #tpu.memory_space<vmem>>
        %dma_start3A_711 = tpu.memref_squeeze %dma_start3A_710 : memref<1x1x128xi32, #tpu.memory_space<vmem>> -> memref<128xi32, #tpu.memory_space<vmem>>
        %dma_start3A_712 = arith.constant 0 : i32
        %dma_start3A_713 = arith.constant 0 : i32
        %dma_start3A_714 = tpu.memref_slice %arg9[%dma_start3A_712, %dma_start3A_713] : memref<10240x64xf32, #tpu.memory_space<vmem_shared>> -> memref<10240x64xf32, #tpu.memory_space<vmem_shared>>
        tpu.enqueue_indirect_dma source(%dma_start3A_714 : memref<10240x64xf32, #tpu.memory_space<vmem_shared>>) target(%arg16 : memref<128x64xf32, #tpu.memory_space<vmem>>) offsets(%dma_start3A_711 : memref<128xi32, #tpu.memory_space<vmem>>) semaphore(%arg21 : memref<!tpu.dma_semaphore, #tpu.memory_space<semaphore_mem>>)
      } else {
      }
      %mul3A_385 = arith.constant 5 : i32
      %mul3A_386 = arith.muli %scan3A_198, %mul3A_385 : i32
      %add3A_387 = arith.constant 2 : i32
      %add3A_388 = arith.addi %mul3A_386, %add3A_387 : i32
      %rem3A_389 = arith.constant 4 : i32
      %rem3A_390 = arith.remsi %add3A_388, %rem3A_389 : i32
      %jit3A_391 = arith.constant 4 : i32
      %div3A_392 = arith.divsi %add3A_388, %jit3A_391 : i32
      %sign3A_393 = arith.constant 0 : i32
      %sign3A_394 = arith.cmpi sgt, %add3A_388, %sign3A_393 : i32
      %sign3A_395 = arith.extui %sign3A_394 : i1 to i32
      %sign3A_396 = arith.constant 0 : i32
      %sign3A_397 = arith.cmpi slt, %add3A_388, %sign3A_396 : i32
      %sign3A_398 = arith.extui %sign3A_397 : i1 to i32
      %sign3A_399 = arith.subi %sign3A_395, %sign3A_398 : i32
      %sign3A_400 = arith.constant 0 : i32
      %sign3A_401 = arith.cmpi sgt, %jit3A_391, %sign3A_400 : i32
      %sign3A_402 = arith.extui %sign3A_401 : i1 to i32
      %sign3A_403 = arith.constant 0 : i32
      %sign3A_404 = arith.cmpi slt, %jit3A_391, %sign3A_403 : i32
      %sign3A_405 = arith.extui %sign3A_404 : i1 to i32
      %sign3A_406 = arith.subi %sign3A_402, %sign3A_405 : i32
      %ne3A_407 = arith.cmpi ne, %sign3A_399, %sign3A_406 : i32
      %rem3A_408 = arith.remsi %add3A_388, %jit3A_391 : i32
      %ne3A_409 = arith.constant 0 : i32
      %ne3A_410 = arith.cmpi ne, %rem3A_408, %ne3A_409 : i32
      %and3A_411 = arith.andi %ne3A_407, %ne3A_410 : i1
      %sub3A_412 = arith.constant 1 : i32
      %sub3A_413 = arith.subi %div3A_392, %sub3A_412 : i32
      %select_n3A_414 = arith.select %and3A_411, %sub3A_413, %div3A_392 : i32
      %eq3A_415 = arith.constant 0 : i32
      %eq3A_416 = arith.cmpi eq, %rem3A_390, %eq3A_415 : i32
      %add3A_417 = arith.constant 1 : i32
      %add3A_418 = arith.addi %select_n3A_414, %add3A_417 : i32
      %lt3A_419 = arith.constant 20 : i32
      %lt3A_420 = arith.cmpi slt, %add3A_418, %lt3A_419 : i32
      %and3A_421 = arith.andi %eq3A_416, %lt3A_420 : i1
      %convert_element_type3A_422 = arith.extui %and3A_421 : i1 to i32
      %cond3A_423 = arith.constant 0 : i32
      %cond3A_424 = arith.cmpi ne, %convert_element_type3A_422, %cond3A_423 : i32
      scf.if %cond3A_424 {
        %add3A_677 = arith.constant 1 : i32
        %add3A_678 = arith.addi %select_n3A_414, %add3A_677 : i32
        %add3A_679 = arith.constant 1 : i32
        %add3A_680 = arith.addi %select_n3A_414, %add3A_679 : i32
        %rem3A_681 = arith.constant 4 : i32
        %rem3A_682 = arith.remsi %add3A_680, %rem3A_681 : i32
        %mul3A_683 = arith.constant 4 : i32
        %mul3A_684 = arith.muli %add3A_678, %mul3A_683 : i32
        %add3A_685 = arith.addi %add3A, %mul3A_684 : i32
        %dma_wait3A_686 = arith.constant 0 : i32
        %dma_wait3A_687 = arith.constant 0 : i32
        %dma_wait3A_688 = tpu.memref_slice %arg7[%rem3A_682, %dma_wait3A_686, %dma_wait3A_687] : memref<4x4x128xi32, #tpu.memory_space<vmem>> -> memref<1x4x128xi32, #tpu.memory_space<vmem>>
        %dma_wait3A_689 = tpu.memref_squeeze %dma_wait3A_688 : memref<1x4x128xi32, #tpu.memory_space<vmem>> -> memref<4x128xi32, #tpu.memory_space<vmem>>
        %dma_wait3A_690 = arith.constant 0 : i32
        %dma_wait3A_691 = tpu.memref_slice %arg4[%add3A_685, %dma_wait3A_690] : memref<2560x128xi32, #tpu.memory_space<hbm>> -> memref<4x128xi32, #tpu.memory_space<hbm>>
        %dma_wait3A_692 = arith.constant 0 : i32
        %dma_wait3A_693 = arith.constant 0 : i32
        %dma_wait3A_694 = tpu.memref_slice %arg7[%rem3A_682, %dma_wait3A_692, %dma_wait3A_693] : memref<4x4x128xi32, #tpu.memory_space<vmem>> -> memref<1x4x128xi32, #tpu.memory_space<vmem>>
        %dma_wait3A_695 = tpu.memref_squeeze %dma_wait3A_694 : memref<1x4x128xi32, #tpu.memory_space<vmem>> -> memref<4x128xi32, #tpu.memory_space<vmem>>
        %dma_wait3A_696 = arith.constant 0 : i32
        %dma_wait3A_697 = tpu.memref_slice %arg4[%add3A_685, %dma_wait3A_696] : memref<2560x128xi32, #tpu.memory_space<hbm>> -> memref<4x128xi32, #tpu.memory_space<hbm>>
        tpu.wait_dma2 semaphore(%arg11 : memref<!tpu.dma_semaphore, #tpu.memory_space<semaphore_mem>>) src(%dma_wait3A_697 : memref<4x128xi32, #tpu.memory_space<hbm>>) dst(%dma_wait3A_695 : memref<4x128xi32, #tpu.memory_space<vmem>>)
        %mul3A_698 = arith.constant 4 : i32
        %mul3A_699 = arith.muli %add3A_678, %mul3A_698 : i32
        %add3A_700 = arith.addi %add3A, %mul3A_699 : i32
        %dma_wait3A_701 = arith.constant 0 : i32
        %dma_wait3A_702 = arith.constant 0 : i32
        %dma_wait3A_703 = tpu.memref_slice %arg8[%rem3A_682, %dma_wait3A_701, %dma_wait3A_702] : memref<4x4x128xi32, #tpu.memory_space<vmem>> -> memref<1x4x128xi32, #tpu.memory_space<vmem>>
        %dma_wait3A_704 = tpu.memref_squeeze %dma_wait3A_703 : memref<1x4x128xi32, #tpu.memory_space<vmem>> -> memref<4x128xi32, #tpu.memory_space<vmem>>
        %dma_wait3A_705 = arith.constant 0 : i32
        %dma_wait3A_706 = tpu.memref_slice %arg5[%add3A_700, %dma_wait3A_705] : memref<2560x128xi32, #tpu.memory_space<hbm>> -> memref<4x128xi32, #tpu.memory_space<hbm>>
        %dma_wait3A_707 = arith.constant 0 : i32
        %dma_wait3A_708 = arith.constant 0 : i32
        %dma_wait3A_709 = tpu.memref_slice %arg8[%rem3A_682, %dma_wait3A_707, %dma_wait3A_708] : memref<4x4x128xi32, #tpu.memory_space<vmem>> -> memref<1x4x128xi32, #tpu.memory_space<vmem>>
        %dma_wait3A_710 = tpu.memref_squeeze %dma_wait3A_709 : memref<1x4x128xi32, #tpu.memory_space<vmem>> -> memref<4x128xi32, #tpu.memory_space<vmem>>
        %dma_wait3A_711 = arith.constant 0 : i32
        %dma_wait3A_712 = tpu.memref_slice %arg5[%add3A_700, %dma_wait3A_711] : memref<2560x128xi32, #tpu.memory_space<hbm>> -> memref<4x128xi32, #tpu.memory_space<hbm>>
        tpu.wait_dma2 semaphore(%arg11 : memref<!tpu.dma_semaphore, #tpu.memory_space<semaphore_mem>>) src(%dma_wait3A_712 : memref<4x128xi32, #tpu.memory_space<hbm>>) dst(%dma_wait3A_710 : memref<4x128xi32, #tpu.memory_space<vmem>>)
      } else {
      }
      %eq3A_425 = arith.constant 0 : i32
      %eq3A_426 = arith.cmpi eq, %rem3A_390, %eq3A_425 : i32
      %add3A_427 = arith.constant 2 : i32
      %add3A_428 = arith.addi %select_n3A_414, %add3A_427 : i32
      %lt3A_429 = arith.constant 20 : i32
      %lt3A_430 = arith.cmpi slt, %add3A_428, %lt3A_429 : i32
      %and3A_431 = arith.andi %eq3A_426, %lt3A_430 : i1
      %convert_element_type3A_432 = arith.extui %and3A_431 : i1 to i32
      %cond3A_433 = arith.constant 0 : i32
      %cond3A_434 = arith.cmpi ne, %convert_element_type3A_432, %cond3A_433 : i32
      scf.if %cond3A_434 {
        %add3A_677 = arith.constant 2 : i32
        %add3A_678 = arith.addi %select_n3A_414, %add3A_677 : i32
        %add3A_679 = arith.constant 2 : i32
        %add3A_680 = arith.addi %select_n3A_414, %add3A_679 : i32
        %rem3A_681 = arith.constant 4 : i32
        %rem3A_682 = arith.remsi %add3A_680, %rem3A_681 : i32
        %mul3A_683 = arith.constant 4 : i32
        %mul3A_684 = arith.muli %add3A_678, %mul3A_683 : i32
        %add3A_685 = arith.addi %add3A, %mul3A_684 : i32
        %dma_start3A_686 = arith.constant 0 : i32
        %dma_start3A_687 = arith.constant 0 : i32
        %dma_start3A_688 = tpu.memref_slice %arg7[%rem3A_682, %dma_start3A_686, %dma_start3A_687] : memref<4x4x128xi32, #tpu.memory_space<vmem>> -> memref<1x4x128xi32, #tpu.memory_space<vmem>>
        %dma_start3A_689 = tpu.memref_squeeze %dma_start3A_688 : memref<1x4x128xi32, #tpu.memory_space<vmem>> -> memref<4x128xi32, #tpu.memory_space<vmem>>
        %dma_start3A_690 = arith.constant 0 : i32
        %dma_start3A_691 = tpu.memref_slice %arg4[%add3A_685, %dma_start3A_690] : memref<2560x128xi32, #tpu.memory_space<hbm>> -> memref<4x128xi32, #tpu.memory_space<hbm>>
        %dma_start3A_692 = arith.constant 0 : i32
        %dma_start3A_693 = arith.constant 0 : i32
        %dma_start3A_694 = tpu.memref_slice %arg7[%rem3A_682, %dma_start3A_692, %dma_start3A_693] : memref<4x4x128xi32, #tpu.memory_space<vmem>> -> memref<1x4x128xi32, #tpu.memory_space<vmem>>
        %dma_start3A_695 = tpu.memref_squeeze %dma_start3A_694 : memref<1x4x128xi32, #tpu.memory_space<vmem>> -> memref<4x128xi32, #tpu.memory_space<vmem>>
        %dma_start3A_696 = arith.constant 0 : i32
        %dma_start3A_697 = tpu.memref_slice %arg4[%add3A_685, %dma_start3A_696] : memref<2560x128xi32, #tpu.memory_space<hbm>> -> memref<4x128xi32, #tpu.memory_space<hbm>>
        tpu.enqueue_dma source(%dma_start3A_697 : memref<4x128xi32, #tpu.memory_space<hbm>>) target(%dma_start3A_695 : memref<4x128xi32, #tpu.memory_space<vmem>>) target_semaphore(%arg11 : memref<!tpu.dma_semaphore, #tpu.memory_space<semaphore_mem>>)
        %mul3A_698 = arith.constant 4 : i32
        %mul3A_699 = arith.muli %add3A_678, %mul3A_698 : i32
        %add3A_700 = arith.addi %add3A, %mul3A_699 : i32
        %dma_start3A_701 = arith.constant 0 : i32
        %dma_start3A_702 = arith.constant 0 : i32
        %dma_start3A_703 = tpu.memref_slice %arg8[%rem3A_682, %dma_start3A_701, %dma_start3A_702] : memref<4x4x128xi32, #tpu.memory_space<vmem>> -> memref<1x4x128xi32, #tpu.memory_space<vmem>>
        %dma_start3A_704 = tpu.memref_squeeze %dma_start3A_703 : memref<1x4x128xi32, #tpu.memory_space<vmem>> -> memref<4x128xi32, #tpu.memory_space<vmem>>
        %dma_start3A_705 = arith.constant 0 : i32
        %dma_start3A_706 = tpu.memref_slice %arg5[%add3A_700, %dma_start3A_705] : memref<2560x128xi32, #tpu.memory_space<hbm>> -> memref<4x128xi32, #tpu.memory_space<hbm>>
        %dma_start3A_707 = arith.constant 0 : i32
        %dma_start3A_708 = arith.constant 0 : i32
        %dma_start3A_709 = tpu.memref_slice %arg8[%rem3A_682, %dma_start3A_707, %dma_start3A_708] : memref<4x4x128xi32, #tpu.memory_space<vmem>> -> memref<1x4x128xi32, #tpu.memory_space<vmem>>
        %dma_start3A_710 = tpu.memref_squeeze %dma_start3A_709 : memref<1x4x128xi32, #tpu.memory_space<vmem>> -> memref<4x128xi32, #tpu.memory_space<vmem>>
        %dma_start3A_711 = arith.constant 0 : i32
        %dma_start3A_712 = tpu.memref_slice %arg5[%add3A_700, %dma_start3A_711] : memref<2560x128xi32, #tpu.memory_space<hbm>> -> memref<4x128xi32, #tpu.memory_space<hbm>>
        tpu.enqueue_dma source(%dma_start3A_712 : memref<4x128xi32, #tpu.memory_space<hbm>>) target(%dma_start3A_710 : memref<4x128xi32, #tpu.memory_space<vmem>>) target_semaphore(%arg11 : memref<!tpu.dma_semaphore, #tpu.memory_space<semaphore_mem>>)
      } else {
      }
      %jit3A_435 = arith.constant 4 : i32
      %div3A_436 = arith.divsi %add3A_388, %jit3A_435 : i32
      %sign3A_437 = arith.constant 0 : i32
      %sign3A_438 = arith.cmpi sgt, %add3A_388, %sign3A_437 : i32
      %sign3A_439 = arith.extui %sign3A_438 : i1 to i32
      %sign3A_440 = arith.constant 0 : i32
      %sign3A_441 = arith.cmpi slt, %add3A_388, %sign3A_440 : i32
      %sign3A_442 = arith.extui %sign3A_441 : i1 to i32
      %sign3A_443 = arith.subi %sign3A_439, %sign3A_442 : i32
      %sign3A_444 = arith.constant 0 : i32
      %sign3A_445 = arith.cmpi sgt, %jit3A_435, %sign3A_444 : i32
      %sign3A_446 = arith.extui %sign3A_445 : i1 to i32
      %sign3A_447 = arith.constant 0 : i32
      %sign3A_448 = arith.cmpi slt, %jit3A_435, %sign3A_447 : i32
      %sign3A_449 = arith.extui %sign3A_448 : i1 to i32
      %sign3A_450 = arith.subi %sign3A_446, %sign3A_449 : i32
      %ne3A_451 = arith.cmpi ne, %sign3A_443, %sign3A_450 : i32
      %rem3A_452 = arith.remsi %add3A_388, %jit3A_435 : i32
      %ne3A_453 = arith.constant 0 : i32
      %ne3A_454 = arith.cmpi ne, %rem3A_452, %ne3A_453 : i32
      %and3A_455 = arith.andi %ne3A_451, %ne3A_454 : i1
      %sub3A_456 = arith.constant 1 : i32
      %sub3A_457 = arith.subi %div3A_436, %sub3A_456 : i32
      %select_n3A_458 = arith.select %and3A_455, %sub3A_457, %div3A_436 : i32
      %rem3A_459 = arith.constant 4 : i32
      %rem3A_460 = arith.remsi %select_n3A_458, %rem3A_459 : i32
      %rem3A_461 = arith.constant 4 : i32
      %rem3A_462 = arith.remsi %add3A_388, %rem3A_461 : i32
      %dma_wait3A_463 = arith.constant 0 : i32
      %dma_wait3A_464 = tpu.memref_slice %arg7[%rem3A_460, %rem3A_462, %dma_wait3A_463] : memref<4x4x128xi32, #tpu.memory_space<vmem>> -> memref<1x1x128xi32, #tpu.memory_space<vmem>>
      %dma_wait3A_465 = tpu.memref_squeeze %dma_wait3A_464 : memref<1x1x128xi32, #tpu.memory_space<vmem>> -> memref<128xi32, #tpu.memory_space<vmem>>
      %dma_wait3A_466 = arith.constant 0 : i32
      %dma_wait3A_467 = arith.constant 0 : i32
      %dma_wait3A_468 = tpu.memref_slice %arg9[%dma_wait3A_466, %dma_wait3A_467] : memref<10240x64xf32, #tpu.memory_space<vmem_shared>> -> memref<10240x64xf32, #tpu.memory_space<vmem_shared>>
      tpu.wait_indirect_dma semaphore(%arg19 : memref<!tpu.dma_semaphore, #tpu.memory_space<semaphore_mem>>) src(%dma_wait3A_468 : memref<10240x64xf32, #tpu.memory_space<vmem_shared>>) dst(%arg14 : memref<128x64xf32, #tpu.memory_space<vmem>>)
      %dma_start3A_469 = arith.constant 0 : i32
      %dma_start3A_470 = tpu.memref_slice %arg8[%rem3A_460, %rem3A_462, %dma_start3A_469] : memref<4x4x128xi32, #tpu.memory_space<vmem>> -> memref<1x1x128xi32, #tpu.memory_space<vmem>>
      %dma_start3A_471 = tpu.memref_squeeze %dma_start3A_470 : memref<1x1x128xi32, #tpu.memory_space<vmem>> -> memref<128xi32, #tpu.memory_space<vmem>>
      %dma_start3A_472 = arith.constant 0 : i32
      %dma_start3A_473 = arith.constant 0 : i32
      %dma_start3A_474 = tpu.memref_slice %arg10[%dma_start3A_472, %dma_start3A_473] : memref<10240x64xf32, #tpu.memory_space<vmem_shared>> -> memref<10240x64xf32, #tpu.memory_space<vmem_shared>>
      tpu.enqueue_indirect_dma source(%arg14 : memref<128x64xf32, #tpu.memory_space<vmem>>) target(%dma_start3A_474 : memref<10240x64xf32, #tpu.memory_space<vmem_shared>>) offsets(%dma_start3A_471 : memref<128xi32, #tpu.memory_space<vmem>>) semaphore(%arg24 : memref<!tpu.dma_semaphore, #tpu.memory_space<semaphore_mem>>) {add = true}
      %add3A_475 = arith.constant 3 : i32
      %add3A_476 = arith.addi %add3A_388, %add3A_475 : i32
      %lt3A_477 = arith.constant 80 : i32
      %lt3A_478 = arith.cmpi slt, %add3A_476, %lt3A_477 : i32
      %convert_element_type3A_479 = arith.extui %lt3A_478 : i1 to i32
      %cond3A_480 = arith.constant 0 : i32
      %cond3A_481 = arith.cmpi ne, %convert_element_type3A_479, %cond3A_480 : i32
      scf.if %cond3A_481 {
        %ge3A = arith.constant 2 : i32
        %ge3A_677 = arith.cmpi sge, %add3A_388, %ge3A : i32
        %convert_element_type3A_678 = arith.extui %ge3A_677 : i1 to i32
        %cond3A_679 = arith.constant 0 : i32
        %cond3A_680 = arith.cmpi ne, %convert_element_type3A_678, %cond3A_679 : i32
        scf.if %cond3A_680 {
          %dma_wait3A_715 = arith.constant 0 : i32
          %dma_wait3A_716 = arith.constant 0 : i32
          %dma_wait3A_717 = arith.constant 0 : i32
          %dma_wait3A_718 = tpu.memref_slice %arg8[%dma_wait3A_715, %dma_wait3A_716, %dma_wait3A_717] : memref<4x4x128xi32, #tpu.memory_space<vmem>> -> memref<1x1x128xi32, #tpu.memory_space<vmem>>
          %dma_wait3A_719 = tpu.memref_squeeze %dma_wait3A_718 : memref<1x1x128xi32, #tpu.memory_space<vmem>> -> memref<128xi32, #tpu.memory_space<vmem>>
          %dma_wait3A_720 = arith.constant 0 : i32
          %dma_wait3A_721 = arith.constant 0 : i32
          %dma_wait3A_722 = tpu.memref_slice %arg10[%dma_wait3A_720, %dma_wait3A_721] : memref<10240x64xf32, #tpu.memory_space<vmem_shared>> -> memref<10240x64xf32, #tpu.memory_space<vmem_shared>>
          tpu.wait_indirect_dma semaphore(%arg22 : memref<!tpu.dma_semaphore, #tpu.memory_space<semaphore_mem>>) src(%arg12 : memref<128x64xf32, #tpu.memory_space<vmem>>) dst(%dma_wait3A_722 : memref<10240x64xf32, #tpu.memory_space<vmem_shared>>)
        } else {
        }
        %jit3A_681 = arith.constant 4 : i32
        %div3A_682 = arith.divsi %add3A_476, %jit3A_681 : i32
        %sign3A_683 = arith.constant 0 : i32
        %sign3A_684 = arith.cmpi sgt, %add3A_476, %sign3A_683 : i32
        %sign3A_685 = arith.extui %sign3A_684 : i1 to i32
        %sign3A_686 = arith.constant 0 : i32
        %sign3A_687 = arith.cmpi slt, %add3A_476, %sign3A_686 : i32
        %sign3A_688 = arith.extui %sign3A_687 : i1 to i32
        %sign3A_689 = arith.subi %sign3A_685, %sign3A_688 : i32
        %sign3A_690 = arith.constant 0 : i32
        %sign3A_691 = arith.cmpi sgt, %jit3A_681, %sign3A_690 : i32
        %sign3A_692 = arith.extui %sign3A_691 : i1 to i32
        %sign3A_693 = arith.constant 0 : i32
        %sign3A_694 = arith.cmpi slt, %jit3A_681, %sign3A_693 : i32
        %sign3A_695 = arith.extui %sign3A_694 : i1 to i32
        %sign3A_696 = arith.subi %sign3A_692, %sign3A_695 : i32
        %ne3A_697 = arith.cmpi ne, %sign3A_689, %sign3A_696 : i32
        %rem3A_698 = arith.remsi %add3A_476, %jit3A_681 : i32
        %ne3A_699 = arith.constant 0 : i32
        %ne3A_700 = arith.cmpi ne, %rem3A_698, %ne3A_699 : i32
        %and3A_701 = arith.andi %ne3A_697, %ne3A_700 : i1
        %sub3A_702 = arith.constant 1 : i32
        %sub3A_703 = arith.subi %div3A_682, %sub3A_702 : i32
        %select_n3A_704 = arith.select %and3A_701, %sub3A_703, %div3A_682 : i32
        %rem3A_705 = arith.constant 4 : i32
        %rem3A_706 = arith.remsi %select_n3A_704, %rem3A_705 : i32
        %rem3A_707 = arith.constant 4 : i32
        %rem3A_708 = arith.remsi %add3A_476, %rem3A_707 : i32
        %dma_start3A_709 = arith.constant 0 : i32
        %dma_start3A_710 = tpu.memref_slice %arg7[%rem3A_706, %rem3A_708, %dma_start3A_709] : memref<4x4x128xi32, #tpu.memory_space<vmem>> -> memref<1x1x128xi32, #tpu.memory_space<vmem>>
        %dma_start3A_711 = tpu.memref_squeeze %dma_start3A_710 : memref<1x1x128xi32, #tpu.memory_space<vmem>> -> memref<128xi32, #tpu.memory_space<vmem>>
        %dma_start3A_712 = arith.constant 0 : i32
        %dma_start3A_713 = arith.constant 0 : i32
        %dma_start3A_714 = tpu.memref_slice %arg9[%dma_start3A_712, %dma_start3A_713] : memref<10240x64xf32, #tpu.memory_space<vmem_shared>> -> memref<10240x64xf32, #tpu.memory_space<vmem_shared>>
        tpu.enqueue_indirect_dma source(%dma_start3A_714 : memref<10240x64xf32, #tpu.memory_space<vmem_shared>>) target(%arg12 : memref<128x64xf32, #tpu.memory_space<vmem>>) offsets(%dma_start3A_711 : memref<128xi32, #tpu.memory_space<vmem>>) semaphore(%arg17 : memref<!tpu.dma_semaphore, #tpu.memory_space<semaphore_mem>>)
      } else {
      }
      %mul3A_482 = arith.constant 5 : i32
      %mul3A_483 = arith.muli %scan3A_198, %mul3A_482 : i32
      %add3A_484 = arith.constant 3 : i32
      %add3A_485 = arith.addi %mul3A_483, %add3A_484 : i32
      %rem3A_486 = arith.constant 4 : i32
      %rem3A_487 = arith.remsi %add3A_485, %rem3A_486 : i32
      %jit3A_488 = arith.constant 4 : i32
      %div3A_489 = arith.divsi %add3A_485, %jit3A_488 : i32
      %sign3A_490 = arith.constant 0 : i32
      %sign3A_491 = arith.cmpi sgt, %add3A_485, %sign3A_490 : i32
      %sign3A_492 = arith.extui %sign3A_491 : i1 to i32
      %sign3A_493 = arith.constant 0 : i32
      %sign3A_494 = arith.cmpi slt, %add3A_485, %sign3A_493 : i32
      %sign3A_495 = arith.extui %sign3A_494 : i1 to i32
      %sign3A_496 = arith.subi %sign3A_492, %sign3A_495 : i32
      %sign3A_497 = arith.constant 0 : i32
      %sign3A_498 = arith.cmpi sgt, %jit3A_488, %sign3A_497 : i32
      %sign3A_499 = arith.extui %sign3A_498 : i1 to i32
      %sign3A_500 = arith.constant 0 : i32
      %sign3A_501 = arith.cmpi slt, %jit3A_488, %sign3A_500 : i32
      %sign3A_502 = arith.extui %sign3A_501 : i1 to i32
      %sign3A_503 = arith.subi %sign3A_499, %sign3A_502 : i32
      %ne3A_504 = arith.cmpi ne, %sign3A_496, %sign3A_503 : i32
      %rem3A_505 = arith.remsi %add3A_485, %jit3A_488 : i32
      %ne3A_506 = arith.constant 0 : i32
      %ne3A_507 = arith.cmpi ne, %rem3A_505, %ne3A_506 : i32
      %and3A_508 = arith.andi %ne3A_504, %ne3A_507 : i1
      %sub3A_509 = arith.constant 1 : i32
      %sub3A_510 = arith.subi %div3A_489, %sub3A_509 : i32
      %select_n3A_511 = arith.select %and3A_508, %sub3A_510, %div3A_489 : i32
      %eq3A_512 = arith.constant 0 : i32
      %eq3A_513 = arith.cmpi eq, %rem3A_487, %eq3A_512 : i32
      %add3A_514 = arith.constant 1 : i32
      %add3A_515 = arith.addi %select_n3A_511, %add3A_514 : i32
      %lt3A_516 = arith.constant 20 : i32
      %lt3A_517 = arith.cmpi slt, %add3A_515, %lt3A_516 : i32
      %and3A_518 = arith.andi %eq3A_513, %lt3A_517 : i1
      %convert_element_type3A_519 = arith.extui %and3A_518 : i1 to i32
      %cond3A_520 = arith.constant 0 : i32
      %cond3A_521 = arith.cmpi ne, %convert_element_type3A_519, %cond3A_520 : i32
      scf.if %cond3A_521 {
        %add3A_677 = arith.constant 1 : i32
        %add3A_678 = arith.addi %select_n3A_511, %add3A_677 : i32
        %add3A_679 = arith.constant 1 : i32
        %add3A_680 = arith.addi %select_n3A_511, %add3A_679 : i32
        %rem3A_681 = arith.constant 4 : i32
        %rem3A_682 = arith.remsi %add3A_680, %rem3A_681 : i32
        %mul3A_683 = arith.constant 4 : i32
        %mul3A_684 = arith.muli %add3A_678, %mul3A_683 : i32
        %add3A_685 = arith.addi %add3A, %mul3A_684 : i32
        %dma_wait3A_686 = arith.constant 0 : i32
        %dma_wait3A_687 = arith.constant 0 : i32
        %dma_wait3A_688 = tpu.memref_slice %arg7[%rem3A_682, %dma_wait3A_686, %dma_wait3A_687] : memref<4x4x128xi32, #tpu.memory_space<vmem>> -> memref<1x4x128xi32, #tpu.memory_space<vmem>>
        %dma_wait3A_689 = tpu.memref_squeeze %dma_wait3A_688 : memref<1x4x128xi32, #tpu.memory_space<vmem>> -> memref<4x128xi32, #tpu.memory_space<vmem>>
        %dma_wait3A_690 = arith.constant 0 : i32
        %dma_wait3A_691 = tpu.memref_slice %arg4[%add3A_685, %dma_wait3A_690] : memref<2560x128xi32, #tpu.memory_space<hbm>> -> memref<4x128xi32, #tpu.memory_space<hbm>>
        %dma_wait3A_692 = arith.constant 0 : i32
        %dma_wait3A_693 = arith.constant 0 : i32
        %dma_wait3A_694 = tpu.memref_slice %arg7[%rem3A_682, %dma_wait3A_692, %dma_wait3A_693] : memref<4x4x128xi32, #tpu.memory_space<vmem>> -> memref<1x4x128xi32, #tpu.memory_space<vmem>>
        %dma_wait3A_695 = tpu.memref_squeeze %dma_wait3A_694 : memref<1x4x128xi32, #tpu.memory_space<vmem>> -> memref<4x128xi32, #tpu.memory_space<vmem>>
        %dma_wait3A_696 = arith.constant 0 : i32
        %dma_wait3A_697 = tpu.memref_slice %arg4[%add3A_685, %dma_wait3A_696] : memref<2560x128xi32, #tpu.memory_space<hbm>> -> memref<4x128xi32, #tpu.memory_space<hbm>>
        tpu.wait_dma2 semaphore(%arg11 : memref<!tpu.dma_semaphore, #tpu.memory_space<semaphore_mem>>) src(%dma_wait3A_697 : memref<4x128xi32, #tpu.memory_space<hbm>>) dst(%dma_wait3A_695 : memref<4x128xi32, #tpu.memory_space<vmem>>)
        %mul3A_698 = arith.constant 4 : i32
        %mul3A_699 = arith.muli %add3A_678, %mul3A_698 : i32
        %add3A_700 = arith.addi %add3A, %mul3A_699 : i32
        %dma_wait3A_701 = arith.constant 0 : i32
        %dma_wait3A_702 = arith.constant 0 : i32
        %dma_wait3A_703 = tpu.memref_slice %arg8[%rem3A_682, %dma_wait3A_701, %dma_wait3A_702] : memref<4x4x128xi32, #tpu.memory_space<vmem>> -> memref<1x4x128xi32, #tpu.memory_space<vmem>>
        %dma_wait3A_704 = tpu.memref_squeeze %dma_wait3A_703 : memref<1x4x128xi32, #tpu.memory_space<vmem>> -> memref<4x128xi32, #tpu.memory_space<vmem>>
        %dma_wait3A_705 = arith.constant 0 : i32
        %dma_wait3A_706 = tpu.memref_slice %arg5[%add3A_700, %dma_wait3A_705] : memref<2560x128xi32, #tpu.memory_space<hbm>> -> memref<4x128xi32, #tpu.memory_space<hbm>>
        %dma_wait3A_707 = arith.constant 0 : i32
        %dma_wait3A_708 = arith.constant 0 : i32
        %dma_wait3A_709 = tpu.memref_slice %arg8[%rem3A_682, %dma_wait3A_707, %dma_wait3A_708] : memref<4x4x128xi32, #tpu.memory_space<vmem>> -> memref<1x4x128xi32, #tpu.memory_space<vmem>>
        %dma_wait3A_710 = tpu.memref_squeeze %dma_wait3A_709 : memref<1x4x128xi32, #tpu.memory_space<vmem>> -> memref<4x128xi32, #tpu.memory_space<vmem>>
        %dma_wait3A_711 = arith.constant 0 : i32
        %dma_wait3A_712 = tpu.memref_slice %arg5[%add3A_700, %dma_wait3A_711] : memref<2560x128xi32, #tpu.memory_space<hbm>> -> memref<4x128xi32, #tpu.memory_space<hbm>>
        tpu.wait_dma2 semaphore(%arg11 : memref<!tpu.dma_semaphore, #tpu.memory_space<semaphore_mem>>) src(%dma_wait3A_712 : memref<4x128xi32, #tpu.memory_space<hbm>>) dst(%dma_wait3A_710 : memref<4x128xi32, #tpu.memory_space<vmem>>)
      } else {
      }
      %eq3A_522 = arith.constant 0 : i32
      %eq3A_523 = arith.cmpi eq, %rem3A_487, %eq3A_522 : i32
      %add3A_524 = arith.constant 2 : i32
      %add3A_525 = arith.addi %select_n3A_511, %add3A_524 : i32
      %lt3A_526 = arith.constant 20 : i32
      %lt3A_527 = arith.cmpi slt, %add3A_525, %lt3A_526 : i32
      %and3A_528 = arith.andi %eq3A_523, %lt3A_527 : i1
      %convert_element_type3A_529 = arith.extui %and3A_528 : i1 to i32
      %cond3A_530 = arith.constant 0 : i32
      %cond3A_531 = arith.cmpi ne, %convert_element_type3A_529, %cond3A_530 : i32
      scf.if %cond3A_531 {
        %add3A_677 = arith.constant 2 : i32
        %add3A_678 = arith.addi %select_n3A_511, %add3A_677 : i32
        %add3A_679 = arith.constant 2 : i32
        %add3A_680 = arith.addi %select_n3A_511, %add3A_679 : i32
        %rem3A_681 = arith.constant 4 : i32
        %rem3A_682 = arith.remsi %add3A_680, %rem3A_681 : i32
        %mul3A_683 = arith.constant 4 : i32
        %mul3A_684 = arith.muli %add3A_678, %mul3A_683 : i32
        %add3A_685 = arith.addi %add3A, %mul3A_684 : i32
        %dma_start3A_686 = arith.constant 0 : i32
        %dma_start3A_687 = arith.constant 0 : i32
        %dma_start3A_688 = tpu.memref_slice %arg7[%rem3A_682, %dma_start3A_686, %dma_start3A_687] : memref<4x4x128xi32, #tpu.memory_space<vmem>> -> memref<1x4x128xi32, #tpu.memory_space<vmem>>
        %dma_start3A_689 = tpu.memref_squeeze %dma_start3A_688 : memref<1x4x128xi32, #tpu.memory_space<vmem>> -> memref<4x128xi32, #tpu.memory_space<vmem>>
        %dma_start3A_690 = arith.constant 0 : i32
        %dma_start3A_691 = tpu.memref_slice %arg4[%add3A_685, %dma_start3A_690] : memref<2560x128xi32, #tpu.memory_space<hbm>> -> memref<4x128xi32, #tpu.memory_space<hbm>>
        %dma_start3A_692 = arith.constant 0 : i32
        %dma_start3A_693 = arith.constant 0 : i32
        %dma_start3A_694 = tpu.memref_slice %arg7[%rem3A_682, %dma_start3A_692, %dma_start3A_693] : memref<4x4x128xi32, #tpu.memory_space<vmem>> -> memref<1x4x128xi32, #tpu.memory_space<vmem>>
        %dma_start3A_695 = tpu.memref_squeeze %dma_start3A_694 : memref<1x4x128xi32, #tpu.memory_space<vmem>> -> memref<4x128xi32, #tpu.memory_space<vmem>>
        %dma_start3A_696 = arith.constant 0 : i32
        %dma_start3A_697 = tpu.memref_slice %arg4[%add3A_685, %dma_start3A_696] : memref<2560x128xi32, #tpu.memory_space<hbm>> -> memref<4x128xi32, #tpu.memory_space<hbm>>
        tpu.enqueue_dma source(%dma_start3A_697 : memref<4x128xi32, #tpu.memory_space<hbm>>) target(%dma_start3A_695 : memref<4x128xi32, #tpu.memory_space<vmem>>) target_semaphore(%arg11 : memref<!tpu.dma_semaphore, #tpu.memory_space<semaphore_mem>>)
        %mul3A_698 = arith.constant 4 : i32
        %mul3A_699 = arith.muli %add3A_678, %mul3A_698 : i32
        %add3A_700 = arith.addi %add3A, %mul3A_699 : i32
        %dma_start3A_701 = arith.constant 0 : i32
        %dma_start3A_702 = arith.constant 0 : i32
        %dma_start3A_703 = tpu.memref_slice %arg8[%rem3A_682, %dma_start3A_701, %dma_start3A_702] : memref<4x4x128xi32, #tpu.memory_space<vmem>> -> memref<1x4x128xi32, #tpu.memory_space<vmem>>
        %dma_start3A_704 = tpu.memref_squeeze %dma_start3A_703 : memref<1x4x128xi32, #tpu.memory_space<vmem>> -> memref<4x128xi32, #tpu.memory_space<vmem>>
        %dma_start3A_705 = arith.constant 0 : i32
        %dma_start3A_706 = tpu.memref_slice %arg5[%add3A_700, %dma_start3A_705] : memref<2560x128xi32, #tpu.memory_space<hbm>> -> memref<4x128xi32, #tpu.memory_space<hbm>>
        %dma_start3A_707 = arith.constant 0 : i32
        %dma_start3A_708 = arith.constant 0 : i32
        %dma_start3A_709 = tpu.memref_slice %arg8[%rem3A_682, %dma_start3A_707, %dma_start3A_708] : memref<4x4x128xi32, #tpu.memory_space<vmem>> -> memref<1x4x128xi32, #tpu.memory_space<vmem>>
        %dma_start3A_710 = tpu.memref_squeeze %dma_start3A_709 : memref<1x4x128xi32, #tpu.memory_space<vmem>> -> memref<4x128xi32, #tpu.memory_space<vmem>>
        %dma_start3A_711 = arith.constant 0 : i32
        %dma_start3A_712 = tpu.memref_slice %arg5[%add3A_700, %dma_start3A_711] : memref<2560x128xi32, #tpu.memory_space<hbm>> -> memref<4x128xi32, #tpu.memory_space<hbm>>
        tpu.enqueue_dma source(%dma_start3A_712 : memref<4x128xi32, #tpu.memory_space<hbm>>) target(%dma_start3A_710 : memref<4x128xi32, #tpu.memory_space<vmem>>) target_semaphore(%arg11 : memref<!tpu.dma_semaphore, #tpu.memory_space<semaphore_mem>>)
      } else {
      }
      %jit3A_532 = arith.constant 4 : i32
      %div3A_533 = arith.divsi %add3A_485, %jit3A_532 : i32
      %sign3A_534 = arith.constant 0 : i32
      %sign3A_535 = arith.cmpi sgt, %add3A_485, %sign3A_534 : i32
      %sign3A_536 = arith.extui %sign3A_535 : i1 to i32
      %sign3A_537 = arith.constant 0 : i32
      %sign3A_538 = arith.cmpi slt, %add3A_485, %sign3A_537 : i32
      %sign3A_539 = arith.extui %sign3A_538 : i1 to i32
      %sign3A_540 = arith.subi %sign3A_536, %sign3A_539 : i32
      %sign3A_541 = arith.constant 0 : i32
      %sign3A_542 = arith.cmpi sgt, %jit3A_532, %sign3A_541 : i32
      %sign3A_543 = arith.extui %sign3A_542 : i1 to i32
      %sign3A_544 = arith.constant 0 : i32
      %sign3A_545 = arith.cmpi slt, %jit3A_532, %sign3A_544 : i32
      %sign3A_546 = arith.extui %sign3A_545 : i1 to i32
      %sign3A_547 = arith.subi %sign3A_543, %sign3A_546 : i32
      %ne3A_548 = arith.cmpi ne, %sign3A_540, %sign3A_547 : i32
      %rem3A_549 = arith.remsi %add3A_485, %jit3A_532 : i32
      %ne3A_550 = arith.constant 0 : i32
      %ne3A_551 = arith.cmpi ne, %rem3A_549, %ne3A_550 : i32
      %and3A_552 = arith.andi %ne3A_548, %ne3A_551 : i1
      %sub3A_553 = arith.constant 1 : i32
      %sub3A_554 = arith.subi %div3A_533, %sub3A_553 : i32
      %select_n3A_555 = arith.select %and3A_552, %sub3A_554, %div3A_533 : i32
      %rem3A_556 = arith.constant 4 : i32
      %rem3A_557 = arith.remsi %select_n3A_555, %rem3A_556 : i32
      %rem3A_558 = arith.constant 4 : i32
      %rem3A_559 = arith.remsi %add3A_485, %rem3A_558 : i32
      %dma_wait3A_560 = arith.constant 0 : i32
      %dma_wait3A_561 = tpu.memref_slice %arg7[%rem3A_557, %rem3A_559, %dma_wait3A_560] : memref<4x4x128xi32, #tpu.memory_space<vmem>> -> memref<1x1x128xi32, #tpu.memory_space<vmem>>
      %dma_wait3A_562 = tpu.memref_squeeze %dma_wait3A_561 : memref<1x1x128xi32, #tpu.memory_space<vmem>> -> memref<128xi32, #tpu.memory_space<vmem>>
      %dma_wait3A_563 = arith.constant 0 : i32
      %dma_wait3A_564 = arith.constant 0 : i32
      %dma_wait3A_565 = tpu.memref_slice %arg9[%dma_wait3A_563, %dma_wait3A_564] : memref<10240x64xf32, #tpu.memory_space<vmem_shared>> -> memref<10240x64xf32, #tpu.memory_space<vmem_shared>>
      tpu.wait_indirect_dma semaphore(%arg20 : memref<!tpu.dma_semaphore, #tpu.memory_space<semaphore_mem>>) src(%dma_wait3A_565 : memref<10240x64xf32, #tpu.memory_space<vmem_shared>>) dst(%arg15 : memref<128x64xf32, #tpu.memory_space<vmem>>)
      %dma_start3A_566 = arith.constant 0 : i32
      %dma_start3A_567 = tpu.memref_slice %arg8[%rem3A_557, %rem3A_559, %dma_start3A_566] : memref<4x4x128xi32, #tpu.memory_space<vmem>> -> memref<1x1x128xi32, #tpu.memory_space<vmem>>
      %dma_start3A_568 = tpu.memref_squeeze %dma_start3A_567 : memref<1x1x128xi32, #tpu.memory_space<vmem>> -> memref<128xi32, #tpu.memory_space<vmem>>
      %dma_start3A_569 = arith.constant 0 : i32
      %dma_start3A_570 = arith.constant 0 : i32
      %dma_start3A_571 = tpu.memref_slice %arg10[%dma_start3A_569, %dma_start3A_570] : memref<10240x64xf32, #tpu.memory_space<vmem_shared>> -> memref<10240x64xf32, #tpu.memory_space<vmem_shared>>
      tpu.enqueue_indirect_dma source(%arg15 : memref<128x64xf32, #tpu.memory_space<vmem>>) target(%dma_start3A_571 : memref<10240x64xf32, #tpu.memory_space<vmem_shared>>) offsets(%dma_start3A_568 : memref<128xi32, #tpu.memory_space<vmem>>) semaphore(%arg25 : memref<!tpu.dma_semaphore, #tpu.memory_space<semaphore_mem>>) {add = true}
      %add3A_572 = arith.constant 3 : i32
      %add3A_573 = arith.addi %add3A_485, %add3A_572 : i32
      %lt3A_574 = arith.constant 80 : i32
      %lt3A_575 = arith.cmpi slt, %add3A_573, %lt3A_574 : i32
      %convert_element_type3A_576 = arith.extui %lt3A_575 : i1 to i32
      %cond3A_577 = arith.constant 0 : i32
      %cond3A_578 = arith.cmpi ne, %convert_element_type3A_576, %cond3A_577 : i32
      scf.if %cond3A_578 {
        %ge3A = arith.constant 2 : i32
        %ge3A_677 = arith.cmpi sge, %add3A_485, %ge3A : i32
        %convert_element_type3A_678 = arith.extui %ge3A_677 : i1 to i32
        %cond3A_679 = arith.constant 0 : i32
        %cond3A_680 = arith.cmpi ne, %convert_element_type3A_678, %cond3A_679 : i32
        scf.if %cond3A_680 {
          %dma_wait3A_715 = arith.constant 0 : i32
          %dma_wait3A_716 = arith.constant 0 : i32
          %dma_wait3A_717 = arith.constant 0 : i32
          %dma_wait3A_718 = tpu.memref_slice %arg8[%dma_wait3A_715, %dma_wait3A_716, %dma_wait3A_717] : memref<4x4x128xi32, #tpu.memory_space<vmem>> -> memref<1x1x128xi32, #tpu.memory_space<vmem>>
          %dma_wait3A_719 = tpu.memref_squeeze %dma_wait3A_718 : memref<1x1x128xi32, #tpu.memory_space<vmem>> -> memref<128xi32, #tpu.memory_space<vmem>>
          %dma_wait3A_720 = arith.constant 0 : i32
          %dma_wait3A_721 = arith.constant 0 : i32
          %dma_wait3A_722 = tpu.memref_slice %arg10[%dma_wait3A_720, %dma_wait3A_721] : memref<10240x64xf32, #tpu.memory_space<vmem_shared>> -> memref<10240x64xf32, #tpu.memory_space<vmem_shared>>
          tpu.wait_indirect_dma semaphore(%arg23 : memref<!tpu.dma_semaphore, #tpu.memory_space<semaphore_mem>>) src(%arg13 : memref<128x64xf32, #tpu.memory_space<vmem>>) dst(%dma_wait3A_722 : memref<10240x64xf32, #tpu.memory_space<vmem_shared>>)
        } else {
        }
        %jit3A_681 = arith.constant 4 : i32
        %div3A_682 = arith.divsi %add3A_573, %jit3A_681 : i32
        %sign3A_683 = arith.constant 0 : i32
        %sign3A_684 = arith.cmpi sgt, %add3A_573, %sign3A_683 : i32
        %sign3A_685 = arith.extui %sign3A_684 : i1 to i32
        %sign3A_686 = arith.constant 0 : i32
        %sign3A_687 = arith.cmpi slt, %add3A_573, %sign3A_686 : i32
        %sign3A_688 = arith.extui %sign3A_687 : i1 to i32
        %sign3A_689 = arith.subi %sign3A_685, %sign3A_688 : i32
        %sign3A_690 = arith.constant 0 : i32
        %sign3A_691 = arith.cmpi sgt, %jit3A_681, %sign3A_690 : i32
        %sign3A_692 = arith.extui %sign3A_691 : i1 to i32
        %sign3A_693 = arith.constant 0 : i32
        %sign3A_694 = arith.cmpi slt, %jit3A_681, %sign3A_693 : i32
        %sign3A_695 = arith.extui %sign3A_694 : i1 to i32
        %sign3A_696 = arith.subi %sign3A_692, %sign3A_695 : i32
        %ne3A_697 = arith.cmpi ne, %sign3A_689, %sign3A_696 : i32
        %rem3A_698 = arith.remsi %add3A_573, %jit3A_681 : i32
        %ne3A_699 = arith.constant 0 : i32
        %ne3A_700 = arith.cmpi ne, %rem3A_698, %ne3A_699 : i32
        %and3A_701 = arith.andi %ne3A_697, %ne3A_700 : i1
        %sub3A_702 = arith.constant 1 : i32
        %sub3A_703 = arith.subi %div3A_682, %sub3A_702 : i32
        %select_n3A_704 = arith.select %and3A_701, %sub3A_703, %div3A_682 : i32
        %rem3A_705 = arith.constant 4 : i32
        %rem3A_706 = arith.remsi %select_n3A_704, %rem3A_705 : i32
        %rem3A_707 = arith.constant 4 : i32
        %rem3A_708 = arith.remsi %add3A_573, %rem3A_707 : i32
        %dma_start3A_709 = arith.constant 0 : i32
        %dma_start3A_710 = tpu.memref_slice %arg7[%rem3A_706, %rem3A_708, %dma_start3A_709] : memref<4x4x128xi32, #tpu.memory_space<vmem>> -> memref<1x1x128xi32, #tpu.memory_space<vmem>>
        %dma_start3A_711 = tpu.memref_squeeze %dma_start3A_710 : memref<1x1x128xi32, #tpu.memory_space<vmem>> -> memref<128xi32, #tpu.memory_space<vmem>>
        %dma_start3A_712 = arith.constant 0 : i32
        %dma_start3A_713 = arith.constant 0 : i32
        %dma_start3A_714 = tpu.memref_slice %arg9[%dma_start3A_712, %dma_start3A_713] : memref<10240x64xf32, #tpu.memory_space<vmem_shared>> -> memref<10240x64xf32, #tpu.memory_space<vmem_shared>>
        tpu.enqueue_indirect_dma source(%dma_start3A_714 : memref<10240x64xf32, #tpu.memory_space<vmem_shared>>) target(%arg13 : memref<128x64xf32, #tpu.memory_space<vmem>>) offsets(%dma_start3A_711 : memref<128xi32, #tpu.memory_space<vmem>>) semaphore(%arg18 : memref<!tpu.dma_semaphore, #tpu.memory_space<semaphore_mem>>)
      } else {
      }
      %mul3A_579 = arith.constant 5 : i32
      %mul3A_580 = arith.muli %scan3A_198, %mul3A_579 : i32
      %add3A_581 = arith.constant 4 : i32
      %add3A_582 = arith.addi %mul3A_580, %add3A_581 : i32
      %rem3A_583 = arith.constant 4 : i32
      %rem3A_584 = arith.remsi %add3A_582, %rem3A_583 : i32
      %jit3A_585 = arith.constant 4 : i32
      %div3A_586 = arith.divsi %add3A_582, %jit3A_585 : i32
      %sign3A_587 = arith.constant 0 : i32
      %sign3A_588 = arith.cmpi sgt, %add3A_582, %sign3A_587 : i32
      %sign3A_589 = arith.extui %sign3A_588 : i1 to i32
      %sign3A_590 = arith.constant 0 : i32
      %sign3A_591 = arith.cmpi slt, %add3A_582, %sign3A_590 : i32
      %sign3A_592 = arith.extui %sign3A_591 : i1 to i32
      %sign3A_593 = arith.subi %sign3A_589, %sign3A_592 : i32
      %sign3A_594 = arith.constant 0 : i32
      %sign3A_595 = arith.cmpi sgt, %jit3A_585, %sign3A_594 : i32
      %sign3A_596 = arith.extui %sign3A_595 : i1 to i32
      %sign3A_597 = arith.constant 0 : i32
      %sign3A_598 = arith.cmpi slt, %jit3A_585, %sign3A_597 : i32
      %sign3A_599 = arith.extui %sign3A_598 : i1 to i32
      %sign3A_600 = arith.subi %sign3A_596, %sign3A_599 : i32
      %ne3A_601 = arith.cmpi ne, %sign3A_593, %sign3A_600 : i32
      %rem3A_602 = arith.remsi %add3A_582, %jit3A_585 : i32
      %ne3A_603 = arith.constant 0 : i32
      %ne3A_604 = arith.cmpi ne, %rem3A_602, %ne3A_603 : i32
      %and3A_605 = arith.andi %ne3A_601, %ne3A_604 : i1
      %sub3A_606 = arith.constant 1 : i32
      %sub3A_607 = arith.subi %div3A_586, %sub3A_606 : i32
      %select_n3A_608 = arith.select %and3A_605, %sub3A_607, %div3A_586 : i32
      %eq3A_609 = arith.constant 0 : i32
      %eq3A_610 = arith.cmpi eq, %rem3A_584, %eq3A_609 : i32
      %add3A_611 = arith.constant 1 : i32
      %add3A_612 = arith.addi %select_n3A_608, %add3A_611 : i32
      %lt3A_613 = arith.constant 20 : i32
      %lt3A_614 = arith.cmpi slt, %add3A_612, %lt3A_613 : i32
      %and3A_615 = arith.andi %eq3A_610, %lt3A_614 : i1
      %convert_element_type3A_616 = arith.extui %and3A_615 : i1 to i32
      %cond3A_617 = arith.constant 0 : i32
      %cond3A_618 = arith.cmpi ne, %convert_element_type3A_616, %cond3A_617 : i32
      scf.if %cond3A_618 {
        %add3A_677 = arith.constant 1 : i32
        %add3A_678 = arith.addi %select_n3A_608, %add3A_677 : i32
        %add3A_679 = arith.constant 1 : i32
        %add3A_680 = arith.addi %select_n3A_608, %add3A_679 : i32
        %rem3A_681 = arith.constant 4 : i32
        %rem3A_682 = arith.remsi %add3A_680, %rem3A_681 : i32
        %mul3A_683 = arith.constant 4 : i32
        %mul3A_684 = arith.muli %add3A_678, %mul3A_683 : i32
        %add3A_685 = arith.addi %add3A, %mul3A_684 : i32
        %dma_wait3A_686 = arith.constant 0 : i32
        %dma_wait3A_687 = arith.constant 0 : i32
        %dma_wait3A_688 = tpu.memref_slice %arg7[%rem3A_682, %dma_wait3A_686, %dma_wait3A_687] : memref<4x4x128xi32, #tpu.memory_space<vmem>> -> memref<1x4x128xi32, #tpu.memory_space<vmem>>
        %dma_wait3A_689 = tpu.memref_squeeze %dma_wait3A_688 : memref<1x4x128xi32, #tpu.memory_space<vmem>> -> memref<4x128xi32, #tpu.memory_space<vmem>>
        %dma_wait3A_690 = arith.constant 0 : i32
        %dma_wait3A_691 = tpu.memref_slice %arg4[%add3A_685, %dma_wait3A_690] : memref<2560x128xi32, #tpu.memory_space<hbm>> -> memref<4x128xi32, #tpu.memory_space<hbm>>
        %dma_wait3A_692 = arith.constant 0 : i32
        %dma_wait3A_693 = arith.constant 0 : i32
        %dma_wait3A_694 = tpu.memref_slice %arg7[%rem3A_682, %dma_wait3A_692, %dma_wait3A_693] : memref<4x4x128xi32, #tpu.memory_space<vmem>> -> memref<1x4x128xi32, #tpu.memory_space<vmem>>
        %dma_wait3A_695 = tpu.memref_squeeze %dma_wait3A_694 : memref<1x4x128xi32, #tpu.memory_space<vmem>> -> memref<4x128xi32, #tpu.memory_space<vmem>>
        %dma_wait3A_696 = arith.constant 0 : i32
        %dma_wait3A_697 = tpu.memref_slice %arg4[%add3A_685, %dma_wait3A_696] : memref<2560x128xi32, #tpu.memory_space<hbm>> -> memref<4x128xi32, #tpu.memory_space<hbm>>
        tpu.wait_dma2 semaphore(%arg11 : memref<!tpu.dma_semaphore, #tpu.memory_space<semaphore_mem>>) src(%dma_wait3A_697 : memref<4x128xi32, #tpu.memory_space<hbm>>) dst(%dma_wait3A_695 : memref<4x128xi32, #tpu.memory_space<vmem>>)
        %mul3A_698 = arith.constant 4 : i32
        %mul3A_699 = arith.muli %add3A_678, %mul3A_698 : i32
        %add3A_700 = arith.addi %add3A, %mul3A_699 : i32
        %dma_wait3A_701 = arith.constant 0 : i32
        %dma_wait3A_702 = arith.constant 0 : i32
        %dma_wait3A_703 = tpu.memref_slice %arg8[%rem3A_682, %dma_wait3A_701, %dma_wait3A_702] : memref<4x4x128xi32, #tpu.memory_space<vmem>> -> memref<1x4x128xi32, #tpu.memory_space<vmem>>
        %dma_wait3A_704 = tpu.memref_squeeze %dma_wait3A_703 : memref<1x4x128xi32, #tpu.memory_space<vmem>> -> memref<4x128xi32, #tpu.memory_space<vmem>>
        %dma_wait3A_705 = arith.constant 0 : i32
        %dma_wait3A_706 = tpu.memref_slice %arg5[%add3A_700, %dma_wait3A_705] : memref<2560x128xi32, #tpu.memory_space<hbm>> -> memref<4x128xi32, #tpu.memory_space<hbm>>
        %dma_wait3A_707 = arith.constant 0 : i32
        %dma_wait3A_708 = arith.constant 0 : i32
        %dma_wait3A_709 = tpu.memref_slice %arg8[%rem3A_682, %dma_wait3A_707, %dma_wait3A_708] : memref<4x4x128xi32, #tpu.memory_space<vmem>> -> memref<1x4x128xi32, #tpu.memory_space<vmem>>
        %dma_wait3A_710 = tpu.memref_squeeze %dma_wait3A_709 : memref<1x4x128xi32, #tpu.memory_space<vmem>> -> memref<4x128xi32, #tpu.memory_space<vmem>>
        %dma_wait3A_711 = arith.constant 0 : i32
        %dma_wait3A_712 = tpu.memref_slice %arg5[%add3A_700, %dma_wait3A_711] : memref<2560x128xi32, #tpu.memory_space<hbm>> -> memref<4x128xi32, #tpu.memory_space<hbm>>
        tpu.wait_dma2 semaphore(%arg11 : memref<!tpu.dma_semaphore, #tpu.memory_space<semaphore_mem>>) src(%dma_wait3A_712 : memref<4x128xi32, #tpu.memory_space<hbm>>) dst(%dma_wait3A_710 : memref<4x128xi32, #tpu.memory_space<vmem>>)
      } else {
      }
      %eq3A_619 = arith.constant 0 : i32
      %eq3A_620 = arith.cmpi eq, %rem3A_584, %eq3A_619 : i32
      %add3A_621 = arith.constant 2 : i32
      %add3A_622 = arith.addi %select_n3A_608, %add3A_621 : i32
      %lt3A_623 = arith.constant 20 : i32
      %lt3A_624 = arith.cmpi slt, %add3A_622, %lt3A_623 : i32
      %and3A_625 = arith.andi %eq3A_620, %lt3A_624 : i1
      %convert_element_type3A_626 = arith.extui %and3A_625 : i1 to i32
      %cond3A_627 = arith.constant 0 : i32
      %cond3A_628 = arith.cmpi ne, %convert_element_type3A_626, %cond3A_627 : i32
      scf.if %cond3A_628 {
        %add3A_677 = arith.constant 2 : i32
        %add3A_678 = arith.addi %select_n3A_608, %add3A_677 : i32
        %add3A_679 = arith.constant 2 : i32
        %add3A_680 = arith.addi %select_n3A_608, %add3A_679 : i32
        %rem3A_681 = arith.constant 4 : i32
        %rem3A_682 = arith.remsi %add3A_680, %rem3A_681 : i32
        %mul3A_683 = arith.constant 4 : i32
        %mul3A_684 = arith.muli %add3A_678, %mul3A_683 : i32
        %add3A_685 = arith.addi %add3A, %mul3A_684 : i32
        %dma_start3A_686 = arith.constant 0 : i32
        %dma_start3A_687 = arith.constant 0 : i32
        %dma_start3A_688 = tpu.memref_slice %arg7[%rem3A_682, %dma_start3A_686, %dma_start3A_687] : memref<4x4x128xi32, #tpu.memory_space<vmem>> -> memref<1x4x128xi32, #tpu.memory_space<vmem>>
        %dma_start3A_689 = tpu.memref_squeeze %dma_start3A_688 : memref<1x4x128xi32, #tpu.memory_space<vmem>> -> memref<4x128xi32, #tpu.memory_space<vmem>>
        %dma_start3A_690 = arith.constant 0 : i32
        %dma_start3A_691 = tpu.memref_slice %arg4[%add3A_685, %dma_start3A_690] : memref<2560x128xi32, #tpu.memory_space<hbm>> -> memref<4x128xi32, #tpu.memory_space<hbm>>
        %dma_start3A_692 = arith.constant 0 : i32
        %dma_start3A_693 = arith.constant 0 : i32
        %dma_start3A_694 = tpu.memref_slice %arg7[%rem3A_682, %dma_start3A_692, %dma_start3A_693] : memref<4x4x128xi32, #tpu.memory_space<vmem>> -> memref<1x4x128xi32, #tpu.memory_space<vmem>>
        %dma_start3A_695 = tpu.memref_squeeze %dma_start3A_694 : memref<1x4x128xi32, #tpu.memory_space<vmem>> -> memref<4x128xi32, #tpu.memory_space<vmem>>
        %dma_start3A_696 = arith.constant 0 : i32
        %dma_start3A_697 = tpu.memref_slice %arg4[%add3A_685, %dma_start3A_696] : memref<2560x128xi32, #tpu.memory_space<hbm>> -> memref<4x128xi32, #tpu.memory_space<hbm>>
        tpu.enqueue_dma source(%dma_start3A_697 : memref<4x128xi32, #tpu.memory_space<hbm>>) target(%dma_start3A_695 : memref<4x128xi32, #tpu.memory_space<vmem>>) target_semaphore(%arg11 : memref<!tpu.dma_semaphore, #tpu.memory_space<semaphore_mem>>)
        %mul3A_698 = arith.constant 4 : i32
        %mul3A_699 = arith.muli %add3A_678, %mul3A_698 : i32
        %add3A_700 = arith.addi %add3A, %mul3A_699 : i32
        %dma_start3A_701 = arith.constant 0 : i32
        %dma_start3A_702 = arith.constant 0 : i32
        %dma_start3A_703 = tpu.memref_slice %arg8[%rem3A_682, %dma_start3A_701, %dma_start3A_702] : memref<4x4x128xi32, #tpu.memory_space<vmem>> -> memref<1x4x128xi32, #tpu.memory_space<vmem>>
        %dma_start3A_704 = tpu.memref_squeeze %dma_start3A_703 : memref<1x4x128xi32, #tpu.memory_space<vmem>> -> memref<4x128xi32, #tpu.memory_space<vmem>>
        %dma_start3A_705 = arith.constant 0 : i32
        %dma_start3A_706 = tpu.memref_slice %arg5[%add3A_700, %dma_start3A_705] : memref<2560x128xi32, #tpu.memory_space<hbm>> -> memref<4x128xi32, #tpu.memory_space<hbm>>
        %dma_start3A_707 = arith.constant 0 : i32
        %dma_start3A_708 = arith.constant 0 : i32
        %dma_start3A_709 = tpu.memref_slice %arg8[%rem3A_682, %dma_start3A_707, %dma_start3A_708] : memref<4x4x128xi32, #tpu.memory_space<vmem>> -> memref<1x4x128xi32, #tpu.memory_space<vmem>>
        %dma_start3A_710 = tpu.memref_squeeze %dma_start3A_709 : memref<1x4x128xi32, #tpu.memory_space<vmem>> -> memref<4x128xi32, #tpu.memory_space<vmem>>
        %dma_start3A_711 = arith.constant 0 : i32
        %dma_start3A_712 = tpu.memref_slice %arg5[%add3A_700, %dma_start3A_711] : memref<2560x128xi32, #tpu.memory_space<hbm>> -> memref<4x128xi32, #tpu.memory_space<hbm>>
        tpu.enqueue_dma source(%dma_start3A_712 : memref<4x128xi32, #tpu.memory_space<hbm>>) target(%dma_start3A_710 : memref<4x128xi32, #tpu.memory_space<vmem>>) target_semaphore(%arg11 : memref<!tpu.dma_semaphore, #tpu.memory_space<semaphore_mem>>)
      } else {
      }
      %jit3A_629 = arith.constant 4 : i32
      %div3A_630 = arith.divsi %add3A_582, %jit3A_629 : i32
      %sign3A_631 = arith.constant 0 : i32
      %sign3A_632 = arith.cmpi sgt, %add3A_582, %sign3A_631 : i32
      %sign3A_633 = arith.extui %sign3A_632 : i1 to i32
      %sign3A_634 = arith.constant 0 : i32
      %sign3A_635 = arith.cmpi slt, %add3A_582, %sign3A_634 : i32
      %sign3A_636 = arith.extui %sign3A_635 : i1 to i32
      %sign3A_637 = arith.subi %sign3A_633, %sign3A_636 : i32
      %sign3A_638 = arith.constant 0 : i32
      %sign3A_639 = arith.cmpi sgt, %jit3A_629, %sign3A_638 : i32
      %sign3A_640 = arith.extui %sign3A_639 : i1 to i32
      %sign3A_641 = arith.constant 0 : i32
      %sign3A_642 = arith.cmpi slt, %jit3A_629, %sign3A_641 : i32
      %sign3A_643 = arith.extui %sign3A_642 : i1 to i32
      %sign3A_644 = arith.subi %sign3A_640, %sign3A_643 : i32
      %ne3A_645 = arith.cmpi ne, %sign3A_637, %sign3A_644 : i32
      %rem3A_646 = arith.remsi %add3A_582, %jit3A_629 : i32
      %ne3A_647 = arith.constant 0 : i32
      %ne3A_648 = arith.cmpi ne, %rem3A_646, %ne3A_647 : i32
      %and3A_649 = arith.andi %ne3A_645, %ne3A_648 : i1
      %sub3A_650 = arith.constant 1 : i32
      %sub3A_651 = arith.subi %div3A_630, %sub3A_650 : i32
      %select_n3A_652 = arith.select %and3A_649, %sub3A_651, %div3A_630 : i32
      %rem3A_653 = arith.constant 4 : i32
      %rem3A_654 = arith.remsi %select_n3A_652, %rem3A_653 : i32
      %rem3A_655 = arith.constant 4 : i32
      %rem3A_656 = arith.remsi %add3A_582, %rem3A_655 : i32
      %dma_wait3A_657 = arith.constant 0 : i32
      %dma_wait3A_658 = tpu.memref_slice %arg7[%rem3A_654, %rem3A_656, %dma_wait3A_657] : memref<4x4x128xi32, #tpu.memory_space<vmem>> -> memref<1x1x128xi32, #tpu.memory_space<vmem>>
      %dma_wait3A_659 = tpu.memref_squeeze %dma_wait3A_658 : memref<1x1x128xi32, #tpu.memory_space<vmem>> -> memref<128xi32, #tpu.memory_space<vmem>>
      %dma_wait3A_660 = arith.constant 0 : i32
      %dma_wait3A_661 = arith.constant 0 : i32
      %dma_wait3A_662 = tpu.memref_slice %arg9[%dma_wait3A_660, %dma_wait3A_661] : memref<10240x64xf32, #tpu.memory_space<vmem_shared>> -> memref<10240x64xf32, #tpu.memory_space<vmem_shared>>
      tpu.wait_indirect_dma semaphore(%arg21 : memref<!tpu.dma_semaphore, #tpu.memory_space<semaphore_mem>>) src(%dma_wait3A_662 : memref<10240x64xf32, #tpu.memory_space<vmem_shared>>) dst(%arg16 : memref<128x64xf32, #tpu.memory_space<vmem>>)
      %dma_start3A_663 = arith.constant 0 : i32
      %dma_start3A_664 = tpu.memref_slice %arg8[%rem3A_654, %rem3A_656, %dma_start3A_663] : memref<4x4x128xi32, #tpu.memory_space<vmem>> -> memref<1x1x128xi32, #tpu.memory_space<vmem>>
      %dma_start3A_665 = tpu.memref_squeeze %dma_start3A_664 : memref<1x1x128xi32, #tpu.memory_space<vmem>> -> memref<128xi32, #tpu.memory_space<vmem>>
      %dma_start3A_666 = arith.constant 0 : i32
      %dma_start3A_667 = arith.constant 0 : i32
      %dma_start3A_668 = tpu.memref_slice %arg10[%dma_start3A_666, %dma_start3A_667] : memref<10240x64xf32, #tpu.memory_space<vmem_shared>> -> memref<10240x64xf32, #tpu.memory_space<vmem_shared>>
      tpu.enqueue_indirect_dma source(%arg16 : memref<128x64xf32, #tpu.memory_space<vmem>>) target(%dma_start3A_668 : memref<10240x64xf32, #tpu.memory_space<vmem_shared>>) offsets(%dma_start3A_665 : memref<128xi32, #tpu.memory_space<vmem>>) semaphore(%arg26 : memref<!tpu.dma_semaphore, #tpu.memory_space<semaphore_mem>>) {add = true}
      %add3A_669 = arith.constant 3 : i32
      %add3A_670 = arith.addi %add3A_582, %add3A_669 : i32
      %lt3A_671 = arith.constant 80 : i32
      %lt3A_672 = arith.cmpi slt, %add3A_670, %lt3A_671 : i32
      %convert_element_type3A_673 = arith.extui %lt3A_672 : i1 to i32
      %cond3A_674 = arith.constant 0 : i32
      %cond3A_675 = arith.cmpi ne, %convert_element_type3A_673, %cond3A_674 : i32
      scf.if %cond3A_675 {
        %ge3A = arith.constant 2 : i32
        %ge3A_677 = arith.cmpi sge, %add3A_582, %ge3A : i32
        %convert_element_type3A_678 = arith.extui %ge3A_677 : i1 to i32
        %cond3A_679 = arith.constant 0 : i32
        %cond3A_680 = arith.cmpi ne, %convert_element_type3A_678, %cond3A_679 : i32
        scf.if %cond3A_680 {
          %dma_wait3A_715 = arith.constant 0 : i32
          %dma_wait3A_716 = arith.constant 0 : i32
          %dma_wait3A_717 = arith.constant 0 : i32
          %dma_wait3A_718 = tpu.memref_slice %arg8[%dma_wait3A_715, %dma_wait3A_716, %dma_wait3A_717] : memref<4x4x128xi32, #tpu.memory_space<vmem>> -> memref<1x1x128xi32, #tpu.memory_space<vmem>>
          %dma_wait3A_719 = tpu.memref_squeeze %dma_wait3A_718 : memref<1x1x128xi32, #tpu.memory_space<vmem>> -> memref<128xi32, #tpu.memory_space<vmem>>
          %dma_wait3A_720 = arith.constant 0 : i32
          %dma_wait3A_721 = arith.constant 0 : i32
          %dma_wait3A_722 = tpu.memref_slice %arg10[%dma_wait3A_720, %dma_wait3A_721] : memref<10240x64xf32, #tpu.memory_space<vmem_shared>> -> memref<10240x64xf32, #tpu.memory_space<vmem_shared>>
          tpu.wait_indirect_dma semaphore(%arg24 : memref<!tpu.dma_semaphore, #tpu.memory_space<semaphore_mem>>) src(%arg14 : memref<128x64xf32, #tpu.memory_space<vmem>>) dst(%dma_wait3A_722 : memref<10240x64xf32, #tpu.memory_space<vmem_shared>>)
        } else {
        }
        %jit3A_681 = arith.constant 4 : i32
        %div3A_682 = arith.divsi %add3A_670, %jit3A_681 : i32
        %sign3A_683 = arith.constant 0 : i32
        %sign3A_684 = arith.cmpi sgt, %add3A_670, %sign3A_683 : i32
        %sign3A_685 = arith.extui %sign3A_684 : i1 to i32
        %sign3A_686 = arith.constant 0 : i32
        %sign3A_687 = arith.cmpi slt, %add3A_670, %sign3A_686 : i32
        %sign3A_688 = arith.extui %sign3A_687 : i1 to i32
        %sign3A_689 = arith.subi %sign3A_685, %sign3A_688 : i32
        %sign3A_690 = arith.constant 0 : i32
        %sign3A_691 = arith.cmpi sgt, %jit3A_681, %sign3A_690 : i32
        %sign3A_692 = arith.extui %sign3A_691 : i1 to i32
        %sign3A_693 = arith.constant 0 : i32
        %sign3A_694 = arith.cmpi slt, %jit3A_681, %sign3A_693 : i32
        %sign3A_695 = arith.extui %sign3A_694 : i1 to i32
        %sign3A_696 = arith.subi %sign3A_692, %sign3A_695 : i32
        %ne3A_697 = arith.cmpi ne, %sign3A_689, %sign3A_696 : i32
        %rem3A_698 = arith.remsi %add3A_670, %jit3A_681 : i32
        %ne3A_699 = arith.constant 0 : i32
        %ne3A_700 = arith.cmpi ne, %rem3A_698, %ne3A_699 : i32
        %and3A_701 = arith.andi %ne3A_697, %ne3A_700 : i1
        %sub3A_702 = arith.constant 1 : i32
        %sub3A_703 = arith.subi %div3A_682, %sub3A_702 : i32
        %select_n3A_704 = arith.select %and3A_701, %sub3A_703, %div3A_682 : i32
        %rem3A_705 = arith.constant 4 : i32
        %rem3A_706 = arith.remsi %select_n3A_704, %rem3A_705 : i32
        %rem3A_707 = arith.constant 4 : i32
        %rem3A_708 = arith.remsi %add3A_670, %rem3A_707 : i32
        %dma_start3A_709 = arith.constant 0 : i32
        %dma_start3A_710 = tpu.memref_slice %arg7[%rem3A_706, %rem3A_708, %dma_start3A_709] : memref<4x4x128xi32, #tpu.memory_space<vmem>> -> memref<1x1x128xi32, #tpu.memory_space<vmem>>
        %dma_start3A_711 = tpu.memref_squeeze %dma_start3A_710 : memref<1x1x128xi32, #tpu.memory_space<vmem>> -> memref<128xi32, #tpu.memory_space<vmem>>
        %dma_start3A_712 = arith.constant 0 : i32
        %dma_start3A_713 = arith.constant 0 : i32
        %dma_start3A_714 = tpu.memref_slice %arg9[%dma_start3A_712, %dma_start3A_713] : memref<10240x64xf32, #tpu.memory_space<vmem_shared>> -> memref<10240x64xf32, #tpu.memory_space<vmem_shared>>
        tpu.enqueue_indirect_dma source(%dma_start3A_714 : memref<10240x64xf32, #tpu.memory_space<vmem_shared>>) target(%arg14 : memref<128x64xf32, #tpu.memory_space<vmem>>) offsets(%dma_start3A_711 : memref<128xi32, #tpu.memory_space<vmem>>) semaphore(%arg19 : memref<!tpu.dma_semaphore, #tpu.memory_space<semaphore_mem>>)
      } else {
      }
      %scan3A_676 = arith.constant 0 : i32
      scf.yield %scan3A_676 : i32
    }
    %scan3A_146 = arith.constant 16 : i32
    %dma_wait3A_147 = arith.constant 0 : i32
    %dma_wait3A_148 = arith.constant 0 : i32
    %dma_wait3A_149 = arith.constant 0 : i32
    %dma_wait3A_150 = tpu.memref_slice %arg8[%dma_wait3A_147, %dma_wait3A_148, %dma_wait3A_149] : memref<4x4x128xi32, #tpu.memory_space<vmem>> -> memref<1x1x128xi32, #tpu.memory_space<vmem>>
    %dma_wait3A_151 = tpu.memref_squeeze %dma_wait3A_150 : memref<1x1x128xi32, #tpu.memory_space<vmem>> -> memref<128xi32, #tpu.memory_space<vmem>>
    %dma_wait3A_152 = arith.constant 0 : i32
    %dma_wait3A_153 = arith.constant 0 : i32
    %dma_wait3A_154 = tpu.memref_slice %arg10[%dma_wait3A_152, %dma_wait3A_153] : memref<10240x64xf32, #tpu.memory_space<vmem_shared>> -> memref<10240x64xf32, #tpu.memory_space<vmem_shared>>
    tpu.wait_indirect_dma semaphore(%arg22 : memref<!tpu.dma_semaphore, #tpu.memory_space<semaphore_mem>>) src(%arg12 : memref<128x64xf32, #tpu.memory_space<vmem>>) dst(%dma_wait3A_154 : memref<10240x64xf32, #tpu.memory_space<vmem_shared>>)
    %dma_wait3A_155 = arith.constant 0 : i32
    %dma_wait3A_156 = arith.constant 0 : i32
    %dma_wait3A_157 = arith.constant 0 : i32
    %dma_wait3A_158 = tpu.memref_slice %arg8[%dma_wait3A_155, %dma_wait3A_156, %dma_wait3A_157] : memref<4x4x128xi32, #tpu.memory_space<vmem>> -> memref<1x1x128xi32, #tpu.memory_space<vmem>>
    %dma_wait3A_159 = tpu.memref_squeeze %dma_wait3A_158 : memref<1x1x128xi32, #tpu.memory_space<vmem>> -> memref<128xi32, #tpu.memory_space<vmem>>
    %dma_wait3A_160 = arith.constant 0 : i32
    %dma_wait3A_161 = arith.constant 0 : i32
    %dma_wait3A_162 = tpu.memref_slice %arg10[%dma_wait3A_160, %dma_wait3A_161] : memref<10240x64xf32, #tpu.memory_space<vmem_shared>> -> memref<10240x64xf32, #tpu.memory_space<vmem_shared>>
    tpu.wait_indirect_dma semaphore(%arg23 : memref<!tpu.dma_semaphore, #tpu.memory_space<semaphore_mem>>) src(%arg13 : memref<128x64xf32, #tpu.memory_space<vmem>>) dst(%dma_wait3A_162 : memref<10240x64xf32, #tpu.memory_space<vmem_shared>>)
    %dma_wait3A_163 = arith.constant 0 : i32
    %dma_wait3A_164 = arith.constant 0 : i32
    %dma_wait3A_165 = arith.constant 0 : i32
    %dma_wait3A_166 = tpu.memref_slice %arg8[%dma_wait3A_163, %dma_wait3A_164, %dma_wait3A_165] : memref<4x4x128xi32, #tpu.memory_space<vmem>> -> memref<1x1x128xi32, #tpu.memory_space<vmem>>
    %dma_wait3A_167 = tpu.memref_squeeze %dma_wait3A_166 : memref<1x1x128xi32, #tpu.memory_space<vmem>> -> memref<128xi32, #tpu.memory_space<vmem>>
    %dma_wait3A_168 = arith.constant 0 : i32
    %dma_wait3A_169 = arith.constant 0 : i32
    %dma_wait3A_170 = tpu.memref_slice %arg10[%dma_wait3A_168, %dma_wait3A_169] : memref<10240x64xf32, #tpu.memory_space<vmem_shared>> -> memref<10240x64xf32, #tpu.memory_space<vmem_shared>>
    tpu.wait_indirect_dma semaphore(%arg24 : memref<!tpu.dma_semaphore, #tpu.memory_space<semaphore_mem>>) src(%arg14 : memref<128x64xf32, #tpu.memory_space<vmem>>) dst(%dma_wait3A_170 : memref<10240x64xf32, #tpu.memory_space<vmem_shared>>)
    %dma_wait3A_171 = arith.constant 0 : i32
    %dma_wait3A_172 = arith.constant 0 : i32
    %dma_wait3A_173 = arith.constant 0 : i32
    %dma_wait3A_174 = tpu.memref_slice %arg8[%dma_wait3A_171, %dma_wait3A_172, %dma_wait3A_173] : memref<4x4x128xi32, #tpu.memory_space<vmem>> -> memref<1x1x128xi32, #tpu.memory_space<vmem>>
    %dma_wait3A_175 = tpu.memref_squeeze %dma_wait3A_174 : memref<1x1x128xi32, #tpu.memory_space<vmem>> -> memref<128xi32, #tpu.memory_space<vmem>>
    %dma_wait3A_176 = arith.constant 0 : i32
    %dma_wait3A_177 = arith.constant 0 : i32
    %dma_wait3A_178 = tpu.memref_slice %arg10[%dma_wait3A_176, %dma_wait3A_177] : memref<10240x64xf32, #tpu.memory_space<vmem_shared>> -> memref<10240x64xf32, #tpu.memory_space<vmem_shared>>
    tpu.wait_indirect_dma semaphore(%arg25 : memref<!tpu.dma_semaphore, #tpu.memory_space<semaphore_mem>>) src(%arg15 : memref<128x64xf32, #tpu.memory_space<vmem>>) dst(%dma_wait3A_178 : memref<10240x64xf32, #tpu.memory_space<vmem_shared>>)
    %dma_wait3A_179 = arith.constant 0 : i32
    %dma_wait3A_180 = arith.constant 0 : i32
    %dma_wait3A_181 = arith.constant 0 : i32
    %dma_wait3A_182 = tpu.memref_slice %arg8[%dma_wait3A_179, %dma_wait3A_180, %dma_wait3A_181] : memref<4x4x128xi32, #tpu.memory_space<vmem>> -> memref<1x1x128xi32, #tpu.memory_space<vmem>>
    %dma_wait3A_183 = tpu.memref_squeeze %dma_wait3A_182 : memref<1x1x128xi32, #tpu.memory_space<vmem>> -> memref<128xi32, #tpu.memory_space<vmem>>
    %dma_wait3A_184 = arith.constant 0 : i32
    %dma_wait3A_185 = arith.constant 0 : i32
    %dma_wait3A_186 = tpu.memref_slice %arg10[%dma_wait3A_184, %dma_wait3A_185] : memref<10240x64xf32, #tpu.memory_space<vmem_shared>> -> memref<10240x64xf32, #tpu.memory_space<vmem_shared>>
    tpu.wait_indirect_dma semaphore(%arg26 : memref<!tpu.dma_semaphore, #tpu.memory_space<semaphore_mem>>) src(%arg16 : memref<128x64xf32, #tpu.memory_space<vmem>>) dst(%dma_wait3A_186 : memref<10240x64xf32, #tpu.memory_space<vmem_shared>>)
    %barrier3A_187 = arith.constant 0 : index
    tpu.barrier barrier_id(%barrier3A_187)
    %add3A_188 = arith.constant 0 : i32
    %add3A_189 = arith.addi %mul3A_0, %add3A_188 : i32
    "tpu.region"() ({
      %run_scoped3A = tpu.sem_alloc : memref<!tpu.dma_semaphore, #tpu.memory_space<semaphore_mem>>
      %dma_start3A_198 = arith.constant 0 : i32
      %dma_start3A_199 = tpu.memref_slice %arg6[%arg0, %add3A_189, %dma_start3A_198] : memref<2x10240x64xf32, #tpu.memory_space<hbm>> -> memref<1x128x64xf32, #tpu.memory_space<hbm>>
      %dma_start3A_200 = tpu.memref_squeeze %dma_start3A_199 : memref<1x128x64xf32, #tpu.memory_space<hbm>> -> memref<128x64xf32, #tpu.memory_space<hbm>>
      %dma_start3A_201 = arith.constant 0 : i32
      %dma_start3A_202 = tpu.memref_slice %arg10[%add3A_189, %dma_start3A_201] : memref<10240x64xf32, #tpu.memory_space<vmem_shared>> -> memref<128x64xf32, #tpu.memory_space<vmem_shared>>
      tpu.enqueue_dma source(%dma_start3A_202 : memref<128x64xf32, #tpu.memory_space<vmem_shared>>) target(%dma_start3A_200 : memref<128x64xf32, #tpu.memory_space<hbm>>) target_semaphore(%run_scoped3A : memref<!tpu.dma_semaphore, #tpu.memory_space<semaphore_mem>>)
      %dma_wait3A_203 = arith.constant 0 : i32
      %dma_wait3A_204 = tpu.memref_slice %arg6[%arg0, %add3A_189, %dma_wait3A_203] : memref<2x10240x64xf32, #tpu.memory_space<hbm>> -> memref<1x128x64xf32, #tpu.memory_space<hbm>>
      %dma_wait3A_205 = tpu.memref_squeeze %dma_wait3A_204 : memref<1x128x64xf32, #tpu.memory_space<hbm>> -> memref<128x64xf32, #tpu.memory_space<hbm>>
      %dma_wait3A_206 = arith.constant 0 : i32
      %dma_wait3A_207 = tpu.memref_slice %arg10[%add3A_189, %dma_wait3A_206] : memref<10240x64xf32, #tpu.memory_space<vmem_shared>> -> memref<128x64xf32, #tpu.memory_space<vmem_shared>>
      tpu.wait_dma2 semaphore(%run_scoped3A : memref<!tpu.dma_semaphore, #tpu.memory_space<semaphore_mem>>) src(%dma_wait3A_207 : memref<128x64xf32, #tpu.memory_space<vmem_shared>>) dst(%dma_wait3A_205 : memref<128x64xf32, #tpu.memory_space<hbm>>)
      tpu.yield
    }) : () -> ()
    %add3A_190 = arith.constant 128 : i32
    %add3A_191 = arith.addi %mul3A_0, %add3A_190 : i32
    "tpu.region"() ({
      %run_scoped3A = tpu.sem_alloc : memref<!tpu.dma_semaphore, #tpu.memory_space<semaphore_mem>>
      %dma_start3A_198 = arith.constant 0 : i32
      %dma_start3A_199 = tpu.memref_slice %arg6[%arg0, %add3A_191, %dma_start3A_198] : memref<2x10240x64xf32, #tpu.memory_space<hbm>> -> memref<1x128x64xf32, #tpu.memory_space<hbm>>
      %dma_start3A_200 = tpu.memref_squeeze %dma_start3A_199 : memref<1x128x64xf32, #tpu.memory_space<hbm>> -> memref<128x64xf32, #tpu.memory_space<hbm>>
      %dma_start3A_201 = arith.constant 0 : i32
      %dma_start3A_202 = tpu.memref_slice %arg10[%add3A_191, %dma_start3A_201] : memref<10240x64xf32, #tpu.memory_space<vmem_shared>> -> memref<128x64xf32, #tpu.memory_space<vmem_shared>>
      tpu.enqueue_dma source(%dma_start3A_202 : memref<128x64xf32, #tpu.memory_space<vmem_shared>>) target(%dma_start3A_200 : memref<128x64xf32, #tpu.memory_space<hbm>>) target_semaphore(%run_scoped3A : memref<!tpu.dma_semaphore, #tpu.memory_space<semaphore_mem>>)
      %dma_wait3A_203 = arith.constant 0 : i32
      %dma_wait3A_204 = tpu.memref_slice %arg6[%arg0, %add3A_191, %dma_wait3A_203] : memref<2x10240x64xf32, #tpu.memory_space<hbm>> -> memref<1x128x64xf32, #tpu.memory_space<hbm>>
      %dma_wait3A_205 = tpu.memref_squeeze %dma_wait3A_204 : memref<1x128x64xf32, #tpu.memory_space<hbm>> -> memref<128x64xf32, #tpu.memory_space<hbm>>
      %dma_wait3A_206 = arith.constant 0 : i32
      %dma_wait3A_207 = tpu.memref_slice %arg10[%add3A_191, %dma_wait3A_206] : memref<10240x64xf32, #tpu.memory_space<vmem_shared>> -> memref<128x64xf32, #tpu.memory_space<vmem_shared>>
      tpu.wait_dma2 semaphore(%run_scoped3A : memref<!tpu.dma_semaphore, #tpu.memory_space<semaphore_mem>>) src(%dma_wait3A_207 : memref<128x64xf32, #tpu.memory_space<vmem_shared>>) dst(%dma_wait3A_205 : memref<128x64xf32, #tpu.memory_space<hbm>>)
      tpu.yield
    }) : () -> ()
    %add3A_192 = arith.constant 256 : i32
    %add3A_193 = arith.addi %mul3A_0, %add3A_192 : i32
    "tpu.region"() ({
      %run_scoped3A = tpu.sem_alloc : memref<!tpu.dma_semaphore, #tpu.memory_space<semaphore_mem>>
      %dma_start3A_198 = arith.constant 0 : i32
      %dma_start3A_199 = tpu.memref_slice %arg6[%arg0, %add3A_193, %dma_start3A_198] : memref<2x10240x64xf32, #tpu.memory_space<hbm>> -> memref<1x128x64xf32, #tpu.memory_space<hbm>>
      %dma_start3A_200 = tpu.memref_squeeze %dma_start3A_199 : memref<1x128x64xf32, #tpu.memory_space<hbm>> -> memref<128x64xf32, #tpu.memory_space<hbm>>
      %dma_start3A_201 = arith.constant 0 : i32
      %dma_start3A_202 = tpu.memref_slice %arg10[%add3A_193, %dma_start3A_201] : memref<10240x64xf32, #tpu.memory_space<vmem_shared>> -> memref<128x64xf32, #tpu.memory_space<vmem_shared>>
      tpu.enqueue_dma source(%dma_start3A_202 : memref<128x64xf32, #tpu.memory_space<vmem_shared>>) target(%dma_start3A_200 : memref<128x64xf32, #tpu.memory_space<hbm>>) target_semaphore(%run_scoped3A : memref<!tpu.dma_semaphore, #tpu.memory_space<semaphore_mem>>)
      %dma_wait3A_203 = arith.constant 0 : i32
      %dma_wait3A_204 = tpu.memref_slice %arg6[%arg0, %add3A_193, %dma_wait3A_203] : memref<2x10240x64xf32, #tpu.memory_space<hbm>> -> memref<1x128x64xf32, #tpu.memory_space<hbm>>
      %dma_wait3A_205 = tpu.memref_squeeze %dma_wait3A_204 : memref<1x128x64xf32, #tpu.memory_space<hbm>> -> memref<128x64xf32, #tpu.memory_space<hbm>>
      %dma_wait3A_206 = arith.constant 0 : i32
      %dma_wait3A_207 = tpu.memref_slice %arg10[%add3A_193, %dma_wait3A_206] : memref<10240x64xf32, #tpu.memory_space<vmem_shared>> -> memref<128x64xf32, #tpu.memory_space<vmem_shared>>
      tpu.wait_dma2 semaphore(%run_scoped3A : memref<!tpu.dma_semaphore, #tpu.memory_space<semaphore_mem>>) src(%dma_wait3A_207 : memref<128x64xf32, #tpu.memory_space<vmem_shared>>) dst(%dma_wait3A_205 : memref<128x64xf32, #tpu.memory_space<hbm>>)
      tpu.yield
    }) : () -> ()
    %add3A_194 = arith.constant 384 : i32
    %add3A_195 = arith.addi %mul3A_0, %add3A_194 : i32
    "tpu.region"() ({
      %run_scoped3A = tpu.sem_alloc : memref<!tpu.dma_semaphore, #tpu.memory_space<semaphore_mem>>
      %dma_start3A_198 = arith.constant 0 : i32
      %dma_start3A_199 = tpu.memref_slice %arg6[%arg0, %add3A_195, %dma_start3A_198] : memref<2x10240x64xf32, #tpu.memory_space<hbm>> -> memref<1x128x64xf32, #tpu.memory_space<hbm>>
      %dma_start3A_200 = tpu.memref_squeeze %dma_start3A_199 : memref<1x128x64xf32, #tpu.memory_space<hbm>> -> memref<128x64xf32, #tpu.memory_space<hbm>>
      %dma_start3A_201 = arith.constant 0 : i32
      %dma_start3A_202 = tpu.memref_slice %arg10[%add3A_195, %dma_start3A_201] : memref<10240x64xf32, #tpu.memory_space<vmem_shared>> -> memref<128x64xf32, #tpu.memory_space<vmem_shared>>
      tpu.enqueue_dma source(%dma_start3A_202 : memref<128x64xf32, #tpu.memory_space<vmem_shared>>) target(%dma_start3A_200 : memref<128x64xf32, #tpu.memory_space<hbm>>) target_semaphore(%run_scoped3A : memref<!tpu.dma_semaphore, #tpu.memory_space<semaphore_mem>>)
      %dma_wait3A_203 = arith.constant 0 : i32
      %dma_wait3A_204 = tpu.memref_slice %arg6[%arg0, %add3A_195, %dma_wait3A_203] : memref<2x10240x64xf32, #tpu.memory_space<hbm>> -> memref<1x128x64xf32, #tpu.memory_space<hbm>>
      %dma_wait3A_205 = tpu.memref_squeeze %dma_wait3A_204 : memref<1x128x64xf32, #tpu.memory_space<hbm>> -> memref<128x64xf32, #tpu.memory_space<hbm>>
      %dma_wait3A_206 = arith.constant 0 : i32
      %dma_wait3A_207 = tpu.memref_slice %arg10[%add3A_195, %dma_wait3A_206] : memref<10240x64xf32, #tpu.memory_space<vmem_shared>> -> memref<128x64xf32, #tpu.memory_space<vmem_shared>>
      tpu.wait_dma2 semaphore(%run_scoped3A : memref<!tpu.dma_semaphore, #tpu.memory_space<semaphore_mem>>) src(%dma_wait3A_207 : memref<128x64xf32, #tpu.memory_space<vmem_shared>>) dst(%dma_wait3A_205 : memref<128x64xf32, #tpu.memory_space<hbm>>)
      tpu.yield
    }) : () -> ()
    %add3A_196 = arith.constant 512 : i32
    %add3A_197 = arith.addi %mul3A_0, %add3A_196 : i32
    "tpu.region"() ({
      %run_scoped3A = tpu.sem_alloc : memref<!tpu.dma_semaphore, #tpu.memory_space<semaphore_mem>>
      %dma_start3A_198 = arith.constant 0 : i32
      %dma_start3A_199 = tpu.memref_slice %arg6[%arg0, %add3A_197, %dma_start3A_198] : memref<2x10240x64xf32, #tpu.memory_space<hbm>> -> memref<1x128x64xf32, #tpu.memory_space<hbm>>
      %dma_start3A_200 = tpu.memref_squeeze %dma_start3A_199 : memref<1x128x64xf32, #tpu.memory_space<hbm>> -> memref<128x64xf32, #tpu.memory_space<hbm>>
      %dma_start3A_201 = arith.constant 0 : i32
      %dma_start3A_202 = tpu.memref_slice %arg10[%add3A_197, %dma_start3A_201] : memref<10240x64xf32, #tpu.memory_space<vmem_shared>> -> memref<128x64xf32, #tpu.memory_space<vmem_shared>>
      tpu.enqueue_dma source(%dma_start3A_202 : memref<128x64xf32, #tpu.memory_space<vmem_shared>>) target(%dma_start3A_200 : memref<128x64xf32, #tpu.memory_space<hbm>>) target_semaphore(%run_scoped3A : memref<!tpu.dma_semaphore, #tpu.memory_space<semaphore_mem>>)
      %dma_wait3A_203 = arith.constant 0 : i32
      %dma_wait3A_204 = tpu.memref_slice %arg6[%arg0, %add3A_197, %dma_wait3A_203] : memref<2x10240x64xf32, #tpu.memory_space<hbm>> -> memref<1x128x64xf32, #tpu.memory_space<hbm>>
      %dma_wait3A_205 = tpu.memref_squeeze %dma_wait3A_204 : memref<1x128x64xf32, #tpu.memory_space<hbm>> -> memref<128x64xf32, #tpu.memory_space<hbm>>
      %dma_wait3A_206 = arith.constant 0 : i32
      %dma_wait3A_207 = tpu.memref_slice %arg10[%add3A_197, %dma_wait3A_206] : memref<10240x64xf32, #tpu.memory_space<vmem_shared>> -> memref<128x64xf32, #tpu.memory_space<vmem_shared>>
      tpu.wait_dma2 semaphore(%run_scoped3A : memref<!tpu.dma_semaphore, #tpu.memory_space<semaphore_mem>>) src(%dma_wait3A_207 : memref<128x64xf32, #tpu.memory_space<vmem_shared>>) dst(%dma_wait3A_205 : memref<128x64xf32, #tpu.memory_space<hbm>>)
      tpu.yield
    }) : () -> ()
    return
  }
}

module attributes {stable_mosaic.version = 14 : i64} {
  func.func @body(%arg0: i32, %arg1: memref<1000x128xf32, #tpu.memory_space<vmem>>, %arg2: memref<128x128xf32, #tpu.memory_space<vmem>>, %arg3: memref<1000x8xf32, #tpu.memory_space<vmem>>, %arg4: memref<1000x8xf32, #tpu.memory_space<vmem>>, %arg5: memref<1000x8xf32, #tpu.memory_space<vmem>>, %arg6: memref<1000x128xf32, #tpu.memory_space<vmem>>) attributes {dimension_semantics = [#tpu.dimension_semantics<arbitrary>], iteration_bounds = array<i64: 10>, scalar_prefetch = 0 : i64, scratch_operands = 0 : i64, tpu.core_type = #tpu.core_type<tc>, window_params = [{transform_indices = @transform_0, window_bounds = array<i64: 1000, 128>}, {pipeline_mode = #tpu.pipeline_mode<synchronous>, transform_indices = @transform_1, window_bounds = array<i64: 128, 128>}, {transform_indices = @transform_2, window_bounds = array<i64: 1000, 8>}, {transform_indices = @transform_3, window_bounds = array<i64: 1000, 8>}, {transform_indices = @transform_4, window_bounds = array<i64: 1000, 8>}, {transform_indices = @transform_5, window_bounds = array<i64: 1000, 128>}]} {
    %get3A = arith.constant 0 : index
    %get3A_0 = arith.constant 0 : index
    %get3A_1 = vector.load %arg1[%get3A, %get3A_0] : memref<1000x128xf32, #tpu.memory_space<vmem>>, vector<1000x128xf32>
    %get3A_2 = arith.constant 0 : index
    %get3A_3 = arith.constant 0 : index
    %get3A_4 = vector.load %arg2[%get3A_2, %get3A_3] : memref<128x128xf32, #tpu.memory_space<vmem>>, vector<128x128xf32>
    %dot_general3A = arith.constant dense<0.000000e+00> : vector<1000x128xf32>
    %dot_general3A_5 = tpu.matmul %get3A_1, %get3A_4, %dot_general3A {dimension_numbers = #tpu.dot_dimension_numbers<[1], [1], [0], [0], [0, 0, 1, 0], [], []>, transpose_lhs_hint = false} : vector<1000x128xf32>, vector<128x128xf32>, vector<1000x128xf32> -> vector<1000x128xf32>
    %get3A_6 = arith.constant 0 : index
    %get3A_7 = arith.constant 0 : index
    %get3A_8 = vector.load %arg3[%get3A_6, %get3A_7] : memref<1000x8xf32, #tpu.memory_space<vmem>>, vector<1000x8xf32>
    %get3A_9 = arith.constant 0 : index
    %get3A_10 = arith.constant 0 : index
    %get3A_11 = vector.load %arg4[%get3A_9, %get3A_10] : memref<1000x8xf32, #tpu.memory_space<vmem>>, vector<1000x8xf32>
    %add3A = arith.addf %get3A_8, %get3A_11 : vector<1000x8xf32>
    %add3A_12 = arith.constant 1.000000e+00 : f32
    %add3A_13 = vector.broadcast %add3A_12 : f32 to vector<1000x8xf32>
    %add3A_14 = arith.addf %add3A, %add3A_13 : vector<1000x8xf32>
    %rsqrt3A = math.rsqrt %add3A_14 : vector<1000x8xf32>
    %swap3A = arith.constant 0 : index
    %swap3A_15 = arith.constant 0 : index
    %swap3A_16 = vector.load %arg5[%swap3A, %swap3A_15] : memref<1000x8xf32, #tpu.memory_space<vmem>>, vector<1000x8xf32>
    tpu.vector_store %arg5[%swap3A, %swap3A_15], %rsqrt3A {strides = array<i32>} : memref<1000x8xf32, #tpu.memory_space<vmem>>, vector<1000x8xf32>,
    %slice3A = vector.extract_strided_slice %rsqrt3A {offsets = [0, 0], sizes = [1000, 1], strides = [1, 1]} : vector<1000x8xf32> to vector<1000x1xf32>
    %mul3A = vector.broadcast %slice3A : vector<1000x1xf32> to vector<1000x128xf32>
    %mul3A_17 = arith.mulf %dot_general3A_5, %mul3A : vector<1000x128xf32>
    %swap3A_18 = arith.constant 0 : index
    %swap3A_19 = arith.constant 0 : index
    %swap3A_20 = vector.load %arg6[%swap3A_18, %swap3A_19] : memref<1000x128xf32, #tpu.memory_space<vmem>>, vector<1000x128xf32>
    tpu.vector_store %arg6[%swap3A_18, %swap3A_19], %mul3A_17 {strides = array<i32>} : memref<1000x128xf32, #tpu.memory_space<vmem>>, vector<1000x128xf32>,
    return
  }
  func.func @transform_0(%arg0: i32) -> (i32, i32) {
    %c0_i32 = arith.constant 0 : i32
    %c0_i32_0 = arith.constant 0 : i32
    return %arg0, %c0_i32 : i32, i32
  }
  func.func @transform_1(%arg0: i32) -> (i32, i32) {
    %c0_i32 = arith.constant 0 : i32
    %c0_i32_0 = arith.constant 0 : i32
    %c0_i32_1 = arith.constant 0 : i32
    return %c0_i32, %c0_i32_0 : i32, i32
  }
  func.func @transform_2(%arg0: i32) -> (i32, i32) {
    %c0_i32 = arith.constant 0 : i32
    %c0_i32_0 = arith.constant 0 : i32
    return %arg0, %c0_i32 : i32, i32
  }
  func.func @transform_3(%arg0: i32) -> (i32, i32) {
    %c0_i32 = arith.constant 0 : i32
    %c0_i32_0 = arith.constant 0 : i32
    return %arg0, %c0_i32 : i32, i32
  }
  func.func @transform_4(%arg0: i32) -> (i32, i32) {
    %c0_i32 = arith.constant 0 : i32
    %c0_i32_0 = arith.constant 0 : i32
    return %arg0, %c0_i32 : i32, i32
  }
  func.func @transform_5(%arg0: i32) -> (i32, i32) {
    %c0_i32 = arith.constant 0 : i32
    %c0_i32_0 = arith.constant 0 : i32
    return %arg0, %c0_i32 : i32, i32
  }
}

module attributes {stable_mosaic.version = 14 : i64} {
  func.func @body(%arg0: i32, %arg1: memref<1000x128xf32, #tpu.memory_space<vmem>>, %arg2: memref<10x128xf32, #tpu.memory_space<vmem>>, %arg3: memref<10x128xf32, #tpu.memory_space<vmem>>, %arg4: memref<1x128xf32, #tpu.memory_space<vmem>>, %arg5: memref<1x128xf32, #tpu.memory_space<vmem>>, %arg6: memref<1000x8xf32, #tpu.memory_space<vmem>>, %arg7: memref<64x128xf32, #tpu.memory_space<vmem>>, %arg8: memref<1000x64xf32, #tpu.memory_space<vmem>>) attributes {dimension_semantics = [#tpu.dimension_semantics<arbitrary>], iteration_bounds = array<i64: 10>, scalar_prefetch = 0 : i64, scratch_operands = 0 : i64, tpu.core_type = #tpu.core_type<tc>, window_params = [{transform_indices = @transform_0, window_bounds = array<i64: 1000, 128>}, {pipeline_mode = #tpu.pipeline_mode<synchronous>, transform_indices = @transform_1, window_bounds = array<i64: 10, 128>}, {pipeline_mode = #tpu.pipeline_mode<synchronous>, transform_indices = @transform_2, window_bounds = array<i64: 10, 128>}, {pipeline_mode = #tpu.pipeline_mode<synchronous>, transform_indices = @transform_3, window_bounds = array<i64: 1, 128>}, {pipeline_mode = #tpu.pipeline_mode<synchronous>, transform_indices = @transform_4, window_bounds = array<i64: 1, 128>}, {transform_indices = @transform_5, window_bounds = array<i64: 1000, 8>}, {pipeline_mode = #tpu.pipeline_mode<synchronous>, transform_indices = @transform_6, window_bounds = array<i64: 64, 128>}, {transform_indices = @transform_7, window_bounds = array<i64: 1000, 64>}]} {
    %get3A = arith.constant 0 : index
    %get3A_0 = arith.constant 0 : index
    %get3A_1 = vector.load %arg2[%get3A, %get3A_0] : memref<10x128xf32, #tpu.memory_space<vmem>>, vector<10x128xf32>
    %reduce_sum3A = arith.constant dense<0.000000e+00> : vector<128xf32>
    %reduce_sum3A_2 = vector.multi_reduction <add>, %get3A_1, %reduce_sum3A [0] : vector<10x128xf32> to vector<128xf32>
    %broadcast_in_dim3A = vector.shape_cast %reduce_sum3A_2 : vector<128xf32> to vector<1x128xf32>
    %mul3A = arith.constant 9.99999974E-5 : f32
    %mul3A_3 = vector.broadcast %mul3A : f32 to vector<1x128xf32>
    %mul3A_4 = arith.mulf %broadcast_in_dim3A, %mul3A_3 : vector<1x128xf32>
    %get3A_5 = arith.constant 0 : index
    %get3A_6 = arith.constant 0 : index
    %get3A_7 = vector.load %arg3[%get3A_5, %get3A_6] : memref<10x128xf32, #tpu.memory_space<vmem>>, vector<10x128xf32>
    %reduce_sum3A_8 = arith.constant dense<0.000000e+00> : vector<128xf32>
    %reduce_sum3A_9 = vector.multi_reduction <add>, %get3A_7, %reduce_sum3A_8 [0] : vector<10x128xf32> to vector<128xf32>
    %broadcast_in_dim3A_10 = vector.shape_cast %reduce_sum3A_9 : vector<128xf32> to vector<1x128xf32>
    %mul3A_11 = arith.constant 9.99999974E-5 : f32
    %mul3A_12 = vector.broadcast %mul3A_11 : f32 to vector<1x128xf32>
    %mul3A_13 = arith.mulf %broadcast_in_dim3A_10, %mul3A_12 : vector<1x128xf32>
    %mul3A_14 = arith.mulf %mul3A_4, %mul3A_4 : vector<1x128xf32>
    %sub3A = arith.subf %mul3A_13, %mul3A_14 : vector<1x128xf32>
    %get3A_15 = arith.constant 0 : index
    %get3A_16 = arith.constant 0 : index
    %get3A_17 = vector.load %arg1[%get3A_15, %get3A_16] : memref<1000x128xf32, #tpu.memory_space<vmem>>, vector<1000x128xf32>
    %sub3A_18 = vector.broadcast %mul3A_4 : vector<1x128xf32> to vector<1000x128xf32>
    %sub3A_19 = arith.subf %get3A_17, %sub3A_18 : vector<1000x128xf32>
    %add3A = arith.constant 9.99999974E-6 : f32
    %add3A_20 = vector.broadcast %add3A : f32 to vector<1x128xf32>
    %add3A_21 = arith.addf %sub3A, %add3A_20 : vector<1x128xf32>
    %rsqrt3A = math.rsqrt %add3A_21 : vector<1x128xf32>
    %mul3A_22 = vector.broadcast %rsqrt3A : vector<1x128xf32> to vector<1000x128xf32>
    %mul3A_23 = arith.mulf %sub3A_19, %mul3A_22 : vector<1000x128xf32>
    %get3A_24 = arith.constant 0 : index
    %get3A_25 = arith.constant 0 : index
    %get3A_26 = vector.load %arg4[%get3A_24, %get3A_25] : memref<1x128xf32, #tpu.memory_space<vmem>>, vector<1x128xf32>
    %mul3A_27 = vector.broadcast %get3A_26 : vector<1x128xf32> to vector<1000x128xf32>
    %mul3A_28 = arith.mulf %mul3A_23, %mul3A_27 : vector<1000x128xf32>
    %get3A_29 = arith.constant 0 : index
    %get3A_30 = arith.constant 0 : index
    %get3A_31 = vector.load %arg5[%get3A_29, %get3A_30] : memref<1x128xf32, #tpu.memory_space<vmem>>, vector<1x128xf32>
    %add3A_32 = vector.broadcast %get3A_31 : vector<1x128xf32> to vector<1000x128xf32>
    %add3A_33 = arith.addf %mul3A_28, %add3A_32 : vector<1000x128xf32>
    %max3A = arith.constant 0.000000e+00 : f32
    %max3A_34 = vector.broadcast %max3A : f32 to vector<1000x128xf32>
    %max3A_35 = arith.maximumf %add3A_33, %max3A_34 : vector<1000x128xf32>
    %get3A_36 = arith.constant 0 : index
    %get3A_37 = arith.constant 0 : index
    %get3A_38 = vector.load %arg6[%get3A_36, %get3A_37] : memref<1000x8xf32, #tpu.memory_space<vmem>>, vector<1000x8xf32>
    %slice3A = vector.extract_strided_slice %get3A_38 {offsets = [0, 0], sizes = [1000, 1], strides = [1, 1]} : vector<1000x8xf32> to vector<1000x1xf32>
    %get3A_39 = arith.constant 0 : index
    %get3A_40 = arith.constant 0 : index
    %get3A_41 = vector.load %arg7[%get3A_39, %get3A_40] : memref<64x128xf32, #tpu.memory_space<vmem>>, vector<64x128xf32>
    %dot_general3A = arith.constant dense<0.000000e+00> : vector<1000x64xf32>
    %dot_general3A_42 = tpu.matmul %max3A_35, %get3A_41, %dot_general3A {dimension_numbers = #tpu.dot_dimension_numbers<[1], [1], [0], [0], [0, 0, 1, 0], [], []>, transpose_lhs_hint = false} : vector<1000x128xf32>, vector<64x128xf32>, vector<1000x64xf32> -> vector<1000x64xf32>
    %mul3A_43 = vector.broadcast %slice3A : vector<1000x1xf32> to vector<1000x64xf32>
    %mul3A_44 = arith.mulf %mul3A_43, %dot_general3A_42 : vector<1000x64xf32>
    %swap3A = arith.constant 0 : index
    %swap3A_45 = arith.constant 0 : index
    %swap3A_46 = vector.load %arg8[%swap3A, %swap3A_45] : memref<1000x64xf32, #tpu.memory_space<vmem>>, vector<1000x64xf32>
    tpu.vector_store %arg8[%swap3A, %swap3A_45], %mul3A_44 {strides = array<i32>} : memref<1000x64xf32, #tpu.memory_space<vmem>>, vector<1000x64xf32>,
    return
  }
  func.func @transform_0(%arg0: i32) -> (i32, i32) {
    %c0_i32 = arith.constant 0 : i32
    %c0_i32_0 = arith.constant 0 : i32
    return %arg0, %c0_i32 : i32, i32
  }
  func.func @transform_1(%arg0: i32) -> (i32, i32) {
    %c0_i32 = arith.constant 0 : i32
    %c0_i32_0 = arith.constant 0 : i32
    %c0_i32_1 = arith.constant 0 : i32
    return %c0_i32, %c0_i32_0 : i32, i32
  }
  func.func @transform_2(%arg0: i32) -> (i32, i32) {
    %c0_i32 = arith.constant 0 : i32
    %c0_i32_0 = arith.constant 0 : i32
    %c0_i32_1 = arith.constant 0 : i32
    return %c0_i32, %c0_i32_0 : i32, i32
  }
  func.func @transform_3(%arg0: i32) -> (i32, i32) {
    %c0_i32 = arith.constant 0 : i32
    %c0_i32_0 = arith.constant 0 : i32
    %c0_i32_1 = arith.constant 0 : i32
    return %c0_i32, %c0_i32_0 : i32, i32
  }
  func.func @transform_4(%arg0: i32) -> (i32, i32) {
    %c0_i32 = arith.constant 0 : i32
    %c0_i32_0 = arith.constant 0 : i32
    %c0_i32_1 = arith.constant 0 : i32
    return %c0_i32, %c0_i32_0 : i32, i32
  }
  func.func @transform_5(%arg0: i32) -> (i32, i32) {
    %c0_i32 = arith.constant 0 : i32
    %c0_i32_0 = arith.constant 0 : i32
    return %arg0, %c0_i32 : i32, i32
  }
  func.func @transform_6(%arg0: i32) -> (i32, i32) {
    %c0_i32 = arith.constant 0 : i32
    %c0_i32_0 = arith.constant 0 : i32
    %c0_i32_1 = arith.constant 0 : i32
    return %c0_i32, %c0_i32_0 : i32, i32
  }
  func.func @transform_7(%arg0: i32) -> (i32, i32) {
    %c0_i32 = arith.constant 0 : i32
    %c0_i32_0 = arith.constant 0 : i32
    return %arg0, %c0_i32 : i32, i32
  }
}

module attributes {stable_mosaic.version = 14 : i64} {
  func.func @body(%arg0: i32, %arg1: memref<1000x64xf32, #tpu.memory_space<vmem>>, %arg2: memref<1000x64xf32, #tpu.memory_space<vmem>>, %arg3: memref<1000x128xf32, #tpu.memory_space<vmem>>, %arg4: memref<1000x8xf32, #tpu.memory_space<vmem>>, %arg5: memref<1x128xf32, #tpu.memory_space<vmem>>, %arg6: memref<1000x128xf32, #tpu.memory_space<vmem>>, %arg7: memref<1x1x128xf32, #tpu.memory_space<vmem>>, %arg8: memref<1x1x128xf32, #tpu.memory_space<vmem>>) attributes {dimension_semantics = [#tpu.dimension_semantics<arbitrary>], iteration_bounds = array<i64: 10>, scalar_prefetch = 0 : i64, scratch_operands = 0 : i64, tpu.core_type = #tpu.core_type<tc>, window_params = [{transform_indices = @transform_0, window_bounds = array<i64: 1000, 64>}, {transform_indices = @transform_1, window_bounds = array<i64: 1000, 64>}, {transform_indices = @transform_2, window_bounds = array<i64: 1000, 128>}, {transform_indices = @transform_3, window_bounds = array<i64: 1000, 8>}, {pipeline_mode = #tpu.pipeline_mode<synchronous>, transform_indices = @transform_4, window_bounds = array<i64: 1, 128>}, {transform_indices = @transform_5, window_bounds = array<i64: 1000, 128>}, {transform_indices = @transform_6, window_bounds = array<i64: 1, 1, 128>}, {transform_indices = @transform_7, window_bounds = array<i64: 1, 1, 128>}]} {
    %get3A = arith.constant 0 : index
    %get3A_0 = arith.constant 0 : index
    %get3A_1 = vector.load %arg1[%get3A, %get3A_0] : memref<1000x64xf32, #tpu.memory_space<vmem>>, vector<1000x64xf32>
    %get3A_2 = arith.constant 0 : index
    %get3A_3 = arith.constant 0 : index
    %get3A_4 = vector.load %arg2[%get3A_2, %get3A_3] : memref<1000x64xf32, #tpu.memory_space<vmem>>, vector<1000x64xf32>
    %concatenate3A = tpu.concatenate %get3A_1, %get3A_4 in 1 : vector<1000x64xf32>, vector<1000x64xf32> -> vector<1000x128xf32>
    %get3A_5 = arith.constant 0 : index
    %get3A_6 = arith.constant 0 : index
    %get3A_7 = vector.load %arg4[%get3A_5, %get3A_6] : memref<1000x8xf32, #tpu.memory_space<vmem>>, vector<1000x8xf32>
    %slice3A = vector.extract_strided_slice %get3A_7 {offsets = [0, 0], sizes = [1000, 1], strides = [1, 1]} : vector<1000x8xf32> to vector<1000x1xf32>
    %get3A_8 = arith.constant 0 : index
    %get3A_9 = arith.constant 0 : index
    %get3A_10 = vector.load %arg3[%get3A_8, %get3A_9] : memref<1000x128xf32, #tpu.memory_space<vmem>>, vector<1000x128xf32>
    %add3A = arith.addf %concatenate3A, %get3A_10 : vector<1000x128xf32>
    %mul3A = vector.broadcast %slice3A : vector<1000x1xf32> to vector<1000x128xf32>
    %mul3A_11 = arith.mulf %mul3A, %add3A : vector<1000x128xf32>
    %get3A_12 = arith.constant 0 : index
    %get3A_13 = arith.constant 0 : index
    %get3A_14 = vector.load %arg5[%get3A_12, %get3A_13] : memref<1x128xf32, #tpu.memory_space<vmem>>, vector<1x128xf32>
    %add3A_15 = vector.broadcast %get3A_14 : vector<1x128xf32> to vector<1000x128xf32>
    %add3A_16 = arith.addf %mul3A_11, %add3A_15 : vector<1000x128xf32>
    %swap3A = arith.constant 0 : index
    %swap3A_17 = arith.constant 0 : index
    %swap3A_18 = vector.load %arg6[%swap3A, %swap3A_17] : memref<1000x128xf32, #tpu.memory_space<vmem>>, vector<1000x128xf32>
    tpu.vector_store %arg6[%swap3A, %swap3A_17], %add3A_16 {strides = array<i32>} : memref<1000x128xf32, #tpu.memory_space<vmem>>, vector<1000x128xf32>,
    %reduce_sum3A = arith.constant dense<0.000000e+00> : vector<128xf32>
    %reduce_sum3A_19 = vector.multi_reduction <add>, %add3A_16, %reduce_sum3A [0] : vector<1000x128xf32> to vector<128xf32>
    %reshape3A = vector.shape_cast %reduce_sum3A_19 : vector<128xf32> to vector<1x1x128xf32>
    %swap3A_20 = arith.constant 0 : index
    %swap3A_21 = arith.constant 0 : index
    %swap3A_22 = arith.constant 0 : index
    %swap3A_23 = vector.load %arg7[%swap3A_20, %swap3A_21, %swap3A_22] : memref<1x1x128xf32, #tpu.memory_space<vmem>>, vector<1x1x128xf32>
    tpu.vector_store %arg7[%swap3A_20, %swap3A_21, %swap3A_22], %reshape3A {strides = array<i32>} : memref<1x1x128xf32, #tpu.memory_space<vmem>>, vector<1x1x128xf32>,
    %mul3A_24 = arith.mulf %add3A_16, %add3A_16 : vector<1000x128xf32>
    %reduce_sum3A_25 = arith.constant dense<0.000000e+00> : vector<128xf32>
    %reduce_sum3A_26 = vector.multi_reduction <add>, %mul3A_24, %reduce_sum3A_25 [0] : vector<1000x128xf32> to vector<128xf32>
    %reshape3A_27 = vector.shape_cast %reduce_sum3A_26 : vector<128xf32> to vector<1x1x128xf32>
    %swap3A_28 = arith.constant 0 : index
    %swap3A_29 = arith.constant 0 : index
    %swap3A_30 = arith.constant 0 : index
    %swap3A_31 = vector.load %arg8[%swap3A_28, %swap3A_29, %swap3A_30] : memref<1x1x128xf32, #tpu.memory_space<vmem>>, vector<1x1x128xf32>
    tpu.vector_store %arg8[%swap3A_28, %swap3A_29, %swap3A_30], %reshape3A_27 {strides = array<i32>} : memref<1x1x128xf32, #tpu.memory_space<vmem>>, vector<1x1x128xf32>,
    return
  }
  func.func @transform_0(%arg0: i32) -> (i32, i32) {
    %c0_i32 = arith.constant 0 : i32
    %c0_i32_0 = arith.constant 0 : i32
    return %arg0, %c0_i32 : i32, i32
  }
  func.func @transform_1(%arg0: i32) -> (i32, i32) {
    %c0_i32 = arith.constant 0 : i32
    %c0_i32_0 = arith.constant 0 : i32
    return %arg0, %c0_i32 : i32, i32
  }
  func.func @transform_2(%arg0: i32) -> (i32, i32) {
    %c0_i32 = arith.constant 0 : i32
    %c0_i32_0 = arith.constant 0 : i32
    return %arg0, %c0_i32 : i32, i32
  }
  func.func @transform_3(%arg0: i32) -> (i32, i32) {
    %c0_i32 = arith.constant 0 : i32
    %c0_i32_0 = arith.constant 0 : i32
    return %arg0, %c0_i32 : i32, i32
  }
  func.func @transform_4(%arg0: i32) -> (i32, i32) {
    %c0_i32 = arith.constant 0 : i32
    %c0_i32_0 = arith.constant 0 : i32
    %c0_i32_1 = arith.constant 0 : i32
    return %c0_i32, %c0_i32_0 : i32, i32
  }
  func.func @transform_5(%arg0: i32) -> (i32, i32) {
    %c0_i32 = arith.constant 0 : i32
    %c0_i32_0 = arith.constant 0 : i32
    return %arg0, %c0_i32 : i32, i32
  }
  func.func @transform_6(%arg0: i32) -> (i32, i32, i32) {
    %c0_i32 = arith.constant 0 : i32
    %c0_i32_0 = arith.constant 0 : i32
    %c0_i32_1 = arith.constant 0 : i32
    return %arg0, %c0_i32, %c0_i32_0 : i32, i32, i32
  }
  func.func @transform_7(%arg0: i32) -> (i32, i32, i32) {
    %c0_i32 = arith.constant 0 : i32
    %c0_i32_0 = arith.constant 0 : i32
    %c0_i32_1 = arith.constant 0 : i32
    return %arg0, %c0_i32, %c0_i32_0 : i32, i32, i32
  }
}

module attributes {stable_mosaic.version = 14 : i64} {
  func.func @body(%arg0: i32, %arg1: memref<1000x64xf32, #tpu.memory_space<vmem>>, %arg2: memref<1000x64xf32, #tpu.memory_space<vmem>>, %arg3: memref<1000x64xf32, #tpu.memory_space<vmem>>, %arg4: memref<1000x8xf32, #tpu.memory_space<vmem>>, %arg5: memref<1x64xf32, #tpu.memory_space<vmem>>, %arg6: memref<1000x64xf32, #tpu.memory_space<vmem>>) attributes {dimension_semantics = [#tpu.dimension_semantics<arbitrary>], iteration_bounds = array<i64: 10>, scalar_prefetch = 0 : i64, scratch_operands = 0 : i64, tpu.core_type = #tpu.core_type<tc>, window_params = [{transform_indices = @transform_0, window_bounds = array<i64: 1000, 64>}, {transform_indices = @transform_1, window_bounds = array<i64: 1000, 64>}, {transform_indices = @transform_2, window_bounds = array<i64: 1000, 64>}, {transform_indices = @transform_3, window_bounds = array<i64: 1000, 8>}, {pipeline_mode = #tpu.pipeline_mode<synchronous>, transform_indices = @transform_4, window_bounds = array<i64: 1, 64>}, {transform_indices = @transform_5, window_bounds = array<i64: 1000, 64>}]} {
    %get3A = arith.constant 0 : index
    %get3A_0 = arith.constant 0 : index
    %get3A_1 = vector.load %arg4[%get3A, %get3A_0] : memref<1000x8xf32, #tpu.memory_space<vmem>>, vector<1000x8xf32>
    %slice3A = vector.extract_strided_slice %get3A_1 {offsets = [0, 0], sizes = [1000, 1], strides = [1, 1]} : vector<1000x8xf32> to vector<1000x1xf32>
    %get3A_2 = arith.constant 0 : index
    %get3A_3 = arith.constant 0 : index
    %get3A_4 = vector.load %arg1[%get3A_2, %get3A_3] : memref<1000x64xf32, #tpu.memory_space<vmem>>, vector<1000x64xf32>
    %get3A_5 = arith.constant 0 : index
    %get3A_6 = arith.constant 0 : index
    %get3A_7 = vector.load %arg2[%get3A_5, %get3A_6] : memref<1000x64xf32, #tpu.memory_space<vmem>>, vector<1000x64xf32>
    %add3A = arith.addf %get3A_4, %get3A_7 : vector<1000x64xf32>
    %get3A_8 = arith.constant 0 : index
    %get3A_9 = arith.constant 0 : index
    %get3A_10 = vector.load %arg3[%get3A_8, %get3A_9] : memref<1000x64xf32, #tpu.memory_space<vmem>>, vector<1000x64xf32>
    %add3A_11 = arith.addf %add3A, %get3A_10 : vector<1000x64xf32>
    %mul3A = vector.broadcast %slice3A : vector<1000x1xf32> to vector<1000x64xf32>
    %mul3A_12 = arith.mulf %mul3A, %add3A_11 : vector<1000x64xf32>
    %get3A_13 = arith.constant 0 : index
    %get3A_14 = arith.constant 0 : index
    %get3A_15 = vector.load %arg5[%get3A_13, %get3A_14] : memref<1x64xf32, #tpu.memory_space<vmem>>, vector<1x64xf32>
    %add3A_16 = vector.broadcast %get3A_15 : vector<1x64xf32> to vector<1000x64xf32>
    %add3A_17 = arith.addf %mul3A_12, %add3A_16 : vector<1000x64xf32>
    %swap3A = arith.constant 0 : index
    %swap3A_18 = arith.constant 0 : index
    %swap3A_19 = vector.load %arg6[%swap3A, %swap3A_18] : memref<1000x64xf32, #tpu.memory_space<vmem>>, vector<1000x64xf32>
    tpu.vector_store %arg6[%swap3A, %swap3A_18], %add3A_17 {strides = array<i32>} : memref<1000x64xf32, #tpu.memory_space<vmem>>, vector<1000x64xf32>,
    return
  }
  func.func @transform_0(%arg0: i32) -> (i32, i32) {
    %c0_i32 = arith.constant 0 : i32
    %c0_i32_0 = arith.constant 0 : i32
    return %arg0, %c0_i32 : i32, i32
  }
  func.func @transform_1(%arg0: i32) -> (i32, i32) {
    %c0_i32 = arith.constant 0 : i32
    %c0_i32_0 = arith.constant 0 : i32
    return %arg0, %c0_i32 : i32, i32
  }
  func.func @transform_2(%arg0: i32) -> (i32, i32) {
    %c0_i32 = arith.constant 0 : i32
    %c0_i32_0 = arith.constant 0 : i32
    return %arg0, %c0_i32 : i32, i32
  }
  func.func @transform_3(%arg0: i32) -> (i32, i32) {
    %c0_i32 = arith.constant 0 : i32
    %c0_i32_0 = arith.constant 0 : i32
    return %arg0, %c0_i32 : i32, i32
  }
  func.func @transform_4(%arg0: i32) -> (i32, i32) {
    %c0_i32 = arith.constant 0 : i32
    %c0_i32_0 = arith.constant 0 : i32
    %c0_i32_1 = arith.constant 0 : i32
    return %c0_i32, %c0_i32_0 : i32, i32
  }
  func.func @transform_5(%arg0: i32) -> (i32, i32) {
    %c0_i32 = arith.constant 0 : i32
    %c0_i32_0 = arith.constant 0 : i32
    return %arg0, %c0_i32 : i32, i32
  }
}

</mosaic_0001>

<sc_bundles>
// kernel: kernel.12.cloned.1.call-start
scs
__scs_entry_jumppad:
0x0: {  	(pc) =	sbr.rel $0x88, $3  }
0x1: {  	(tag) =	ssettag $0x0;
	lr =	simm.s32 $0x1  }
0x2: {  	[smem:$0x3F99] =	sst lr;
	_ =	strace $0xD0000000  }
0x3: {  	_ = 	snop  }
0x4: {  	_ = 	snop  }
0x5: {  	_ = 	snop  }
0x6: {  	_ = 	snop  }
0x7: {  	_ = 	snop  }
__scs_overlays_trampoline_lowered:
0x8: {  	[smem:$0x3FA8] =	sst s0  }
0x9: {  	[smem:$0x3FA9] =	sst s1  }
0xa: {  	[smem:$0x3FAA] =	sst s2  }
0xb: {  	[smem:$0x3FAB] =	sst s3  }
0xc: {  	[smem:$0x3FAC] =	sst s4  }
0xd: {  	[smem:$0x3FAD] =	sst s5  }
0xe: {  	[smem:$0x3FAE] =	sst s6  }
0xf: {  	[smem:$0x3FAF] =	sst s7  }
0x10: {  	[smem:$0x3FB0] =	sst s8  }
0x11: {  	[smem:$0x3FB1] =	sst s9;
	s0 =	simm.s32 @!p0 $0x0  }
0x12: {  	s1 =	sld [smem:$0x3F97];
	s0 =	simm.s32 @p0 $0x1  }
0x13: {  	[smem:$0x3FB2] =	sst s0;
	s0 =	simm.s32 @!p1 $0x0  }
0x14: {  	s2 =	sld [smem:$0x3F96];
	s0 =	simm.s32 @p1 $0x1  }
0x15: {  	[smem:$0x3FB3] =	sst s0;
	s0 =	simm.s32 @!p2 $0x0  }
0x16: {  	s3 =	sld [smem:$0x3FDB];
	s0 =	simm.s32 @p2 $0x1  }
0x17: {  	s4 =	simm.s32 $0x1BF5;
	[smem:$0x3FB5] =	sst s0  }
0x18: {  	s0 =	sld [smem:$0x3F98];
	_ =	swait.ge [sflag:s4], $0x0  }
0x19: {  	s7 =	sld [smem:$0x3F99]  }
0x1a: {  	s8 =	sadd.s32 $0xFFFFE003, lr  }
0x1b: {  	s9 =	sadd.s32 $0xFFFFFEF7, lr;
	s5 =	simm.s32 $0xFFFFFFFF;
	p2 =	slt.u32 s8, $0xFFFFF086  }
0x1c: {  	p1 =	slt.u32 s9, $0xF7A;
	s5 =	simm.s32 @!p2 $0x0  }
0x1d: {  	s5 =	simm.s32 @p1 $0x1;
	p0 =	seq.s32 s7, s2  }
0x1e: {  	s7 =	smul.u32 @!p0 $0xF7A, s2;
	p2 =	seq.s32 @!p0 s5, $0x0  }
0x1f: {  	s9 =	smul.u32 $0xF7A, s1;
	s8 =	simm.s32 @!p0 $0x1BF5;
	p2 =	por !p2, p0  }
0x20: {  	[sflag:s8] =	ssyncset.s32 @!p0 $0xFFFFF086;
	s6 =	sadd.s32 @!p0 s3, s7;
	s7 =	simm.s32 @!p0 $0x108  }
0x21: {  	s3 =	sadd.s32 s3, s9;
	s6 =	sadd.s32 @!p0 $0x88, s6;
	s7 =	simm.s32 @p2 $0x1082  }
0x22: {  	[simem:s7], [sflag:s8] =	dma.local @!p0 [hbm:s6], $0xF7A  }
0x23: {  	s9 =	sor.u32 $0xD0000000, s2;
	s6 =	simm.s32 $0x108;
	_ =	swait.ge @!p0 [sflag:s8], $0x0  }
0x24: {  	s3 =	sadd.s32 $0x88, s3;
	s6 =	simm.s32 @!p1 $0x1082;
	[sflag:s4] =	ssyncset.s32 $0xFFFFF086  }
0x25: {  	[simem:s6], [sflag:s4] =	dma.local [hbm:s3], $0xF7A  }
0x26: {  	[smem:$0x3F99] =	sst s1;
	(tag) =	ssettag s2;
	_ =	strace s9  }
0x27: {  	s1 =	sld [smem:$0x3FA9]  }
0x28: {  	s2 =	sld [smem:$0x3FAA]  }
0x29: {  	s4 =	sld [smem:$0x3FAC]  }
0x2a: {  	p0 =	seq.s32 s5, $0x0;
	s5 =	sld [smem:$0x3FAD]  }
0x2b: {  	s6 =	sld [smem:$0x3FAE]  }
0x2c: {  	s7 =	sld [smem:$0x3FAF]  }
0x2d: {  	s3 =	simm.s32 $0x108;
	s8 =	sld [smem:$0x3FB0]  }
0x2e: {  	s3 =	simm.s32 @!p0 $0x1082;
	s9 =	sld [smem:$0x3FB1]  }
0x2f: {  	lr =	sadd.s32 s0, s3;
	s0 =	sld [smem:$0x3FA8]  }
0x30: {  	s3 =	sld [smem:$0x3FAB]  }
0x31: {  	[smem:$0x3FB4] =	sst s10  }
0x32: {  	s10 =	sld [smem:$0x3FB2];
	_ =	sdelay $0x3  }
0x33: {  	p0 =	seq.s32 s10, $0x1;
	s10 =	sld [smem:$0x3FB4];
	_ =	sdelay $0x3  }
0x34: {  	[smem:$0x3FB4] =	sst s10  }
0x35: {  	s10 =	sld [smem:$0x3FB3];
	_ =	sdelay $0x3  }
0x36: {  	p1 =	seq.s32 s10, $0x1;
	s10 =	sld [smem:$0x3FB4];
	_ =	sdelay $0x3  }
0x37: {  	[smem:$0x3FB4] =	sst s10  }
0x38: {  	s10 =	sld [smem:$0x3FB5]  }
0x39: {  	_ = 	snop;
	(pc) =	sbr.ind lr, $3  }
0x3a: {  	_ = 	snop  }
0x3b: {  	_ = 	snop  }
0x3c: {  	p2 =	seq.s32 s10, $0x1;
	s10 =	sld [smem:$0x3FB4]  }
0x3d: {  	_ =	shalt  }
0x3e: {  	_ =	shalt  }
0x3f: {  	_ =	shalt  }
0x40: {  	_ =	shalt  }
0x41: {  	_ =	shalt  }
0x42: {  	_ =	shalt  }
0x43: {  	_ =	shalt  }
0x44: {  	_ =	shalt  }
0x45: {  	_ =	shalt  }
0x46: {  	_ =	shalt  }
0x47: {  	_ =	shalt  }
0x48: {  	_ =	shalt  }
0x49: {  	_ =	shalt  }
0x4a: {  	_ =	shalt  }
0x4b: {  	_ =	shalt  }
0x4c: {  	_ =	shalt  }
0x4d: {  	_ =	shalt  }
0x4e: {  	_ =	shalt  }
0x4f: {  	_ =	shalt  }
0x50: {  	_ =	shalt  }
0x51: {  	_ =	shalt  }
0x52: {  	_ =	shalt  }
0x53: {  	_ =	shalt  }
0x54: {  	_ =	shalt  }
0x55: {  	_ =	shalt  }
0x56: {  	_ =	shalt  }
0x57: {  	_ =	shalt  }
0x58: {  	_ =	shalt  }
0x59: {  	_ =	shalt  }
0x5a: {  	_ =	shalt  }
0x5b: {  	_ =	shalt  }
0x5c: {  	_ =	shalt  }
0x5d: {  	_ =	shalt  }
0x5e: {  	_ =	shalt  }
0x5f: {  	_ =	shalt  }
0x60: {  	_ =	shalt  }
0x61: {  	_ =	shalt  }
0x62: {  	_ =	shalt  }
0x63: {  	_ =	shalt  }
0x64: {  	_ =	shalt  }
0x65: {  	_ =	shalt  }
0x66: {  	_ =	shalt  }
0x67: {  	_ =	shalt  }
0x68: {  	_ =	shalt  }
0x69: {  	_ =	shalt  }
0x6a: {  	_ =	shalt  }
0x6b: {  	_ =	shalt  }
0x6c: {  	_ =	shalt  }
0x6d: {  	_ =	shalt  }
0x6e: {  	_ =	shalt  }
0x6f: {  	_ =	shalt  }
0x70: {  	_ =	shalt  }
0x71: {  	_ =	shalt  }
0x72: {  	_ =	shalt  }
0x73: {  	_ =	shalt  }
0x74: {  	_ =	shalt  }
0x75: {  	_ =	shalt  }
0x76: {  	_ =	shalt  }
0x77: {  	_ =	shalt  }
0x78: {  	_ =	shalt  }
0x79: {  	_ =	shalt  }
0x7a: {  	_ =	shalt  }
0x7b: {  	_ =	shalt  }
0x7c: {  	_ =	shalt  }
0x7d: {  	_ =	shalt  }
0x7e: {  	_ =	shalt  }
0x7f: {  	_ =	shalt  }
0x80: {  	_ =	shalt  }
0x81: {  	_ =	shalt  }
0x82: {  	_ =	shalt  }
0x83: {  	_ =	shalt  }
0x84: {  	_ =	shalt  }
0x85: {  	_ =	shalt  }
0x86: {  	_ =	shalt  }
0x87: {  	_ =	shalt  }
.Lfunc_end0:
.L_simem_size_0:
called_computation.1_lowered:
.L_overlay_start_0:
0x88: {  	s2 =	sld [smem:$0x3FD9]  }
0x89: {  	s3 =	sld [smem:$0x3FFE];
	_ =	sdelay $0x1  }
0x8a: {  	s1 =	srdreg.scid  }
0x8b: {  	s0 =	sand.u32 $0x1, s1  }
0x8c: {  	s17 =	sshll.u32 s0, $0xA;
	s2 =	sadd.s32 s3, s2  }
0x8d: {  	s2 =	sadd.s32 s2, s17  }
0x8e: {  	[smem:$0x3FC0] =	sst s2  }
0x8f: {  	_ = 	snop  }
0x90: {  	s2 =	sld [smem:$0x3FD0];
	(tm) =	ssettm $0x1  }
0x91: {  	s18 =	sld [smem:$0x3FFB];
	_ =	sdelay $0x3  }
0x92: {  	_ =	strace s18  }
0x93: {  	s3 =	sld [smem:$0x3FFC];
	_ =	sdelay $0x3  }
0x94: {  	_ =	strace s3  }
0x95: {  	s3 =	sld [smem:$0x3FFD];
	_ =	sdelay $0x3  }
0x96: {  	_ =	strace s3  }
0x97: {  	_ =	strace $0x8FFFFFFF  }
0x98: {  	s19 =	sld [smem:$0x3FDB];
	_ =	sdelay $0x1  }
0x99: {  	s4 =	simm.s32 $_scs_section_size  }
0x9a: {  	s5 =	simm.s32 $_size__tile_overlayer_lowered;
	s6 =	simm.s32 $_tile_overlayer_lowered  }
0x9b: {  	s22 =	simm.s32 $0x1BFF;
	s21 =	sshll.u32 s6, $0x1;
	s3 =	sadd.s32 s4, s19  }
0x9c: {  	s7 =	simm.s32 $0x0;
	s20 =	sshll.u32 s5, $0x1;
	s5 =	sadd.s32 s21, s3  }
0x9d: {  	[timem:s7], [sflag:s22] =	dma.local [hbm:s5], s20  }
0x9e: {  	_ =	swait.ge [sflag:s22], s20  }
0x9f: {  	s4 =	ssub.s32 $0x0, s20;
	[sflag:s22] =	ssyncset.done $0x0  }
0xa0: {  	[sflag:s22] =	ssyncadd.s32 s4;
	_ =	sdelay $0x1  }
0xa1: {  	s23 =	simm.s32 $0x1B8B  }
0xa2: {  	_ =	swait.ge [sflag:s23], $0x1  }
0xa3: {  	[sflag:s23] =	ssyncset.done $0x0  }
0xa4: {  	s25 =	simm.s32 $0x1B8E;
	s24 =	sld [smem:$0x3FFE];
	[sflag:s23] =	ssyncadd.s32 $0xFFFFFFFF  }
0xa5: {  	s26 =	simm.s32 $execute0_lowered;
	[smem:$0x3FD2] =	sst s25  }
0xa6: {  	s5 =	sshll.u32 s26, $0x1;
	_ =	strace $0x80000049;
	[dreg:$0x1] =	wrdreg $0xFFFFFFFF  }
0xa7: {  	s28 =	simm.s32 $_size_execute0_lowered;
	s3 =	sadd.s32 s3, s5;
	[dreg:$0x0] =	wrdreg $0x0  }
0xa8: {  	s5 =	sshll.u32 s28, $0x1;
	[dreg:$0x2] =	wrdreg s3  }
0xa9: {  	[dreg:$0x3] =	wrdreg s5  }
0xaa: {  	[dreg:$0x4] =	wrdreg $0xC0  }
0xab: {  	_ =	task [dreg:s7], $0x5FFFF  }
0xac: {  	[dreg:$0x1] =	wrdreg $0xFFFFFFFF  }
0xad: {  	[dreg:$0x0] =	wrdreg $0x60  }
0xae: {  	[dreg:$0x2] =	wrdreg s24  }
0xaf: {  	[dreg:$0x3] =	wrdreg s2  }
0xb0: {  	[dreg:$0x4] =	wrdreg $0x10000  }
0xb1: {  	[dreg:$0x5] =	wrdreg $0xB0000  }
0xb2: {  	[dreg:$0x6] =	wrdreg $0x9  }
0xb3: {  	_ =	task.clear_ibuf [dreg:s7], $0x7FFFF;
	_ =	strace $0x90000049  }
0xb4: {  	s29 =	simm.s32 $0x9;
	_ =	strace $0x8000004B  }
0xb5: {  	_ =	swait.ge [sflag:s29], $0x1  }
0xb6: {  	[sflag:s29] =	ssyncadd.s32 $0xFFFFFFFF  }
0xb7: {  	_ =	strace $0x9000004B  }
0xb8: {  	_ =	sfence  }
0xb9: {  	s30 =	sld [smem:$0x0];
	_ =	sdelay $0x2  }
0xba: {  	s31 =	sshll.u32 s1, $0xD;
	s1 =	sshrl.u32 s1, $0x2  }
0xbb: {  	s3 =	sand.u32 $0x4000, s31;
	s1 =	sadd.s32 s1, s30  }
0xbc: {  	s0 =	sor.u32 s3, s0;
	s1 =	sshll.u32 s1, $0x11  }
0xbd: {  	s0 =	sor.u32 s1, s0  }
0xbe: {  	s0 =	sadd.s32 $0x8F2B, s0  }
0xbf: {  	[sflag:s0] =	ssyncadd.remote.s32 $0x1  }
0xc0: {  	_ =	sfence.sel $0xFFFF  }
0xc1: {  	[dreg:$0x0] =	wrdreg $0xFFFFFFFF;
	(pc) =	sbr.abs _section_cstart, $3  }
0xc2: {  	[dreg:$0x1] =	wrdreg $0xFFFFFFFF  }
0xc3: {  	_ =	task.clear_ibuf [dreg:s7], $0x2FFFF;
	_ =	strace $0x9FFFFFFF  }
0xc4: {  	(tm) =	ssettm $0x7FFFFFFF  }
0xc5: {  	_ =	shalt  }
tec
execute0_lowered:
.L_overlay_start_1:
0x0: {  	(tag) =	ssettag $0x1  }
0x1: {  	s0 =	rddreg [dreg:$0x0]  }
0x2: {  	s1 =	rddreg [dreg:$0x1]  }
0x3: {  	s2 =	rddreg [dreg:$0x2]  }
0x4: {  	s3 =	rddreg [dreg:$0x3];
	s4 =	simm.s32 $0x0;
	s5 =	srdreg.scid  }
0x5: {  	s9 =	stileid.u32;
	s28 =	simm.s32 $0x15000;
	s29 =	simm.s32 $0x17000  }
0x6: {  	s31 =	simm.s32 $0x2;
	[smem:$0x7FF] =	sst s4;
	s5 =	sand.u32 $0x1, s5  }
0x7: {  	s6 =	sadd.s32 $0xC600, s0;
	s12 =	smul.u32 $0xA000, s9;
	s13 =	sadd.s32 $0x3E600, s0  }
0x8: {  	s20 =	smul.u32 $0xA00, s9;
	_ =	strace $0x8000004A;
	s7 =	ssub.s32 $0x2, s5  }
0x9: {  	p0 =	seq.s32 s5, $0x1;
	s5 =	smul.u32 $0xA0000, s5;
	s8 =	sshrl.u32 s7, $0x1  }
0xa: {  	s15 =	sadd.s32 s12, s2;
	s16 =	sshrl.u32 s12, $0x3;
	s17 =	sadd.s32 $0x2000, s12  }
0xb: {  	s18 =	sadd.s32 $0x4000, s12;
	s19 =	sadd.s32 $0x6000, s12;
	s21 =	sadd.s32 $0x8000, s12  }
0xc: {  	s24 =	sadd.s32 s6, s20;
	s25 =	sadd.s32 s1, s20;
	s20 =	sor.u32 $0x40, s20  }
0xd: {  	s14 =	ssub.s32 s7, s8;
	s8 =	sadd.s32 s12, s3;
	[dreg:$0xa] =	wrdreg s24  }
0xe: {  	s10 =	sadd.s32 s17, s3;
	[dreg:$0xb] =	wrdreg s25;
	s24 =	sadd.s32 s1, s20  }
0xf: {  	s11 =	sadd.s32 s18, s3;
	s22 =	sadd.s32 s19, s3;
	[dreg:$0x12] =	wrdreg s24  }
0x10: {  	s23 =	sadd.s32 s21, s3;
	s12 =	sadd.s32 s12, s5;
	[dreg:$0x5] =	wrdreg s8  }
0x11: {  	s17 =	sadd.s32 s5, s17;
	s18 =	sadd.s32 s5, s18;
	[dreg:$0x6] =	wrdreg s10  }
0x12: {  	s25 =	sshll.u32 s9, $0x6;
	s12 =	sshrl.u32 s12, $0x3;
	[dreg:$0x7] =	wrdreg s11  }
0x13: {  	s7 =	sshrl.u32 s18, $0x3;
	s18 =	sadd.s32 s5, s19;
	[dreg:$0x8] =	wrdreg s22  }
0x14: {  	s5 =	sadd.s32 s5, s21;
	s21 =	sadd.s32 s6, s20;
	[dreg:$0x9] =	wrdreg s23  }
0x15: {  	s17 =	sshrl.u32 s17, $0x3;
	s26 =	sadd.s32 s13, s12;
	[dreg:$0x11] =	wrdreg s21  }
0x16: {  	s30 =	sadd.s32 s13, s17;
	s17 =	sadd.s32 s13, s7;
	[dreg:$0xc] =	wrdreg s26  }
0x17: {  	s12 =	sshrl.u32 s18, $0x3;
	s5 =	sshrl.u32 s5, $0x3;
	[dreg:$0xd] =	wrdreg s30  }
0x18: {  	s21 =	smul.u32 $0x5000, s9;
	[dreg:$0xe] =	wrdreg s17;
	s17 =	simm.s32 $0x16600  }
0x19: {  	s19 =	sadd.s32 s13, s12;
	s5 =	sadd.s32 s13, s5;
	s26 =	smax.u32 s14, $0x1  }
0x1a: {  	s30 =	sshrl.u32 s15, $0x3;
	s12 =	simm.s32 $0x1B000;
	[dreg:$0xf] =	wrdreg s19  }
0x1b: {  	s13 =	simm.s32 $0x3;
	s14 =	simm.s32 $0x1D000;
	[dreg:$0x10] =	wrdreg s5  }
.Ltmp0:
0x1c: {  	s15 =	simm.s32 $0x4;
	[dreg:$0x14] =	wrdreg s26;
	(pc) =	sbr.rel .LBB2_1-.Ltmp0, $4  }
0x1d: {  	s17 =	simm.s32 @!p0 $0x2A600;
	[dreg:$0x16] =	wrdreg s30;
	s26 =	simm.s32 $0xC  }
0x1e: {  	s5 =	simm.s32 $0x80;
	s0 =	sadd.s32 s17, s0;
	s17 =	sor.u32 $0x1C0C, s25  }
0x1f: {  	s19 =	simm.s32 $0x9;
	s0 =	sadd.s32 s0, s16;
	[dreg:$0x15] =	wrdreg s17  }
0x20: {  	v0 =	vimm.f32 $0.0e+00;
	s16 =	simm.s32 $0x6;
	[dreg:$0x13] =	wrdreg s0;
	s0 =	simm.s32 $0x19000  }
.LBB2_6:
0x21: {  	s7 =	simm.s32 $0x7  }
0x22: {  	_ =	swait.ge [sflag:s7], $0x2000  }
0x23: {  	[sflag:s7] =	ssyncset.done $0x0  }
0x24: {  	s20 =	simm.s32 $0x8;
	[sflag:s7] =	ssyncadd.s32 $0xFFFFE000  }
0x25: {  	_ =	swait.ge [sflag:s20], $0x2000  }
0x26: {  	[sflag:s20] =	ssyncset.done $0x0  }
0x27: {  	[sflag:s20] =	ssyncadd.s32 $0xFFFFE000  }
0x28: {  	_ =	swait.ge [sflag:s19], $0x2000  }
0x29: {  	[sflag:s19] =	ssyncset.done $0x0  }
0x2a: {  	s22 =	simm.s32 $0xA;
	[sflag:s19] =	ssyncadd.s32 $0xFFFFE000  }
0x2b: {  	_ =	swait.ge [sflag:s22], $0x2000  }
0x2c: {  	[sflag:s22] =	ssyncset.done $0x0  }
0x2d: {  	s23 =	simm.s32 $0xB;
	[sflag:s22] =	ssyncadd.s32 $0xFFFFE000  }
0x2e: {  	_ =	swait.ge [sflag:s23], $0x2000  }
0x2f: {  	[sflag:s23] =	ssyncset.done $0x0  }
0x30: {  	[sflag:s23] =	ssyncadd.s32 $0xFFFFE000  }
0x31: {  	[bflag:$0x0] =	sbarrier.arrive $0xFFFF  }
0x32: {  	s8 =	rddreg [dreg:$0x5]  }
0x33: {  	s9 =	rddreg [dreg:$0xc]  }
0x34: {  	s17 =	rddreg [dreg:$0x15];
	s24 =	sshrl.u32 s8, $0x3  }
0x35: {  	[hbm:s9], [sflag:s17] =	dma.local [spmem:s24], $0x400  }
0x36: {  	_ =	swait.ge [sflag:s26], $0x400  }
0x37: {  	[sflag:s26] =	ssyncset.done $0x0;
	s10 =	rddreg [dreg:$0x6]  }
0x38: {  	s30 =	rddreg [dreg:$0xd];
	[sflag:s26] =	ssyncadd.s32 $0xFFFFFC00;
	s25 =	sshrl.u32 s10, $0x3  }
0x39: {  	[hbm:s30], [sflag:s17] =	dma.local [spmem:s25], $0x400  }
0x3a: {  	_ =	swait.ge [sflag:s26], $0x400  }
0x3b: {  	[sflag:s26] =	ssyncset.done $0x0;
	s11 =	rddreg [dreg:$0x7]  }
0x3c: {  	s18 =	rddreg [dreg:$0xe];
	[sflag:s26] =	ssyncadd.s32 $0xFFFFFC00;
	s9 =	sshrl.u32 s11, $0x3  }
0x3d: {  	[hbm:s18], [sflag:s17] =	dma.local [spmem:s9], $0x400  }
0x3e: {  	_ =	swait.ge [sflag:s26], $0x400  }
0x3f: {  	[sflag:s26] =	ssyncset.done $0x0;
	s22 =	rddreg [dreg:$0x8]  }
0x40: {  	s23 =	rddreg [dreg:$0xf];
	[sflag:s26] =	ssyncadd.s32 $0xFFFFFC00;
	s20 =	sshrl.u32 s22, $0x3  }
0x41: {  	[hbm:s23], [sflag:s17] =	dma.local [spmem:s20], $0x400  }
0x42: {  	_ =	swait.ge [sflag:s26], $0x400  }
0x43: {  	[sflag:s26] =	ssyncset.done $0x0;
	s23 =	rddreg [dreg:$0x9]  }
0x44: {  	s25 =	rddreg [dreg:$0x10];
	[sflag:s26] =	ssyncadd.s32 $0xFFFFFC00;
	s24 =	sshrl.u32 s23, $0x3  }
0x45: {  	[hbm:s25], [sflag:s17] =	dma.local [spmem:s24], $0x400  }
0x46: {  	_ =	swait.ge [sflag:s26], $0x400  }
0x47: {  	s4 =	sadd.s32 $0x1, s4;
	s30 =	rddreg [dreg:$0x14]  }
0x48: {  	p0 =	sne.s32 s4, s30  }
.Ltmp1:
0x49: {  	_ = 	snop;
	(pc) =	sbr.rel @!p0 .LBB2_7-.Ltmp1, $3  }
0x4a: {  	_ =	sdelay $0x1  }
0x4b: {  	[sflag:s26] =	ssyncset.done $0x0  }
0x4c: {  	[sflag:s26] =	ssyncadd.s32 $0xFFFFFC00  }
.LBB2_1:
0x4d: {  	s7 =	rddreg [dreg:$0x13]  }
0x4e: {  	s9 =	rddreg [dreg:$0x16]  }
0x4f: {  	[spmem:s9], [sflag:s17] =	dma.local [hbm:s7], $0x1400  }
0x50: {  	_ =	swait.ge [sflag:s26], $0x1400  }
0x51: {  	[sflag:s26] =	ssyncset.done $0x0  }
0x52: {  	s18 =	simm.s32 $0x100;
	s17 =	simm.s32 $0x0;
	[sflag:s26] =	ssyncadd.s32 $0xFFFFEC00  }
.LBB2_2:
0x53: {  	p0 =	sne.s32 s18, $0x7F00;
	[tilespmem:s17+$0x15030] =	vst v0;
	s20 =	smov.u32 s18;
	s18 =	sadd.s32 $0x100, s18  }
.Ltmp2:
0x54: {  	[tilespmem:s17+$0x15020] =	vst v0;
	(pc) =	sbr.rel @p0 .LBB2_2-.Ltmp2, $3  }
0x55: {  	[tilespmem:s17+$0x15000] =	vst v0  }
0x56: {  	[tilespmem:s17+$0x15010] =	vst v0;
	_ =	sdelay $0x1  }
0x57: {  	s17 =	sshra.s32 s20, $0x2  }
0x58: {  	[tilespmem:s17+$0x15030] =	vst v0  }
0x59: {  	[tilespmem:s17+$0x15020] =	vst v0  }
0x5a: {  	[tilespmem:s17+$0x15000] =	vst v0  }
0x5b: {  	[tilespmem:s17+$0x15010] =	vst v0  }
0x5c: {  	[spmem:s8] =	stream.linear.scatter [tilespmem:s28], [sflag:$0xC], $0x2000, $0x38;
	[tilespmem:$0x1F000] =	vst v63  }
0x5d: {  	_ =	swait.ge [sflag:s26], $0x2000  }
0x5e: {  	[sflag:s26] =	ssyncset.done $0x0  }
0x5f: {  	[sflag:s26] =	ssyncadd.s32 $0xFFFFE000  }
0x60: {  	[spmem:s10] =	stream.linear.scatter [tilespmem:s28], [sflag:$0xC], $0x2000, $0x38;
	[tilespmem:$0x1F000] =	vst v63  }
0x61: {  	_ =	swait.ge [sflag:s26], $0x2000  }
0x62: {  	[sflag:s26] =	ssyncset.done $0x0  }
0x63: {  	[sflag:s26] =	ssyncadd.s32 $0xFFFFE000  }
0x64: {  	[spmem:s11] =	stream.linear.scatter [tilespmem:s28], [sflag:$0xC], $0x2000, $0x38;
	[tilespmem:$0x1F000] =	vst v63  }
0x65: {  	_ =	swait.ge [sflag:s26], $0x2000  }
0x66: {  	[sflag:s26] =	ssyncset.done $0x0  }
0x67: {  	[sflag:s26] =	ssyncadd.s32 $0xFFFFE000  }
0x68: {  	[spmem:s22] =	stream.linear.scatter [tilespmem:s28], [sflag:$0xC], $0x2000, $0x38;
	[tilespmem:$0x1F000] =	vst v63  }
0x69: {  	_ =	swait.ge [sflag:s26], $0x2000  }
0x6a: {  	[sflag:s26] =	ssyncset.done $0x0  }
0x6b: {  	[sflag:s26] =	ssyncadd.s32 $0xFFFFE000  }
0x6c: {  	[spmem:s23] =	stream.linear.scatter [tilespmem:s28], [sflag:$0xC], $0x2000, $0x38;
	[tilespmem:$0x1F000] =	vst v63  }
0x6d: {  	_ =	swait.ge [sflag:s26], $0x2000  }
0x6e: {  	[sflag:s26] =	ssyncset.done $0x0  }
0x6f: {  	[sflag:s26] =	ssyncadd.s32 $0xFFFFE000  }
0x70: {  	[bflag:$0x0] =	sbarrier.arrive $0xFFFF  }
0x71: {  	s23 =	simm.s32 $0x0;
	s7 =	rddreg [dreg:$0xa]  }
0x72: {  	[tilespmem:s23], [sflag:$0x1] =	stream.linear.gather [hbm4b:s7+s23], $0x200, $0x38;
	[tilespmem:$0x1F000] =	vst v63  }
0x73: {  	s17 =	simm.s32 $0x800;
	s18 =	simm.s32 $0x1;
	s11 =	rddreg [dreg:$0xb]  }
0x74: {  	[tilespmem:s17], [sflag:$0x1] =	stream.linear.gather [hbm4b:s11+s23], $0x200, $0x38;
	[tilespmem:$0x1F000] =	vst v63  }
0x75: {  	_ =	swait.ge [sflag:s18], $0x200  }
0x76: {  	[sflag:s18] =	ssyncset.done $0x0  }
0x77: {  	[sflag:s18] =	ssyncadd.s32 $0xFFFFFE00  }
0x78: {  	_ =	swait.ge [sflag:s18], $0x200  }
0x79: {  	[sflag:s18] =	ssyncset.done $0x0  }
0x7a: {  	s22 =	simm.s32 $0x200;
	s20 =	rddreg [dreg:$0x11];
	[sflag:s18] =	ssyncadd.s32 $0xFFFFFE00  }
0x7b: {  	[tilespmem:s22], [sflag:$0x1] =	stream.linear.gather [hbm4b:s20+s23], $0x200, $0x38;
	[tilespmem:$0x1F000] =	vst v63  }
0x7c: {  	s25 =	simm.s32 $0xA00;
	s24 =	rddreg [dreg:$0x12]  }
0x7d: {  	[tilespmem:s25], [sflag:$0x1] =	stream.linear.gather [hbm4b:s24+s23], $0x200, $0x38;
	[tilespmem:$0x1F000] =	vst v63  }
0x7e: {  	_ = 	snop  }
0x7f: {  	[tilespmem:s28], [sflag:$0x2] =	stream.indirect.gather [spmem:s2], $0x40, s23, s5, $0xb8;
	[tilespmem:$0x1F000] =	vst v63  }
0x80: {  	s30 =	simm.s32 $0x100  }
0x81: {  	[tilespmem:s29], [sflag:$0x3] =	stream.indirect.gather [spmem:s2], $0x40, s5, s5, $0xb8;
	[tilespmem:$0x1F000] =	vst v63  }
0x82: {  	s17 =	simm.s32 $0x0;
	s18 =	simm.s32 $0x0;
	s25 =	simm.s32 $0xE00  }
0x83: {  	[tilespmem:s0], [sflag:$0x4] =	stream.indirect.gather [spmem:s2], $0x40, s30, s5, $0xb8;
	[tilespmem:$0x1F000] =	vst v63  }
.LBB2_4:
0x84: {  	s22 =	sand.u32 $0x3, s17  }
0x85: {  	p0 =	sne.s32 s22, $0x0  }
0x86: {  	s20 =	simm.s32 @!p0 $0x1  }
0x87: {  	s7 =	sshrl.u32 s17, $0x2;
	p2 =	seq.s32 s25, $0xE00;
	_ =	swait.ge @!p0 [sflag:s20], $0x200  }
0x88: {  	s30 =	sadd.s32 $0x1, s17;
	s8 =	sshll.u32 @!p0 s7, $0x9;
	[sflag:s20] =	ssyncset.done @!p0 $0x0  }
0x89: {  	p1 =	seq.s32 s25, $0x14400;
	s8 =	sadd.s32 @!p0 $0x400, s8;
	[sflag:s20] =	ssyncadd.s32 @!p0 $0xFFFFFE00  }
0x8a: {  	s11 =	simm.s32 @!p0 $0x0;
	s9 =	sadd.s32 @!p0 s21, s8;
	_ =	swait.ge @!p0 [sflag:s20], $0x200  }
0x8b: {  	s7 =	sshll.u32 s7, $0x9;
	s9 =	sshrl.u32 @!p0 s9, $0x3;
	[sflag:s20] =	ssyncset.done @!p0 $0x0  }
0x8c: {  	s8 =	sand.u32 @!p0 $0x600, s8;
	s10 =	sadd.s32 @!p0 s6, s9;
	[sflag:s20] =	ssyncadd.s32 @!p0 $0xFFFFFE00  }
0x8d: {  	[tilespmem:s8], [sflag:$0x1] =	stream.linear.gather @!p0 [hbm4b:s10+s11], $0x200, $0x38;
	[tilespmem:$0x1F000] =	vst v63  }
0x8e: {  	s9 =	sadd.s32 @!p0 s1, s9;
	s8 =	sor.u32 @!p0 $0x800, s8;
	s10 =	sshll.u32 s22, $0x9  }
0x8f: {  	[tilespmem:s8], [sflag:$0x1] =	stream.linear.gather @!p0 [hbm4b:s9+s11], $0x200, $0x38;
	[tilespmem:$0x1F000] =	vst v63  }
0x90: {  	s7 =	sand.u32 $0x600, s7;
	s22 =	sshrl.u32 s10, $0x2;
	_ =	swait.ge [sflag:s31], $0x2000  }
0x91: {  	s7 =	sor.u32 s22, s7;
	s11 =	sadd.s32 $0xFFFFF800, s25;
	[sflag:s31] =	ssyncset.done $0x0  }
0x92: {  	s7 =	sor.u32 $0x800, s7;
	s8 =	sand.u32 $0x1E00, s11;
	[sflag:s31] =	ssyncadd.s32 $0xFFFFE000  }
0x93: {  	[spmem:s3] =	stream.indirect.scatter.add.f32 [tilespmem:s28], [sflag:$0x7], $0x40, s7, s5, $0xb8;
	[tilespmem:$0x1F000] =	vst v63  }
0x94: {  	s24 =	sshrl.u32 s8, $0x2;
	s8 =	sand.u32 $0x3, s30;
	s7 =	simm.s32 @!p2 $0xA  }
0x95: {  	p3 =	sne.s32 @!p1 s8, $0x0;
	_ =	swait.ge @!p2 [sflag:s7], $0x2000  }
0x96: {  	p3 =	por p3, p1;
	[sflag:s7] =	ssyncset.done @!p2 $0x0  }
0x97: {  	s9 =	simm.s32 @!p3 $0x1;
	[sflag:s7] =	ssyncadd.s32 @!p2 $0xFFFFE000  }
0x98: {  	[tilespmem:s12], [sflag:$0x5] =	stream.indirect.gather [spmem:s2], $0x40, s24, s5, $0xb8;
	[tilespmem:$0x1F000] =	vst v63  }
0x99: {  	_ =	swait.ge @!p3 [sflag:s9], $0x200  }
0x9a: {  	s7 =	sshrl.u32 s30, $0x2;
	[sflag:s9] =	ssyncset.done @!p3 $0x0  }
0x9b: {  	s10 =	sshll.u32 @!p3 s7, $0x9;
	[sflag:s9] =	ssyncadd.s32 @!p3 $0xFFFFFE00  }
0x9c: {  	s10 =	sadd.s32 @!p3 $0x400, s10;
	_ =	swait.ge @!p3 [sflag:s9], $0x200  }
0x9d: {  	s11 =	sadd.s32 @!p3 s21, s10;
	[sflag:s9] =	ssyncset.done @!p3 $0x0  }
0x9e: {  	[sflag:s9] =	ssyncadd.s32 @!p3 $0xFFFFFE00;
	s9 =	sshrl.u32 @!p3 s11, $0x3  }
0x9f: {  	s30 =	simm.s32 @!p3 $0x0;
	s10 =	sand.u32 @!p3 $0x600, s10;
	s11 =	sadd.s32 @!p3 s6, s9  }
0xa0: {  	[tilespmem:s10], [sflag:$0x1] =	stream.linear.gather @!p3 [hbm4b:s11+s30], $0x200, $0x38;
	[tilespmem:$0x1F000] =	vst v63  }
0xa1: {  	s7 =	sshll.u32 s7, $0x9;
	s9 =	sadd.s32 @!p3 s1, s9;
	s10 =	sor.u32 @!p3 $0x800, s10  }
0xa2: {  	[tilespmem:s10], [sflag:$0x1] =	stream.linear.gather @!p3 [hbm4b:s9+s30], $0x200, $0x38;
	[tilespmem:$0x1F000] =	vst v63  }
0xa3: {  	s8 =	sshll.u32 s8, $0x7;
	s7 =	sand.u32 $0x600, s7;
	_ =	swait.ge [sflag:s13], $0x2000  }
0xa4: {  	s7 =	sor.u32 s8, s7;
	[sflag:s13] =	ssyncset.done $0x0  }
0xa5: {  	s7 =	sor.u32 $0x800, s7;
	s9 =	sadd.s32 $0xFFFFFA00, s25;
	[sflag:s13] =	ssyncadd.s32 $0xFFFFE000  }
0xa6: {  	[spmem:s3] =	stream.indirect.scatter.add.f32 [tilespmem:s29], [sflag:$0x8], $0x40, s7, s5, $0xb8;
	[tilespmem:$0x1F000] =	vst v63  }
0xa7: {  	s10 =	sand.u32 $0x600, s23;
	s8 =	sand.u32 $0x1800, s9;
	s7 =	simm.s32 @!p2 $0xB  }
0xa8: {  	s24 =	sadd.s32 $0x2, s17;
	s8 =	sor.u32 s10, s8;
	_ =	swait.ge @!p2 [sflag:s7], $0x2000  }
0xa9: {  	s11 =	sshrl.u32 s8, $0x2;
	s8 =	sand.u32 $0x3, s24;
	[sflag:s7] =	ssyncset.done @!p2 $0x0  }
0xaa: {  	[sflag:s7] =	ssyncadd.s32 @!p2 $0xFFFFE000;
	p2 =	sne.s32 @!p1 s8, $0x0  }
0xab: {  	[tilespmem:s14], [sflag:$0x6] =	stream.indirect.gather [spmem:s2], $0x40, s11, s5, $0xb8;
	[tilespmem:$0x1F000] =	vst v63  }
0xac: {  	p3 =	por p2, p1  }
0xad: {  	p2 =	sgt.u32 s18, $0x1D;
	s9 =	simm.s32 @!p3 $0x1  }
0xae: {  	p4 =	sne.s32 @!p2 s8, $0x0;
	_ =	swait.ge @!p3 [sflag:s9], $0x200  }
0xaf: {  	s7 =	sshrl.u32 s24, $0x2;
	p2 =	por p4, p2;
	[sflag:s9] =	ssyncset.done @!p3 $0x0  }
0xb0: {  	s10 =	sshll.u32 @!p2 s7, $0x9;
	[sflag:s9] =	ssyncadd.s32 @!p3 $0xFFFFFE00  }
0xb1: {  	s10 =	sadd.s32 @!p2 $0x400, s10;
	_ =	swait.ge @!p3 [sflag:s9], $0x200  }
0xb2: {  	s11 =	sadd.s32 @!p2 s21, s10;
	[sflag:s9] =	ssyncset.done @!p3 $0x0  }
0xb3: {  	[sflag:s9] =	ssyncadd.s32 @!p3 $0xFFFFFE00;
	s9 =	sshrl.u32 @!p2 s11, $0x3  }
0xb4: {  	s30 =	simm.s32 @!p2 $0x0;
	s10 =	sand.u32 @!p2 $0x600, s10;
	s11 =	sadd.s32 @!p2 s6, s9  }
0xb5: {  	[tilespmem:s10], [sflag:$0x1] =	stream.linear.gather @!p2 [hbm4b:s11+s30], $0x200, $0x38;
	[tilespmem:$0x1F000] =	vst v63  }
0xb6: {  	s7 =	sshll.u32 s7, $0x9;
	s9 =	sadd.s32 @!p2 s1, s9;
	s10 =	sor.u32 @!p2 $0x800, s10  }
0xb7: {  	[tilespmem:s10], [sflag:$0x1] =	stream.linear.gather @!p2 [hbm4b:s9+s30], $0x200, $0x38;
	[tilespmem:$0x1F000] =	vst v63  }
0xb8: {  	s8 =	sshll.u32 s8, $0x7;
	s7 =	sand.u32 $0x600, s7;
	_ =	swait.ge [sflag:s15], $0x2000  }
0xb9: {  	s7 =	sor.u32 s8, s7;
	[sflag:s15] =	ssyncset.done $0x0  }
0xba: {  	s7 =	sor.u32 $0x800, s7;
	[sflag:s15] =	ssyncadd.s32 $0xFFFFE000  }
0xbb: {  	[spmem:s3] =	stream.indirect.scatter.add.f32 [tilespmem:s0], [sflag:$0x9], $0x40, s7, s5, $0xb8;
	[tilespmem:$0x1F000] =	vst v63  }
0xbc: {  	s7 =	simm.s32 @p1 $0x5  }
0xbd: {  	_ =	swait.ge @p1 [sflag:s7], $0x2000  }
0xbe: {  	s8 =	simm.s32 @p1 $0xF00;
	[sflag:s7] =	ssyncset.done @p1 $0x0  }
0xbf: {  	s9 =	simm.s32 @p1 $0x1B000;
	[sflag:s7] =	ssyncadd.s32 @p1 $0xFFFFE000;
	s7 =	simm.s32 @p1 $0x80  }
0xc0: {  	[spmem:s3] =	stream.indirect.scatter.add.f32 @p1 [tilespmem:s9], [sflag:$0xA], $0x40, s8, s7, $0xb8;
	[tilespmem:$0x1F000] =	vst v63  }
0xc1: {  	s7 =	simm.s32 @!p1 $0x7  }
0xc2: {  	_ =	swait.ge @!p1 [sflag:s7], $0x2000  }
0xc3: {  	s8 =	sadd.s32 @!p1 $0xFFFFFC00, s25;
	[sflag:s7] =	ssyncset.done @!p1 $0x0  }
0xc4: {  	s10 =	simm.s32 @!p1 $0x15000;
	[sflag:s7] =	ssyncadd.s32 @!p1 $0xFFFFE000;
	s7 =	sand.u32 @!p1 $0x1E00, s8  }
0xc5: {  	s9 =	sadd.s32 $0x3, s17;
	s8 =	simm.s32 @!p1 $0x80;
	s7 =	sshrl.u32 @!p1 s7, $0x2  }
0xc6: {  	[tilespmem:s10], [sflag:$0x2] =	stream.indirect.gather @!p1 [spmem:s2], $0x40, s7, s8, $0xb8;
	[tilespmem:$0x1F000] =	vst v63  }
0xc7: {  	s7 =	sand.u32 @!p1 $0x3, s9  }
0xc8: {  	p2 =	sne.s32 @!p1 s7, $0x0  }
0xc9: {  	p3 =	por p2, p1  }
0xca: {  	p4 =	sgt.u32 @!p3 s18, $0x1D;
	s10 =	simm.s32 @!p3 $0x1  }
0xcb: {  	_ =	swait.ge @!p3 [sflag:s10], $0x200;
	p2 =	por @!p1 p4, p2  }
0xcc: {  	s9 =	sshrl.u32 @!p1 s9, $0x2;
	[sflag:s10] =	ssyncset.done @!p3 $0x0;
	p2 =	por p2, p1  }
0xcd: {  	[sflag:s10] =	ssyncadd.s32 @!p3 $0xFFFFFE00;
	s11 =	sshll.u32 @!p2 s9, $0x9  }
0xce: {  	_ =	swait.ge @!p3 [sflag:s10], $0x200;
	s11 =	sadd.s32 @!p2 $0x400, s11  }
0xcf: {  	[sflag:s10] =	ssyncset.done @!p3 $0x0;
	s30 =	sadd.s32 @!p2 s21, s11  }
0xd0: {  	[sflag:s10] =	ssyncadd.s32 @!p3 $0xFFFFFE00;
	s10 =	sshrl.u32 @!p2 s30, $0x3  }
0xd1: {  	s24 =	simm.s32 @!p2 $0x0;
	s11 =	sand.u32 @!p2 $0x600, s11;
	s30 =	sadd.s32 @!p2 s6, s10  }
0xd2: {  	[tilespmem:s11], [sflag:$0x1] =	stream.linear.gather @!p2 [hbm4b:s30+s24], $0x200, $0x38;
	[tilespmem:$0x1F000] =	vst v63  }
0xd3: {  	s10 =	sadd.s32 @!p2 s1, s10;
	s11 =	sor.u32 @!p2 $0x800, s11  }
0xd4: {  	[tilespmem:s11], [sflag:$0x1] =	stream.linear.gather @!p2 [hbm4b:s10+s24], $0x200, $0x38;
	[tilespmem:$0x1F000] =	vst v63  }
0xd5: {  	s9 =	sshll.u32 @!p1 s9, $0x9;
	s10 =	simm.s32 @!p1 $0x5  }
0xd6: {  	s7 =	sshll.u32 @!p1 s7, $0x7;
	s9 =	sand.u32 @!p1 $0x600, s9;
	_ =	swait.ge @!p1 [sflag:s10], $0x2000  }
0xd7: {  	s7 =	sor.u32 @!p1 s7, s9;
	[sflag:s10] =	ssyncset.done @!p1 $0x0  }
0xd8: {  	s9 =	simm.s32 @!p1 $0x1B000;
	s7 =	sor.u32 @!p1 $0x800, s7;
	[sflag:s10] =	ssyncadd.s32 @!p1 $0xFFFFE000  }
0xd9: {  	[spmem:s3] =	stream.indirect.scatter.add.f32 @!p1 [tilespmem:s9], [sflag:$0xA], $0x40, s7, s8, $0xb8;
	[tilespmem:$0x1F000] =	vst v63  }
0xda: {  	s7 =	simm.s32 @!p1 $0x8  }
0xdb: {  	s30 =	sadd.s32 $0x4, s17;
	s9 =	sadd.s32 @!p1 $0xFFFFFE00, s25;
	_ =	swait.ge @!p1 [sflag:s7], $0x2000  }
0xdc: {  	p2 =	sgt.u32 @!p0 s18, $0x1D;
	s9 =	sand.u32 @!p1 $0x1E00, s9;
	[sflag:s7] =	ssyncset.done @!p1 $0x0  }
0xdd: {  	[sflag:s7] =	ssyncadd.s32 @!p1 $0xFFFFE000;
	s7 =	sshrl.u32 @!p1 s9, $0x2;
	s9 =	simm.s32 @!p1 $0x17000  }
0xde: {  	[tilespmem:s9], [sflag:$0x3] =	stream.indirect.gather @!p1 [spmem:s2], $0x40, s7, s8, $0xb8;
	[tilespmem:$0x1F000] =	vst v63  }
0xdf: {  	p2 =	por p2, p0;
	s7 =	sshrl.u32 s30, $0x2;
	_ =	swait.ge @!p0 [sflag:s20], $0x200  }
0xe0: {  	s8 =	sshll.u32 @!p2 s7, $0x9;
	[sflag:s20] =	ssyncset.done @!p0 $0x0  }
0xe1: {  	s8 =	sadd.s32 @!p2 $0x400, s8;
	[sflag:s20] =	ssyncadd.s32 @!p0 $0xFFFFFE00  }
0xe2: {  	s9 =	sadd.s32 @!p2 s21, s8;
	_ =	swait.ge @!p0 [sflag:s20], $0x200  }
0xe3: {  	s11 =	simm.s32 @!p2 $0x0;
	s9 =	sshrl.u32 @!p2 s9, $0x3;
	[sflag:s20] =	ssyncset.done @!p0 $0x0  }
0xe4: {  	s8 =	sand.u32 @!p2 $0x600, s8;
	s10 =	sadd.s32 @!p2 s6, s9;
	[sflag:s20] =	ssyncadd.s32 @!p0 $0xFFFFFE00  }
0xe5: {  	[tilespmem:s8], [sflag:$0x1] =	stream.linear.gather @!p2 [hbm4b:s10+s11], $0x200, $0x38;
	[tilespmem:$0x1F000] =	vst v63  }
0xe6: {  	s9 =	sadd.s32 @!p2 s1, s9;
	s8 =	sor.u32 @!p2 $0x800, s8  }
0xe7: {  	[tilespmem:s8], [sflag:$0x1] =	stream.linear.gather @!p2 [hbm4b:s9+s11], $0x200, $0x38;
	[tilespmem:$0x1F000] =	vst v63  }
.Ltmp3:
0xe8: {  	s7 =	sshll.u32 s7, $0x9;
	(pc) =	sbr.rel @p1 .LBB2_6-.Ltmp3, $4  }
0xe9: {  	s7 =	sand.u32 $0x600, s7;
	_ =	swait.ge [sflag:s16], $0x2000  }
0xea: {  	s7 =	sor.u32 s22, s7;
	[sflag:s16] =	ssyncset.done $0x0  }
0xeb: {  	s7 =	sor.u32 $0x800, s7;
	[sflag:s16] =	ssyncadd.s32 $0xFFFFE000  }
0xec: {  	[spmem:s3] =	stream.indirect.scatter.add.f32 [tilespmem:s14], [sflag:$0xB], $0x40, s7, s5, $0xb8;
	[tilespmem:$0x1F000] =	vst v63  }
.Ltmp4:
0xed: {  	(pc) =	sbr.rel .LBB2_4-.Ltmp4, $4  }
0xee: {  	_ =	swait.ge [sflag:s19], $0x2000;
	s7 =	sand.u32 $0x1E00, s25;
	s18 =	sadd.s32 $0x1, s18  }
0xef: {  	s25 =	sadd.s32 $0xA00, s25;
	s17 =	sadd.s32 $0x5, s17;
	[sflag:s19] =	ssyncset.done $0x0  }
0xf0: {  	s23 =	sadd.s32 $0x200, s23;
	s7 =	sshrl.u32 s7, $0x2;
	[sflag:s19] =	ssyncadd.s32 $0xFFFFE000  }
0xf1: {  	[tilespmem:s0], [sflag:$0x4] =	stream.indirect.gather [spmem:s2], $0x40, s7, s5, $0xb8;
	[tilespmem:$0x1F000] =	vst v63  }
.LBB2_7:
0xf2: {  	_ =	sfence.sel $0x180000  }
0xf3: {  	[bflag:$0x0] =	sbarrier.arrive $0xFFFF  }
0xf4: {  	_ =	strace $0x9000004A  }
0xf5: {  	s0 =	stileid.u32;
	[bflag:$0x2] =	sbarrier.arrive $0xFFFF  }
0xf6: {  	p0 =	sne.s32 s0, $0x0;
	s0 =	rddreg [dreg:$0x4]  }
0xf7: {  	s0 =	sadd.s32 @!p0 $0x100000, s0  }
0xf8: {  	[sflag:s0] =	ssyncadd.tile.s32 @!p0 $0x1;
	_ =	shalt  }
.Lfunc_end2:
_tile_overlayer_lowered:
.L_overlay_start_2:
0xf9: {  	(tag) =	ssettag $0x2  }
0xfa: {  	s0 =	rddreg [dreg:$0x0];
	s2 =	stileid.u32  }
0xfb: {  	s1 =	rddreg [dreg:$0x1];
	p0 =	sne.s32 s2, $0x0  }
0xfc: {  	s3 =	rddreg [dreg:$0x2];
	[bflag:$0x3] =	sbarrier.arrive $0xFFFF;
	s2 =	simm.s32 @!p0 $0x1C0C  }
0xfd: {  	[timem:s3], [sflag:s2] =	dma.local @!p0 [hbm:s0], s1  }
0xfe: {  	s0 =	simm.s32 @!p0 $0xC  }
0xff: {  	_ =	swait.ge @!p0 [sflag:s0], s1  }
0x100: {  	s1 =	ssub.s32 @!p0 $0x0, s1;
	[sflag:s0] =	ssyncset.done @!p0 $0x0  }
0x101: {  	[sflag:s0] =	ssyncadd.s32 @!p0 s1  }
0x102: {  	[bflag:$0x3] =	sbarrier.arrive $0xFFFF  }
0x103: {  	_ =	shalt  }

// kernel: kernel.15.cloned.1.call-start
scs
__scs_entry_jumppad:
0x0: {  	(pc) =	sbr.rel $0x88, $3  }
0x1: {  	(tag) =	ssettag $0x0;
	lr =	simm.s32 $0x1  }
0x2: {  	[smem:$0x3F99] =	sst lr;
	_ =	strace $0xD0000000  }
0x3: {  	_ = 	snop  }
0x4: {  	_ = 	snop  }
0x5: {  	_ = 	snop  }
0x6: {  	_ = 	snop  }
0x7: {  	_ = 	snop  }
__scs_overlays_trampoline_lowered:
0x8: {  	[smem:$0x3FA8] =	sst s0  }
0x9: {  	[smem:$0x3FA9] =	sst s1  }
0xa: {  	[smem:$0x3FAA] =	sst s2  }
0xb: {  	[smem:$0x3FAB] =	sst s3  }
0xc: {  	[smem:$0x3FAC] =	sst s4  }
0xd: {  	[smem:$0x3FAD] =	sst s5  }
0xe: {  	[smem:$0x3FAE] =	sst s6  }
0xf: {  	[smem:$0x3FAF] =	sst s7  }
0x10: {  	[smem:$0x3FB0] =	sst s8  }
0x11: {  	[smem:$0x3FB1] =	sst s9;
	s0 =	simm.s32 @!p0 $0x0  }
0x12: {  	s1 =	sld [smem:$0x3F97];
	s0 =	simm.s32 @p0 $0x1  }
0x13: {  	[smem:$0x3FB2] =	sst s0;
	s0 =	simm.s32 @!p1 $0x0  }
0x14: {  	s2 =	sld [smem:$0x3F96];
	s0 =	simm.s32 @p1 $0x1  }
0x15: {  	[smem:$0x3FB3] =	sst s0;
	s0 =	simm.s32 @!p2 $0x0  }
0x16: {  	s3 =	sld [smem:$0x3FDB];
	s0 =	simm.s32 @p2 $0x1  }
0x17: {  	s4 =	simm.s32 $0x1BF5;
	[smem:$0x3FB5] =	sst s0  }
0x18: {  	s0 =	sld [smem:$0x3F98];
	_ =	swait.ge [sflag:s4], $0x0  }
0x19: {  	s7 =	sld [smem:$0x3F99]  }
0x1a: {  	s8 =	sadd.s32 $0xFFFFE003, lr  }
0x1b: {  	s9 =	sadd.s32 $0xFFFFFEF7, lr;
	s5 =	simm.s32 $0xFFFFFFFF;
	p2 =	slt.u32 s8, $0xFFFFF086  }
0x1c: {  	p1 =	slt.u32 s9, $0xF7A;
	s5 =	simm.s32 @!p2 $0x0  }
0x1d: {  	s5 =	simm.s32 @p1 $0x1;
	p0 =	seq.s32 s7, s2  }
0x1e: {  	s7 =	smul.u32 @!p0 $0xF7A, s2;
	p2 =	seq.s32 @!p0 s5, $0x0  }
0x1f: {  	s9 =	smul.u32 $0xF7A, s1;
	s8 =	simm.s32 @!p0 $0x1BF5;
	p2 =	por !p2, p0  }
0x20: {  	[sflag:s8] =	ssyncset.s32 @!p0 $0xFFFFF086;
	s6 =	sadd.s32 @!p0 s3, s7;
	s7 =	simm.s32 @!p0 $0x108  }
0x21: {  	s3 =	sadd.s32 s3, s9;
	s6 =	sadd.s32 @!p0 $0x88, s6;
	s7 =	simm.s32 @p2 $0x1082  }
0x22: {  	[simem:s7], [sflag:s8] =	dma.local @!p0 [hbm:s6], $0xF7A  }
0x23: {  	s9 =	sor.u32 $0xD0000000, s2;
	s6 =	simm.s32 $0x108;
	_ =	swait.ge @!p0 [sflag:s8], $0x0  }
0x24: {  	s3 =	sadd.s32 $0x88, s3;
	s6 =	simm.s32 @!p1 $0x1082;
	[sflag:s4] =	ssyncset.s32 $0xFFFFF086  }
0x25: {  	[simem:s6], [sflag:s4] =	dma.local [hbm:s3], $0xF7A  }
0x26: {  	[smem:$0x3F99] =	sst s1;
	(tag) =	ssettag s2;
	_ =	strace s9  }
0x27: {  	s1 =	sld [smem:$0x3FA9]  }
0x28: {  	s2 =	sld [smem:$0x3FAA]  }
0x29: {  	s4 =	sld [smem:$0x3FAC]  }
0x2a: {  	p0 =	seq.s32 s5, $0x0;
	s5 =	sld [smem:$0x3FAD]  }
0x2b: {  	s6 =	sld [smem:$0x3FAE]  }
0x2c: {  	s7 =	sld [smem:$0x3FAF]  }
0x2d: {  	s3 =	simm.s32 $0x108;
	s8 =	sld [smem:$0x3FB0]  }
0x2e: {  	s3 =	simm.s32 @!p0 $0x1082;
	s9 =	sld [smem:$0x3FB1]  }
0x2f: {  	lr =	sadd.s32 s0, s3;
	s0 =	sld [smem:$0x3FA8]  }
0x30: {  	s3 =	sld [smem:$0x3FAB]  }
0x31: {  	[smem:$0x3FB4] =	sst s10  }
0x32: {  	s10 =	sld [smem:$0x3FB2];
	_ =	sdelay $0x3  }
0x33: {  	p0 =	seq.s32 s10, $0x1;
	s10 =	sld [smem:$0x3FB4];
	_ =	sdelay $0x3  }
0x34: {  	[smem:$0x3FB4] =	sst s10  }
0x35: {  	s10 =	sld [smem:$0x3FB3];
	_ =	sdelay $0x3  }
0x36: {  	p1 =	seq.s32 s10, $0x1;
	s10 =	sld [smem:$0x3FB4];
	_ =	sdelay $0x3  }
0x37: {  	[smem:$0x3FB4] =	sst s10  }
0x38: {  	s10 =	sld [smem:$0x3FB5]  }
0x39: {  	_ = 	snop;
	(pc) =	sbr.ind lr, $3  }
0x3a: {  	_ = 	snop  }
0x3b: {  	_ = 	snop  }
0x3c: {  	p2 =	seq.s32 s10, $0x1;
	s10 =	sld [smem:$0x3FB4]  }
0x3d: {  	_ =	shalt  }
0x3e: {  	_ =	shalt  }
0x3f: {  	_ =	shalt  }
0x40: {  	_ =	shalt  }
0x41: {  	_ =	shalt  }
0x42: {  	_ =	shalt  }
0x43: {  	_ =	shalt  }
0x44: {  	_ =	shalt  }
0x45: {  	_ =	shalt  }
0x46: {  	_ =	shalt  }
0x47: {  	_ =	shalt  }
0x48: {  	_ =	shalt  }
0x49: {  	_ =	shalt  }
0x4a: {  	_ =	shalt  }
0x4b: {  	_ =	shalt  }
0x4c: {  	_ =	shalt  }
0x4d: {  	_ =	shalt  }
0x4e: {  	_ =	shalt  }
0x4f: {  	_ =	shalt  }
0x50: {  	_ =	shalt  }
0x51: {  	_ =	shalt  }
0x52: {  	_ =	shalt  }
0x53: {  	_ =	shalt  }
0x54: {  	_ =	shalt  }
0x55: {  	_ =	shalt  }
0x56: {  	_ =	shalt  }
0x57: {  	_ =	shalt  }
0x58: {  	_ =	shalt  }
0x59: {  	_ =	shalt  }
0x5a: {  	_ =	shalt  }
0x5b: {  	_ =	shalt  }
0x5c: {  	_ =	shalt  }
0x5d: {  	_ =	shalt  }
0x5e: {  	_ =	shalt  }
0x5f: {  	_ =	shalt  }
0x60: {  	_ =	shalt  }
0x61: {  	_ =	shalt  }
0x62: {  	_ =	shalt  }
0x63: {  	_ =	shalt  }
0x64: {  	_ =	shalt  }
0x65: {  	_ =	shalt  }
0x66: {  	_ =	shalt  }
0x67: {  	_ =	shalt  }
0x68: {  	_ =	shalt  }
0x69: {  	_ =	shalt  }
0x6a: {  	_ =	shalt  }
0x6b: {  	_ =	shalt  }
0x6c: {  	_ =	shalt  }
0x6d: {  	_ =	shalt  }
0x6e: {  	_ =	shalt  }
0x6f: {  	_ =	shalt  }
0x70: {  	_ =	shalt  }
0x71: {  	_ =	shalt  }
0x72: {  	_ =	shalt  }
0x73: {  	_ =	shalt  }
0x74: {  	_ =	shalt  }
0x75: {  	_ =	shalt  }
0x76: {  	_ =	shalt  }
0x77: {  	_ =	shalt  }
0x78: {  	_ =	shalt  }
0x79: {  	_ =	shalt  }
0x7a: {  	_ =	shalt  }
0x7b: {  	_ =	shalt  }
0x7c: {  	_ =	shalt  }
0x7d: {  	_ =	shalt  }
0x7e: {  	_ =	shalt  }
0x7f: {  	_ =	shalt  }
0x80: {  	_ =	shalt  }
0x81: {  	_ =	shalt  }
0x82: {  	_ =	shalt  }
0x83: {  	_ =	shalt  }
0x84: {  	_ =	shalt  }
0x85: {  	_ =	shalt  }
0x86: {  	_ =	shalt  }
0x87: {  	_ =	shalt  }
.Lfunc_end0:
.L_simem_size_0:
called_computation.2_lowered:
.L_overlay_start_0:
0x88: {  	s2 =	sld [smem:$0x3FD9]  }
0x89: {  	s3 =	sld [smem:$0x3FFE];
	_ =	sdelay $0x1  }
0x8a: {  	s1 =	srdreg.scid  }
0x8b: {  	s0 =	sand.u32 $0x1, s1  }
0x8c: {  	s17 =	sshll.u32 s0, $0xA;
	s2 =	sadd.s32 s3, s2  }
0x8d: {  	s2 =	sadd.s32 s2, s17  }
0x8e: {  	[smem:$0x3FC0] =	sst s2  }
0x8f: {  	_ = 	snop  }
0x90: {  	s2 =	sld [smem:$0x3FD0];
	(tm) =	ssettm $0x1  }
0x91: {  	s18 =	sld [smem:$0x3FFB];
	_ =	sdelay $0x3  }
0x92: {  	_ =	strace s18  }
0x93: {  	s3 =	sld [smem:$0x3FFC];
	_ =	sdelay $0x3  }
0x94: {  	_ =	strace s3  }
0x95: {  	s3 =	sld [smem:$0x3FFD];
	_ =	sdelay $0x3  }
0x96: {  	_ =	strace s3  }
0x97: {  	_ =	strace $0x8FFFFFFF  }
0x98: {  	s19 =	sld [smem:$0x3FDB];
	_ =	sdelay $0x1  }
0x99: {  	s4 =	simm.s32 $_scs_section_size  }
0x9a: {  	s5 =	simm.s32 $_size__tile_overlayer_lowered;
	s6 =	simm.s32 $_tile_overlayer_lowered  }
0x9b: {  	s22 =	simm.s32 $0x1BFF;
	s21 =	sshll.u32 s6, $0x1;
	s3 =	sadd.s32 s4, s19  }
0x9c: {  	s7 =	simm.s32 $0x0;
	s20 =	sshll.u32 s5, $0x1;
	s5 =	sadd.s32 s21, s3  }
0x9d: {  	[timem:s7], [sflag:s22] =	dma.local [hbm:s5], s20  }
0x9e: {  	_ =	swait.ge [sflag:s22], s20  }
0x9f: {  	s4 =	ssub.s32 $0x0, s20;
	[sflag:s22] =	ssyncset.done $0x0  }
0xa0: {  	[sflag:s22] =	ssyncadd.s32 s4;
	_ =	sdelay $0x1  }
0xa1: {  	s23 =	simm.s32 $0x1B8B  }
0xa2: {  	_ =	swait.ge [sflag:s23], $0x1  }
0xa3: {  	[sflag:s23] =	ssyncset.done $0x0  }
0xa4: {  	s25 =	simm.s32 $0x1B8E;
	s24 =	sld [smem:$0x3FFE];
	[sflag:s23] =	ssyncadd.s32 $0xFFFFFFFF  }
0xa5: {  	s26 =	simm.s32 $execute0_lowered;
	[smem:$0x3FD2] =	sst s25  }
0xa6: {  	s5 =	sshll.u32 s26, $0x1;
	_ =	strace $0x8000004C;
	[dreg:$0x1] =	wrdreg $0xFFFFFFFF  }
0xa7: {  	s28 =	simm.s32 $_size_execute0_lowered;
	s3 =	sadd.s32 s3, s5;
	[dreg:$0x0] =	wrdreg $0x0  }
0xa8: {  	s5 =	sshll.u32 s28, $0x1;
	[dreg:$0x2] =	wrdreg s3  }
0xa9: {  	[dreg:$0x3] =	wrdreg s5  }
0xaa: {  	[dreg:$0x4] =	wrdreg $0xC0  }
0xab: {  	_ =	task [dreg:s7], $0x5FFFF  }
0xac: {  	[dreg:$0x1] =	wrdreg $0xFFFFFFFF  }
0xad: {  	[dreg:$0x0] =	wrdreg $0x60  }
0xae: {  	[dreg:$0x2] =	wrdreg s24  }
0xaf: {  	[dreg:$0x3] =	wrdreg s2  }
0xb0: {  	[dreg:$0x4] =	wrdreg $0x10000  }
0xb1: {  	[dreg:$0x5] =	wrdreg $0xB0000  }
0xb2: {  	[dreg:$0x6] =	wrdreg $0x9  }
0xb3: {  	_ =	task.clear_ibuf [dreg:s7], $0x7FFFF;
	_ =	strace $0x9000004C  }
0xb4: {  	s29 =	simm.s32 $0x9;
	_ =	strace $0x8000004E  }
0xb5: {  	_ =	swait.ge [sflag:s29], $0x1  }
0xb6: {  	[sflag:s29] =	ssyncadd.s32 $0xFFFFFFFF  }
0xb7: {  	_ =	strace $0x9000004E  }
0xb8: {  	_ =	sfence  }
0xb9: {  	s30 =	sld [smem:$0x0];
	_ =	sdelay $0x2  }
0xba: {  	s31 =	sshll.u32 s1, $0xD;
	s1 =	sshrl.u32 s1, $0x2  }
0xbb: {  	s3 =	sand.u32 $0x4000, s31;
	s1 =	sadd.s32 s1, s30  }
0xbc: {  	s0 =	sor.u32 s3, s0;
	s1 =	sshll.u32 s1, $0x11  }
0xbd: {  	s0 =	sor.u32 s1, s0  }
0xbe: {  	s0 =	sadd.s32 $0x8F2B, s0  }
0xbf: {  	[sflag:s0] =	ssyncadd.remote.s32 $0x1  }
0xc0: {  	_ =	sfence.sel $0xFFFF  }
0xc1: {  	[dreg:$0x0] =	wrdreg $0xFFFFFFFF;
	(pc) =	sbr.abs _section_cstart, $3  }
0xc2: {  	[dreg:$0x1] =	wrdreg $0xFFFFFFFF  }
0xc3: {  	_ =	task.clear_ibuf [dreg:s7], $0x2FFFF;
	_ =	strace $0x9FFFFFFF  }
0xc4: {  	(tm) =	ssettm $0x7FFFFFFF  }
0xc5: {  	_ =	shalt  }
tec
execute0_lowered:
.L_overlay_start_1:
0x0: {  	(tag) =	ssettag $0x1  }
0x1: {  	s0 =	rddreg [dreg:$0x0]  }
0x2: {  	s2 =	rddreg [dreg:$0x1]  }
0x3: {  	s3 =	rddreg [dreg:$0x2]  }
0x4: {  	s21 =	stileid.u32;
	s4 =	rddreg [dreg:$0x3]  }
0x5: {  	s5 =	simm.s32 $0x0;
	s7 =	srdreg.scid;
	s28 =	simm.s32 $0x15000  }
0x6: {  	s29 =	simm.s32 $0x17000;
	s31 =	simm.s32 $0x2;
	s1 =	smul.u32 $0xA000, s21  }
0x7: {  	[smem:$0x7FF] =	sst s5;
	s7 =	sand.u32 $0x1, s7;
	s12 =	smul.u32 $0x50, s21  }
0x8: {  	_ =	strace $0x8000004D;
	s9 =	ssub.s32 $0x2, s7;
	s10 =	smul.u32 $0x500, s7  }
0x9: {  	s7 =	smul.u32 $0xA0000, s7;
	s6 =	sshrl.u32 s1, $0x3;
	s11 =	sshrl.u32 s9, $0x1  }
0xa: {  	s15 =	sadd.s32 s1, s3;
	s16 =	sadd.s32 $0x2000, s1;
	s17 =	sadd.s32 $0x4000, s1  }
0xb: {  	s18 =	sadd.s32 $0x6000, s1;
	s19 =	sadd.s32 $0x8000, s1;
	s8 =	sadd.s32 s6, s0  }
0xc: {  	s6 =	sadd.s32 $0xC600, s0;
	s0 =	sadd.s32 $0x2A600, s0;
	s14 =	ssub.s32 s9, s11  }
0xd: {  	s13 =	sadd.s32 s12, s10;
	s9 =	sadd.s32 s1, s4;
	s10 =	sadd.s32 s16, s4  }
0xe: {  	s11 =	sadd.s32 s17, s4;
	s12 =	sadd.s32 s18, s4;
	s22 =	sadd.s32 s19, s4  }
0xf: {  	s1 =	sadd.s32 s1, s7;
	s16 =	sadd.s32 s7, s16;
	[dreg:$0x6] =	wrdreg s9  }
0x10: {  	s17 =	sadd.s32 s7, s17;
	s18 =	sadd.s32 s7, s18;
	[dreg:$0x7] =	wrdreg s10  }
0x11: {  	s7 =	sadd.s32 s7, s19;
	s8 =	sadd.s32 $0x16600, s8;
	[dreg:$0x8] =	wrdreg s11  }
0x12: {  	s13 =	sshll.u32 s13, $0x4;
	s1 =	sshrl.u32 s1, $0x3;
	[dreg:$0x9] =	wrdreg s12  }
0x13: {  	s16 =	sshrl.u32 s16, $0x3;
	s23 =	sshrl.u32 s17, $0x3;
	[dreg:$0xa] =	wrdreg s22  }
0x14: {  	s24 =	sshrl.u32 s18, $0x3;
	[dreg:$0x5] =	wrdreg s8;
	s25 =	sadd.s32 s6, s13  }
0x15: {  	s7 =	sshrl.u32 s7, $0x3;
	s26 =	sadd.s32 s2, s13;
	[dreg:$0xb] =	wrdreg s25  }
0x16: {  	s20 =	sor.u32 $0x40, s13;
	s1 =	sadd.s32 s0, s1;
	[dreg:$0xc] =	wrdreg s26  }
0x17: {  	s17 =	simm.s32 $0x6;
	s30 =	sadd.s32 s6, s20;
	[dreg:$0xf] =	wrdreg s1  }
0x18: {  	s19 =	sadd.s32 s2, s20;
	s20 =	sadd.s32 s0, s16;
	[dreg:$0xd] =	wrdreg s30  }
0x19: {  	s1 =	sadd.s32 s0, s23;
	s25 =	sshll.u32 s21, $0x6;
	[dreg:$0xe] =	wrdreg s19  }
0x1a: {  	s26 =	smax.u32 s14, $0x1;
	s14 =	simm.s32 $0x3;
	[dreg:$0x10] =	wrdreg s20  }
0x1b: {  	s16 =	simm.s32 $0x4;
	[dreg:$0x11] =	wrdreg s1;
	s1 =	sadd.s32 s0, s24  }
.Ltmp0:
0x1c: {  	s0 =	sadd.s32 s0, s7;
	[dreg:$0x14] =	wrdreg s26;
	(pc) =	sbr.rel .LBB2_1-.Ltmp0, $4  }
0x1d: {  	s19 =	sor.u32 $0x1C0C, s25;
	s30 =	sshrl.u32 s15, $0x3;
	[dreg:$0x12] =	wrdreg s1  }
0x1e: {  	s26 =	simm.s32 $0xC;
	s7 =	simm.s32 $0x1B000;
	[dreg:$0x13] =	wrdreg s0  }
0x1f: {  	s15 =	simm.s32 $0x1D000;
	s20 =	simm.s32 $0x9;
	[dreg:$0x16] =	wrdreg s30  }
0x20: {  	v0 =	vimm.f32 $0.0e+00;
	s0 =	simm.s32 $0x80;
	s1 =	simm.s32 $0x19000;
	[dreg:$0x15] =	wrdreg s19  }
.LBB2_6:
0x21: {  	s8 =	simm.s32 $0x7  }
0x22: {  	_ =	swait.ge [sflag:s8], $0x2000  }
0x23: {  	[sflag:s8] =	ssyncset.done $0x0  }
0x24: {  	s10 =	simm.s32 $0x8;
	[sflag:s8] =	ssyncadd.s32 $0xFFFFE000  }
0x25: {  	_ =	swait.ge [sflag:s10], $0x2000  }
0x26: {  	[sflag:s10] =	ssyncset.done $0x0  }
0x27: {  	[sflag:s10] =	ssyncadd.s32 $0xFFFFE000  }
0x28: {  	_ =	swait.ge [sflag:s20], $0x2000  }
0x29: {  	[sflag:s20] =	ssyncset.done $0x0  }
0x2a: {  	s11 =	simm.s32 $0xA;
	[sflag:s20] =	ssyncadd.s32 $0xFFFFE000  }
0x2b: {  	_ =	swait.ge [sflag:s11], $0x2000  }
0x2c: {  	[sflag:s11] =	ssyncset.done $0x0  }
0x2d: {  	s12 =	simm.s32 $0xB;
	[sflag:s11] =	ssyncadd.s32 $0xFFFFE000  }
0x2e: {  	_ =	swait.ge [sflag:s12], $0x2000  }
0x2f: {  	[sflag:s12] =	ssyncset.done $0x0  }
0x30: {  	[sflag:s12] =	ssyncadd.s32 $0xFFFFE000  }
0x31: {  	[bflag:$0x0] =	sbarrier.arrive $0xFFFF  }
0x32: {  	s9 =	rddreg [dreg:$0x6]  }
0x33: {  	s10 =	rddreg [dreg:$0xf]  }
0x34: {  	s19 =	rddreg [dreg:$0x15];
	s18 =	sshrl.u32 s9, $0x3  }
0x35: {  	[hbm:s10], [sflag:s19] =	dma.local [spmem:s18], $0x400  }
0x36: {  	_ =	swait.ge [sflag:s26], $0x400  }
0x37: {  	[sflag:s26] =	ssyncset.done $0x0;
	s10 =	rddreg [dreg:$0x7]  }
0x38: {  	s11 =	rddreg [dreg:$0x10];
	[sflag:s26] =	ssyncadd.s32 $0xFFFFFC00;
	s21 =	sshrl.u32 s10, $0x3  }
0x39: {  	[hbm:s11], [sflag:s19] =	dma.local [spmem:s21], $0x400  }
0x3a: {  	_ =	swait.ge [sflag:s26], $0x400  }
0x3b: {  	[sflag:s26] =	ssyncset.done $0x0;
	s11 =	rddreg [dreg:$0x8]  }
0x3c: {  	s12 =	rddreg [dreg:$0x11];
	[sflag:s26] =	ssyncadd.s32 $0xFFFFFC00;
	s22 =	sshrl.u32 s11, $0x3  }
0x3d: {  	[hbm:s12], [sflag:s19] =	dma.local [spmem:s22], $0x400  }
0x3e: {  	_ =	swait.ge [sflag:s26], $0x400  }
0x3f: {  	[sflag:s26] =	ssyncset.done $0x0;
	s12 =	rddreg [dreg:$0x9]  }
0x40: {  	s18 =	rddreg [dreg:$0x12];
	[sflag:s26] =	ssyncadd.s32 $0xFFFFFC00;
	s23 =	sshrl.u32 s12, $0x3  }
0x41: {  	[hbm:s18], [sflag:s19] =	dma.local [spmem:s23], $0x400  }
0x42: {  	_ =	swait.ge [sflag:s26], $0x400  }
0x43: {  	[sflag:s26] =	ssyncset.done $0x0;
	s22 =	rddreg [dreg:$0xa]  }
0x44: {  	s25 =	rddreg [dreg:$0x13];
	[sflag:s26] =	ssyncadd.s32 $0xFFFFFC00;
	s24 =	sshrl.u32 s22, $0x3  }
0x45: {  	[hbm:s25], [sflag:s19] =	dma.local [spmem:s24], $0x400  }
0x46: {  	_ =	swait.ge [sflag:s26], $0x400  }
0x47: {  	s5 =	sadd.s32 $0x1, s5;
	s30 =	rddreg [dreg:$0x14]  }
0x48: {  	p0 =	sne.s32 s5, s30  }
.Ltmp1:
0x49: {  	_ = 	snop;
	(pc) =	sbr.rel @!p0 .LBB2_7-.Ltmp1, $3  }
0x4a: {  	_ =	sdelay $0x1  }
0x4b: {  	[sflag:s26] =	ssyncset.done $0x0  }
0x4c: {  	[sflag:s26] =	ssyncadd.s32 $0xFFFFFC00  }
.LBB2_1:
0x4d: {  	s8 =	rddreg [dreg:$0x5]  }
0x4e: {  	s18 =	rddreg [dreg:$0x16]  }
0x4f: {  	[spmem:s18], [sflag:s19] =	dma.local [hbm:s8], $0x1400  }
0x50: {  	_ =	swait.ge [sflag:s26], $0x1400  }
0x51: {  	[sflag:s26] =	ssyncset.done $0x0  }
0x52: {  	s19 =	simm.s32 $0x100;
	s18 =	simm.s32 $0x0;
	[sflag:s26] =	ssyncadd.s32 $0xFFFFEC00  }
.LBB2_2:
0x53: {  	p0 =	sne.s32 s19, $0x7F00;
	[tilespmem:s18+$0x15030] =	vst v0;
	s21 =	smov.u32 s19;
	s19 =	sadd.s32 $0x100, s19  }
.Ltmp2:
0x54: {  	[tilespmem:s18+$0x15020] =	vst v0;
	(pc) =	sbr.rel @p0 .LBB2_2-.Ltmp2, $3  }
0x55: {  	[tilespmem:s18+$0x15000] =	vst v0  }
0x56: {  	[tilespmem:s18+$0x15010] =	vst v0;
	_ =	sdelay $0x1  }
0x57: {  	s18 =	sshra.s32 s21, $0x2  }
0x58: {  	[tilespmem:s18+$0x15030] =	vst v0  }
0x59: {  	[tilespmem:s18+$0x15020] =	vst v0  }
0x5a: {  	[tilespmem:s18+$0x15000] =	vst v0  }
0x5b: {  	[tilespmem:s18+$0x15010] =	vst v0  }
0x5c: {  	[spmem:s9] =	stream.linear.scatter [tilespmem:s28], [sflag:$0xC], $0x2000, $0x38;
	[tilespmem:$0x1F000] =	vst v63  }
0x5d: {  	_ =	swait.ge [sflag:s26], $0x2000  }
0x5e: {  	[sflag:s26] =	ssyncset.done $0x0  }
0x5f: {  	[sflag:s26] =	ssyncadd.s32 $0xFFFFE000  }
0x60: {  	[spmem:s10] =	stream.linear.scatter [tilespmem:s28], [sflag:$0xC], $0x2000, $0x38;
	[tilespmem:$0x1F000] =	vst v63  }
0x61: {  	_ =	swait.ge [sflag:s26], $0x2000  }
0x62: {  	[sflag:s26] =	ssyncset.done $0x0  }
0x63: {  	[sflag:s26] =	ssyncadd.s32 $0xFFFFE000  }
0x64: {  	[spmem:s11] =	stream.linear.scatter [tilespmem:s28], [sflag:$0xC], $0x2000, $0x38;
	[tilespmem:$0x1F000] =	vst v63  }
0x65: {  	_ =	swait.ge [sflag:s26], $0x2000  }
0x66: {  	[sflag:s26] =	ssyncset.done $0x0  }
0x67: {  	[sflag:s26] =	ssyncadd.s32 $0xFFFFE000  }
0x68: {  	[spmem:s12] =	stream.linear.scatter [tilespmem:s28], [sflag:$0xC], $0x2000, $0x38;
	[tilespmem:$0x1F000] =	vst v63  }
0x69: {  	_ =	swait.ge [sflag:s26], $0x2000  }
0x6a: {  	[sflag:s26] =	ssyncset.done $0x0  }
0x6b: {  	[sflag:s26] =	ssyncadd.s32 $0xFFFFE000  }
0x6c: {  	[spmem:s22] =	stream.linear.scatter [tilespmem:s28], [sflag:$0xC], $0x2000, $0x38;
	[tilespmem:$0x1F000] =	vst v63  }
0x6d: {  	_ =	swait.ge [sflag:s26], $0x2000  }
0x6e: {  	[sflag:s26] =	ssyncset.done $0x0  }
0x6f: {  	[sflag:s26] =	ssyncadd.s32 $0xFFFFE000  }
0x70: {  	[bflag:$0x0] =	sbarrier.arrive $0xFFFF  }
0x71: {  	s23 =	simm.s32 $0x0;
	s8 =	rddreg [dreg:$0xb]  }
0x72: {  	[tilespmem:s23], [sflag:$0x1] =	stream.linear.gather [hbm4b:s8+s23], $0x200, $0x38;
	[tilespmem:$0x1F000] =	vst v63  }
0x73: {  	s18 =	simm.s32 $0x800;
	s19 =	simm.s32 $0x1;
	s12 =	rddreg [dreg:$0xc]  }
0x74: {  	[tilespmem:s18], [sflag:$0x1] =	stream.linear.gather [hbm4b:s12+s23], $0x200, $0x38;
	[tilespmem:$0x1F000] =	vst v63  }
0x75: {  	_ =	swait.ge [sflag:s19], $0x200  }
0x76: {  	[sflag:s19] =	ssyncset.done $0x0  }
0x77: {  	[sflag:s19] =	ssyncadd.s32 $0xFFFFFE00  }
0x78: {  	_ =	swait.ge [sflag:s19], $0x200  }
0x79: {  	[sflag:s19] =	ssyncset.done $0x0  }
0x7a: {  	s22 =	simm.s32 $0x200;
	s21 =	rddreg [dreg:$0xd];
	[sflag:s19] =	ssyncadd.s32 $0xFFFFFE00  }
0x7b: {  	[tilespmem:s22], [sflag:$0x1] =	stream.linear.gather [hbm4b:s21+s23], $0x200, $0x38;
	[tilespmem:$0x1F000] =	vst v63  }
0x7c: {  	s25 =	simm.s32 $0xA00;
	s24 =	rddreg [dreg:$0xe]  }
0x7d: {  	[tilespmem:s25], [sflag:$0x1] =	stream.linear.gather [hbm4b:s24+s23], $0x200, $0x38;
	[tilespmem:$0x1F000] =	vst v63  }
0x7e: {  	_ = 	snop  }
0x7f: {  	[tilespmem:s28], [sflag:$0x2] =	stream.indirect.gather [spmem:s3], $0x40, s23, s0, $0xb8;
	[tilespmem:$0x1F000] =	vst v63  }
0x80: {  	s30 =	simm.s32 $0x100  }
0x81: {  	[tilespmem:s29], [sflag:$0x3] =	stream.indirect.gather [spmem:s3], $0x40, s0, s0, $0xb8;
	[tilespmem:$0x1F000] =	vst v63  }
0x82: {  	s18 =	simm.s32 $0x0;
	s19 =	simm.s32 $0x0;
	s25 =	simm.s32 $0xE00  }
0x83: {  	[tilespmem:s1], [sflag:$0x4] =	stream.indirect.gather [spmem:s3], $0x40, s30, s0, $0xb8;
	[tilespmem:$0x1F000] =	vst v63  }
.LBB2_4:
0x84: {  	s22 =	sand.u32 $0x3, s18  }
0x85: {  	p0 =	sne.s32 s22, $0x0  }
0x86: {  	s21 =	simm.s32 @!p0 $0x1  }
0x87: {  	s8 =	sshrl.u32 s18, $0x2;
	p2 =	seq.s32 s25, $0xE00;
	_ =	swait.ge @!p0 [sflag:s21], $0x200  }
0x88: {  	s30 =	sadd.s32 $0x1, s18;
	p1 =	seq.s32 s25, $0xA400;
	[sflag:s21] =	ssyncset.done @!p0 $0x0  }
0x89: {  	s9 =	sadd.s32 @!p0 $0x2, s8;
	s12 =	simm.s32 @!p0 $0x0;
	[sflag:s21] =	ssyncadd.s32 @!p0 $0xFFFFFE00  }
0x8a: {  	s8 =	sshll.u32 s8, $0x9;
	s10 =	sshll.u32 @!p0 s9, $0x6;
	_ =	swait.ge @!p0 [sflag:s21], $0x200  }
0x8b: {  	s9 =	sshll.u32 @!p0 s9, $0x9;
	s10 =	sadd.s32 @!p0 s13, s10;
	[sflag:s21] =	ssyncset.done @!p0 $0x0  }
0x8c: {  	s9 =	sand.u32 @!p0 $0x600, s9;
	s11 =	sadd.s32 @!p0 s6, s10;
	[sflag:s21] =	ssyncadd.s32 @!p0 $0xFFFFFE00  }
0x8d: {  	[tilespmem:s9], [sflag:$0x1] =	stream.linear.gather @!p0 [hbm4b:s11+s12], $0x200, $0x38;
	[tilespmem:$0x1F000] =	vst v63  }
0x8e: {  	s10 =	sadd.s32 @!p0 s2, s10;
	s9 =	sor.u32 @!p0 $0x800, s9;
	s11 =	sshll.u32 s22, $0x9  }
0x8f: {  	[tilespmem:s9], [sflag:$0x1] =	stream.linear.gather @!p0 [hbm4b:s10+s12], $0x200, $0x38;
	[tilespmem:$0x1F000] =	vst v63  }
0x90: {  	s8 =	sand.u32 $0x600, s8;
	s22 =	sshrl.u32 s11, $0x2;
	_ =	swait.ge [sflag:s31], $0x2000  }
0x91: {  	s8 =	sor.u32 s22, s8;
	s12 =	sadd.s32 $0xFFFFF800, s25;
	[sflag:s31] =	ssyncset.done $0x0  }
0x92: {  	s8 =	sor.u32 $0x800, s8;
	s9 =	sand.u32 $0x1E00, s12;
	[sflag:s31] =	ssyncadd.s32 $0xFFFFE000  }
0x93: {  	[spmem:s4] =	stream.indirect.scatter.add.f32 [tilespmem:s28], [sflag:$0x7], $0x40, s8, s0, $0xb8;
	[tilespmem:$0x1F000] =	vst v63  }
0x94: {  	s24 =	sshrl.u32 s9, $0x2;
	s9 =	sand.u32 $0x3, s30;
	s8 =	simm.s32 @!p2 $0xA  }
0x95: {  	p3 =	sne.s32 @!p1 s9, $0x0;
	_ =	swait.ge @!p2 [sflag:s8], $0x2000  }
0x96: {  	p3 =	por p3, p1;
	[sflag:s8] =	ssyncset.done @!p2 $0x0  }
0x97: {  	s10 =	simm.s32 @!p3 $0x1;
	[sflag:s8] =	ssyncadd.s32 @!p2 $0xFFFFE000  }
0x98: {  	[tilespmem:s7], [sflag:$0x5] =	stream.indirect.gather [spmem:s3], $0x40, s24, s0, $0xb8;
	[tilespmem:$0x1F000] =	vst v63  }
0x99: {  	_ =	swait.ge @!p3 [sflag:s10], $0x200  }
0x9a: {  	[sflag:s10] =	ssyncset.done @!p3 $0x0  }
0x9b: {  	s8 =	sshrl.u32 s30, $0x2;
	[sflag:s10] =	ssyncadd.s32 @!p3 $0xFFFFFE00  }
0x9c: {  	s11 =	sadd.s32 @!p3 $0x2, s8;
	_ =	swait.ge @!p3 [sflag:s10], $0x200  }
0x9d: {  	s12 =	sshll.u32 @!p3 s11, $0x6;
	[sflag:s10] =	ssyncset.done @!p3 $0x0  }
0x9e: {  	s11 =	sshll.u32 @!p3 s11, $0x9;
	[sflag:s10] =	ssyncadd.s32 @!p3 $0xFFFFFE00;
	s10 =	sadd.s32 @!p3 s13, s12  }
0x9f: {  	s30 =	simm.s32 @!p3 $0x0;
	s11 =	sand.u32 @!p3 $0x600, s11;
	s12 =	sadd.s32 @!p3 s6, s10  }
0xa0: {  	[tilespmem:s11], [sflag:$0x1] =	stream.linear.gather @!p3 [hbm4b:s12+s30], $0x200, $0x38;
	[tilespmem:$0x1F000] =	vst v63  }
0xa1: {  	s8 =	sshll.u32 s8, $0x9;
	s10 =	sadd.s32 @!p3 s2, s10;
	s11 =	sor.u32 @!p3 $0x800, s11  }
0xa2: {  	[tilespmem:s11], [sflag:$0x1] =	stream.linear.gather @!p3 [hbm4b:s10+s30], $0x200, $0x38;
	[tilespmem:$0x1F000] =	vst v63  }
0xa3: {  	s9 =	sshll.u32 s9, $0x7;
	s8 =	sand.u32 $0x600, s8;
	_ =	swait.ge [sflag:s14], $0x2000  }
0xa4: {  	s8 =	sor.u32 s9, s8;
	[sflag:s14] =	ssyncset.done $0x0  }
0xa5: {  	s8 =	sor.u32 $0x800, s8;
	s10 =	sadd.s32 $0xFFFFFA00, s25;
	[sflag:s14] =	ssyncadd.s32 $0xFFFFE000  }
0xa6: {  	[spmem:s4] =	stream.indirect.scatter.add.f32 [tilespmem:s29], [sflag:$0x8], $0x40, s8, s0, $0xb8;
	[tilespmem:$0x1F000] =	vst v63  }
0xa7: {  	s11 =	sand.u32 $0x600, s23;
	s9 =	sand.u32 $0x1800, s10;
	s8 =	simm.s32 @!p2 $0xB  }
0xa8: {  	s24 =	sadd.s32 $0x2, s18;
	s9 =	sor.u32 s11, s9;
	_ =	swait.ge @!p2 [sflag:s8], $0x2000  }
0xa9: {  	s12 =	sshrl.u32 s9, $0x2;
	s9 =	sand.u32 $0x3, s24;
	[sflag:s8] =	ssyncset.done @!p2 $0x0  }
0xaa: {  	[sflag:s8] =	ssyncadd.s32 @!p2 $0xFFFFE000;
	p2 =	sne.s32 @!p1 s9, $0x0  }
0xab: {  	[tilespmem:s15], [sflag:$0x6] =	stream.indirect.gather [spmem:s3], $0x40, s12, s0, $0xb8;
	[tilespmem:$0x1F000] =	vst v63  }
0xac: {  	p2 =	por p2, p1  }
0xad: {  	s10 =	simm.s32 @!p2 $0x1  }
0xae: {  	p3 =	sgt.u32 s19, $0xD;
	_ =	swait.ge @!p2 [sflag:s10], $0x200  }
0xaf: {  	p4 =	sne.s32 @!p3 s9, $0x0;
	[sflag:s10] =	ssyncset.done @!p2 $0x0  }
0xb0: {  	p3 =	por p4, p3;
	s8 =	sshrl.u32 s24, $0x2;
	[sflag:s10] =	ssyncadd.s32 @!p2 $0xFFFFFE00  }
0xb1: {  	s11 =	sadd.s32 @!p3 $0x2, s8;
	_ =	swait.ge @!p2 [sflag:s10], $0x200  }
0xb2: {  	s12 =	sshll.u32 @!p3 s11, $0x6;
	[sflag:s10] =	ssyncset.done @!p2 $0x0  }
0xb3: {  	s11 =	sshll.u32 @!p3 s11, $0x9;
	[sflag:s10] =	ssyncadd.s32 @!p2 $0xFFFFFE00;
	s10 =	sadd.s32 @!p3 s13, s12  }
0xb4: {  	s30 =	simm.s32 @!p3 $0x0;
	s11 =	sand.u32 @!p3 $0x600, s11;
	s12 =	sadd.s32 @!p3 s6, s10  }
0xb5: {  	[tilespmem:s11], [sflag:$0x1] =	stream.linear.gather @!p3 [hbm4b:s12+s30], $0x200, $0x38;
	[tilespmem:$0x1F000] =	vst v63  }
0xb6: {  	s8 =	sshll.u32 s8, $0x9;
	s10 =	sadd.s32 @!p3 s2, s10;
	s11 =	sor.u32 @!p3 $0x800, s11  }
0xb7: {  	[tilespmem:s11], [sflag:$0x1] =	stream.linear.gather @!p3 [hbm4b:s10+s30], $0x200, $0x38;
	[tilespmem:$0x1F000] =	vst v63  }
0xb8: {  	s9 =	sshll.u32 s9, $0x7;
	s8 =	sand.u32 $0x600, s8;
	_ =	swait.ge [sflag:s16], $0x2000  }
0xb9: {  	s8 =	sor.u32 s9, s8;
	[sflag:s16] =	ssyncset.done $0x0  }
0xba: {  	s8 =	sor.u32 $0x800, s8;
	[sflag:s16] =	ssyncadd.s32 $0xFFFFE000  }
0xbb: {  	[spmem:s4] =	stream.indirect.scatter.add.f32 [tilespmem:s1], [sflag:$0x9], $0x40, s8, s0, $0xb8;
	[tilespmem:$0x1F000] =	vst v63  }
0xbc: {  	s8 =	simm.s32 @p1 $0x5  }
0xbd: {  	_ =	swait.ge @p1 [sflag:s8], $0x2000  }
0xbe: {  	s9 =	simm.s32 @p1 $0xF00;
	[sflag:s8] =	ssyncset.done @p1 $0x0  }
0xbf: {  	s10 =	simm.s32 @p1 $0x1B000;
	[sflag:s8] =	ssyncadd.s32 @p1 $0xFFFFE000;
	s8 =	simm.s32 @p1 $0x80  }
0xc0: {  	[spmem:s4] =	stream.indirect.scatter.add.f32 @p1 [tilespmem:s10], [sflag:$0xA], $0x40, s9, s8, $0xb8;
	[tilespmem:$0x1F000] =	vst v63  }
0xc1: {  	s8 =	simm.s32 @!p1 $0x7  }
0xc2: {  	_ =	swait.ge @!p1 [sflag:s8], $0x2000  }
0xc3: {  	s9 =	sadd.s32 @!p1 $0xFFFFFC00, s25;
	[sflag:s8] =	ssyncset.done @!p1 $0x0  }
0xc4: {  	s11 =	simm.s32 @!p1 $0x15000;
	[sflag:s8] =	ssyncadd.s32 @!p1 $0xFFFFE000;
	s8 =	sand.u32 @!p1 $0x1E00, s9  }
0xc5: {  	s10 =	sadd.s32 $0x3, s18;
	s9 =	simm.s32 @!p1 $0x80;
	s8 =	sshrl.u32 @!p1 s8, $0x2  }
0xc6: {  	[tilespmem:s11], [sflag:$0x2] =	stream.indirect.gather @!p1 [spmem:s3], $0x40, s8, s9, $0xb8;
	[tilespmem:$0x1F000] =	vst v63  }
0xc7: {  	s8 =	sand.u32 @!p1 $0x3, s10  }
0xc8: {  	p2 =	sne.s32 @!p1 s8, $0x0  }
0xc9: {  	p3 =	por p2, p1  }
0xca: {  	s11 =	simm.s32 @!p3 $0x1  }
0xcb: {  	p4 =	sgt.u32 @!p3 s19, $0xD;
	_ =	swait.ge @!p3 [sflag:s11], $0x200  }
0xcc: {  	p2 =	por @!p1 p4, p2;
	[sflag:s11] =	ssyncset.done @!p3 $0x0  }
0xcd: {  	s10 =	sshrl.u32 @!p1 s10, $0x2;
	p2 =	por p2, p1;
	[sflag:s11] =	ssyncadd.s32 @!p3 $0xFFFFFE00  }
0xce: {  	s12 =	sadd.s32 @!p2 $0x2, s10;
	_ =	swait.ge @!p3 [sflag:s11], $0x200  }
0xcf: {  	s30 =	sshll.u32 @!p2 s12, $0x6;
	[sflag:s11] =	ssyncset.done @!p3 $0x0  }
0xd0: {  	s12 =	sshll.u32 @!p2 s12, $0x9;
	[sflag:s11] =	ssyncadd.s32 @!p3 $0xFFFFFE00;
	s11 =	sadd.s32 @!p2 s13, s30  }
0xd1: {  	s24 =	simm.s32 @!p2 $0x0;
	s12 =	sand.u32 @!p2 $0x600, s12;
	s30 =	sadd.s32 @!p2 s6, s11  }
0xd2: {  	[tilespmem:s12], [sflag:$0x1] =	stream.linear.gather @!p2 [hbm4b:s30+s24], $0x200, $0x38;
	[tilespmem:$0x1F000] =	vst v63  }
0xd3: {  	s11 =	sadd.s32 @!p2 s2, s11;
	s12 =	sor.u32 @!p2 $0x800, s12  }
0xd4: {  	[tilespmem:s12], [sflag:$0x1] =	stream.linear.gather @!p2 [hbm4b:s11+s24], $0x200, $0x38;
	[tilespmem:$0x1F000] =	vst v63  }
0xd5: {  	s10 =	sshll.u32 @!p1 s10, $0x9;
	s11 =	simm.s32 @!p1 $0x5  }
0xd6: {  	s8 =	sshll.u32 @!p1 s8, $0x7;
	s10 =	sand.u32 @!p1 $0x600, s10;
	_ =	swait.ge @!p1 [sflag:s11], $0x2000  }
0xd7: {  	s8 =	sor.u32 @!p1 s8, s10;
	[sflag:s11] =	ssyncset.done @!p1 $0x0  }
0xd8: {  	s10 =	simm.s32 @!p1 $0x1B000;
	s8 =	sor.u32 @!p1 $0x800, s8;
	[sflag:s11] =	ssyncadd.s32 @!p1 $0xFFFFE000  }
0xd9: {  	[spmem:s4] =	stream.indirect.scatter.add.f32 @!p1 [tilespmem:s10], [sflag:$0xA], $0x40, s8, s9, $0xb8;
	[tilespmem:$0x1F000] =	vst v63  }
0xda: {  	s8 =	simm.s32 @!p1 $0x8  }
0xdb: {  	s10 =	sadd.s32 @!p1 $0xFFFFFE00, s25;
	_ =	swait.ge @!p1 [sflag:s8], $0x2000  }
0xdc: {  	s10 =	sand.u32 @!p1 $0x1E00, s10;
	[sflag:s8] =	ssyncset.done @!p1 $0x0  }
0xdd: {  	[sflag:s8] =	ssyncadd.s32 @!p1 $0xFFFFE000;
	s8 =	sshrl.u32 @!p1 s10, $0x2;
	s10 =	simm.s32 @!p1 $0x17000  }
0xde: {  	[tilespmem:s10], [sflag:$0x3] =	stream.indirect.gather @!p1 [spmem:s3], $0x40, s8, s9, $0xb8;
	[tilespmem:$0x1F000] =	vst v63  }
0xdf: {  	s30 =	sadd.s32 $0x4, s18;
	p2 =	sgt.u32 @!p0 s19, $0xD;
	_ =	swait.ge @!p0 [sflag:s21], $0x200  }
0xe0: {  	p2 =	por p2, p0;
	s8 =	sshrl.u32 s30, $0x2;
	[sflag:s21] =	ssyncset.done @!p0 $0x0  }
0xe1: {  	s9 =	sadd.s32 @!p2 $0x2, s8;
	[sflag:s21] =	ssyncadd.s32 @!p0 $0xFFFFFE00  }
0xe2: {  	s12 =	simm.s32 @!p2 $0x0;
	s10 =	sshll.u32 @!p2 s9, $0x6;
	_ =	swait.ge @!p0 [sflag:s21], $0x200  }
0xe3: {  	s9 =	sshll.u32 @!p2 s9, $0x9;
	s10 =	sadd.s32 @!p2 s13, s10;
	[sflag:s21] =	ssyncset.done @!p0 $0x0  }
0xe4: {  	s9 =	sand.u32 @!p2 $0x600, s9;
	s11 =	sadd.s32 @!p2 s6, s10;
	[sflag:s21] =	ssyncadd.s32 @!p0 $0xFFFFFE00  }
0xe5: {  	[tilespmem:s9], [sflag:$0x1] =	stream.linear.gather @!p2 [hbm4b:s11+s12], $0x200, $0x38;
	[tilespmem:$0x1F000] =	vst v63  }
0xe6: {  	s10 =	sadd.s32 @!p2 s2, s10;
	s9 =	sor.u32 @!p2 $0x800, s9  }
0xe7: {  	[tilespmem:s9], [sflag:$0x1] =	stream.linear.gather @!p2 [hbm4b:s10+s12], $0x200, $0x38;
	[tilespmem:$0x1F000] =	vst v63  }
.Ltmp3:
0xe8: {  	s8 =	sshll.u32 s8, $0x9;
	(pc) =	sbr.rel @p1 .LBB2_6-.Ltmp3, $4  }
0xe9: {  	s8 =	sand.u32 $0x600, s8;
	_ =	swait.ge [sflag:s17], $0x2000  }
0xea: {  	s8 =	sor.u32 s22, s8;
	[sflag:s17] =	ssyncset.done $0x0  }
0xeb: {  	s8 =	sor.u32 $0x800, s8;
	[sflag:s17] =	ssyncadd.s32 $0xFFFFE000  }
0xec: {  	[spmem:s4] =	stream.indirect.scatter.add.f32 [tilespmem:s15], [sflag:$0xB], $0x40, s8, s0, $0xb8;
	[tilespmem:$0x1F000] =	vst v63  }
.Ltmp4:
0xed: {  	(pc) =	sbr.rel .LBB2_4-.Ltmp4, $4  }
0xee: {  	_ =	swait.ge [sflag:s20], $0x2000;
	s8 =	sand.u32 $0x1E00, s25;
	s19 =	sadd.s32 $0x1, s19  }
0xef: {  	s25 =	sadd.s32 $0xA00, s25;
	s18 =	sadd.s32 $0x5, s18;
	[sflag:s20] =	ssyncset.done $0x0  }
0xf0: {  	s23 =	sadd.s32 $0x200, s23;
	s8 =	sshrl.u32 s8, $0x2;
	[sflag:s20] =	ssyncadd.s32 $0xFFFFE000  }
0xf1: {  	[tilespmem:s1], [sflag:$0x4] =	stream.indirect.gather [spmem:s3], $0x40, s8, s0, $0xb8;
	[tilespmem:$0x1F000] =	vst v63  }
.LBB2_7:
0xf2: {  	_ =	sfence.sel $0x180000  }
0xf3: {  	[bflag:$0x0] =	sbarrier.arrive $0xFFFF  }
0xf4: {  	_ =	strace $0x9000004D  }
0xf5: {  	s0 =	stileid.u32;
	[bflag:$0x2] =	sbarrier.arrive $0xFFFF  }
0xf6: {  	p0 =	sne.s32 s0, $0x0;
	s0 =	rddreg [dreg:$0x4]  }
0xf7: {  	s0 =	sadd.s32 @!p0 $0x100000, s0  }
0xf8: {  	[sflag:s0] =	ssyncadd.tile.s32 @!p0 $0x1;
	_ =	shalt  }
.Lfunc_end2:
_tile_overlayer_lowered:
.L_overlay_start_2:
0xf9: {  	(tag) =	ssettag $0x2  }
0xfa: {  	s0 =	rddreg [dreg:$0x0];
	s2 =	stileid.u32  }
0xfb: {  	s1 =	rddreg [dreg:$0x1];
	p0 =	sne.s32 s2, $0x0  }
0xfc: {  	s3 =	rddreg [dreg:$0x2];
	[bflag:$0x3] =	sbarrier.arrive $0xFFFF;
	s2 =	simm.s32 @!p0 $0x1C0C  }
0xfd: {  	[timem:s3], [sflag:s2] =	dma.local @!p0 [hbm:s0], s1  }
0xfe: {  	s0 =	simm.s32 @!p0 $0xC  }
0xff: {  	_ =	swait.ge @!p0 [sflag:s0], s1  }
0x100: {  	s1 =	ssub.s32 @!p0 $0x0, s1;
	[sflag:s0] =	ssyncset.done @!p0 $0x0  }
0x101: {  	[sflag:s0] =	ssyncadd.s32 @!p0 s1  }
0x102: {  	[bflag:$0x3] =	sbarrier.arrive $0xFFFF  }
0x103: {  	_ =	shalt  }

// kernel: kernel.9.cloned.1.call-start
scs
__scs_entry_jumppad:
0x0: {  	(pc) =	sbr.rel $0x88, $3  }
0x1: {  	(tag) =	ssettag $0x0;
	lr =	simm.s32 $0x1  }
0x2: {  	[smem:$0x3F99] =	sst lr;
	_ =	strace $0xD0000000  }
0x3: {  	_ = 	snop  }
0x4: {  	_ = 	snop  }
0x5: {  	_ = 	snop  }
0x6: {  	_ = 	snop  }
0x7: {  	_ = 	snop  }
__scs_overlays_trampoline_lowered:
0x8: {  	[smem:$0x3FA8] =	sst s0  }
0x9: {  	[smem:$0x3FA9] =	sst s1  }
0xa: {  	[smem:$0x3FAA] =	sst s2  }
0xb: {  	[smem:$0x3FAB] =	sst s3  }
0xc: {  	[smem:$0x3FAC] =	sst s4  }
0xd: {  	[smem:$0x3FAD] =	sst s5  }
0xe: {  	[smem:$0x3FAE] =	sst s6  }
0xf: {  	[smem:$0x3FAF] =	sst s7  }
0x10: {  	[smem:$0x3FB0] =	sst s8  }
0x11: {  	[smem:$0x3FB1] =	sst s9;
	s0 =	simm.s32 @!p0 $0x0  }
0x12: {  	s1 =	sld [smem:$0x3F97];
	s0 =	simm.s32 @p0 $0x1  }
0x13: {  	[smem:$0x3FB2] =	sst s0;
	s0 =	simm.s32 @!p1 $0x0  }
0x14: {  	s2 =	sld [smem:$0x3F96];
	s0 =	simm.s32 @p1 $0x1  }
0x15: {  	[smem:$0x3FB3] =	sst s0;
	s0 =	simm.s32 @!p2 $0x0  }
0x16: {  	s3 =	sld [smem:$0x3FDB];
	s0 =	simm.s32 @p2 $0x1  }
0x17: {  	s4 =	simm.s32 $0x1BF5;
	[smem:$0x3FB5] =	sst s0  }
0x18: {  	s0 =	sld [smem:$0x3F98];
	_ =	swait.ge [sflag:s4], $0x0  }
0x19: {  	s7 =	sld [smem:$0x3F99]  }
0x1a: {  	s8 =	sadd.s32 $0xFFFFE003, lr  }
0x1b: {  	s9 =	sadd.s32 $0xFFFFFEF7, lr;
	s5 =	simm.s32 $0xFFFFFFFF;
	p2 =	slt.u32 s8, $0xFFFFF086  }
0x1c: {  	p1 =	slt.u32 s9, $0xF7A;
	s5 =	simm.s32 @!p2 $0x0  }
0x1d: {  	s5 =	simm.s32 @p1 $0x1;
	p0 =	seq.s32 s7, s2  }
0x1e: {  	s7 =	smul.u32 @!p0 $0xF7A, s2;
	p2 =	seq.s32 @!p0 s5, $0x0  }
0x1f: {  	s9 =	smul.u32 $0xF7A, s1;
	s8 =	simm.s32 @!p0 $0x1BF5;
	p2 =	por !p2, p0  }
0x20: {  	[sflag:s8] =	ssyncset.s32 @!p0 $0xFFFFF086;
	s6 =	sadd.s32 @!p0 s3, s7;
	s7 =	simm.s32 @!p0 $0x108  }
0x21: {  	s3 =	sadd.s32 s3, s9;
	s6 =	sadd.s32 @!p0 $0x88, s6;
	s7 =	simm.s32 @p2 $0x1082  }
0x22: {  	[simem:s7], [sflag:s8] =	dma.local @!p0 [hbm:s6], $0xF7A  }
0x23: {  	s9 =	sor.u32 $0xD0000000, s2;
	s6 =	simm.s32 $0x108;
	_ =	swait.ge @!p0 [sflag:s8], $0x0  }
0x24: {  	s3 =	sadd.s32 $0x88, s3;
	s6 =	simm.s32 @!p1 $0x1082;
	[sflag:s4] =	ssyncset.s32 $0xFFFFF086  }
0x25: {  	[simem:s6], [sflag:s4] =	dma.local [hbm:s3], $0xF7A  }
0x26: {  	[smem:$0x3F99] =	sst s1;
	(tag) =	ssettag s2;
	_ =	strace s9  }
0x27: {  	s1 =	sld [smem:$0x3FA9]  }
0x28: {  	s2 =	sld [smem:$0x3FAA]  }
0x29: {  	s4 =	sld [smem:$0x3FAC]  }
0x2a: {  	p0 =	seq.s32 s5, $0x0;
	s5 =	sld [smem:$0x3FAD]  }
0x2b: {  	s6 =	sld [smem:$0x3FAE]  }
0x2c: {  	s7 =	sld [smem:$0x3FAF]  }
0x2d: {  	s3 =	simm.s32 $0x108;
	s8 =	sld [smem:$0x3FB0]  }
0x2e: {  	s3 =	simm.s32 @!p0 $0x1082;
	s9 =	sld [smem:$0x3FB1]  }
0x2f: {  	lr =	sadd.s32 s0, s3;
	s0 =	sld [smem:$0x3FA8]  }
0x30: {  	s3 =	sld [smem:$0x3FAB]  }
0x31: {  	[smem:$0x3FB4] =	sst s10  }
0x32: {  	s10 =	sld [smem:$0x3FB2];
	_ =	sdelay $0x3  }
0x33: {  	p0 =	seq.s32 s10, $0x1;
	s10 =	sld [smem:$0x3FB4];
	_ =	sdelay $0x3  }
0x34: {  	[smem:$0x3FB4] =	sst s10  }
0x35: {  	s10 =	sld [smem:$0x3FB3];
	_ =	sdelay $0x3  }
0x36: {  	p1 =	seq.s32 s10, $0x1;
	s10 =	sld [smem:$0x3FB4];
	_ =	sdelay $0x3  }
0x37: {  	[smem:$0x3FB4] =	sst s10  }
0x38: {  	s10 =	sld [smem:$0x3FB5]  }
0x39: {  	_ = 	snop;
	(pc) =	sbr.ind lr, $3  }
0x3a: {  	_ = 	snop  }
0x3b: {  	_ = 	snop  }
0x3c: {  	p2 =	seq.s32 s10, $0x1;
	s10 =	sld [smem:$0x3FB4]  }
0x3d: {  	_ =	shalt  }
0x3e: {  	_ =	shalt  }
0x3f: {  	_ =	shalt  }
0x40: {  	_ =	shalt  }
0x41: {  	_ =	shalt  }
0x42: {  	_ =	shalt  }
0x43: {  	_ =	shalt  }
0x44: {  	_ =	shalt  }
0x45: {  	_ =	shalt  }
0x46: {  	_ =	shalt  }
0x47: {  	_ =	shalt  }
0x48: {  	_ =	shalt  }
0x49: {  	_ =	shalt  }
0x4a: {  	_ =	shalt  }
0x4b: {  	_ =	shalt  }
0x4c: {  	_ =	shalt  }
0x4d: {  	_ =	shalt  }
0x4e: {  	_ =	shalt  }
0x4f: {  	_ =	shalt  }
0x50: {  	_ =	shalt  }
0x51: {  	_ =	shalt  }
0x52: {  	_ =	shalt  }
0x53: {  	_ =	shalt  }
0x54: {  	_ =	shalt  }
0x55: {  	_ =	shalt  }
0x56: {  	_ =	shalt  }
0x57: {  	_ =	shalt  }
0x58: {  	_ =	shalt  }
0x59: {  	_ =	shalt  }
0x5a: {  	_ =	shalt  }
0x5b: {  	_ =	shalt  }
0x5c: {  	_ =	shalt  }
0x5d: {  	_ =	shalt  }
0x5e: {  	_ =	shalt  }
0x5f: {  	_ =	shalt  }
0x60: {  	_ =	shalt  }
0x61: {  	_ =	shalt  }
0x62: {  	_ =	shalt  }
0x63: {  	_ =	shalt  }
0x64: {  	_ =	shalt  }
0x65: {  	_ =	shalt  }
0x66: {  	_ =	shalt  }
0x67: {  	_ =	shalt  }
0x68: {  	_ =	shalt  }
0x69: {  	_ =	shalt  }
0x6a: {  	_ =	shalt  }
0x6b: {  	_ =	shalt  }
0x6c: {  	_ =	shalt  }
0x6d: {  	_ =	shalt  }
0x6e: {  	_ =	shalt  }
0x6f: {  	_ =	shalt  }
0x70: {  	_ =	shalt  }
0x71: {  	_ =	shalt  }
0x72: {  	_ =	shalt  }
0x73: {  	_ =	shalt  }
0x74: {  	_ =	shalt  }
0x75: {  	_ =	shalt  }
0x76: {  	_ =	shalt  }
0x77: {  	_ =	shalt  }
0x78: {  	_ =	shalt  }
0x79: {  	_ =	shalt  }
0x7a: {  	_ =	shalt  }
0x7b: {  	_ =	shalt  }
0x7c: {  	_ =	shalt  }
0x7d: {  	_ =	shalt  }
0x7e: {  	_ =	shalt  }
0x7f: {  	_ =	shalt  }
0x80: {  	_ =	shalt  }
0x81: {  	_ =	shalt  }
0x82: {  	_ =	shalt  }
0x83: {  	_ =	shalt  }
0x84: {  	_ =	shalt  }
0x85: {  	_ =	shalt  }
0x86: {  	_ =	shalt  }
0x87: {  	_ =	shalt  }
.Lfunc_end0:
.L_simem_size_0:
called_computation_lowered:
.L_overlay_start_0:
0x88: {  	s2 =	sld [smem:$0x3FD9]  }
0x89: {  	s3 =	sld [smem:$0x3FFE];
	_ =	sdelay $0x1  }
0x8a: {  	s1 =	srdreg.scid  }
0x8b: {  	s0 =	sand.u32 $0x1, s1  }
0x8c: {  	s17 =	sshll.u32 s0, $0xA;
	s2 =	sadd.s32 s3, s2  }
0x8d: {  	s2 =	sadd.s32 s2, s17  }
0x8e: {  	[smem:$0x3FC0] =	sst s2  }
0x8f: {  	_ = 	snop  }
0x90: {  	s2 =	sld [smem:$0x3FD0];
	(tm) =	ssettm $0x1  }
0x91: {  	s18 =	sld [smem:$0x3FFB];
	_ =	sdelay $0x3  }
0x92: {  	_ =	strace s18  }
0x93: {  	s3 =	sld [smem:$0x3FFC];
	_ =	sdelay $0x3  }
0x94: {  	_ =	strace s3  }
0x95: {  	s3 =	sld [smem:$0x3FFD];
	_ =	sdelay $0x3  }
0x96: {  	_ =	strace s3  }
0x97: {  	_ =	strace $0x8FFFFFFF  }
0x98: {  	s19 =	sld [smem:$0x3FDB];
	_ =	sdelay $0x1  }
0x99: {  	s4 =	simm.s32 $_scs_section_size  }
0x9a: {  	s5 =	simm.s32 $_size__tile_overlayer_lowered;
	s6 =	simm.s32 $_tile_overlayer_lowered  }
0x9b: {  	s22 =	simm.s32 $0x1BFF;
	s21 =	sshll.u32 s6, $0x1;
	s3 =	sadd.s32 s4, s19  }
0x9c: {  	s7 =	simm.s32 $0x0;
	s20 =	sshll.u32 s5, $0x1;
	s5 =	sadd.s32 s21, s3  }
0x9d: {  	[timem:s7], [sflag:s22] =	dma.local [hbm:s5], s20  }
0x9e: {  	_ =	swait.ge [sflag:s22], s20  }
0x9f: {  	s4 =	ssub.s32 $0x0, s20;
	[sflag:s22] =	ssyncset.done $0x0  }
0xa0: {  	[sflag:s22] =	ssyncadd.s32 s4;
	_ =	sdelay $0x1  }
0xa1: {  	s23 =	simm.s32 $0x1B8B  }
0xa2: {  	_ =	swait.ge [sflag:s23], $0x1  }
0xa3: {  	[sflag:s23] =	ssyncset.done $0x0  }
0xa4: {  	s25 =	simm.s32 $0x1B8E;
	s24 =	sld [smem:$0x3FFE];
	[sflag:s23] =	ssyncadd.s32 $0xFFFFFFFF  }
0xa5: {  	s26 =	simm.s32 $execute0_lowered;
	[smem:$0x3FD2] =	sst s25  }
0xa6: {  	s5 =	sshll.u32 s26, $0x1;
	_ =	strace $0x80000046;
	[dreg:$0x1] =	wrdreg $0xFFFFFFFF  }
0xa7: {  	s28 =	simm.s32 $_size_execute0_lowered;
	s3 =	sadd.s32 s3, s5;
	[dreg:$0x0] =	wrdreg $0x0  }
0xa8: {  	s5 =	sshll.u32 s28, $0x1;
	[dreg:$0x2] =	wrdreg s3  }
0xa9: {  	[dreg:$0x3] =	wrdreg s5  }
0xaa: {  	[dreg:$0x4] =	wrdreg $0xC0  }
0xab: {  	_ =	task [dreg:s7], $0x5FFFF  }
0xac: {  	[dreg:$0x1] =	wrdreg $0xFFFFFFFF  }
0xad: {  	[dreg:$0x0] =	wrdreg $0x60  }
0xae: {  	[dreg:$0x2] =	wrdreg s2  }
0xaf: {  	[dreg:$0x3] =	wrdreg s24  }
0xb0: {  	[dreg:$0x4] =	wrdreg $0x38000  }
0xb1: {  	[dreg:$0x5] =	wrdreg $0x9  }
0xb2: {  	_ =	task.clear_ibuf [dreg:s7], $0x6FFFF;
	_ =	strace $0x90000046  }
0xb3: {  	s29 =	simm.s32 $0x9;
	_ =	strace $0x80000048  }
0xb4: {  	_ =	swait.ge [sflag:s29], $0x1  }
0xb5: {  	[sflag:s29] =	ssyncadd.s32 $0xFFFFFFFF  }
0xb6: {  	_ =	strace $0x90000048  }
0xb7: {  	_ =	sfence  }
0xb8: {  	s30 =	sld [smem:$0x0];
	_ =	sdelay $0x2  }
0xb9: {  	s31 =	sshll.u32 s1, $0xD;
	s1 =	sshrl.u32 s1, $0x2  }
0xba: {  	s3 =	sand.u32 $0x4000, s31;
	s1 =	sadd.s32 s1, s30  }
0xbb: {  	s0 =	sor.u32 s3, s0;
	s1 =	sshll.u32 s1, $0x11  }
0xbc: {  	s0 =	sor.u32 s1, s0  }
0xbd: {  	s0 =	sadd.s32 $0x8F2B, s0  }
0xbe: {  	[sflag:s0] =	ssyncadd.remote.s32 $0x1  }
0xbf: {  	_ =	sfence.sel $0xFFFF  }
0xc0: {  	[dreg:$0x0] =	wrdreg $0xFFFFFFFF;
	(pc) =	sbr.abs _section_cstart, $3  }
0xc1: {  	[dreg:$0x1] =	wrdreg $0xFFFFFFFF  }
0xc2: {  	_ =	task.clear_ibuf [dreg:s7], $0x2FFFF;
	_ =	strace $0x9FFFFFFF  }
0xc3: {  	(tm) =	ssettm $0x7FFFFFFF  }
tec
execute0_lowered:
.L_overlay_start_1:
0x0: {  	(tag) =	ssettag $0x1  }
0x1: {  	s4 =	rddreg [dreg:$0x0]  }
0x2: {  	s5 =	rddreg [dreg:$0x1]  }
0x3: {  	s0 =	srdreg.scid;
	s2 =	rddreg [dreg:$0x2];
	s3 =	simm.s32 $0x0  }
0x4: {  	s19 =	simm.s32 $0x2800;
	s20 =	simm.s32 $0x0;
	s6 =	sand.u32 $0x1, s0  }
0x5: {  	s0 =	stileid.u32;
	[smem:$0x7FF] =	sst s3;
	s14 =	sadd.s32 $0x2600, s5  }
0x6: {  	s1 =	sshll.u32 s6, $0x4;
	s8 =	ssub.s32 $0x2, s6;
	s9 =	smul.u32 $0x2800, s0  }
0x7: {  	s13 =	smul.u32 $0x28000, s6;
	s7 =	sor.u32 s0, s1;
	s1 =	rddreg [dreg:$0x3]  }
0x8: {  	_ =	strace $0x80000047;
	s31 =	sshrl.u32 s8, $0x1;
	s7 =	smul.u32 $0x500, s7  }
0x9: {  	s15 =	ssub.s32 s8, s31;
	s5 =	sadd.s32 s9, s2;
	s10 =	sadd.s32 $0x800, s9  }
0xa: {  	s12 =	sadd.s32 $0x1000, s9;
	s16 =	sadd.s32 $0x1800, s9;
	s11 =	sadd.s32 s9, s13  }
0xb: {  	s17 =	sadd.s32 $0x2000, s9;
	s6 =	sadd.s32 s10, s2;
	s8 =	sadd.s32 s16, s2  }
0xc: {  	s10 =	sadd.s32 s13, s10;
	s11 =	sshrl.u32 s11, $0x3;
	s9 =	sadd.s32 s17, s2  }
0xd: {  	s16 =	sadd.s32 s13, s16;
	s15 =	smax.u32 s15, $0x1;
	s4 =	sadd.s32 s4, s7  }
0xe: {  	s7 =	sadd.s32 s12, s2;
	s18 =	sshrl.u32 s10, $0x3;
	s10 =	sadd.s32 s14, s11  }
0xf: {  	s12 =	sadd.s32 s13, s12;
	s13 =	sadd.s32 s13, s17;
	s16 =	sshrl.u32 s16, $0x3  }
0x10: {  	s11 =	sadd.s32 s14, s18;
	s12 =	sshrl.u32 s12, $0x3;
	s17 =	sshrl.u32 s13, $0x3  }
0x11: {  	s13 =	sadd.s32 s14, s16;
	s16 =	simm.s32 $0x1;
	s18 =	simm.s32 $0x80  }
0x12: {  	v0 =	vimm.f32 $1.000000000e+00;
	v1 =	vimm.f32 $0.0e+00;
	s12 =	sadd.s32 s14, s12;
	s14 =	sadd.s32 s14, s17;
	s17 =	simm.s32 $0x3000  }
.LBB2_1:
0x13: {  	[tilespmem:s3], [sflag:$0x1] =	stream.linear.gather [hbm4b:s4+s3], $0x2800, $0x38;
	[tilespmem:$0x6000] =	vst v63  }
0x14: {  	_ =	swait.ge [sflag:s16], $0x2800  }
0x15: {  	[sflag:s16] =	ssyncset.done $0x0  }
0x16: {  	s21 =	simm.s32 $0x40;
	s22 =	simm.s32 $0x0;
	[sflag:s16] =	ssyncadd.s32 $0xFFFFD800  }
.LBB2_2:
0x17: {  	p0 =	sne.s32 s21, $0x1FC0;
	[tilespmem:s22+$0x2800] =	vst v0;
	s23 =	smov.u32 s21;
	s21 =	sadd.s32 $0x40, s21  }
.Ltmp0:
0x18: {  	[tilespmem:s22+$0x3000] =	vst v1;
	(pc) =	sbr.rel @p0 .LBB2_2-.Ltmp0, $2  }
0x19: {  	_ =	sdelay $0x2  }
0x1a: {  	s22 =	sshra.s32 s23, $0x2  }
0x1b: {  	[tilespmem:s22+$0x2800] =	vst v0  }
0x1c: {  	[tilespmem:s22+$0x3000] =	vst v1  }
0x1d: {  	[spmem:s5] =	stream.linear.scatter [tilespmem:s17], [sflag:$0x1], $0x800, $0x38;
	[tilespmem:$0x6000] =	vst v63  }
0x1e: {  	_ =	swait.ge [sflag:s16], $0x800  }
0x1f: {  	[sflag:s16] =	ssyncset.done $0x0  }
0x20: {  	[sflag:s16] =	ssyncadd.s32 $0xFFFFF800  }
0x21: {  	[spmem:s6] =	stream.linear.scatter [tilespmem:s17], [sflag:$0x1], $0x800, $0x38;
	[tilespmem:$0x6000] =	vst v63  }
0x22: {  	_ =	swait.ge [sflag:s16], $0x800  }
0x23: {  	[sflag:s16] =	ssyncset.done $0x0  }
0x24: {  	[sflag:s16] =	ssyncadd.s32 $0xFFFFF800  }
0x25: {  	[spmem:s7] =	stream.linear.scatter [tilespmem:s17], [sflag:$0x1], $0x800, $0x38;
	[tilespmem:$0x6000] =	vst v63  }
0x26: {  	_ =	swait.ge [sflag:s16], $0x800  }
0x27: {  	[sflag:s16] =	ssyncset.done $0x0  }
0x28: {  	[sflag:s16] =	ssyncadd.s32 $0xFFFFF800  }
0x29: {  	[spmem:s8] =	stream.linear.scatter [tilespmem:s17], [sflag:$0x1], $0x800, $0x38;
	[tilespmem:$0x6000] =	vst v63  }
0x2a: {  	_ =	swait.ge [sflag:s16], $0x800  }
0x2b: {  	[sflag:s16] =	ssyncset.done $0x0  }
0x2c: {  	[sflag:s16] =	ssyncadd.s32 $0xFFFFF800  }
0x2d: {  	[spmem:s9] =	stream.linear.scatter [tilespmem:s17], [sflag:$0x1], $0x800, $0x38;
	[tilespmem:$0x6000] =	vst v63  }
0x2e: {  	_ =	swait.ge [sflag:s16], $0x800  }
0x2f: {  	[sflag:s16] =	ssyncset.done $0x0  }
0x30: {  	[sflag:s16] =	ssyncadd.s32 $0xFFFFF800  }
0x31: {  	s21 =	simm.s32 $0x0;
	[bflag:$0x0] =	sbarrier.arrive $0xFFFF  }
0x32: {  	[spmem:s2] =	stream.indirect.scatter.add.f32 [tilespmem:s19], [sflag:$0x1], $0x10, s21, s18, $0xb8;
	[tilespmem:$0x6000] =	vst v63  }
0x33: {  	_ =	swait.ge [sflag:s16], $0x800  }
0x34: {  	s21 =	simm.s32 $0x200;
	[sflag:s16] =	ssyncset.done $0x0  }
.LBB2_4:
0x35: {  	s22 =	sshra.s32 s21, $0x2;
	[sflag:s16] =	ssyncadd.s32 $0xFFFFF800;
	p0 =	sne.s32 s21, $0x9E00  }
0x36: {  	[spmem:s2] =	stream.indirect.scatter.add.f32 [tilespmem:s19], [sflag:$0x1], $0x10, s22, s18, $0xb8;
	[tilespmem:$0x6000] =	vst v63  }
.Ltmp1:
0x37: {  	_ = 	snop;
	(pc) =	sbr.rel @p0 .LBB2_4-.Ltmp1, $4  }
0x38: {  	_ = 	snop  }
0x39: {  	s21 =	sadd.s32 $0x200, s21  }
0x3a: {  	_ =	swait.ge [sflag:s16], $0x800  }
0x3b: {  	[sflag:s16] =	ssyncset.done $0x0  }
0x3c: {  	[sflag:s16] =	ssyncadd.s32 $0xFFFFF800;
	s21 =	sshll.u32 s0, $0x6  }
0x3d: {  	s22 =	sshrl.u32 s5, $0x3;
	[bflag:$0x0] =	sbarrier.arrive $0xFFFF;
	s21 =	sor.u32 $0x1C01, s21  }
0x3e: {  	[hbm:s10], [sflag:s21] =	dma.local [spmem:s22], $0x100  }
0x3f: {  	_ =	swait.ge [sflag:s16], $0x100  }
0x40: {  	[sflag:s16] =	ssyncset.done $0x0  }
0x41: {  	s28 =	sshrl.u32 s6, $0x3;
	[sflag:s16] =	ssyncadd.s32 $0xFFFFFF00  }
0x42: {  	[hbm:s11], [sflag:s21] =	dma.local [spmem:s28], $0x100  }
0x43: {  	_ =	swait.ge [sflag:s16], $0x100  }
0x44: {  	[sflag:s16] =	ssyncset.done $0x0  }
0x45: {  	s29 =	sshrl.u32 s7, $0x3;
	[sflag:s16] =	ssyncadd.s32 $0xFFFFFF00  }
0x46: {  	[hbm:s12], [sflag:s21] =	dma.local [spmem:s29], $0x100  }
0x47: {  	_ =	swait.ge [sflag:s16], $0x100  }
0x48: {  	[sflag:s16] =	ssyncset.done $0x0  }
0x49: {  	s30 =	sshrl.u32 s8, $0x3;
	[sflag:s16] =	ssyncadd.s32 $0xFFFFFF00  }
0x4a: {  	[hbm:s13], [sflag:s21] =	dma.local [spmem:s30], $0x100  }
0x4b: {  	s20 =	sadd.s32 $0x1, s20;
	_ =	swait.ge [sflag:s16], $0x100  }
0x4c: {  	p0 =	sne.s32 s20, s15;
	[sflag:s16] =	ssyncset.done $0x0  }
.Ltmp2:
0x4d: {  	s31 =	sshrl.u32 s9, $0x3;
	[sflag:s16] =	ssyncadd.s32 $0xFFFFFF00;
	(pc) =	sbr.rel @p0 .LBB2_1-.Ltmp2, $4  }
0x4e: {  	[hbm:s14], [sflag:s21] =	dma.local [spmem:s31], $0x100  }
0x4f: {  	_ =	swait.ge [sflag:s16], $0x100  }
0x50: {  	[sflag:s16] =	ssyncset.done $0x0  }
0x51: {  	[sflag:s16] =	ssyncadd.s32 $0xFFFFFF00  }
0x52: {  	_ =	sfence.sel $0x180000  }
0x53: {  	[bflag:$0x0] =	sbarrier.arrive $0xFFFF  }
0x54: {  	p0 =	sne.s32 s0, $0x0;
	_ =	strace $0x90000047  }
0x55: {  	s0 =	sadd.s32 @!p0 $0x100000, s1;
	[bflag:$0x2] =	sbarrier.arrive $0xFFFF  }
0x56: {  	[sflag:s0] =	ssyncadd.tile.s32 @!p0 $0x1;
	_ =	shalt  }
.Lfunc_end2:
_tile_overlayer_lowered:
.L_overlay_start_2:
0x57: {  	(tag) =	ssettag $0x2  }
0x58: {  	s0 =	rddreg [dreg:$0x0];
	s2 =	stileid.u32  }
0x59: {  	s1 =	rddreg [dreg:$0x1];
	p0 =	sne.s32 s2, $0x0  }
0x5a: {  	s3 =	rddreg [dreg:$0x2];
	[bflag:$0x3] =	sbarrier.arrive $0xFFFF;
	s2 =	simm.s32 @!p0 $0x1C01  }
0x5b: {  	[timem:s3], [sflag:s2] =	dma.local @!p0 [hbm:s0], s1  }
0x5c: {  	s0 =	simm.s32 @!p0 $0x1  }
0x5d: {  	_ =	swait.ge @!p0 [sflag:s0], s1  }
0x5e: {  	s1 =	ssub.s32 @!p0 $0x0, s1;
	[sflag:s0] =	ssyncset.done @!p0 $0x0  }
0x5f: {  	[sflag:s0] =	ssyncadd.s32 @!p0 s1  }
0x60: {  	[bflag:$0x3] =	sbarrier.arrive $0xFFFF  }
0x61: {  	_ =	shalt  }

</sc_bundles>
